<compile_context>
chip_gen: v7x
topology: tpu7x:2x2x1
jax: 0.10.2.dev20260603
libtpu: 0.0.44.dev20260713+nightly
codegen_flags: <defaults>
</compile_context>

<pallas_src>
import functools

import jax
import jax.numpy as jnp
from jax import lax
from jax.experimental import pallas as pl
from jax.experimental.pallas import tpu as pltpu
from jax.experimental.pallas import tpu_sc as plsc

B = 4096
S = 200
D = 32
NW = 32
NB = B // NW
R = 4
TR = D // 8
TILE = 8 * NB

_mesh = plsc.VectorSubcoreMesh(core_axis_name="c", subcore_axis_name="s")


@functools.partial(
    pl.kernel,
    mesh=_mesh,
    compiler_params=pltpu.CompilerParams(
        use_tc_tiling_on_sc=False, needs_layout_passes=False),
    out_type=jax.ShapeDtypeStruct((S, TR, NW, 8, NB), jnp.float32),
    scratch_types=[
        pltpu.VMEM((S, NB), jnp.int32),
        pltpu.VMEM((R, 2 * NB, D), jnp.float32),
        pltpu.VMEM((2, TR, 8, 129), jnp.float32),
        pltpu.VMEM((2, TR, 8, 129), jnp.float32),
        pltpu.VMEM((S, D), jnp.float32),
        pltpu.SemaphoreType.DMA,
        pltpu.SemaphoreType.DMA,
        pltpu.SemaphoreType.DMA,
        pltpu.SemaphoreType.DMA,
        pltpu.SemaphoreType.DMA,
        pltpu.SemaphoreType.DMA,
    ],
)
def _emb_kernel(xT_hbm, table_hbm, pe_hbm, out_hbm, idx_v, rows_v, t0_v, t1_v,
                pe_v, sem_g0, sem_g1, sem_g2, sem_g3, sem_w0, sem_w1):
    cid = lax.axis_index("c")
    sid = lax.axis_index("s")
    wid = sid * 2 + cid
    sem_g = (sem_g0, sem_g1, sem_g2, sem_g3)
    sem_w = (sem_w0, sem_w1)
    t_refs = (t0_v, t1_v)

    pltpu.sync_copy(xT_hbm.at[pl.ds(0, S), pl.ds(NB * wid, NB)], idx_v)
    pltpu.sync_copy(pe_hbm, pe_v)

    iota = lax.iota(jnp.int32, 16)
    dd_c = iota & 7
    tr_lo = iota >> 3
    tr_hi = tr_lo + 2

    def gather_start(s2, slot):
        for h in range(2):
            pltpu.async_copy(table_hbm.at[idx_v.at[2 * s2 + h]],
                             rows_v.at[slot].at[pl.ds(h * NB, NB)],
                             sem_g[slot])

    def gather_wait(slot):
        for _ in range(2):
            pltpu.make_async_copy(table_hbm.at[idx_v.at[0]],
                                  rows_v.at[slot].at[pl.ds(0, NB)],
                                  sem_g[slot]).wait()

    def write_start(s2, p):
        pltpu.async_copy(
            t_refs[p].at[pl.ds(0, 2), pl.ds(0, TR), pl.ds(0, 8), pl.ds(0, NB)],
            out_hbm.at[pl.ds(2 * s2, 2), pl.ds(0, TR), wid], sem_w[p])

    def write_wait(p):
        pltpu.make_async_copy(
            t_refs[0].at[pl.ds(0, 2), pl.ds(0, TR), pl.ds(0, 8), pl.ds(0, NB)],
            out_hbm.at[pl.ds(0, 2), pl.ds(0, TR), 0], sem_w[p]).wait()

    for slot in range(R):
        gather_start(slot, slot)

    def s_body(s0, carry):
        for r in range(R):
            s = s0 * R + r
            p = r & 1
            gather_wait(r)
            if r >= 2:
                write_wait(p)
            else:
                @pl.when(s0 >= 1)
                def _():
                    write_wait(p)
            for half in range(2):
                sh = 2 * s + half
                pe_lo = pe_v[sh, pl.ds(0, 16)]
                pe_hi = pe_v[sh, pl.ds(16, 16)]

                def b_body(j, c2, _r=r, _h=half, _t=t_refs[p],
                           _pe_lo=pe_lo, _pe_hi=pe_hi):
                    for u in range(8):
                        b = j * 8 + u
                        bv = iota * 0 + b
                        lo = rows_v[_r, _h * NB + b, pl.ds(0, 16)] + _pe_lo
                        hi = rows_v[_r, _h * NB + b, pl.ds(16, 16)] + _pe_hi
                        plsc.store_scatter(_t.at[_h], [tr_lo, dd_c, bv], lo)
                        plsc.store_scatter(_t.at[_h], [tr_hi, dd_c, bv], hi)
                    return c2

                lax.fori_loop(0, NB // 8, b_body, 0)

            @pl.when(s0 < S // 2 // R - 1)
            def _():
                gather_start(s + R, r)

            write_start(s, p)
        return carry

    lax.fori_loop(0, S // 2 // R, s_body, 0)
    write_wait(0)
    write_wait(1)


def kernel(x, table, pe):
    xT = jnp.swapaxes(x, 0, 1).astype(jnp.int32)
    pe2 = pe[0, :S, :]
    out5 = _emb_kernel(xT, table, pe2)
    return out5.transpose(2, 4, 0, 1, 3).reshape(B, S, D)

# --- scband reference (transcript-rebuilt; emitter-appended) ---
"""Pipeline reference for scband-char-embedding-64759516889817 (READ-ONLY COPY).

The authoritative reference and input builder live on the scoring server;
editing this copy changes nothing except your own understanding.
"""

import math
import jax, jax.numpy as jnp
import numpy as np

VOCAB = 100000
EMBED_DIM = 32
MAX_LEN = 2048
BATCH = 4096
SEQ = 200


def _make_pe(max_len, embed_dim):
    pe = np.zeros((max_len, embed_dim), dtype=np.float32)
    position = np.arange(0, max_len, dtype=np.float32)[:, None]
    div_term = np.exp(np.arange(0, embed_dim, 2, dtype=np.float32) * (-math.log(10000.0) / embed_dim))
    pe[:, 0::2] = np.sin(position * div_term)
    pe[:, 1::2] = np.cos(position * div_term)
    return jnp.asarray(pe)[None, :, :]  # [1, max_len, embed_dim]


def setup_inputs(seed: int = 0) -> dict:
    key = jax.random.key(seed)
    k1, k2 = jax.random.split(key)
    x = jax.random.randint(k1, (BATCH, SEQ), 0, VOCAB)
    # nn.Embedding default init ~ N(0, 1); padding_idx=0 row zeroed
    table = jax.random.normal(k2, (VOCAB, EMBED_DIM), dtype=jnp.float32)
    table = table.at[0].set(0.0)
    pe = _make_pe(MAX_LEN, EMBED_DIM)
    return {"x": x, "table": table, "pe": pe}


def reference(x, table, pe):
    # emb = self.embedding(x)
    emb = jnp.take(table, x, axis=0)  # [B, S, D]
    # emb = emb + self.pe[:, :x.size(1)]
    emb = emb + pe[:, : x.shape[1]]
    # dropout is identity at inference (eval mode)
    return emb

if __name__ == "__main__":
    import jax
    _d = setup_inputs()
    print(jax.jit(kernel)(*tuple(_d.values())))

</pallas_src>

<mosaic_0001>
#map = affine_map<(d0, d1) -> (0, 0)>
#map1 = affine_map<(d0, d1) -> (0, 0, 0, 0, 0)>
module attributes {stable_mosaic.version = 14 : i64} {
  func.func @_emb_kernel(%arg0: i32, %arg1: i32, %arg2: memref<200x4096xi32, #tpu.memory_space<hbm>>, %arg3: memref<100000x32xf32, #tpu.memory_space<hbm>>, %arg4: memref<200x32xf32, #tpu.memory_space<hbm>>, %arg5: memref<200x4x32x8x128xf32, #tpu.memory_space<hbm>>, %arg6: memref<200x128xi32, #tpu.memory_space<vmem>>, %arg7: memref<4x256x32xf32, #tpu.memory_space<vmem>>, %arg8: memref<2x4x8x129xf32, #tpu.memory_space<vmem>>, %arg9: memref<2x4x8x129xf32, #tpu.memory_space<vmem>>, %arg10: memref<200x32xf32, #tpu.memory_space<vmem>>, %arg11: memref<!tpu.dma_semaphore, #tpu.memory_space<semaphore_mem>>, %arg12: memref<!tpu.dma_semaphore, #tpu.memory_space<semaphore_mem>>, %arg13: memref<!tpu.dma_semaphore, #tpu.memory_space<semaphore_mem>>, %arg14: memref<!tpu.dma_semaphore, #tpu.memory_space<semaphore_mem>>, %arg15: memref<!tpu.dma_semaphore, #tpu.memory_space<semaphore_mem>>, %arg16: memref<!tpu.dma_semaphore, #tpu.memory_space<semaphore_mem>>) attributes {dimension_semantics = [#tpu.dimension_semantics<core_parallel>, #tpu.dimension_semantics<subcore_parallel>], iteration_bounds = array<i64: 2, 16>, scalar_prefetch = 0 : i64, scratch_operands = 11 : i64, tpu.core_type = #tpu.core_type<sc_vector_subcore>, window_params = [{transform_indices = #map}, {transform_indices = #map}, {transform_indices = #map}, {transform_indices = #map1}]} {
    %mul3A = arith.constant 2 : i32
    %mul3A_0 = arith.muli %arg1, %mul3A : i32
    %add3A = arith.addi %mul3A_0, %arg0 : i32
    %mul3A_1 = arith.constant 128 : i32
    %mul3A_2 = arith.muli %mul3A_1, %add3A : i32
    "tpu.region"() ({
      %run_scoped3A = tpu.sem_alloc : memref<!tpu.dma_semaphore, #tpu.memory_space<semaphore_mem>>
      %dma_start3A_179 = arith.constant 0 : i32
      %dma_start3A_180 = tpu.memref_slice %arg2[%dma_start3A_179, %mul3A_2] : memref<200x4096xi32, #tpu.memory_space<hbm>> -> memref<200x128xi32, #tpu.memory_space<hbm>>
      %dma_start3A_181 = arith.constant 0 : i32
      %dma_start3A_182 = tpu.memref_slice %arg2[%dma_start3A_181, %mul3A_2] : memref<200x4096xi32, #tpu.memory_space<hbm>> -> memref<200x128xi32, #tpu.memory_space<hbm>>
      tpu.enqueue_dma source(%dma_start3A_182 : memref<200x128xi32, #tpu.memory_space<hbm>>) target(%arg6 : memref<200x128xi32, #tpu.memory_space<vmem>>) target_semaphore(%run_scoped3A : memref<!tpu.dma_semaphore, #tpu.memory_space<semaphore_mem>>)
      %dma_wait3A_183 = arith.constant 0 : i32
      %dma_wait3A_184 = tpu.memref_slice %arg2[%dma_wait3A_183, %mul3A_2] : memref<200x4096xi32, #tpu.memory_space<hbm>> -> memref<200x128xi32, #tpu.memory_space<hbm>>
      %dma_wait3A_185 = arith.constant 0 : i32
      %dma_wait3A_186 = tpu.memref_slice %arg2[%dma_wait3A_185, %mul3A_2] : memref<200x4096xi32, #tpu.memory_space<hbm>> -> memref<200x128xi32, #tpu.memory_space<hbm>>
      tpu.wait_dma2 semaphore(%run_scoped3A : memref<!tpu.dma_semaphore, #tpu.memory_space<semaphore_mem>>) src(%dma_wait3A_186 : memref<200x128xi32, #tpu.memory_space<hbm>>) dst(%arg6 : memref<200x128xi32, #tpu.memory_space<vmem>>)
      tpu.yield
    }) : () -> ()
    "tpu.region"() ({
      %run_scoped3A = tpu.sem_alloc : memref<!tpu.dma_semaphore, #tpu.memory_space<semaphore_mem>>
      tpu.enqueue_dma source(%arg4 : memref<200x32xf32, #tpu.memory_space<hbm>>) target(%arg10 : memref<200x32xf32, #tpu.memory_space<vmem>>) target_semaphore(%run_scoped3A : memref<!tpu.dma_semaphore, #tpu.memory_space<semaphore_mem>>)
      tpu.wait_dma2 semaphore(%run_scoped3A : memref<!tpu.dma_semaphore, #tpu.memory_space<semaphore_mem>>) src(%arg4 : memref<200x32xf32, #tpu.memory_space<hbm>>) dst(%arg10 : memref<200x32xf32, #tpu.memory_space<vmem>>)
      tpu.yield
    }) : () -> ()
    %iota3A = tpu.iota {dimensions = array<i32: 0>} : vector<16xi32>
    %and3A = arith.constant 7 : i32
    %and3A_3 = vector.broadcast %and3A : i32 to vector<16xi32>
    %and3A_4 = arith.andi %iota3A, %and3A_3 : vector<16xi32>
    %shift_right_arithmetic3A = arith.constant 3 : i32
    %shift_right_arithmetic3A_5 = vector.broadcast %shift_right_arithmetic3A : i32 to vector<16xi32>
    %shift_right_arithmetic3A_6 = arith.shrsi %iota3A, %shift_right_arithmetic3A_5 : vector<16xi32>
    %add3A_7 = arith.constant 2 : i32
    %add3A_8 = vector.broadcast %add3A_7 : i32 to vector<16xi32>
    %add3A_9 = arith.addi %shift_right_arithmetic3A_6, %add3A_8 : vector<16xi32>
    %dma_start3A = arith.constant 0 : i32
    %dma_start3A_10 = arith.constant 0 : i32
    %dma_start3A_11 = arith.constant 0 : i32
    %dma_start3A_12 = arith.constant 0 : i32
    %dma_start3A_13 = tpu.memref_slice %arg7[%dma_start3A_10, %dma_start3A_11, %dma_start3A_12] : memref<4x256x32xf32, #tpu.memory_space<vmem>> -> memref<1x256x32xf32, #tpu.memory_space<vmem>>
    %dma_start3A_14 = tpu.memref_squeeze %dma_start3A_13 : memref<1x256x32xf32, #tpu.memory_space<vmem>> -> memref<256x32xf32, #tpu.memory_space<vmem>>
    %dma_start3A_15 = arith.constant 0 : i32
    %dma_start3A_16 = arith.constant 0 : i32
    %dma_start3A_17 = tpu.memref_slice %dma_start3A_14[%dma_start3A_15, %dma_start3A_16] : memref<256x32xf32, #tpu.memory_space<vmem>> -> memref<128x32xf32, #tpu.memory_space<vmem>>
    %dma_start3A_18 = arith.constant 0 : i32
    %dma_start3A_19 = tpu.memref_slice %arg6[%dma_start3A, %dma_start3A_18] : memref<200x128xi32, #tpu.memory_space<vmem>> -> memref<1x128xi32, #tpu.memory_space<vmem>>
    %dma_start3A_20 = tpu.memref_squeeze %dma_start3A_19 : memref<1x128xi32, #tpu.memory_space<vmem>> -> memref<128xi32, #tpu.memory_space<vmem>>
    %dma_start3A_21 = arith.constant 0 : i32
    %dma_start3A_22 = arith.constant 0 : i32
    %dma_start3A_23 = tpu.memref_slice %arg3[%dma_start3A_21, %dma_start3A_22] : memref<100000x32xf32, #tpu.memory_space<hbm>> -> memref<100000x32xf32, #tpu.memory_space<hbm>>
    tpu.enqueue_indirect_dma source(%dma_start3A_23 : memref<100000x32xf32, #tpu.memory_space<hbm>>) target(%dma_start3A_17 : memref<128x32xf32, #tpu.memory_space<vmem>>) offsets(%dma_start3A_20 : memref<128xi32, #tpu.memory_space<vmem>>) semaphore(%arg11 : memref<!tpu.dma_semaphore, #tpu.memory_space<semaphore_mem>>)
    %dma_start3A_24 = arith.constant 1 : i32
    %dma_start3A_25 = arith.constant 0 : i32
    %dma_start3A_26 = arith.constant 0 : i32
    %dma_start3A_27 = arith.constant 0 : i32
    %dma_start3A_28 = tpu.memref_slice %arg7[%dma_start3A_25, %dma_start3A_26, %dma_start3A_27] : memref<4x256x32xf32, #tpu.memory_space<vmem>> -> memref<1x256x32xf32, #tpu.memory_space<vmem>>
    %dma_start3A_29 = tpu.memref_squeeze %dma_start3A_28 : memref<1x256x32xf32, #tpu.memory_space<vmem>> -> memref<256x32xf32, #tpu.memory_space<vmem>>
    %dma_start3A_30 = arith.constant 128 : i32
    %dma_start3A_31 = arith.constant 0 : i32
    %dma_start3A_32 = tpu.memref_slice %dma_start3A_29[%dma_start3A_30, %dma_start3A_31] : memref<256x32xf32, #tpu.memory_space<vmem>> -> memref<128x32xf32, #tpu.memory_space<vmem>>
    %dma_start3A_33 = arith.constant 0 : i32
    %dma_start3A_34 = tpu.memref_slice %arg6[%dma_start3A_24, %dma_start3A_33] : memref<200x128xi32, #tpu.memory_space<vmem>> -> memref<1x128xi32, #tpu.memory_space<vmem>>
    %dma_start3A_35 = tpu.memref_squeeze %dma_start3A_34 : memref<1x128xi32, #tpu.memory_space<vmem>> -> memref<128xi32, #tpu.memory_space<vmem>>
    %dma_start3A_36 = arith.constant 0 : i32
    %dma_start3A_37 = arith.constant 0 : i32
    %dma_start3A_38 = tpu.memref_slice %arg3[%dma_start3A_36, %dma_start3A_37] : memref<100000x32xf32, #tpu.memory_space<hbm>> -> memref<100000x32xf32, #tpu.memory_space<hbm>>
    tpu.enqueue_indirect_dma source(%dma_start3A_38 : memref<100000x32xf32, #tpu.memory_space<hbm>>) target(%dma_start3A_32 : memref<128x32xf32, #tpu.memory_space<vmem>>) offsets(%dma_start3A_35 : memref<128xi32, #tpu.memory_space<vmem>>) semaphore(%arg11 : memref<!tpu.dma_semaphore, #tpu.memory_space<semaphore_mem>>)
    %dma_start3A_39 = arith.constant 2 : i32
    %dma_start3A_40 = arith.constant 1 : i32
    %dma_start3A_41 = arith.constant 0 : i32
    %dma_start3A_42 = arith.constant 0 : i32
    %dma_start3A_43 = tpu.memref_slice %arg7[%dma_start3A_40, %dma_start3A_41, %dma_start3A_42] : memref<4x256x32xf32, #tpu.memory_space<vmem>> -> memref<1x256x32xf32, #tpu.memory_space<vmem>>
    %dma_start3A_44 = tpu.memref_squeeze %dma_start3A_43 : memref<1x256x32xf32, #tpu.memory_space<vmem>> -> memref<256x32xf32, #tpu.memory_space<vmem>>
    %dma_start3A_45 = arith.constant 0 : i32
    %dma_start3A_46 = arith.constant 0 : i32
    %dma_start3A_47 = tpu.memref_slice %dma_start3A_44[%dma_start3A_45, %dma_start3A_46] : memref<256x32xf32, #tpu.memory_space<vmem>> -> memref<128x32xf32, #tpu.memory_space<vmem>>
    %dma_start3A_48 = arith.constant 0 : i32
    %dma_start3A_49 = tpu.memref_slice %arg6[%dma_start3A_39, %dma_start3A_48] : memref<200x128xi32, #tpu.memory_space<vmem>> -> memref<1x128xi32, #tpu.memory_space<vmem>>
    %dma_start3A_50 = tpu.memref_squeeze %dma_start3A_49 : memref<1x128xi32, #tpu.memory_space<vmem>> -> memref<128xi32, #tpu.memory_space<vmem>>
    %dma_start3A_51 = arith.constant 0 : i32
    %dma_start3A_52 = arith.constant 0 : i32
    %dma_start3A_53 = tpu.memref_slice %arg3[%dma_start3A_51, %dma_start3A_52] : memref<100000x32xf32, #tpu.memory_space<hbm>> -> memref<100000x32xf32, #tpu.memory_space<hbm>>
    tpu.enqueue_indirect_dma source(%dma_start3A_53 : memref<100000x32xf32, #tpu.memory_space<hbm>>) target(%dma_start3A_47 : memref<128x32xf32, #tpu.memory_space<vmem>>) offsets(%dma_start3A_50 : memref<128xi32, #tpu.memory_space<vmem>>) semaphore(%arg12 : memref<!tpu.dma_semaphore, #tpu.memory_space<semaphore_mem>>)
    %dma_start3A_54 = arith.constant 3 : i32
    %dma_start3A_55 = arith.constant 1 : i32
    %dma_start3A_56 = arith.constant 0 : i32
    %dma_start3A_57 = arith.constant 0 : i32
    %dma_start3A_58 = tpu.memref_slice %arg7[%dma_start3A_55, %dma_start3A_56, %dma_start3A_57] : memref<4x256x32xf32, #tpu.memory_space<vmem>> -> memref<1x256x32xf32, #tpu.memory_space<vmem>>
    %dma_start3A_59 = tpu.memref_squeeze %dma_start3A_58 : memref<1x256x32xf32, #tpu.memory_space<vmem>> -> memref<256x32xf32, #tpu.memory_space<vmem>>
    %dma_start3A_60 = arith.constant 128 : i32
    %dma_start3A_61 = arith.constant 0 : i32
    %dma_start3A_62 = tpu.memref_slice %dma_start3A_59[%dma_start3A_60, %dma_start3A_61] : memref<256x32xf32, #tpu.memory_space<vmem>> -> memref<128x32xf32, #tpu.memory_space<vmem>>
    %dma_start3A_63 = arith.constant 0 : i32
    %dma_start3A_64 = tpu.memref_slice %arg6[%dma_start3A_54, %dma_start3A_63] : memref<200x128xi32, #tpu.memory_space<vmem>> -> memref<1x128xi32, #tpu.memory_space<vmem>>
    %dma_start3A_65 = tpu.memref_squeeze %dma_start3A_64 : memref<1x128xi32, #tpu.memory_space<vmem>> -> memref<128xi32, #tpu.memory_space<vmem>>
    %dma_start3A_66 = arith.constant 0 : i32
    %dma_start3A_67 = arith.constant 0 : i32
    %dma_start3A_68 = tpu.memref_slice %arg3[%dma_start3A_66, %dma_start3A_67] : memref<100000x32xf32, #tpu.memory_space<hbm>> -> memref<100000x32xf32, #tpu.memory_space<hbm>>
    tpu.enqueue_indirect_dma source(%dma_start3A_68 : memref<100000x32xf32, #tpu.memory_space<hbm>>) target(%dma_start3A_62 : memref<128x32xf32, #tpu.memory_space<vmem>>) offsets(%dma_start3A_65 : memref<128xi32, #tpu.memory_space<vmem>>) semaphore(%arg12 : memref<!tpu.dma_semaphore, #tpu.memory_space<semaphore_mem>>)
    %dma_start3A_69 = arith.constant 4 : i32
    %dma_start3A_70 = arith.constant 2 : i32
    %dma_start3A_71 = arith.constant 0 : i32
    %dma_start3A_72 = arith.constant 0 : i32
    %dma_start3A_73 = tpu.memref_slice %arg7[%dma_start3A_70, %dma_start3A_71, %dma_start3A_72] : memref<4x256x32xf32, #tpu.memory_space<vmem>> -> memref<1x256x32xf32, #tpu.memory_space<vmem>>
    %dma_start3A_74 = tpu.memref_squeeze %dma_start3A_73 : memref<1x256x32xf32, #tpu.memory_space<vmem>> -> memref<256x32xf32, #tpu.memory_space<vmem>>
    %dma_start3A_75 = arith.constant 0 : i32
    %dma_start3A_76 = arith.constant 0 : i32
    %dma_start3A_77 = tpu.memref_slice %dma_start3A_74[%dma_start3A_75, %dma_start3A_76] : memref<256x32xf32, #tpu.memory_space<vmem>> -> memref<128x32xf32, #tpu.memory_space<vmem>>
    %dma_start3A_78 = arith.constant 0 : i32
    %dma_start3A_79 = tpu.memref_slice %arg6[%dma_start3A_69, %dma_start3A_78] : memref<200x128xi32, #tpu.memory_space<vmem>> -> memref<1x128xi32, #tpu.memory_space<vmem>>
    %dma_start3A_80 = tpu.memref_squeeze %dma_start3A_79 : memref<1x128xi32, #tpu.memory_space<vmem>> -> memref<128xi32, #tpu.memory_space<vmem>>
    %dma_start3A_81 = arith.constant 0 : i32
    %dma_start3A_82 = arith.constant 0 : i32
    %dma_start3A_83 = tpu.memref_slice %arg3[%dma_start3A_81, %dma_start3A_82] : memref<100000x32xf32, #tpu.memory_space<hbm>> -> memref<100000x32xf32, #tpu.memory_space<hbm>>
    tpu.enqueue_indirect_dma source(%dma_start3A_83 : memref<100000x32xf32, #tpu.memory_space<hbm>>) target(%dma_start3A_77 : memref<128x32xf32, #tpu.memory_space<vmem>>) offsets(%dma_start3A_80 : memref<128xi32, #tpu.memory_space<vmem>>) semaphore(%arg13 : memref<!tpu.dma_semaphore, #tpu.memory_space<semaphore_mem>>)
    %dma_start3A_84 = arith.constant 5 : i32
    %dma_start3A_85 = arith.constant 2 : i32
    %dma_start3A_86 = arith.constant 0 : i32
    %dma_start3A_87 = arith.constant 0 : i32
    %dma_start3A_88 = tpu.memref_slice %arg7[%dma_start3A_85, %dma_start3A_86, %dma_start3A_87] : memref<4x256x32xf32, #tpu.memory_space<vmem>> -> memref<1x256x32xf32, #tpu.memory_space<vmem>>
    %dma_start3A_89 = tpu.memref_squeeze %dma_start3A_88 : memref<1x256x32xf32, #tpu.memory_space<vmem>> -> memref<256x32xf32, #tpu.memory_space<vmem>>
    %dma_start3A_90 = arith.constant 128 : i32
    %dma_start3A_91 = arith.constant 0 : i32
    %dma_start3A_92 = tpu.memref_slice %dma_start3A_89[%dma_start3A_90, %dma_start3A_91] : memref<256x32xf32, #tpu.memory_space<vmem>> -> memref<128x32xf32, #tpu.memory_space<vmem>>
    %dma_start3A_93 = arith.constant 0 : i32
    %dma_start3A_94 = tpu.memref_slice %arg6[%dma_start3A_84, %dma_start3A_93] : memref<200x128xi32, #tpu.memory_space<vmem>> -> memref<1x128xi32, #tpu.memory_space<vmem>>
    %dma_start3A_95 = tpu.memref_squeeze %dma_start3A_94 : memref<1x128xi32, #tpu.memory_space<vmem>> -> memref<128xi32, #tpu.memory_space<vmem>>
    %dma_start3A_96 = arith.constant 0 : i32
    %dma_start3A_97 = arith.constant 0 : i32
    %dma_start3A_98 = tpu.memref_slice %arg3[%dma_start3A_96, %dma_start3A_97] : memref<100000x32xf32, #tpu.memory_space<hbm>> -> memref<100000x32xf32, #tpu.memory_space<hbm>>
    tpu.enqueue_indirect_dma source(%dma_start3A_98 : memref<100000x32xf32, #tpu.memory_space<hbm>>) target(%dma_start3A_92 : memref<128x32xf32, #tpu.memory_space<vmem>>) offsets(%dma_start3A_95 : memref<128xi32, #tpu.memory_space<vmem>>) semaphore(%arg13 : memref<!tpu.dma_semaphore, #tpu.memory_space<semaphore_mem>>)
    %dma_start3A_99 = arith.constant 6 : i32
    %dma_start3A_100 = arith.constant 3 : i32
    %dma_start3A_101 = arith.constant 0 : i32
    %dma_start3A_102 = arith.constant 0 : i32
    %dma_start3A_103 = tpu.memref_slice %arg7[%dma_start3A_100, %dma_start3A_101, %dma_start3A_102] : memref<4x256x32xf32, #tpu.memory_space<vmem>> -> memref<1x256x32xf32, #tpu.memory_space<vmem>>
    %dma_start3A_104 = tpu.memref_squeeze %dma_start3A_103 : memref<1x256x32xf32, #tpu.memory_space<vmem>> -> memref<256x32xf32, #tpu.memory_space<vmem>>
    %dma_start3A_105 = arith.constant 0 : i32
    %dma_start3A_106 = arith.constant 0 : i32
    %dma_start3A_107 = tpu.memref_slice %dma_start3A_104[%dma_start3A_105, %dma_start3A_106] : memref<256x32xf32, #tpu.memory_space<vmem>> -> memref<128x32xf32, #tpu.memory_space<vmem>>
    %dma_start3A_108 = arith.constant 0 : i32
    %dma_start3A_109 = tpu.memref_slice %arg6[%dma_start3A_99, %dma_start3A_108] : memref<200x128xi32, #tpu.memory_space<vmem>> -> memref<1x128xi32, #tpu.memory_space<vmem>>
    %dma_start3A_110 = tpu.memref_squeeze %dma_start3A_109 : memref<1x128xi32, #tpu.memory_space<vmem>> -> memref<128xi32, #tpu.memory_space<vmem>>
    %dma_start3A_111 = arith.constant 0 : i32
    %dma_start3A_112 = arith.constant 0 : i32
    %dma_start3A_113 = tpu.memref_slice %arg3[%dma_start3A_111, %dma_start3A_112] : memref<100000x32xf32, #tpu.memory_space<hbm>> -> memref<100000x32xf32, #tpu.memory_space<hbm>>
    tpu.enqueue_indirect_dma source(%dma_start3A_113 : memref<100000x32xf32, #tpu.memory_space<hbm>>) target(%dma_start3A_107 : memref<128x32xf32, #tpu.memory_space<vmem>>) offsets(%dma_start3A_110 : memref<128xi32, #tpu.memory_space<vmem>>) semaphore(%arg14 : memref<!tpu.dma_semaphore, #tpu.memory_space<semaphore_mem>>)
    %dma_start3A_114 = arith.constant 7 : i32
    %dma_start3A_115 = arith.constant 3 : i32
    %dma_start3A_116 = arith.constant 0 : i32
    %dma_start3A_117 = arith.constant 0 : i32
    %dma_start3A_118 = tpu.memref_slice %arg7[%dma_start3A_115, %dma_start3A_116, %dma_start3A_117] : memref<4x256x32xf32, #tpu.memory_space<vmem>> -> memref<1x256x32xf32, #tpu.memory_space<vmem>>
    %dma_start3A_119 = tpu.memref_squeeze %dma_start3A_118 : memref<1x256x32xf32, #tpu.memory_space<vmem>> -> memref<256x32xf32, #tpu.memory_space<vmem>>
    %dma_start3A_120 = arith.constant 128 : i32
    %dma_start3A_121 = arith.constant 0 : i32
    %dma_start3A_122 = tpu.memref_slice %dma_start3A_119[%dma_start3A_120, %dma_start3A_121] : memref<256x32xf32, #tpu.memory_space<vmem>> -> memref<128x32xf32, #tpu.memory_space<vmem>>
    %dma_start3A_123 = arith.constant 0 : i32
    %dma_start3A_124 = tpu.memref_slice %arg6[%dma_start3A_114, %dma_start3A_123] : memref<200x128xi32, #tpu.memory_space<vmem>> -> memref<1x128xi32, #tpu.memory_space<vmem>>
    %dma_start3A_125 = tpu.memref_squeeze %dma_start3A_124 : memref<1x128xi32, #tpu.memory_space<vmem>> -> memref<128xi32, #tpu.memory_space<vmem>>
    %dma_start3A_126 = arith.constant 0 : i32
    %dma_start3A_127 = arith.constant 0 : i32
    %dma_start3A_128 = tpu.memref_slice %arg3[%dma_start3A_126, %dma_start3A_127] : memref<100000x32xf32, #tpu.memory_space<hbm>> -> memref<100000x32xf32, #tpu.memory_space<hbm>>
    tpu.enqueue_indirect_dma source(%dma_start3A_128 : memref<100000x32xf32, #tpu.memory_space<hbm>>) target(%dma_start3A_122 : memref<128x32xf32, #tpu.memory_space<vmem>>) offsets(%dma_start3A_125 : memref<128xi32, #tpu.memory_space<vmem>>) semaphore(%arg14 : memref<!tpu.dma_semaphore, #tpu.memory_space<semaphore_mem>>)
    %scan3A = arith.constant 0 : i32
    %scan3A_129 = arith.constant 0 : i32
    %scan3A_130 = arith.constant 25 : i32
    %scan3A_131 = arith.addi %scan3A_129, %scan3A_130 : i32
    %scan3A_132 = arith.constant 1 : i32
    scf.for %scan3A_179 = %scan3A_129 to %scan3A_131 step %scan3A_132  : i32 {
      %mul3A_180 = arith.constant 4 : i32
      %mul3A_181 = arith.muli %scan3A_179, %mul3A_180 : i32
      %add3A_182 = arith.constant 0 : i32
      %add3A_183 = arith.addi %mul3A_181, %add3A_182 : i32
      %dma_wait3A_184 = arith.constant 0 : i32
      %dma_wait3A_185 = arith.constant 0 : i32
      %dma_wait3A_186 = arith.constant 0 : i32
      %dma_wait3A_187 = arith.constant 0 : i32
      %dma_wait3A_188 = tpu.memref_slice %arg7[%dma_wait3A_185, %dma_wait3A_186, %dma_wait3A_187] : memref<4x256x32xf32, #tpu.memory_space<vmem>> -> memref<1x256x32xf32, #tpu.memory_space<vmem>>
      %dma_wait3A_189 = tpu.memref_squeeze %dma_wait3A_188 : memref<1x256x32xf32, #tpu.memory_space<vmem>> -> memref<256x32xf32, #tpu.memory_space<vmem>>
      %dma_wait3A_190 = arith.constant 0 : i32
      %dma_wait3A_191 = arith.constant 0 : i32
      %dma_wait3A_192 = tpu.memref_slice %dma_wait3A_189[%dma_wait3A_190, %dma_wait3A_191] : memref<256x32xf32, #tpu.memory_space<vmem>> -> memref<128x32xf32, #tpu.memory_space<vmem>>
      %dma_wait3A_193 = arith.constant 0 : i32
      %dma_wait3A_194 = tpu.memref_slice %arg6[%dma_wait3A_184, %dma_wait3A_193] : memref<200x128xi32, #tpu.memory_space<vmem>> -> memref<1x128xi32, #tpu.memory_space<vmem>>
      %dma_wait3A_195 = tpu.memref_squeeze %dma_wait3A_194 : memref<1x128xi32, #tpu.memory_space<vmem>> -> memref<128xi32, #tpu.memory_space<vmem>>
      %dma_wait3A_196 = arith.constant 0 : i32
      %dma_wait3A_197 = arith.constant 0 : i32
      %dma_wait3A_198 = tpu.memref_slice %arg3[%dma_wait3A_196, %dma_wait3A_197] : memref<100000x32xf32, #tpu.memory_space<hbm>> -> memref<100000x32xf32, #tpu.memory_space<hbm>>
      tpu.wait_indirect_dma semaphore(%arg11 : memref<!tpu.dma_semaphore, #tpu.memory_space<semaphore_mem>>) src(%dma_wait3A_198 : memref<100000x32xf32, #tpu.memory_space<hbm>>) dst(%dma_wait3A_192 : memref<128x32xf32, #tpu.memory_space<vmem>>)
      %dma_wait3A_199 = arith.constant 0 : i32
      %dma_wait3A_200 = arith.constant 0 : i32
      %dma_wait3A_201 = arith.constant 0 : i32
      %dma_wait3A_202 = arith.constant 0 : i32
      %dma_wait3A_203 = tpu.memref_slice %arg7[%dma_wait3A_200, %dma_wait3A_201, %dma_wait3A_202] : memref<4x256x32xf32, #tpu.memory_space<vmem>> -> memref<1x256x32xf32, #tpu.memory_space<vmem>>
      %dma_wait3A_204 = tpu.memref_squeeze %dma_wait3A_203 : memref<1x256x32xf32, #tpu.memory_space<vmem>> -> memref<256x32xf32, #tpu.memory_space<vmem>>
      %dma_wait3A_205 = arith.constant 0 : i32
      %dma_wait3A_206 = arith.constant 0 : i32
      %dma_wait3A_207 = tpu.memref_slice %dma_wait3A_204[%dma_wait3A_205, %dma_wait3A_206] : memref<256x32xf32, #tpu.memory_space<vmem>> -> memref<128x32xf32, #tpu.memory_space<vmem>>
      %dma_wait3A_208 = arith.constant 0 : i32
      %dma_wait3A_209 = tpu.memref_slice %arg6[%dma_wait3A_199, %dma_wait3A_208] : memref<200x128xi32, #tpu.memory_space<vmem>> -> memref<1x128xi32, #tpu.memory_space<vmem>>
      %dma_wait3A_210 = tpu.memref_squeeze %dma_wait3A_209 : memref<1x128xi32, #tpu.memory_space<vmem>> -> memref<128xi32, #tpu.memory_space<vmem>>
      %dma_wait3A_211 = arith.constant 0 : i32
      %dma_wait3A_212 = arith.constant 0 : i32
      %dma_wait3A_213 = tpu.memref_slice %arg3[%dma_wait3A_211, %dma_wait3A_212] : memref<100000x32xf32, #tpu.memory_space<hbm>> -> memref<100000x32xf32, #tpu.memory_space<hbm>>
      tpu.wait_indirect_dma semaphore(%arg11 : memref<!tpu.dma_semaphore, #tpu.memory_space<semaphore_mem>>) src(%dma_wait3A_213 : memref<100000x32xf32, #tpu.memory_space<hbm>>) dst(%dma_wait3A_207 : memref<128x32xf32, #tpu.memory_space<vmem>>)
      %ge3A = arith.constant 1 : i32
      %ge3A_214 = arith.cmpi sge, %scan3A_179, %ge3A : i32
      %convert_element_type3A = arith.extui %ge3A_214 : i1 to i32
      %cond3A = arith.constant 0 : i32
      %cond3A_215 = arith.cmpi ne, %convert_element_type3A, %cond3A : i32
      scf.if %cond3A_215 {
        %dma_wait3A_603 = arith.constant 0 : i32
        %dma_wait3A_604 = arith.constant 0 : i32
        %dma_wait3A_605 = arith.constant 0 : i32
        %dma_wait3A_606 = arith.constant 0 : i32
        %dma_wait3A_607 = arith.constant 0 : i32
        %dma_wait3A_608 = tpu.memref_slice %arg8[%dma_wait3A_604, %dma_wait3A_605, %dma_wait3A_606, %dma_wait3A_607] : memref<2x4x8x129xf32, #tpu.memory_space<vmem>> -> memref<2x4x8x128xf32, #tpu.memory_space<vmem>>
        %dma_wait3A_609 = arith.constant 0 : i32
        %dma_wait3A_610 = arith.constant 0 : i32
        %dma_wait3A_611 = arith.constant 0 : i32
        %dma_wait3A_612 = arith.constant 0 : i32
        %dma_wait3A_613 = tpu.memref_slice %arg5[%dma_wait3A_609, %dma_wait3A_610, %dma_wait3A_603, %dma_wait3A_611, %dma_wait3A_612] : memref<200x4x32x8x128xf32, #tpu.memory_space<hbm>> -> memref<2x4x1x8x128xf32, #tpu.memory_space<hbm>>
        %dma_wait3A_614 = tpu.memref_squeeze %dma_wait3A_613 : memref<2x4x1x8x128xf32, #tpu.memory_space<hbm>> -> memref<2x4x8x128xf32, #tpu.memory_space<hbm>>
        %dma_wait3A_615 = arith.constant 0 : i32
        %dma_wait3A_616 = arith.constant 0 : i32
        %dma_wait3A_617 = arith.constant 0 : i32
        %dma_wait3A_618 = arith.constant 0 : i32
        %dma_wait3A_619 = tpu.memref_slice %arg5[%dma_wait3A_615, %dma_wait3A_616, %dma_wait3A_603, %dma_wait3A_617, %dma_wait3A_618] : memref<200x4x32x8x128xf32, #tpu.memory_space<hbm>> -> memref<2x4x1x8x128xf32, #tpu.memory_space<hbm>>
        %dma_wait3A_620 = tpu.memref_squeeze %dma_wait3A_619 : memref<2x4x1x8x128xf32, #tpu.memory_space<hbm>> -> memref<2x4x8x128xf32, #tpu.memory_space<hbm>>
        %dma_wait3A_621 = arith.constant 0 : i32
        %dma_wait3A_622 = arith.constant 0 : i32
        %dma_wait3A_623 = arith.constant 0 : i32
        %dma_wait3A_624 = arith.constant 0 : i32
        %dma_wait3A_625 = tpu.memref_slice %arg8[%dma_wait3A_621, %dma_wait3A_622, %dma_wait3A_623, %dma_wait3A_624] : memref<2x4x8x129xf32, #tpu.memory_space<vmem>> -> memref<2x4x8x128xf32, #tpu.memory_space<vmem>>
        tpu.wait_dma2 semaphore(%arg15 : memref<!tpu.dma_semaphore, #tpu.memory_space<semaphore_mem>>) src(%dma_wait3A_625 : memref<2x4x8x128xf32, #tpu.memory_space<vmem>>) dst(%dma_wait3A_620 : memref<2x4x8x128xf32, #tpu.memory_space<hbm>>)
      } else {
      }
      %mul3A_216 = arith.constant 2 : i32
      %mul3A_217 = arith.muli %mul3A_216, %add3A_183 : i32
      %add3A_218 = arith.constant 0 : i32
      %add3A_219 = arith.addi %mul3A_217, %add3A_218 : i32
      %get3A = arith.index_cast %add3A_219 : i32 to index
      %get3A_220 = arith.constant 0 : index
      %get3A_221 = tpu.vector_load %arg10[%get3A, %get3A_220] {strides = array<i32>} : memref<200x32xf32, #tpu.memory_space<vmem>>, vector<16xf32>,
      %get3A_222 = arith.index_cast %add3A_219 : i32 to index
      %get3A_223 = arith.constant 16 : index
      %get3A_224 = tpu.vector_load %arg10[%get3A_222, %get3A_223] {strides = array<i32>} : memref<200x32xf32, #tpu.memory_space<vmem>>, vector<16xf32>,
      %scan3A_225 = arith.constant 0 : i32
      %scan3A_226 = arith.constant 0 : i32
      %scan3A_227 = arith.constant 16 : i32
      %scan3A_228 = arith.addi %scan3A_226, %scan3A_227 : i32
      %scan3A_229 = arith.constant 1 : i32
      scf.for %scan3A_603 = %scan3A_226 to %scan3A_228 step %scan3A_229  : i32 {
        %mul3A_604 = arith.constant 8 : i32
        %mul3A_605 = arith.muli %scan3A_603, %mul3A_604 : i32
        %add3A_606 = arith.constant 0 : i32
        %add3A_607 = arith.addi %mul3A_605, %add3A_606 : i32
        %mul3A_608 = arith.constant 0 : i32
        %mul3A_609 = vector.broadcast %mul3A_608 : i32 to vector<16xi32>
        %mul3A_610 = arith.muli %iota3A, %mul3A_609 : vector<16xi32>
        %add3A_611 = vector.broadcast %add3A_607 : i32 to vector<16xi32>
        %add3A_612 = arith.addi %mul3A_610, %add3A_611 : vector<16xi32>
        %add3A_613 = arith.constant 0 : i32
        %add3A_614 = arith.addi %add3A_613, %add3A_607 : i32
        %get3A_615 = arith.constant 0 : i32
        %get3A_616 = arith.index_cast %get3A_615 : i32 to index
        %get3A_617 = arith.index_cast %add3A_614 : i32 to index
        %get3A_618 = arith.constant 0 : index
        %get3A_619 = tpu.vector_load %arg7[%get3A_616, %get3A_617, %get3A_618] {strides = array<i32>} : memref<4x256x32xf32, #tpu.memory_space<vmem>>, vector<16xf32>,
        %add3A_620 = arith.addf %get3A_619, %get3A_221 : vector<16xf32>
        %add3A_621 = arith.constant 0 : i32
        %add3A_622 = arith.addi %add3A_621, %add3A_607 : i32
        %get3A_623 = arith.constant 0 : i32
        %get3A_624 = arith.index_cast %get3A_623 : i32 to index
        %get3A_625 = arith.index_cast %add3A_622 : i32 to index
        %get3A_626 = arith.constant 16 : index
        %get3A_627 = tpu.vector_load %arg7[%get3A_624, %get3A_625, %get3A_626] {strides = array<i32>} : memref<4x256x32xf32, #tpu.memory_space<vmem>>, vector<16xf32>,
        %add3A_628 = arith.addf %get3A_627, %get3A_224 : vector<16xf32>
        %scatter3A = arith.constant 0 : i32
        %scatter3A_629 = arith.constant 0 : i32
        %scatter3A_630 = arith.constant 0 : i32
        %scatter3A_631 = arith.constant 0 : i32
        %scatter3A_632 = tpu.memref_slice %arg8[%scatter3A, %scatter3A_629, %scatter3A_630, %scatter3A_631] : memref<2x4x8x129xf32, #tpu.memory_space<vmem>> -> memref<1x4x8x129xf32, #tpu.memory_space<vmem>>
        %scatter3A_633 = tpu.memref_squeeze %scatter3A_632 : memref<1x4x8x129xf32, #tpu.memory_space<vmem>> -> memref<4x8x129xf32, #tpu.memory_space<vmem>>
        tpu.vector_store_idx %scatter3A_633[%shift_right_arithmetic3A_6, %and3A_4, %add3A_612], %add3A_620 : memref<4x8x129xf32, #tpu.memory_space<vmem>>[vector<16xi32>, vector<16xi32>, vector<16xi32>], vector<16xf32>,
        %scatter3A_634 = arith.constant 0 : i32
        %scatter3A_635 = arith.constant 0 : i32
        %scatter3A_636 = arith.constant 0 : i32
        %scatter3A_637 = arith.constant 0 : i32
        %scatter3A_638 = tpu.memref_slice %arg8[%scatter3A_634, %scatter3A_635, %scatter3A_636, %scatter3A_637] : memref<2x4x8x129xf32, #tpu.memory_space<vmem>> -> memref<1x4x8x129xf32, #tpu.memory_space<vmem>>
        %scatter3A_639 = tpu.memref_squeeze %scatter3A_638 : memref<1x4x8x129xf32, #tpu.memory_space<vmem>> -> memref<4x8x129xf32, #tpu.memory_space<vmem>>
        tpu.vector_store_idx %scatter3A_639[%add3A_9, %and3A_4, %add3A_612], %add3A_628 : memref<4x8x129xf32, #tpu.memory_space<vmem>>[vector<16xi32>, vector<16xi32>, vector<16xi32>], vector<16xf32>,
        %mul3A_640 = arith.constant 8 : i32
        %mul3A_641 = arith.muli %scan3A_603, %mul3A_640 : i32
        %add3A_642 = arith.constant 1 : i32
        %add3A_643 = arith.addi %mul3A_641, %add3A_642 : i32
        %mul3A_644 = arith.constant 0 : i32
        %mul3A_645 = vector.broadcast %mul3A_644 : i32 to vector<16xi32>
        %mul3A_646 = arith.muli %iota3A, %mul3A_645 : vector<16xi32>
        %add3A_647 = vector.broadcast %add3A_643 : i32 to vector<16xi32>
        %add3A_648 = arith.addi %mul3A_646, %add3A_647 : vector<16xi32>
        %add3A_649 = arith.constant 0 : i32
        %add3A_650 = arith.addi %add3A_649, %add3A_643 : i32
        %get3A_651 = arith.constant 0 : i32
        %get3A_652 = arith.index_cast %get3A_651 : i32 to index
        %get3A_653 = arith.index_cast %add3A_650 : i32 to index
        %get3A_654 = arith.constant 0 : index
        %get3A_655 = tpu.vector_load %arg7[%get3A_652, %get3A_653, %get3A_654] {strides = array<i32>} : memref<4x256x32xf32, #tpu.memory_space<vmem>>, vector<16xf32>,
        %add3A_656 = arith.addf %get3A_655, %get3A_221 : vector<16xf32>
        %add3A_657 = arith.constant 0 : i32
        %add3A_658 = arith.addi %add3A_657, %add3A_643 : i32
        %get3A_659 = arith.constant 0 : i32
        %get3A_660 = arith.index_cast %get3A_659 : i32 to index
        %get3A_661 = arith.index_cast %add3A_658 : i32 to index
        %get3A_662 = arith.constant 16 : index
        %get3A_663 = tpu.vector_load %arg7[%get3A_660, %get3A_661, %get3A_662] {strides = array<i32>} : memref<4x256x32xf32, #tpu.memory_space<vmem>>, vector<16xf32>,
        %add3A_664 = arith.addf %get3A_663, %get3A_224 : vector<16xf32>
        %scatter3A_665 = arith.constant 0 : i32
        %scatter3A_666 = arith.constant 0 : i32
        %scatter3A_667 = arith.constant 0 : i32
        %scatter3A_668 = arith.constant 0 : i32
        %scatter3A_669 = tpu.memref_slice %arg8[%scatter3A_665, %scatter3A_666, %scatter3A_667, %scatter3A_668] : memref<2x4x8x129xf32, #tpu.memory_space<vmem>> -> memref<1x4x8x129xf32, #tpu.memory_space<vmem>>
        %scatter3A_670 = tpu.memref_squeeze %scatter3A_669 : memref<1x4x8x129xf32, #tpu.memory_space<vmem>> -> memref<4x8x129xf32, #tpu.memory_space<vmem>>
        tpu.vector_store_idx %scatter3A_670[%shift_right_arithmetic3A_6, %and3A_4, %add3A_648], %add3A_656 : memref<4x8x129xf32, #tpu.memory_space<vmem>>[vector<16xi32>, vector<16xi32>, vector<16xi32>], vector<16xf32>,
        %scatter3A_671 = arith.constant 0 : i32
        %scatter3A_672 = arith.constant 0 : i32
        %scatter3A_673 = arith.constant 0 : i32
        %scatter3A_674 = arith.constant 0 : i32
        %scatter3A_675 = tpu.memref_slice %arg8[%scatter3A_671, %scatter3A_672, %scatter3A_673, %scatter3A_674] : memref<2x4x8x129xf32, #tpu.memory_space<vmem>> -> memref<1x4x8x129xf32, #tpu.memory_space<vmem>>
        %scatter3A_676 = tpu.memref_squeeze %scatter3A_675 : memref<1x4x8x129xf32, #tpu.memory_space<vmem>> -> memref<4x8x129xf32, #tpu.memory_space<vmem>>
        tpu.vector_store_idx %scatter3A_676[%add3A_9, %and3A_4, %add3A_648], %add3A_664 : memref<4x8x129xf32, #tpu.memory_space<vmem>>[vector<16xi32>, vector<16xi32>, vector<16xi32>], vector<16xf32>,
        %mul3A_677 = arith.constant 8 : i32
        %mul3A_678 = arith.muli %scan3A_603, %mul3A_677 : i32
        %add3A_679 = arith.constant 2 : i32
        %add3A_680 = arith.addi %mul3A_678, %add3A_679 : i32
        %mul3A_681 = arith.constant 0 : i32
        %mul3A_682 = vector.broadcast %mul3A_681 : i32 to vector<16xi32>
        %mul3A_683 = arith.muli %iota3A, %mul3A_682 : vector<16xi32>
        %add3A_684 = vector.broadcast %add3A_680 : i32 to vector<16xi32>
        %add3A_685 = arith.addi %mul3A_683, %add3A_684 : vector<16xi32>
        %add3A_686 = arith.constant 0 : i32
        %add3A_687 = arith.addi %add3A_686, %add3A_680 : i32
        %get3A_688 = arith.constant 0 : i32
        %get3A_689 = arith.index_cast %get3A_688 : i32 to index
        %get3A_690 = arith.index_cast %add3A_687 : i32 to index
        %get3A_691 = arith.constant 0 : index
        %get3A_692 = tpu.vector_load %arg7[%get3A_689, %get3A_690, %get3A_691] {strides = array<i32>} : memref<4x256x32xf32, #tpu.memory_space<vmem>>, vector<16xf32>,
        %add3A_693 = arith.addf %get3A_692, %get3A_221 : vector<16xf32>
        %add3A_694 = arith.constant 0 : i32
        %add3A_695 = arith.addi %add3A_694, %add3A_680 : i32
        %get3A_696 = arith.constant 0 : i32
        %get3A_697 = arith.index_cast %get3A_696 : i32 to index
        %get3A_698 = arith.index_cast %add3A_695 : i32 to index
        %get3A_699 = arith.constant 16 : index
        %get3A_700 = tpu.vector_load %arg7[%get3A_697, %get3A_698, %get3A_699] {strides = array<i32>} : memref<4x256x32xf32, #tpu.memory_space<vmem>>, vector<16xf32>,
        %add3A_701 = arith.addf %get3A_700, %get3A_224 : vector<16xf32>
        %scatter3A_702 = arith.constant 0 : i32
        %scatter3A_703 = arith.constant 0 : i32
        %scatter3A_704 = arith.constant 0 : i32
        %scatter3A_705 = arith.constant 0 : i32
        %scatter3A_706 = tpu.memref_slice %arg8[%scatter3A_702, %scatter3A_703, %scatter3A_704, %scatter3A_705] : memref<2x4x8x129xf32, #tpu.memory_space<vmem>> -> memref<1x4x8x129xf32, #tpu.memory_space<vmem>>
        %scatter3A_707 = tpu.memref_squeeze %scatter3A_706 : memref<1x4x8x129xf32, #tpu.memory_space<vmem>> -> memref<4x8x129xf32, #tpu.memory_space<vmem>>
        tpu.vector_store_idx %scatter3A_707[%shift_right_arithmetic3A_6, %and3A_4, %add3A_685], %add3A_693 : memref<4x8x129xf32, #tpu.memory_space<vmem>>[vector<16xi32>, vector<16xi32>, vector<16xi32>], vector<16xf32>,
        %scatter3A_708 = arith.constant 0 : i32
        %scatter3A_709 = arith.constant 0 : i32
        %scatter3A_710 = arith.constant 0 : i32
        %scatter3A_711 = arith.constant 0 : i32
        %scatter3A_712 = tpu.memref_slice %arg8[%scatter3A_708, %scatter3A_709, %scatter3A_710, %scatter3A_711] : memref<2x4x8x129xf32, #tpu.memory_space<vmem>> -> memref<1x4x8x129xf32, #tpu.memory_space<vmem>>
        %scatter3A_713 = tpu.memref_squeeze %scatter3A_712 : memref<1x4x8x129xf32, #tpu.memory_space<vmem>> -> memref<4x8x129xf32, #tpu.memory_space<vmem>>
        tpu.vector_store_idx %scatter3A_713[%add3A_9, %and3A_4, %add3A_685], %add3A_701 : memref<4x8x129xf32, #tpu.memory_space<vmem>>[vector<16xi32>, vector<16xi32>, vector<16xi32>], vector<16xf32>,
        %mul3A_714 = arith.constant 8 : i32
        %mul3A_715 = arith.muli %scan3A_603, %mul3A_714 : i32
        %add3A_716 = arith.constant 3 : i32
        %add3A_717 = arith.addi %mul3A_715, %add3A_716 : i32
        %mul3A_718 = arith.constant 0 : i32
        %mul3A_719 = vector.broadcast %mul3A_718 : i32 to vector<16xi32>
        %mul3A_720 = arith.muli %iota3A, %mul3A_719 : vector<16xi32>
        %add3A_721 = vector.broadcast %add3A_717 : i32 to vector<16xi32>
        %add3A_722 = arith.addi %mul3A_720, %add3A_721 : vector<16xi32>
        %add3A_723 = arith.constant 0 : i32
        %add3A_724 = arith.addi %add3A_723, %add3A_717 : i32
        %get3A_725 = arith.constant 0 : i32
        %get3A_726 = arith.index_cast %get3A_725 : i32 to index
        %get3A_727 = arith.index_cast %add3A_724 : i32 to index
        %get3A_728 = arith.constant 0 : index
        %get3A_729 = tpu.vector_load %arg7[%get3A_726, %get3A_727, %get3A_728] {strides = array<i32>} : memref<4x256x32xf32, #tpu.memory_space<vmem>>, vector<16xf32>,
        %add3A_730 = arith.addf %get3A_729, %get3A_221 : vector<16xf32>
        %add3A_731 = arith.constant 0 : i32
        %add3A_732 = arith.addi %add3A_731, %add3A_717 : i32
        %get3A_733 = arith.constant 0 : i32
        %get3A_734 = arith.index_cast %get3A_733 : i32 to index
        %get3A_735 = arith.index_cast %add3A_732 : i32 to index
        %get3A_736 = arith.constant 16 : index
        %get3A_737 = tpu.vector_load %arg7[%get3A_734, %get3A_735, %get3A_736] {strides = array<i32>} : memref<4x256x32xf32, #tpu.memory_space<vmem>>, vector<16xf32>,
        %add3A_738 = arith.addf %get3A_737, %get3A_224 : vector<16xf32>
        %scatter3A_739 = arith.constant 0 : i32
        %scatter3A_740 = arith.constant 0 : i32
        %scatter3A_741 = arith.constant 0 : i32
        %scatter3A_742 = arith.constant 0 : i32
        %scatter3A_743 = tpu.memref_slice %arg8[%scatter3A_739, %scatter3A_740, %scatter3A_741, %scatter3A_742] : memref<2x4x8x129xf32, #tpu.memory_space<vmem>> -> memref<1x4x8x129xf32, #tpu.memory_space<vmem>>
        %scatter3A_744 = tpu.memref_squeeze %scatter3A_743 : memref<1x4x8x129xf32, #tpu.memory_space<vmem>> -> memref<4x8x129xf32, #tpu.memory_space<vmem>>
        tpu.vector_store_idx %scatter3A_744[%shift_right_arithmetic3A_6, %and3A_4, %add3A_722], %add3A_730 : memref<4x8x129xf32, #tpu.memory_space<vmem>>[vector<16xi32>, vector<16xi32>, vector<16xi32>], vector<16xf32>,
        %scatter3A_745 = arith.constant 0 : i32
        %scatter3A_746 = arith.constant 0 : i32
        %scatter3A_747 = arith.constant 0 : i32
        %scatter3A_748 = arith.constant 0 : i32
        %scatter3A_749 = tpu.memref_slice %arg8[%scatter3A_745, %scatter3A_746, %scatter3A_747, %scatter3A_748] : memref<2x4x8x129xf32, #tpu.memory_space<vmem>> -> memref<1x4x8x129xf32, #tpu.memory_space<vmem>>
        %scatter3A_750 = tpu.memref_squeeze %scatter3A_749 : memref<1x4x8x129xf32, #tpu.memory_space<vmem>> -> memref<4x8x129xf32, #tpu.memory_space<vmem>>
        tpu.vector_store_idx %scatter3A_750[%add3A_9, %and3A_4, %add3A_722], %add3A_738 : memref<4x8x129xf32, #tpu.memory_space<vmem>>[vector<16xi32>, vector<16xi32>, vector<16xi32>], vector<16xf32>,
        %mul3A_751 = arith.constant 8 : i32
        %mul3A_752 = arith.muli %scan3A_603, %mul3A_751 : i32
        %add3A_753 = arith.constant 4 : i32
        %add3A_754 = arith.addi %mul3A_752, %add3A_753 : i32
        %mul3A_755 = arith.constant 0 : i32
        %mul3A_756 = vector.broadcast %mul3A_755 : i32 to vector<16xi32>
        %mul3A_757 = arith.muli %iota3A, %mul3A_756 : vector<16xi32>
        %add3A_758 = vector.broadcast %add3A_754 : i32 to vector<16xi32>
        %add3A_759 = arith.addi %mul3A_757, %add3A_758 : vector<16xi32>
        %add3A_760 = arith.constant 0 : i32
        %add3A_761 = arith.addi %add3A_760, %add3A_754 : i32
        %get3A_762 = arith.constant 0 : i32
        %get3A_763 = arith.index_cast %get3A_762 : i32 to index
        %get3A_764 = arith.index_cast %add3A_761 : i32 to index
        %get3A_765 = arith.constant 0 : index
        %get3A_766 = tpu.vector_load %arg7[%get3A_763, %get3A_764, %get3A_765] {strides = array<i32>} : memref<4x256x32xf32, #tpu.memory_space<vmem>>, vector<16xf32>,
        %add3A_767 = arith.addf %get3A_766, %get3A_221 : vector<16xf32>
        %add3A_768 = arith.constant 0 : i32
        %add3A_769 = arith.addi %add3A_768, %add3A_754 : i32
        %get3A_770 = arith.constant 0 : i32
        %get3A_771 = arith.index_cast %get3A_770 : i32 to index
        %get3A_772 = arith.index_cast %add3A_769 : i32 to index
        %get3A_773 = arith.constant 16 : index
        %get3A_774 = tpu.vector_load %arg7[%get3A_771, %get3A_772, %get3A_773] {strides = array<i32>} : memref<4x256x32xf32, #tpu.memory_space<vmem>>, vector<16xf32>,
        %add3A_775 = arith.addf %get3A_774, %get3A_224 : vector<16xf32>
        %scatter3A_776 = arith.constant 0 : i32
        %scatter3A_777 = arith.constant 0 : i32
        %scatter3A_778 = arith.constant 0 : i32
        %scatter3A_779 = arith.constant 0 : i32
        %scatter3A_780 = tpu.memref_slice %arg8[%scatter3A_776, %scatter3A_777, %scatter3A_778, %scatter3A_779] : memref<2x4x8x129xf32, #tpu.memory_space<vmem>> -> memref<1x4x8x129xf32, #tpu.memory_space<vmem>>
        %scatter3A_781 = tpu.memref_squeeze %scatter3A_780 : memref<1x4x8x129xf32, #tpu.memory_space<vmem>> -> memref<4x8x129xf32, #tpu.memory_space<vmem>>
        tpu.vector_store_idx %scatter3A_781[%shift_right_arithmetic3A_6, %and3A_4, %add3A_759], %add3A_767 : memref<4x8x129xf32, #tpu.memory_space<vmem>>[vector<16xi32>, vector<16xi32>, vector<16xi32>], vector<16xf32>,
        %scatter3A_782 = arith.constant 0 : i32
        %scatter3A_783 = arith.constant 0 : i32
        %scatter3A_784 = arith.constant 0 : i32
        %scatter3A_785 = arith.constant 0 : i32
        %scatter3A_786 = tpu.memref_slice %arg8[%scatter3A_782, %scatter3A_783, %scatter3A_784, %scatter3A_785] : memref<2x4x8x129xf32, #tpu.memory_space<vmem>> -> memref<1x4x8x129xf32, #tpu.memory_space<vmem>>
        %scatter3A_787 = tpu.memref_squeeze %scatter3A_786 : memref<1x4x8x129xf32, #tpu.memory_space<vmem>> -> memref<4x8x129xf32, #tpu.memory_space<vmem>>
        tpu.vector_store_idx %scatter3A_787[%add3A_9, %and3A_4, %add3A_759], %add3A_775 : memref<4x8x129xf32, #tpu.memory_space<vmem>>[vector<16xi32>, vector<16xi32>, vector<16xi32>], vector<16xf32>,
        %mul3A_788 = arith.constant 8 : i32
        %mul3A_789 = arith.muli %scan3A_603, %mul3A_788 : i32
        %add3A_790 = arith.constant 5 : i32
        %add3A_791 = arith.addi %mul3A_789, %add3A_790 : i32
        %mul3A_792 = arith.constant 0 : i32
        %mul3A_793 = vector.broadcast %mul3A_792 : i32 to vector<16xi32>
        %mul3A_794 = arith.muli %iota3A, %mul3A_793 : vector<16xi32>
        %add3A_795 = vector.broadcast %add3A_791 : i32 to vector<16xi32>
        %add3A_796 = arith.addi %mul3A_794, %add3A_795 : vector<16xi32>
        %add3A_797 = arith.constant 0 : i32
        %add3A_798 = arith.addi %add3A_797, %add3A_791 : i32
        %get3A_799 = arith.constant 0 : i32
        %get3A_800 = arith.index_cast %get3A_799 : i32 to index
        %get3A_801 = arith.index_cast %add3A_798 : i32 to index
        %get3A_802 = arith.constant 0 : index
        %get3A_803 = tpu.vector_load %arg7[%get3A_800, %get3A_801, %get3A_802] {strides = array<i32>} : memref<4x256x32xf32, #tpu.memory_space<vmem>>, vector<16xf32>,
        %add3A_804 = arith.addf %get3A_803, %get3A_221 : vector<16xf32>
        %add3A_805 = arith.constant 0 : i32
        %add3A_806 = arith.addi %add3A_805, %add3A_791 : i32
        %get3A_807 = arith.constant 0 : i32
        %get3A_808 = arith.index_cast %get3A_807 : i32 to index
        %get3A_809 = arith.index_cast %add3A_806 : i32 to index
        %get3A_810 = arith.constant 16 : index
        %get3A_811 = tpu.vector_load %arg7[%get3A_808, %get3A_809, %get3A_810] {strides = array<i32>} : memref<4x256x32xf32, #tpu.memory_space<vmem>>, vector<16xf32>,
        %add3A_812 = arith.addf %get3A_811, %get3A_224 : vector<16xf32>
        %scatter3A_813 = arith.constant 0 : i32
        %scatter3A_814 = arith.constant 0 : i32
        %scatter3A_815 = arith.constant 0 : i32
        %scatter3A_816 = arith.constant 0 : i32
        %scatter3A_817 = tpu.memref_slice %arg8[%scatter3A_813, %scatter3A_814, %scatter3A_815, %scatter3A_816] : memref<2x4x8x129xf32, #tpu.memory_space<vmem>> -> memref<1x4x8x129xf32, #tpu.memory_space<vmem>>
        %scatter3A_818 = tpu.memref_squeeze %scatter3A_817 : memref<1x4x8x129xf32, #tpu.memory_space<vmem>> -> memref<4x8x129xf32, #tpu.memory_space<vmem>>
        tpu.vector_store_idx %scatter3A_818[%shift_right_arithmetic3A_6, %and3A_4, %add3A_796], %add3A_804 : memref<4x8x129xf32, #tpu.memory_space<vmem>>[vector<16xi32>, vector<16xi32>, vector<16xi32>], vector<16xf32>,
        %scatter3A_819 = arith.constant 0 : i32
        %scatter3A_820 = arith.constant 0 : i32
        %scatter3A_821 = arith.constant 0 : i32
        %scatter3A_822 = arith.constant 0 : i32
        %scatter3A_823 = tpu.memref_slice %arg8[%scatter3A_819, %scatter3A_820, %scatter3A_821, %scatter3A_822] : memref<2x4x8x129xf32, #tpu.memory_space<vmem>> -> memref<1x4x8x129xf32, #tpu.memory_space<vmem>>
        %scatter3A_824 = tpu.memref_squeeze %scatter3A_823 : memref<1x4x8x129xf32, #tpu.memory_space<vmem>> -> memref<4x8x129xf32, #tpu.memory_space<vmem>>
        tpu.vector_store_idx %scatter3A_824[%add3A_9, %and3A_4, %add3A_796], %add3A_812 : memref<4x8x129xf32, #tpu.memory_space<vmem>>[vector<16xi32>, vector<16xi32>, vector<16xi32>], vector<16xf32>,
        %mul3A_825 = arith.constant 8 : i32
        %mul3A_826 = arith.muli %scan3A_603, %mul3A_825 : i32
        %add3A_827 = arith.constant 6 : i32
        %add3A_828 = arith.addi %mul3A_826, %add3A_827 : i32
        %mul3A_829 = arith.constant 0 : i32
        %mul3A_830 = vector.broadcast %mul3A_829 : i32 to vector<16xi32>
        %mul3A_831 = arith.muli %iota3A, %mul3A_830 : vector<16xi32>
        %add3A_832 = vector.broadcast %add3A_828 : i32 to vector<16xi32>
        %add3A_833 = arith.addi %mul3A_831, %add3A_832 : vector<16xi32>
        %add3A_834 = arith.constant 0 : i32
        %add3A_835 = arith.addi %add3A_834, %add3A_828 : i32
        %get3A_836 = arith.constant 0 : i32
        %get3A_837 = arith.index_cast %get3A_836 : i32 to index
        %get3A_838 = arith.index_cast %add3A_835 : i32 to index
        %get3A_839 = arith.constant 0 : index
        %get3A_840 = tpu.vector_load %arg7[%get3A_837, %get3A_838, %get3A_839] {strides = array<i32>} : memref<4x256x32xf32, #tpu.memory_space<vmem>>, vector<16xf32>,
        %add3A_841 = arith.addf %get3A_840, %get3A_221 : vector<16xf32>
        %add3A_842 = arith.constant 0 : i32
        %add3A_843 = arith.addi %add3A_842, %add3A_828 : i32
        %get3A_844 = arith.constant 0 : i32
        %get3A_845 = arith.index_cast %get3A_844 : i32 to index
        %get3A_846 = arith.index_cast %add3A_843 : i32 to index
        %get3A_847 = arith.constant 16 : index
        %get3A_848 = tpu.vector_load %arg7[%get3A_845, %get3A_846, %get3A_847] {strides = array<i32>} : memref<4x256x32xf32, #tpu.memory_space<vmem>>, vector<16xf32>,
        %add3A_849 = arith.addf %get3A_848, %get3A_224 : vector<16xf32>
        %scatter3A_850 = arith.constant 0 : i32
        %scatter3A_851 = arith.constant 0 : i32
        %scatter3A_852 = arith.constant 0 : i32
        %scatter3A_853 = arith.constant 0 : i32
        %scatter3A_854 = tpu.memref_slice %arg8[%scatter3A_850, %scatter3A_851, %scatter3A_852, %scatter3A_853] : memref<2x4x8x129xf32, #tpu.memory_space<vmem>> -> memref<1x4x8x129xf32, #tpu.memory_space<vmem>>
        %scatter3A_855 = tpu.memref_squeeze %scatter3A_854 : memref<1x4x8x129xf32, #tpu.memory_space<vmem>> -> memref<4x8x129xf32, #tpu.memory_space<vmem>>
        tpu.vector_store_idx %scatter3A_855[%shift_right_arithmetic3A_6, %and3A_4, %add3A_833], %add3A_841 : memref<4x8x129xf32, #tpu.memory_space<vmem>>[vector<16xi32>, vector<16xi32>, vector<16xi32>], vector<16xf32>,
        %scatter3A_856 = arith.constant 0 : i32
        %scatter3A_857 = arith.constant 0 : i32
        %scatter3A_858 = arith.constant 0 : i32
        %scatter3A_859 = arith.constant 0 : i32
        %scatter3A_860 = tpu.memref_slice %arg8[%scatter3A_856, %scatter3A_857, %scatter3A_858, %scatter3A_859] : memref<2x4x8x129xf32, #tpu.memory_space<vmem>> -> memref<1x4x8x129xf32, #tpu.memory_space<vmem>>
        %scatter3A_861 = tpu.memref_squeeze %scatter3A_860 : memref<1x4x8x129xf32, #tpu.memory_space<vmem>> -> memref<4x8x129xf32, #tpu.memory_space<vmem>>
        tpu.vector_store_idx %scatter3A_861[%add3A_9, %and3A_4, %add3A_833], %add3A_849 : memref<4x8x129xf32, #tpu.memory_space<vmem>>[vector<16xi32>, vector<16xi32>, vector<16xi32>], vector<16xf32>,
        %mul3A_862 = arith.constant 8 : i32
        %mul3A_863 = arith.muli %scan3A_603, %mul3A_862 : i32
        %add3A_864 = arith.constant 7 : i32
        %add3A_865 = arith.addi %mul3A_863, %add3A_864 : i32
        %mul3A_866 = arith.constant 0 : i32
        %mul3A_867 = vector.broadcast %mul3A_866 : i32 to vector<16xi32>
        %mul3A_868 = arith.muli %iota3A, %mul3A_867 : vector<16xi32>
        %add3A_869 = vector.broadcast %add3A_865 : i32 to vector<16xi32>
        %add3A_870 = arith.addi %mul3A_868, %add3A_869 : vector<16xi32>
        %add3A_871 = arith.constant 0 : i32
        %add3A_872 = arith.addi %add3A_871, %add3A_865 : i32
        %get3A_873 = arith.constant 0 : i32
        %get3A_874 = arith.index_cast %get3A_873 : i32 to index
        %get3A_875 = arith.index_cast %add3A_872 : i32 to index
        %get3A_876 = arith.constant 0 : index
        %get3A_877 = tpu.vector_load %arg7[%get3A_874, %get3A_875, %get3A_876] {strides = array<i32>} : memref<4x256x32xf32, #tpu.memory_space<vmem>>, vector<16xf32>,
        %add3A_878 = arith.addf %get3A_877, %get3A_221 : vector<16xf32>
        %add3A_879 = arith.constant 0 : i32
        %add3A_880 = arith.addi %add3A_879, %add3A_865 : i32
        %get3A_881 = arith.constant 0 : i32
        %get3A_882 = arith.index_cast %get3A_881 : i32 to index
        %get3A_883 = arith.index_cast %add3A_880 : i32 to index
        %get3A_884 = arith.constant 16 : index
        %get3A_885 = tpu.vector_load %arg7[%get3A_882, %get3A_883, %get3A_884] {strides = array<i32>} : memref<4x256x32xf32, #tpu.memory_space<vmem>>, vector<16xf32>,
        %add3A_886 = arith.addf %get3A_885, %get3A_224 : vector<16xf32>
        %scatter3A_887 = arith.constant 0 : i32
        %scatter3A_888 = arith.constant 0 : i32
        %scatter3A_889 = arith.constant 0 : i32
        %scatter3A_890 = arith.constant 0 : i32
        %scatter3A_891 = tpu.memref_slice %arg8[%scatter3A_887, %scatter3A_888, %scatter3A_889, %scatter3A_890] : memref<2x4x8x129xf32, #tpu.memory_space<vmem>> -> memref<1x4x8x129xf32, #tpu.memory_space<vmem>>
        %scatter3A_892 = tpu.memref_squeeze %scatter3A_891 : memref<1x4x8x129xf32, #tpu.memory_space<vmem>> -> memref<4x8x129xf32, #tpu.memory_space<vmem>>
        tpu.vector_store_idx %scatter3A_892[%shift_right_arithmetic3A_6, %and3A_4, %add3A_870], %add3A_878 : memref<4x8x129xf32, #tpu.memory_space<vmem>>[vector<16xi32>, vector<16xi32>, vector<16xi32>], vector<16xf32>,
        %scatter3A_893 = arith.constant 0 : i32
        %scatter3A_894 = arith.constant 0 : i32
        %scatter3A_895 = arith.constant 0 : i32
        %scatter3A_896 = arith.constant 0 : i32
        %scatter3A_897 = tpu.memref_slice %arg8[%scatter3A_893, %scatter3A_894, %scatter3A_895, %scatter3A_896] : memref<2x4x8x129xf32, #tpu.memory_space<vmem>> -> memref<1x4x8x129xf32, #tpu.memory_space<vmem>>
        %scatter3A_898 = tpu.memref_squeeze %scatter3A_897 : memref<1x4x8x129xf32, #tpu.memory_space<vmem>> -> memref<4x8x129xf32, #tpu.memory_space<vmem>>
        tpu.vector_store_idx %scatter3A_898[%add3A_9, %and3A_4, %add3A_870], %add3A_886 : memref<4x8x129xf32, #tpu.memory_space<vmem>>[vector<16xi32>, vector<16xi32>, vector<16xi32>], vector<16xf32>,
      }
      %scan3A_230 = arith.constant 16 : i32
      %mul3A_231 = arith.constant 2 : i32
      %mul3A_232 = arith.muli %mul3A_231, %add3A_183 : i32
      %add3A_233 = arith.constant 1 : i32
      %add3A_234 = arith.addi %mul3A_232, %add3A_233 : i32
      %get3A_235 = arith.index_cast %add3A_234 : i32 to index
      %get3A_236 = arith.constant 0 : index
      %get3A_237 = tpu.vector_load %arg10[%get3A_235, %get3A_236] {strides = array<i32>} : memref<200x32xf32, #tpu.memory_space<vmem>>, vector<16xf32>,
      %get3A_238 = arith.index_cast %add3A_234 : i32 to index
      %get3A_239 = arith.constant 16 : index
      %get3A_240 = tpu.vector_load %arg10[%get3A_238, %get3A_239] {strides = array<i32>} : memref<200x32xf32, #tpu.memory_space<vmem>>, vector<16xf32>,
      %scan3A_241 = arith.constant 0 : i32
      %scan3A_242 = arith.constant 0 : i32
      %scan3A_243 = arith.constant 16 : i32
      %scan3A_244 = arith.addi %scan3A_242, %scan3A_243 : i32
      %scan3A_245 = arith.constant 1 : i32
      scf.for %scan3A_603 = %scan3A_242 to %scan3A_244 step %scan3A_245  : i32 {
        %mul3A_604 = arith.constant 8 : i32
        %mul3A_605 = arith.muli %scan3A_603, %mul3A_604 : i32
        %add3A_606 = arith.constant 0 : i32
        %add3A_607 = arith.addi %mul3A_605, %add3A_606 : i32
        %mul3A_608 = arith.constant 0 : i32
        %mul3A_609 = vector.broadcast %mul3A_608 : i32 to vector<16xi32>
        %mul3A_610 = arith.muli %iota3A, %mul3A_609 : vector<16xi32>
        %add3A_611 = vector.broadcast %add3A_607 : i32 to vector<16xi32>
        %add3A_612 = arith.addi %mul3A_610, %add3A_611 : vector<16xi32>
        %add3A_613 = arith.constant 128 : i32
        %add3A_614 = arith.addi %add3A_613, %add3A_607 : i32
        %get3A_615 = arith.constant 0 : i32
        %get3A_616 = arith.index_cast %get3A_615 : i32 to index
        %get3A_617 = arith.index_cast %add3A_614 : i32 to index
        %get3A_618 = arith.constant 0 : index
        %get3A_619 = tpu.vector_load %arg7[%get3A_616, %get3A_617, %get3A_618] {strides = array<i32>} : memref<4x256x32xf32, #tpu.memory_space<vmem>>, vector<16xf32>,
        %add3A_620 = arith.addf %get3A_619, %get3A_237 : vector<16xf32>
        %add3A_621 = arith.constant 128 : i32
        %add3A_622 = arith.addi %add3A_621, %add3A_607 : i32
        %get3A_623 = arith.constant 0 : i32
        %get3A_624 = arith.index_cast %get3A_623 : i32 to index
        %get3A_625 = arith.index_cast %add3A_622 : i32 to index
        %get3A_626 = arith.constant 16 : index
        %get3A_627 = tpu.vector_load %arg7[%get3A_624, %get3A_625, %get3A_626] {strides = array<i32>} : memref<4x256x32xf32, #tpu.memory_space<vmem>>, vector<16xf32>,
        %add3A_628 = arith.addf %get3A_627, %get3A_240 : vector<16xf32>
        %scatter3A = arith.constant 1 : i32
        %scatter3A_629 = arith.constant 0 : i32
        %scatter3A_630 = arith.constant 0 : i32
        %scatter3A_631 = arith.constant 0 : i32
        %scatter3A_632 = tpu.memref_slice %arg8[%scatter3A, %scatter3A_629, %scatter3A_630, %scatter3A_631] : memref<2x4x8x129xf32, #tpu.memory_space<vmem>> -> memref<1x4x8x129xf32, #tpu.memory_space<vmem>>
        %scatter3A_633 = tpu.memref_squeeze %scatter3A_632 : memref<1x4x8x129xf32, #tpu.memory_space<vmem>> -> memref<4x8x129xf32, #tpu.memory_space<vmem>>
        tpu.vector_store_idx %scatter3A_633[%shift_right_arithmetic3A_6, %and3A_4, %add3A_612], %add3A_620 : memref<4x8x129xf32, #tpu.memory_space<vmem>>[vector<16xi32>, vector<16xi32>, vector<16xi32>], vector<16xf32>,
        %scatter3A_634 = arith.constant 1 : i32
        %scatter3A_635 = arith.constant 0 : i32
        %scatter3A_636 = arith.constant 0 : i32
        %scatter3A_637 = arith.constant 0 : i32
        %scatter3A_638 = tpu.memref_slice %arg8[%scatter3A_634, %scatter3A_635, %scatter3A_636, %scatter3A_637] : memref<2x4x8x129xf32, #tpu.memory_space<vmem>> -> memref<1x4x8x129xf32, #tpu.memory_space<vmem>>
        %scatter3A_639 = tpu.memref_squeeze %scatter3A_638 : memref<1x4x8x129xf32, #tpu.memory_space<vmem>> -> memref<4x8x129xf32, #tpu.memory_space<vmem>>
        tpu.vector_store_idx %scatter3A_639[%add3A_9, %and3A_4, %add3A_612], %add3A_628 : memref<4x8x129xf32, #tpu.memory_space<vmem>>[vector<16xi32>, vector<16xi32>, vector<16xi32>], vector<16xf32>,
        %mul3A_640 = arith.constant 8 : i32
        %mul3A_641 = arith.muli %scan3A_603, %mul3A_640 : i32
        %add3A_642 = arith.constant 1 : i32
        %add3A_643 = arith.addi %mul3A_641, %add3A_642 : i32
        %mul3A_644 = arith.constant 0 : i32
        %mul3A_645 = vector.broadcast %mul3A_644 : i32 to vector<16xi32>
        %mul3A_646 = arith.muli %iota3A, %mul3A_645 : vector<16xi32>
        %add3A_647 = vector.broadcast %add3A_643 : i32 to vector<16xi32>
        %add3A_648 = arith.addi %mul3A_646, %add3A_647 : vector<16xi32>
        %add3A_649 = arith.constant 128 : i32
        %add3A_650 = arith.addi %add3A_649, %add3A_643 : i32
        %get3A_651 = arith.constant 0 : i32
        %get3A_652 = arith.index_cast %get3A_651 : i32 to index
        %get3A_653 = arith.index_cast %add3A_650 : i32 to index
        %get3A_654 = arith.constant 0 : index
        %get3A_655 = tpu.vector_load %arg7[%get3A_652, %get3A_653, %get3A_654] {strides = array<i32>} : memref<4x256x32xf32, #tpu.memory_space<vmem>>, vector<16xf32>,
        %add3A_656 = arith.addf %get3A_655, %get3A_237 : vector<16xf32>
        %add3A_657 = arith.constant 128 : i32
        %add3A_658 = arith.addi %add3A_657, %add3A_643 : i32
        %get3A_659 = arith.constant 0 : i32
        %get3A_660 = arith.index_cast %get3A_659 : i32 to index
        %get3A_661 = arith.index_cast %add3A_658 : i32 to index
        %get3A_662 = arith.constant 16 : index
        %get3A_663 = tpu.vector_load %arg7[%get3A_660, %get3A_661, %get3A_662] {strides = array<i32>} : memref<4x256x32xf32, #tpu.memory_space<vmem>>, vector<16xf32>,
        %add3A_664 = arith.addf %get3A_663, %get3A_240 : vector<16xf32>
        %scatter3A_665 = arith.constant 1 : i32
        %scatter3A_666 = arith.constant 0 : i32
        %scatter3A_667 = arith.constant 0 : i32
        %scatter3A_668 = arith.constant 0 : i32
        %scatter3A_669 = tpu.memref_slice %arg8[%scatter3A_665, %scatter3A_666, %scatter3A_667, %scatter3A_668] : memref<2x4x8x129xf32, #tpu.memory_space<vmem>> -> memref<1x4x8x129xf32, #tpu.memory_space<vmem>>
        %scatter3A_670 = tpu.memref_squeeze %scatter3A_669 : memref<1x4x8x129xf32, #tpu.memory_space<vmem>> -> memref<4x8x129xf32, #tpu.memory_space<vmem>>
        tpu.vector_store_idx %scatter3A_670[%shift_right_arithmetic3A_6, %and3A_4, %add3A_648], %add3A_656 : memref<4x8x129xf32, #tpu.memory_space<vmem>>[vector<16xi32>, vector<16xi32>, vector<16xi32>], vector<16xf32>,
        %scatter3A_671 = arith.constant 1 : i32
        %scatter3A_672 = arith.constant 0 : i32
        %scatter3A_673 = arith.constant 0 : i32
        %scatter3A_674 = arith.constant 0 : i32
        %scatter3A_675 = tpu.memref_slice %arg8[%scatter3A_671, %scatter3A_672, %scatter3A_673, %scatter3A_674] : memref<2x4x8x129xf32, #tpu.memory_space<vmem>> -> memref<1x4x8x129xf32, #tpu.memory_space<vmem>>
        %scatter3A_676 = tpu.memref_squeeze %scatter3A_675 : memref<1x4x8x129xf32, #tpu.memory_space<vmem>> -> memref<4x8x129xf32, #tpu.memory_space<vmem>>
        tpu.vector_store_idx %scatter3A_676[%add3A_9, %and3A_4, %add3A_648], %add3A_664 : memref<4x8x129xf32, #tpu.memory_space<vmem>>[vector<16xi32>, vector<16xi32>, vector<16xi32>], vector<16xf32>,
        %mul3A_677 = arith.constant 8 : i32
        %mul3A_678 = arith.muli %scan3A_603, %mul3A_677 : i32
        %add3A_679 = arith.constant 2 : i32
        %add3A_680 = arith.addi %mul3A_678, %add3A_679 : i32
        %mul3A_681 = arith.constant 0 : i32
        %mul3A_682 = vector.broadcast %mul3A_681 : i32 to vector<16xi32>
        %mul3A_683 = arith.muli %iota3A, %mul3A_682 : vector<16xi32>
        %add3A_684 = vector.broadcast %add3A_680 : i32 to vector<16xi32>
        %add3A_685 = arith.addi %mul3A_683, %add3A_684 : vector<16xi32>
        %add3A_686 = arith.constant 128 : i32
        %add3A_687 = arith.addi %add3A_686, %add3A_680 : i32
        %get3A_688 = arith.constant 0 : i32
        %get3A_689 = arith.index_cast %get3A_688 : i32 to index
        %get3A_690 = arith.index_cast %add3A_687 : i32 to index
        %get3A_691 = arith.constant 0 : index
        %get3A_692 = tpu.vector_load %arg7[%get3A_689, %get3A_690, %get3A_691] {strides = array<i32>} : memref<4x256x32xf32, #tpu.memory_space<vmem>>, vector<16xf32>,
        %add3A_693 = arith.addf %get3A_692, %get3A_237 : vector<16xf32>
        %add3A_694 = arith.constant 128 : i32
        %add3A_695 = arith.addi %add3A_694, %add3A_680 : i32
        %get3A_696 = arith.constant 0 : i32
        %get3A_697 = arith.index_cast %get3A_696 : i32 to index
        %get3A_698 = arith.index_cast %add3A_695 : i32 to index
        %get3A_699 = arith.constant 16 : index
        %get3A_700 = tpu.vector_load %arg7[%get3A_697, %get3A_698, %get3A_699] {strides = array<i32>} : memref<4x256x32xf32, #tpu.memory_space<vmem>>, vector<16xf32>,
        %add3A_701 = arith.addf %get3A_700, %get3A_240 : vector<16xf32>
        %scatter3A_702 = arith.constant 1 : i32
        %scatter3A_703 = arith.constant 0 : i32
        %scatter3A_704 = arith.constant 0 : i32
        %scatter3A_705 = arith.constant 0 : i32
        %scatter3A_706 = tpu.memref_slice %arg8[%scatter3A_702, %scatter3A_703, %scatter3A_704, %scatter3A_705] : memref<2x4x8x129xf32, #tpu.memory_space<vmem>> -> memref<1x4x8x129xf32, #tpu.memory_space<vmem>>
        %scatter3A_707 = tpu.memref_squeeze %scatter3A_706 : memref<1x4x8x129xf32, #tpu.memory_space<vmem>> -> memref<4x8x129xf32, #tpu.memory_space<vmem>>
        tpu.vector_store_idx %scatter3A_707[%shift_right_arithmetic3A_6, %and3A_4, %add3A_685], %add3A_693 : memref<4x8x129xf32, #tpu.memory_space<vmem>>[vector<16xi32>, vector<16xi32>, vector<16xi32>], vector<16xf32>,
        %scatter3A_708 = arith.constant 1 : i32
        %scatter3A_709 = arith.constant 0 : i32
        %scatter3A_710 = arith.constant 0 : i32
        %scatter3A_711 = arith.constant 0 : i32
        %scatter3A_712 = tpu.memref_slice %arg8[%scatter3A_708, %scatter3A_709, %scatter3A_710, %scatter3A_711] : memref<2x4x8x129xf32, #tpu.memory_space<vmem>> -> memref<1x4x8x129xf32, #tpu.memory_space<vmem>>
        %scatter3A_713 = tpu.memref_squeeze %scatter3A_712 : memref<1x4x8x129xf32, #tpu.memory_space<vmem>> -> memref<4x8x129xf32, #tpu.memory_space<vmem>>
        tpu.vector_store_idx %scatter3A_713[%add3A_9, %and3A_4, %add3A_685], %add3A_701 : memref<4x8x129xf32, #tpu.memory_space<vmem>>[vector<16xi32>, vector<16xi32>, vector<16xi32>], vector<16xf32>,
        %mul3A_714 = arith.constant 8 : i32
        %mul3A_715 = arith.muli %scan3A_603, %mul3A_714 : i32
        %add3A_716 = arith.constant 3 : i32
        %add3A_717 = arith.addi %mul3A_715, %add3A_716 : i32
        %mul3A_718 = arith.constant 0 : i32
        %mul3A_719 = vector.broadcast %mul3A_718 : i32 to vector<16xi32>
        %mul3A_720 = arith.muli %iota3A, %mul3A_719 : vector<16xi32>
        %add3A_721 = vector.broadcast %add3A_717 : i32 to vector<16xi32>
        %add3A_722 = arith.addi %mul3A_720, %add3A_721 : vector<16xi32>
        %add3A_723 = arith.constant 128 : i32
        %add3A_724 = arith.addi %add3A_723, %add3A_717 : i32
        %get3A_725 = arith.constant 0 : i32
        %get3A_726 = arith.index_cast %get3A_725 : i32 to index
        %get3A_727 = arith.index_cast %add3A_724 : i32 to index
        %get3A_728 = arith.constant 0 : index
        %get3A_729 = tpu.vector_load %arg7[%get3A_726, %get3A_727, %get3A_728] {strides = array<i32>} : memref<4x256x32xf32, #tpu.memory_space<vmem>>, vector<16xf32>,
        %add3A_730 = arith.addf %get3A_729, %get3A_237 : vector<16xf32>
        %add3A_731 = arith.constant 128 : i32
        %add3A_732 = arith.addi %add3A_731, %add3A_717 : i32
        %get3A_733 = arith.constant 0 : i32
        %get3A_734 = arith.index_cast %get3A_733 : i32 to index
        %get3A_735 = arith.index_cast %add3A_732 : i32 to index
        %get3A_736 = arith.constant 16 : index
        %get3A_737 = tpu.vector_load %arg7[%get3A_734, %get3A_735, %get3A_736] {strides = array<i32>} : memref<4x256x32xf32, #tpu.memory_space<vmem>>, vector<16xf32>,
        %add3A_738 = arith.addf %get3A_737, %get3A_240 : vector<16xf32>
        %scatter3A_739 = arith.constant 1 : i32
        %scatter3A_740 = arith.constant 0 : i32
        %scatter3A_741 = arith.constant 0 : i32
        %scatter3A_742 = arith.constant 0 : i32
        %scatter3A_743 = tpu.memref_slice %arg8[%scatter3A_739, %scatter3A_740, %scatter3A_741, %scatter3A_742] : memref<2x4x8x129xf32, #tpu.memory_space<vmem>> -> memref<1x4x8x129xf32, #tpu.memory_space<vmem>>
        %scatter3A_744 = tpu.memref_squeeze %scatter3A_743 : memref<1x4x8x129xf32, #tpu.memory_space<vmem>> -> memref<4x8x129xf32, #tpu.memory_space<vmem>>
        tpu.vector_store_idx %scatter3A_744[%shift_right_arithmetic3A_6, %and3A_4, %add3A_722], %add3A_730 : memref<4x8x129xf32, #tpu.memory_space<vmem>>[vector<16xi32>, vector<16xi32>, vector<16xi32>], vector<16xf32>,
        %scatter3A_745 = arith.constant 1 : i32
        %scatter3A_746 = arith.constant 0 : i32
        %scatter3A_747 = arith.constant 0 : i32
        %scatter3A_748 = arith.constant 0 : i32
        %scatter3A_749 = tpu.memref_slice %arg8[%scatter3A_745, %scatter3A_746, %scatter3A_747, %scatter3A_748] : memref<2x4x8x129xf32, #tpu.memory_space<vmem>> -> memref<1x4x8x129xf32, #tpu.memory_space<vmem>>
        %scatter3A_750 = tpu.memref_squeeze %scatter3A_749 : memref<1x4x8x129xf32, #tpu.memory_space<vmem>> -> memref<4x8x129xf32, #tpu.memory_space<vmem>>
        tpu.vector_store_idx %scatter3A_750[%add3A_9, %and3A_4, %add3A_722], %add3A_738 : memref<4x8x129xf32, #tpu.memory_space<vmem>>[vector<16xi32>, vector<16xi32>, vector<16xi32>], vector<16xf32>,
        %mul3A_751 = arith.constant 8 : i32
        %mul3A_752 = arith.muli %scan3A_603, %mul3A_751 : i32
        %add3A_753 = arith.constant 4 : i32
        %add3A_754 = arith.addi %mul3A_752, %add3A_753 : i32
        %mul3A_755 = arith.constant 0 : i32
        %mul3A_756 = vector.broadcast %mul3A_755 : i32 to vector<16xi32>
        %mul3A_757 = arith.muli %iota3A, %mul3A_756 : vector<16xi32>
        %add3A_758 = vector.broadcast %add3A_754 : i32 to vector<16xi32>
        %add3A_759 = arith.addi %mul3A_757, %add3A_758 : vector<16xi32>
        %add3A_760 = arith.constant 128 : i32
        %add3A_761 = arith.addi %add3A_760, %add3A_754 : i32
        %get3A_762 = arith.constant 0 : i32
        %get3A_763 = arith.index_cast %get3A_762 : i32 to index
        %get3A_764 = arith.index_cast %add3A_761 : i32 to index
        %get3A_765 = arith.constant 0 : index
        %get3A_766 = tpu.vector_load %arg7[%get3A_763, %get3A_764, %get3A_765] {strides = array<i32>} : memref<4x256x32xf32, #tpu.memory_space<vmem>>, vector<16xf32>,
        %add3A_767 = arith.addf %get3A_766, %get3A_237 : vector<16xf32>
        %add3A_768 = arith.constant 128 : i32
        %add3A_769 = arith.addi %add3A_768, %add3A_754 : i32
        %get3A_770 = arith.constant 0 : i32
        %get3A_771 = arith.index_cast %get3A_770 : i32 to index
        %get3A_772 = arith.index_cast %add3A_769 : i32 to index
        %get3A_773 = arith.constant 16 : index
        %get3A_774 = tpu.vector_load %arg7[%get3A_771, %get3A_772, %get3A_773] {strides = array<i32>} : memref<4x256x32xf32, #tpu.memory_space<vmem>>, vector<16xf32>,
        %add3A_775 = arith.addf %get3A_774, %get3A_240 : vector<16xf32>
        %scatter3A_776 = arith.constant 1 : i32
        %scatter3A_777 = arith.constant 0 : i32
        %scatter3A_778 = arith.constant 0 : i32
        %scatter3A_779 = arith.constant 0 : i32
        %scatter3A_780 = tpu.memref_slice %arg8[%scatter3A_776, %scatter3A_777, %scatter3A_778, %scatter3A_779] : memref<2x4x8x129xf32, #tpu.memory_space<vmem>> -> memref<1x4x8x129xf32, #tpu.memory_space<vmem>>
        %scatter3A_781 = tpu.memref_squeeze %scatter3A_780 : memref<1x4x8x129xf32, #tpu.memory_space<vmem>> -> memref<4x8x129xf32, #tpu.memory_space<vmem>>
        tpu.vector_store_idx %scatter3A_781[%shift_right_arithmetic3A_6, %and3A_4, %add3A_759], %add3A_767 : memref<4x8x129xf32, #tpu.memory_space<vmem>>[vector<16xi32>, vector<16xi32>, vector<16xi32>], vector<16xf32>,
        %scatter3A_782 = arith.constant 1 : i32
        %scatter3A_783 = arith.constant 0 : i32
        %scatter3A_784 = arith.constant 0 : i32
        %scatter3A_785 = arith.constant 0 : i32
        %scatter3A_786 = tpu.memref_slice %arg8[%scatter3A_782, %scatter3A_783, %scatter3A_784, %scatter3A_785] : memref<2x4x8x129xf32, #tpu.memory_space<vmem>> -> memref<1x4x8x129xf32, #tpu.memory_space<vmem>>
        %scatter3A_787 = tpu.memref_squeeze %scatter3A_786 : memref<1x4x8x129xf32, #tpu.memory_space<vmem>> -> memref<4x8x129xf32, #tpu.memory_space<vmem>>
        tpu.vector_store_idx %scatter3A_787[%add3A_9, %and3A_4, %add3A_759], %add3A_775 : memref<4x8x129xf32, #tpu.memory_space<vmem>>[vector<16xi32>, vector<16xi32>, vector<16xi32>], vector<16xf32>,
        %mul3A_788 = arith.constant 8 : i32
        %mul3A_789 = arith.muli %scan3A_603, %mul3A_788 : i32
        %add3A_790 = arith.constant 5 : i32
        %add3A_791 = arith.addi %mul3A_789, %add3A_790 : i32
        %mul3A_792 = arith.constant 0 : i32
        %mul3A_793 = vector.broadcast %mul3A_792 : i32 to vector<16xi32>
        %mul3A_794 = arith.muli %iota3A, %mul3A_793 : vector<16xi32>
        %add3A_795 = vector.broadcast %add3A_791 : i32 to vector<16xi32>
        %add3A_796 = arith.addi %mul3A_794, %add3A_795 : vector<16xi32>
        %add3A_797 = arith.constant 128 : i32
        %add3A_798 = arith.addi %add3A_797, %add3A_791 : i32
        %get3A_799 = arith.constant 0 : i32
        %get3A_800 = arith.index_cast %get3A_799 : i32 to index
        %get3A_801 = arith.index_cast %add3A_798 : i32 to index
        %get3A_802 = arith.constant 0 : index
        %get3A_803 = tpu.vector_load %arg7[%get3A_800, %get3A_801, %get3A_802] {strides = array<i32>} : memref<4x256x32xf32, #tpu.memory_space<vmem>>, vector<16xf32>,
        %add3A_804 = arith.addf %get3A_803, %get3A_237 : vector<16xf32>
        %add3A_805 = arith.constant 128 : i32
        %add3A_806 = arith.addi %add3A_805, %add3A_791 : i32
        %get3A_807 = arith.constant 0 : i32
        %get3A_808 = arith.index_cast %get3A_807 : i32 to index
        %get3A_809 = arith.index_cast %add3A_806 : i32 to index
        %get3A_810 = arith.constant 16 : index
        %get3A_811 = tpu.vector_load %arg7[%get3A_808, %get3A_809, %get3A_810] {strides = array<i32>} : memref<4x256x32xf32, #tpu.memory_space<vmem>>, vector<16xf32>,
        %add3A_812 = arith.addf %get3A_811, %get3A_240 : vector<16xf32>
        %scatter3A_813 = arith.constant 1 : i32
        %scatter3A_814 = arith.constant 0 : i32
        %scatter3A_815 = arith.constant 0 : i32
        %scatter3A_816 = arith.constant 0 : i32
        %scatter3A_817 = tpu.memref_slice %arg8[%scatter3A_813, %scatter3A_814, %scatter3A_815, %scatter3A_816] : memref<2x4x8x129xf32, #tpu.memory_space<vmem>> -> memref<1x4x8x129xf32, #tpu.memory_space<vmem>>
        %scatter3A_818 = tpu.memref_squeeze %scatter3A_817 : memref<1x4x8x129xf32, #tpu.memory_space<vmem>> -> memref<4x8x129xf32, #tpu.memory_space<vmem>>
        tpu.vector_store_idx %scatter3A_818[%shift_right_arithmetic3A_6, %and3A_4, %add3A_796], %add3A_804 : memref<4x8x129xf32, #tpu.memory_space<vmem>>[vector<16xi32>, vector<16xi32>, vector<16xi32>], vector<16xf32>,
        %scatter3A_819 = arith.constant 1 : i32
        %scatter3A_820 = arith.constant 0 : i32
        %scatter3A_821 = arith.constant 0 : i32
        %scatter3A_822 = arith.constant 0 : i32
        %scatter3A_823 = tpu.memref_slice %arg8[%scatter3A_819, %scatter3A_820, %scatter3A_821, %scatter3A_822] : memref<2x4x8x129xf32, #tpu.memory_space<vmem>> -> memref<1x4x8x129xf32, #tpu.memory_space<vmem>>
        %scatter3A_824 = tpu.memref_squeeze %scatter3A_823 : memref<1x4x8x129xf32, #tpu.memory_space<vmem>> -> memref<4x8x129xf32, #tpu.memory_space<vmem>>
        tpu.vector_store_idx %scatter3A_824[%add3A_9, %and3A_4, %add3A_796], %add3A_812 : memref<4x8x129xf32, #tpu.memory_space<vmem>>[vector<16xi32>, vector<16xi32>, vector<16xi32>], vector<16xf32>,
        %mul3A_825 = arith.constant 8 : i32
        %mul3A_826 = arith.muli %scan3A_603, %mul3A_825 : i32
        %add3A_827 = arith.constant 6 : i32
        %add3A_828 = arith.addi %mul3A_826, %add3A_827 : i32
        %mul3A_829 = arith.constant 0 : i32
        %mul3A_830 = vector.broadcast %mul3A_829 : i32 to vector<16xi32>
        %mul3A_831 = arith.muli %iota3A, %mul3A_830 : vector<16xi32>
        %add3A_832 = vector.broadcast %add3A_828 : i32 to vector<16xi32>
        %add3A_833 = arith.addi %mul3A_831, %add3A_832 : vector<16xi32>
        %add3A_834 = arith.constant 128 : i32
        %add3A_835 = arith.addi %add3A_834, %add3A_828 : i32
        %get3A_836 = arith.constant 0 : i32
        %get3A_837 = arith.index_cast %get3A_836 : i32 to index
        %get3A_838 = arith.index_cast %add3A_835 : i32 to index
        %get3A_839 = arith.constant 0 : index
        %get3A_840 = tpu.vector_load %arg7[%get3A_837, %get3A_838, %get3A_839] {strides = array<i32>} : memref<4x256x32xf32, #tpu.memory_space<vmem>>, vector<16xf32>,
        %add3A_841 = arith.addf %get3A_840, %get3A_237 : vector<16xf32>
        %add3A_842 = arith.constant 128 : i32
        %add3A_843 = arith.addi %add3A_842, %add3A_828 : i32
        %get3A_844 = arith.constant 0 : i32
        %get3A_845 = arith.index_cast %get3A_844 : i32 to index
        %get3A_846 = arith.index_cast %add3A_843 : i32 to index
        %get3A_847 = arith.constant 16 : index
        %get3A_848 = tpu.vector_load %arg7[%get3A_845, %get3A_846, %get3A_847] {strides = array<i32>} : memref<4x256x32xf32, #tpu.memory_space<vmem>>, vector<16xf32>,
        %add3A_849 = arith.addf %get3A_848, %get3A_240 : vector<16xf32>
        %scatter3A_850 = arith.constant 1 : i32
        %scatter3A_851 = arith.constant 0 : i32
        %scatter3A_852 = arith.constant 0 : i32
        %scatter3A_853 = arith.constant 0 : i32
        %scatter3A_854 = tpu.memref_slice %arg8[%scatter3A_850, %scatter3A_851, %scatter3A_852, %scatter3A_853] : memref<2x4x8x129xf32, #tpu.memory_space<vmem>> -> memref<1x4x8x129xf32, #tpu.memory_space<vmem>>
        %scatter3A_855 = tpu.memref_squeeze %scatter3A_854 : memref<1x4x8x129xf32, #tpu.memory_space<vmem>> -> memref<4x8x129xf32, #tpu.memory_space<vmem>>
        tpu.vector_store_idx %scatter3A_855[%shift_right_arithmetic3A_6, %and3A_4, %add3A_833], %add3A_841 : memref<4x8x129xf32, #tpu.memory_space<vmem>>[vector<16xi32>, vector<16xi32>, vector<16xi32>], vector<16xf32>,
        %scatter3A_856 = arith.constant 1 : i32
        %scatter3A_857 = arith.constant 0 : i32
        %scatter3A_858 = arith.constant 0 : i32
        %scatter3A_859 = arith.constant 0 : i32
        %scatter3A_860 = tpu.memref_slice %arg8[%scatter3A_856, %scatter3A_857, %scatter3A_858, %scatter3A_859] : memref<2x4x8x129xf32, #tpu.memory_space<vmem>> -> memref<1x4x8x129xf32, #tpu.memory_space<vmem>>
        %scatter3A_861 = tpu.memref_squeeze %scatter3A_860 : memref<1x4x8x129xf32, #tpu.memory_space<vmem>> -> memref<4x8x129xf32, #tpu.memory_space<vmem>>
        tpu.vector_store_idx %scatter3A_861[%add3A_9, %and3A_4, %add3A_833], %add3A_849 : memref<4x8x129xf32, #tpu.memory_space<vmem>>[vector<16xi32>, vector<16xi32>, vector<16xi32>], vector<16xf32>,
        %mul3A_862 = arith.constant 8 : i32
        %mul3A_863 = arith.muli %scan3A_603, %mul3A_862 : i32
        %add3A_864 = arith.constant 7 : i32
        %add3A_865 = arith.addi %mul3A_863, %add3A_864 : i32
        %mul3A_866 = arith.constant 0 : i32
        %mul3A_867 = vector.broadcast %mul3A_866 : i32 to vector<16xi32>
        %mul3A_868 = arith.muli %iota3A, %mul3A_867 : vector<16xi32>
        %add3A_869 = vector.broadcast %add3A_865 : i32 to vector<16xi32>
        %add3A_870 = arith.addi %mul3A_868, %add3A_869 : vector<16xi32>
        %add3A_871 = arith.constant 128 : i32
        %add3A_872 = arith.addi %add3A_871, %add3A_865 : i32
        %get3A_873 = arith.constant 0 : i32
        %get3A_874 = arith.index_cast %get3A_873 : i32 to index
        %get3A_875 = arith.index_cast %add3A_872 : i32 to index
        %get3A_876 = arith.constant 0 : index
        %get3A_877 = tpu.vector_load %arg7[%get3A_874, %get3A_875, %get3A_876] {strides = array<i32>} : memref<4x256x32xf32, #tpu.memory_space<vmem>>, vector<16xf32>,
        %add3A_878 = arith.addf %get3A_877, %get3A_237 : vector<16xf32>
        %add3A_879 = arith.constant 128 : i32
        %add3A_880 = arith.addi %add3A_879, %add3A_865 : i32
        %get3A_881 = arith.constant 0 : i32
        %get3A_882 = arith.index_cast %get3A_881 : i32 to index
        %get3A_883 = arith.index_cast %add3A_880 : i32 to index
        %get3A_884 = arith.constant 16 : index
        %get3A_885 = tpu.vector_load %arg7[%get3A_882, %get3A_883, %get3A_884] {strides = array<i32>} : memref<4x256x32xf32, #tpu.memory_space<vmem>>, vector<16xf32>,
        %add3A_886 = arith.addf %get3A_885, %get3A_240 : vector<16xf32>
        %scatter3A_887 = arith.constant 1 : i32
        %scatter3A_888 = arith.constant 0 : i32
        %scatter3A_889 = arith.constant 0 : i32
        %scatter3A_890 = arith.constant 0 : i32
        %scatter3A_891 = tpu.memref_slice %arg8[%scatter3A_887, %scatter3A_888, %scatter3A_889, %scatter3A_890] : memref<2x4x8x129xf32, #tpu.memory_space<vmem>> -> memref<1x4x8x129xf32, #tpu.memory_space<vmem>>
        %scatter3A_892 = tpu.memref_squeeze %scatter3A_891 : memref<1x4x8x129xf32, #tpu.memory_space<vmem>> -> memref<4x8x129xf32, #tpu.memory_space<vmem>>
        tpu.vector_store_idx %scatter3A_892[%shift_right_arithmetic3A_6, %and3A_4, %add3A_870], %add3A_878 : memref<4x8x129xf32, #tpu.memory_space<vmem>>[vector<16xi32>, vector<16xi32>, vector<16xi32>], vector<16xf32>,
        %scatter3A_893 = arith.constant 1 : i32
        %scatter3A_894 = arith.constant 0 : i32
        %scatter3A_895 = arith.constant 0 : i32
        %scatter3A_896 = arith.constant 0 : i32
        %scatter3A_897 = tpu.memref_slice %arg8[%scatter3A_893, %scatter3A_894, %scatter3A_895, %scatter3A_896] : memref<2x4x8x129xf32, #tpu.memory_space<vmem>> -> memref<1x4x8x129xf32, #tpu.memory_space<vmem>>
        %scatter3A_898 = tpu.memref_squeeze %scatter3A_897 : memref<1x4x8x129xf32, #tpu.memory_space<vmem>> -> memref<4x8x129xf32, #tpu.memory_space<vmem>>
        tpu.vector_store_idx %scatter3A_898[%add3A_9, %and3A_4, %add3A_870], %add3A_886 : memref<4x8x129xf32, #tpu.memory_space<vmem>>[vector<16xi32>, vector<16xi32>, vector<16xi32>], vector<16xf32>,
      }
      %scan3A_246 = arith.constant 16 : i32
      %lt3A = arith.constant 24 : i32
      %lt3A_247 = arith.cmpi slt, %scan3A_179, %lt3A : i32
      %convert_element_type3A_248 = arith.extui %lt3A_247 : i1 to i32
      %cond3A_249 = arith.constant 0 : i32
      %cond3A_250 = arith.cmpi ne, %convert_element_type3A_248, %cond3A_249 : i32
      scf.if %cond3A_250 {
        %add3A_603 = arith.constant 4 : i32
        %add3A_604 = arith.addi %add3A_183, %add3A_603 : i32
        %mul3A_605 = arith.constant 2 : i32
        %mul3A_606 = arith.muli %mul3A_605, %add3A_604 : i32
        %add3A_607 = arith.constant 0 : i32
        %add3A_608 = arith.addi %mul3A_606, %add3A_607 : i32
        %dma_start3A_609 = arith.constant 0 : i32
        %dma_start3A_610 = arith.constant 0 : i32
        %dma_start3A_611 = arith.constant 0 : i32
        %dma_start3A_612 = tpu.memref_slice %arg7[%dma_start3A_609, %dma_start3A_610, %dma_start3A_611] : memref<4x256x32xf32, #tpu.memory_space<vmem>> -> memref<1x256x32xf32, #tpu.memory_space<vmem>>
        %dma_start3A_613 = tpu.memref_squeeze %dma_start3A_612 : memref<1x256x32xf32, #tpu.memory_space<vmem>> -> memref<256x32xf32, #tpu.memory_space<vmem>>
        %dma_start3A_614 = arith.constant 0 : i32
        %dma_start3A_615 = arith.constant 0 : i32
        %dma_start3A_616 = tpu.memref_slice %dma_start3A_613[%dma_start3A_614, %dma_start3A_615] : memref<256x32xf32, #tpu.memory_space<vmem>> -> memref<128x32xf32, #tpu.memory_space<vmem>>
        %dma_start3A_617 = arith.constant 0 : i32
        %dma_start3A_618 = tpu.memref_slice %arg6[%add3A_608, %dma_start3A_617] : memref<200x128xi32, #tpu.memory_space<vmem>> -> memref<1x128xi32, #tpu.memory_space<vmem>>
        %dma_start3A_619 = tpu.memref_squeeze %dma_start3A_618 : memref<1x128xi32, #tpu.memory_space<vmem>> -> memref<128xi32, #tpu.memory_space<vmem>>
        %dma_start3A_620 = arith.constant 0 : i32
        %dma_start3A_621 = arith.constant 0 : i32
        %dma_start3A_622 = tpu.memref_slice %arg3[%dma_start3A_620, %dma_start3A_621] : memref<100000x32xf32, #tpu.memory_space<hbm>> -> memref<100000x32xf32, #tpu.memory_space<hbm>>
        tpu.enqueue_indirect_dma source(%dma_start3A_622 : memref<100000x32xf32, #tpu.memory_space<hbm>>) target(%dma_start3A_616 : memref<128x32xf32, #tpu.memory_space<vmem>>) offsets(%dma_start3A_619 : memref<128xi32, #tpu.memory_space<vmem>>) semaphore(%arg11 : memref<!tpu.dma_semaphore, #tpu.memory_space<semaphore_mem>>)
        %mul3A_623 = arith.constant 2 : i32
        %mul3A_624 = arith.muli %mul3A_623, %add3A_604 : i32
        %add3A_625 = arith.constant 1 : i32
        %add3A_626 = arith.addi %mul3A_624, %add3A_625 : i32
        %dma_start3A_627 = arith.constant 0 : i32
        %dma_start3A_628 = arith.constant 0 : i32
        %dma_start3A_629 = arith.constant 0 : i32
        %dma_start3A_630 = tpu.memref_slice %arg7[%dma_start3A_627, %dma_start3A_628, %dma_start3A_629] : memref<4x256x32xf32, #tpu.memory_space<vmem>> -> memref<1x256x32xf32, #tpu.memory_space<vmem>>
        %dma_start3A_631 = tpu.memref_squeeze %dma_start3A_630 : memref<1x256x32xf32, #tpu.memory_space<vmem>> -> memref<256x32xf32, #tpu.memory_space<vmem>>
        %dma_start3A_632 = arith.constant 128 : i32
        %dma_start3A_633 = arith.constant 0 : i32
        %dma_start3A_634 = tpu.memref_slice %dma_start3A_631[%dma_start3A_632, %dma_start3A_633] : memref<256x32xf32, #tpu.memory_space<vmem>> -> memref<128x32xf32, #tpu.memory_space<vmem>>
        %dma_start3A_635 = arith.constant 0 : i32
        %dma_start3A_636 = tpu.memref_slice %arg6[%add3A_626, %dma_start3A_635] : memref<200x128xi32, #tpu.memory_space<vmem>> -> memref<1x128xi32, #tpu.memory_space<vmem>>
        %dma_start3A_637 = tpu.memref_squeeze %dma_start3A_636 : memref<1x128xi32, #tpu.memory_space<vmem>> -> memref<128xi32, #tpu.memory_space<vmem>>
        %dma_start3A_638 = arith.constant 0 : i32
        %dma_start3A_639 = arith.constant 0 : i32
        %dma_start3A_640 = tpu.memref_slice %arg3[%dma_start3A_638, %dma_start3A_639] : memref<100000x32xf32, #tpu.memory_space<hbm>> -> memref<100000x32xf32, #tpu.memory_space<hbm>>
        tpu.enqueue_indirect_dma source(%dma_start3A_640 : memref<100000x32xf32, #tpu.memory_space<hbm>>) target(%dma_start3A_634 : memref<128x32xf32, #tpu.memory_space<vmem>>) offsets(%dma_start3A_637 : memref<128xi32, #tpu.memory_space<vmem>>) semaphore(%arg11 : memref<!tpu.dma_semaphore, #tpu.memory_space<semaphore_mem>>)
      } else {
      }
      %mul3A_251 = arith.constant 2 : i32
      %mul3A_252 = arith.muli %mul3A_251, %add3A_183 : i32
      %dma_start3A_253 = arith.constant 0 : i32
      %dma_start3A_254 = arith.constant 0 : i32
      %dma_start3A_255 = arith.constant 0 : i32
      %dma_start3A_256 = arith.constant 0 : i32
      %dma_start3A_257 = tpu.memref_slice %arg8[%dma_start3A_253, %dma_start3A_254, %dma_start3A_255, %dma_start3A_256] : memref<2x4x8x129xf32, #tpu.memory_space<vmem>> -> memref<2x4x8x128xf32, #tpu.memory_space<vmem>>
      %dma_start3A_258 = arith.constant 0 : i32
      %dma_start3A_259 = arith.constant 0 : i32
      %dma_start3A_260 = arith.constant 0 : i32
      %dma_start3A_261 = tpu.memref_slice %arg5[%mul3A_252, %dma_start3A_258, %add3A, %dma_start3A_259, %dma_start3A_260] : memref<200x4x32x8x128xf32, #tpu.memory_space<hbm>> -> memref<2x4x1x8x128xf32, #tpu.memory_space<hbm>>
      %dma_start3A_262 = tpu.memref_squeeze %dma_start3A_261 : memref<2x4x1x8x128xf32, #tpu.memory_space<hbm>> -> memref<2x4x8x128xf32, #tpu.memory_space<hbm>>
      %dma_start3A_263 = arith.constant 0 : i32
      %dma_start3A_264 = arith.constant 0 : i32
      %dma_start3A_265 = arith.constant 0 : i32
      %dma_start3A_266 = tpu.memref_slice %arg5[%mul3A_252, %dma_start3A_263, %add3A, %dma_start3A_264, %dma_start3A_265] : memref<200x4x32x8x128xf32, #tpu.memory_space<hbm>> -> memref<2x4x1x8x128xf32, #tpu.memory_space<hbm>>
      %dma_start3A_267 = tpu.memref_squeeze %dma_start3A_266 : memref<2x4x1x8x128xf32, #tpu.memory_space<hbm>> -> memref<2x4x8x128xf32, #tpu.memory_space<hbm>>
      %dma_start3A_268 = arith.constant 0 : i32
      %dma_start3A_269 = arith.constant 0 : i32
      %dma_start3A_270 = arith.constant 0 : i32
      %dma_start3A_271 = arith.constant 0 : i32
      %dma_start3A_272 = tpu.memref_slice %arg8[%dma_start3A_268, %dma_start3A_269, %dma_start3A_270, %dma_start3A_271] : memref<2x4x8x129xf32, #tpu.memory_space<vmem>> -> memref<2x4x8x128xf32, #tpu.memory_space<vmem>>
      tpu.enqueue_dma source(%dma_start3A_272 : memref<2x4x8x128xf32, #tpu.memory_space<vmem>>) target(%dma_start3A_267 : memref<2x4x8x128xf32, #tpu.memory_space<hbm>>) target_semaphore(%arg15 : memref<!tpu.dma_semaphore, #tpu.memory_space<semaphore_mem>>)
      %mul3A_273 = arith.constant 4 : i32
      %mul3A_274 = arith.muli %scan3A_179, %mul3A_273 : i32
      %add3A_275 = arith.constant 1 : i32
      %add3A_276 = arith.addi %mul3A_274, %add3A_275 : i32
      %dma_wait3A_277 = arith.constant 0 : i32
      %dma_wait3A_278 = arith.constant 1 : i32
      %dma_wait3A_279 = arith.constant 0 : i32
      %dma_wait3A_280 = arith.constant 0 : i32
      %dma_wait3A_281 = tpu.memref_slice %arg7[%dma_wait3A_278, %dma_wait3A_279, %dma_wait3A_280] : memref<4x256x32xf32, #tpu.memory_space<vmem>> -> memref<1x256x32xf32, #tpu.memory_space<vmem>>
      %dma_wait3A_282 = tpu.memref_squeeze %dma_wait3A_281 : memref<1x256x32xf32, #tpu.memory_space<vmem>> -> memref<256x32xf32, #tpu.memory_space<vmem>>
      %dma_wait3A_283 = arith.constant 0 : i32
      %dma_wait3A_284 = arith.constant 0 : i32
      %dma_wait3A_285 = tpu.memref_slice %dma_wait3A_282[%dma_wait3A_283, %dma_wait3A_284] : memref<256x32xf32, #tpu.memory_space<vmem>> -> memref<128x32xf32, #tpu.memory_space<vmem>>
      %dma_wait3A_286 = arith.constant 0 : i32
      %dma_wait3A_287 = tpu.memref_slice %arg6[%dma_wait3A_277, %dma_wait3A_286] : memref<200x128xi32, #tpu.memory_space<vmem>> -> memref<1x128xi32, #tpu.memory_space<vmem>>
      %dma_wait3A_288 = tpu.memref_squeeze %dma_wait3A_287 : memref<1x128xi32, #tpu.memory_space<vmem>> -> memref<128xi32, #tpu.memory_space<vmem>>
      %dma_wait3A_289 = arith.constant 0 : i32
      %dma_wait3A_290 = arith.constant 0 : i32
      %dma_wait3A_291 = tpu.memref_slice %arg3[%dma_wait3A_289, %dma_wait3A_290] : memref<100000x32xf32, #tpu.memory_space<hbm>> -> memref<100000x32xf32, #tpu.memory_space<hbm>>
      tpu.wait_indirect_dma semaphore(%arg12 : memref<!tpu.dma_semaphore, #tpu.memory_space<semaphore_mem>>) src(%dma_wait3A_291 : memref<100000x32xf32, #tpu.memory_space<hbm>>) dst(%dma_wait3A_285 : memref<128x32xf32, #tpu.memory_space<vmem>>)
      %dma_wait3A_292 = arith.constant 0 : i32
      %dma_wait3A_293 = arith.constant 1 : i32
      %dma_wait3A_294 = arith.constant 0 : i32
      %dma_wait3A_295 = arith.constant 0 : i32
      %dma_wait3A_296 = tpu.memref_slice %arg7[%dma_wait3A_293, %dma_wait3A_294, %dma_wait3A_295] : memref<4x256x32xf32, #tpu.memory_space<vmem>> -> memref<1x256x32xf32, #tpu.memory_space<vmem>>
      %dma_wait3A_297 = tpu.memref_squeeze %dma_wait3A_296 : memref<1x256x32xf32, #tpu.memory_space<vmem>> -> memref<256x32xf32, #tpu.memory_space<vmem>>
      %dma_wait3A_298 = arith.constant 0 : i32
      %dma_wait3A_299 = arith.constant 0 : i32
      %dma_wait3A_300 = tpu.memref_slice %dma_wait3A_297[%dma_wait3A_298, %dma_wait3A_299] : memref<256x32xf32, #tpu.memory_space<vmem>> -> memref<128x32xf32, #tpu.memory_space<vmem>>
      %dma_wait3A_301 = arith.constant 0 : i32
      %dma_wait3A_302 = tpu.memref_slice %arg6[%dma_wait3A_292, %dma_wait3A_301] : memref<200x128xi32, #tpu.memory_space<vmem>> -> memref<1x128xi32, #tpu.memory_space<vmem>>
      %dma_wait3A_303 = tpu.memref_squeeze %dma_wait3A_302 : memref<1x128xi32, #tpu.memory_space<vmem>> -> memref<128xi32, #tpu.memory_space<vmem>>
      %dma_wait3A_304 = arith.constant 0 : i32
      %dma_wait3A_305 = arith.constant 0 : i32
      %dma_wait3A_306 = tpu.memref_slice %arg3[%dma_wait3A_304, %dma_wait3A_305] : memref<100000x32xf32, #tpu.memory_space<hbm>> -> memref<100000x32xf32, #tpu.memory_space<hbm>>
      tpu.wait_indirect_dma semaphore(%arg12 : memref<!tpu.dma_semaphore, #tpu.memory_space<semaphore_mem>>) src(%dma_wait3A_306 : memref<100000x32xf32, #tpu.memory_space<hbm>>) dst(%dma_wait3A_300 : memref<128x32xf32, #tpu.memory_space<vmem>>)
      %ge3A_307 = arith.constant 1 : i32
      %ge3A_308 = arith.cmpi sge, %scan3A_179, %ge3A_307 : i32
      %convert_element_type3A_309 = arith.extui %ge3A_308 : i1 to i32
      %cond3A_310 = arith.constant 0 : i32
      %cond3A_311 = arith.cmpi ne, %convert_element_type3A_309, %cond3A_310 : i32
      scf.if %cond3A_311 {
        %dma_wait3A_603 = arith.constant 0 : i32
        %dma_wait3A_604 = arith.constant 0 : i32
        %dma_wait3A_605 = arith.constant 0 : i32
        %dma_wait3A_606 = arith.constant 0 : i32
        %dma_wait3A_607 = arith.constant 0 : i32
        %dma_wait3A_608 = tpu.memref_slice %arg8[%dma_wait3A_604, %dma_wait3A_605, %dma_wait3A_606, %dma_wait3A_607] : memref<2x4x8x129xf32, #tpu.memory_space<vmem>> -> memref<2x4x8x128xf32, #tpu.memory_space<vmem>>
        %dma_wait3A_609 = arith.constant 0 : i32
        %dma_wait3A_610 = arith.constant 0 : i32
        %dma_wait3A_611 = arith.constant 0 : i32
        %dma_wait3A_612 = arith.constant 0 : i32
        %dma_wait3A_613 = tpu.memref_slice %arg5[%dma_wait3A_609, %dma_wait3A_610, %dma_wait3A_603, %dma_wait3A_611, %dma_wait3A_612] : memref<200x4x32x8x128xf32, #tpu.memory_space<hbm>> -> memref<2x4x1x8x128xf32, #tpu.memory_space<hbm>>
        %dma_wait3A_614 = tpu.memref_squeeze %dma_wait3A_613 : memref<2x4x1x8x128xf32, #tpu.memory_space<hbm>> -> memref<2x4x8x128xf32, #tpu.memory_space<hbm>>
        %dma_wait3A_615 = arith.constant 0 : i32
        %dma_wait3A_616 = arith.constant 0 : i32
        %dma_wait3A_617 = arith.constant 0 : i32
        %dma_wait3A_618 = arith.constant 0 : i32
        %dma_wait3A_619 = tpu.memref_slice %arg5[%dma_wait3A_615, %dma_wait3A_616, %dma_wait3A_603, %dma_wait3A_617, %dma_wait3A_618] : memref<200x4x32x8x128xf32, #tpu.memory_space<hbm>> -> memref<2x4x1x8x128xf32, #tpu.memory_space<hbm>>
        %dma_wait3A_620 = tpu.memref_squeeze %dma_wait3A_619 : memref<2x4x1x8x128xf32, #tpu.memory_space<hbm>> -> memref<2x4x8x128xf32, #tpu.memory_space<hbm>>
        %dma_wait3A_621 = arith.constant 0 : i32
        %dma_wait3A_622 = arith.constant 0 : i32
        %dma_wait3A_623 = arith.constant 0 : i32
        %dma_wait3A_624 = arith.constant 0 : i32
        %dma_wait3A_625 = tpu.memref_slice %arg8[%dma_wait3A_621, %dma_wait3A_622, %dma_wait3A_623, %dma_wait3A_624] : memref<2x4x8x129xf32, #tpu.memory_space<vmem>> -> memref<2x4x8x128xf32, #tpu.memory_space<vmem>>
        tpu.wait_dma2 semaphore(%arg16 : memref<!tpu.dma_semaphore, #tpu.memory_space<semaphore_mem>>) src(%dma_wait3A_625 : memref<2x4x8x128xf32, #tpu.memory_space<vmem>>) dst(%dma_wait3A_620 : memref<2x4x8x128xf32, #tpu.memory_space<hbm>>)
      } else {
      }
      %mul3A_312 = arith.constant 2 : i32
      %mul3A_313 = arith.muli %mul3A_312, %add3A_276 : i32
      %add3A_314 = arith.constant 0 : i32
      %add3A_315 = arith.addi %mul3A_313, %add3A_314 : i32
      %get3A_316 = arith.index_cast %add3A_315 : i32 to index
      %get3A_317 = arith.constant 0 : index
      %get3A_318 = tpu.vector_load %arg10[%get3A_316, %get3A_317] {strides = array<i32>} : memref<200x32xf32, #tpu.memory_space<vmem>>, vector<16xf32>,
      %get3A_319 = arith.index_cast %add3A_315 : i32 to index
      %get3A_320 = arith.constant 16 : index
      %get3A_321 = tpu.vector_load %arg10[%get3A_319, %get3A_320] {strides = array<i32>} : memref<200x32xf32, #tpu.memory_space<vmem>>, vector<16xf32>,
      %scan3A_322 = arith.constant 0 : i32
      %scan3A_323 = arith.constant 0 : i32
      %scan3A_324 = arith.constant 16 : i32
      %scan3A_325 = arith.addi %scan3A_323, %scan3A_324 : i32
      %scan3A_326 = arith.constant 1 : i32
      scf.for %scan3A_603 = %scan3A_323 to %scan3A_325 step %scan3A_326  : i32 {
        %mul3A_604 = arith.constant 8 : i32
        %mul3A_605 = arith.muli %scan3A_603, %mul3A_604 : i32
        %add3A_606 = arith.constant 0 : i32
        %add3A_607 = arith.addi %mul3A_605, %add3A_606 : i32
        %mul3A_608 = arith.constant 0 : i32
        %mul3A_609 = vector.broadcast %mul3A_608 : i32 to vector<16xi32>
        %mul3A_610 = arith.muli %iota3A, %mul3A_609 : vector<16xi32>
        %add3A_611 = vector.broadcast %add3A_607 : i32 to vector<16xi32>
        %add3A_612 = arith.addi %mul3A_610, %add3A_611 : vector<16xi32>
        %add3A_613 = arith.constant 0 : i32
        %add3A_614 = arith.addi %add3A_613, %add3A_607 : i32
        %get3A_615 = arith.constant 1 : i32
        %get3A_616 = arith.index_cast %get3A_615 : i32 to index
        %get3A_617 = arith.index_cast %add3A_614 : i32 to index
        %get3A_618 = arith.constant 0 : index
        %get3A_619 = tpu.vector_load %arg7[%get3A_616, %get3A_617, %get3A_618] {strides = array<i32>} : memref<4x256x32xf32, #tpu.memory_space<vmem>>, vector<16xf32>,
        %add3A_620 = arith.addf %get3A_619, %get3A_318 : vector<16xf32>
        %add3A_621 = arith.constant 0 : i32
        %add3A_622 = arith.addi %add3A_621, %add3A_607 : i32
        %get3A_623 = arith.constant 1 : i32
        %get3A_624 = arith.index_cast %get3A_623 : i32 to index
        %get3A_625 = arith.index_cast %add3A_622 : i32 to index
        %get3A_626 = arith.constant 16 : index
        %get3A_627 = tpu.vector_load %arg7[%get3A_624, %get3A_625, %get3A_626] {strides = array<i32>} : memref<4x256x32xf32, #tpu.memory_space<vmem>>, vector<16xf32>,
        %add3A_628 = arith.addf %get3A_627, %get3A_321 : vector<16xf32>
        %scatter3A = arith.constant 0 : i32
        %scatter3A_629 = arith.constant 0 : i32
        %scatter3A_630 = arith.constant 0 : i32
        %scatter3A_631 = arith.constant 0 : i32
        %scatter3A_632 = tpu.memref_slice %arg9[%scatter3A, %scatter3A_629, %scatter3A_630, %scatter3A_631] : memref<2x4x8x129xf32, #tpu.memory_space<vmem>> -> memref<1x4x8x129xf32, #tpu.memory_space<vmem>>
        %scatter3A_633 = tpu.memref_squeeze %scatter3A_632 : memref<1x4x8x129xf32, #tpu.memory_space<vmem>> -> memref<4x8x129xf32, #tpu.memory_space<vmem>>
        tpu.vector_store_idx %scatter3A_633[%shift_right_arithmetic3A_6, %and3A_4, %add3A_612], %add3A_620 : memref<4x8x129xf32, #tpu.memory_space<vmem>>[vector<16xi32>, vector<16xi32>, vector<16xi32>], vector<16xf32>,
        %scatter3A_634 = arith.constant 0 : i32
        %scatter3A_635 = arith.constant 0 : i32
        %scatter3A_636 = arith.constant 0 : i32
        %scatter3A_637 = arith.constant 0 : i32
        %scatter3A_638 = tpu.memref_slice %arg9[%scatter3A_634, %scatter3A_635, %scatter3A_636, %scatter3A_637] : memref<2x4x8x129xf32, #tpu.memory_space<vmem>> -> memref<1x4x8x129xf32, #tpu.memory_space<vmem>>
        %scatter3A_639 = tpu.memref_squeeze %scatter3A_638 : memref<1x4x8x129xf32, #tpu.memory_space<vmem>> -> memref<4x8x129xf32, #tpu.memory_space<vmem>>
        tpu.vector_store_idx %scatter3A_639[%add3A_9, %and3A_4, %add3A_612], %add3A_628 : memref<4x8x129xf32, #tpu.memory_space<vmem>>[vector<16xi32>, vector<16xi32>, vector<16xi32>], vector<16xf32>,
        %mul3A_640 = arith.constant 8 : i32
        %mul3A_641 = arith.muli %scan3A_603, %mul3A_640 : i32
        %add3A_642 = arith.constant 1 : i32
        %add3A_643 = arith.addi %mul3A_641, %add3A_642 : i32
        %mul3A_644 = arith.constant 0 : i32
        %mul3A_645 = vector.broadcast %mul3A_644 : i32 to vector<16xi32>
        %mul3A_646 = arith.muli %iota3A, %mul3A_645 : vector<16xi32>
        %add3A_647 = vector.broadcast %add3A_643 : i32 to vector<16xi32>
        %add3A_648 = arith.addi %mul3A_646, %add3A_647 : vector<16xi32>
        %add3A_649 = arith.constant 0 : i32
        %add3A_650 = arith.addi %add3A_649, %add3A_643 : i32
        %get3A_651 = arith.constant 1 : i32
        %get3A_652 = arith.index_cast %get3A_651 : i32 to index
        %get3A_653 = arith.index_cast %add3A_650 : i32 to index
        %get3A_654 = arith.constant 0 : index
        %get3A_655 = tpu.vector_load %arg7[%get3A_652, %get3A_653, %get3A_654] {strides = array<i32>} : memref<4x256x32xf32, #tpu.memory_space<vmem>>, vector<16xf32>,
        %add3A_656 = arith.addf %get3A_655, %get3A_318 : vector<16xf32>
        %add3A_657 = arith.constant 0 : i32
        %add3A_658 = arith.addi %add3A_657, %add3A_643 : i32
        %get3A_659 = arith.constant 1 : i32
        %get3A_660 = arith.index_cast %get3A_659 : i32 to index
        %get3A_661 = arith.index_cast %add3A_658 : i32 to index
        %get3A_662 = arith.constant 16 : index
        %get3A_663 = tpu.vector_load %arg7[%get3A_660, %get3A_661, %get3A_662] {strides = array<i32>} : memref<4x256x32xf32, #tpu.memory_space<vmem>>, vector<16xf32>,
        %add3A_664 = arith.addf %get3A_663, %get3A_321 : vector<16xf32>
        %scatter3A_665 = arith.constant 0 : i32
        %scatter3A_666 = arith.constant 0 : i32
        %scatter3A_667 = arith.constant 0 : i32
        %scatter3A_668 = arith.constant 0 : i32
        %scatter3A_669 = tpu.memref_slice %arg9[%scatter3A_665, %scatter3A_666, %scatter3A_667, %scatter3A_668] : memref<2x4x8x129xf32, #tpu.memory_space<vmem>> -> memref<1x4x8x129xf32, #tpu.memory_space<vmem>>
        %scatter3A_670 = tpu.memref_squeeze %scatter3A_669 : memref<1x4x8x129xf32, #tpu.memory_space<vmem>> -> memref<4x8x129xf32, #tpu.memory_space<vmem>>
        tpu.vector_store_idx %scatter3A_670[%shift_right_arithmetic3A_6, %and3A_4, %add3A_648], %add3A_656 : memref<4x8x129xf32, #tpu.memory_space<vmem>>[vector<16xi32>, vector<16xi32>, vector<16xi32>], vector<16xf32>,
        %scatter3A_671 = arith.constant 0 : i32
        %scatter3A_672 = arith.constant 0 : i32
        %scatter3A_673 = arith.constant 0 : i32
        %scatter3A_674 = arith.constant 0 : i32
        %scatter3A_675 = tpu.memref_slice %arg9[%scatter3A_671, %scatter3A_672, %scatter3A_673, %scatter3A_674] : memref<2x4x8x129xf32, #tpu.memory_space<vmem>> -> memref<1x4x8x129xf32, #tpu.memory_space<vmem>>
        %scatter3A_676 = tpu.memref_squeeze %scatter3A_675 : memref<1x4x8x129xf32, #tpu.memory_space<vmem>> -> memref<4x8x129xf32, #tpu.memory_space<vmem>>
        tpu.vector_store_idx %scatter3A_676[%add3A_9, %and3A_4, %add3A_648], %add3A_664 : memref<4x8x129xf32, #tpu.memory_space<vmem>>[vector<16xi32>, vector<16xi32>, vector<16xi32>], vector<16xf32>,
        %mul3A_677 = arith.constant 8 : i32
        %mul3A_678 = arith.muli %scan3A_603, %mul3A_677 : i32
        %add3A_679 = arith.constant 2 : i32
        %add3A_680 = arith.addi %mul3A_678, %add3A_679 : i32
        %mul3A_681 = arith.constant 0 : i32
        %mul3A_682 = vector.broadcast %mul3A_681 : i32 to vector<16xi32>
        %mul3A_683 = arith.muli %iota3A, %mul3A_682 : vector<16xi32>
        %add3A_684 = vector.broadcast %add3A_680 : i32 to vector<16xi32>
        %add3A_685 = arith.addi %mul3A_683, %add3A_684 : vector<16xi32>
        %add3A_686 = arith.constant 0 : i32
        %add3A_687 = arith.addi %add3A_686, %add3A_680 : i32
        %get3A_688 = arith.constant 1 : i32
        %get3A_689 = arith.index_cast %get3A_688 : i32 to index
        %get3A_690 = arith.index_cast %add3A_687 : i32 to index
        %get3A_691 = arith.constant 0 : index
        %get3A_692 = tpu.vector_load %arg7[%get3A_689, %get3A_690, %get3A_691] {strides = array<i32>} : memref<4x256x32xf32, #tpu.memory_space<vmem>>, vector<16xf32>,
        %add3A_693 = arith.addf %get3A_692, %get3A_318 : vector<16xf32>
        %add3A_694 = arith.constant 0 : i32
        %add3A_695 = arith.addi %add3A_694, %add3A_680 : i32
        %get3A_696 = arith.constant 1 : i32
        %get3A_697 = arith.index_cast %get3A_696 : i32 to index
        %get3A_698 = arith.index_cast %add3A_695 : i32 to index
        %get3A_699 = arith.constant 16 : index
        %get3A_700 = tpu.vector_load %arg7[%get3A_697, %get3A_698, %get3A_699] {strides = array<i32>} : memref<4x256x32xf32, #tpu.memory_space<vmem>>, vector<16xf32>,
        %add3A_701 = arith.addf %get3A_700, %get3A_321 : vector<16xf32>
        %scatter3A_702 = arith.constant 0 : i32
        %scatter3A_703 = arith.constant 0 : i32
        %scatter3A_704 = arith.constant 0 : i32
        %scatter3A_705 = arith.constant 0 : i32
        %scatter3A_706 = tpu.memref_slice %arg9[%scatter3A_702, %scatter3A_703, %scatter3A_704, %scatter3A_705] : memref<2x4x8x129xf32, #tpu.memory_space<vmem>> -> memref<1x4x8x129xf32, #tpu.memory_space<vmem>>
        %scatter3A_707 = tpu.memref_squeeze %scatter3A_706 : memref<1x4x8x129xf32, #tpu.memory_space<vmem>> -> memref<4x8x129xf32, #tpu.memory_space<vmem>>
        tpu.vector_store_idx %scatter3A_707[%shift_right_arithmetic3A_6, %and3A_4, %add3A_685], %add3A_693 : memref<4x8x129xf32, #tpu.memory_space<vmem>>[vector<16xi32>, vector<16xi32>, vector<16xi32>], vector<16xf32>,
        %scatter3A_708 = arith.constant 0 : i32
        %scatter3A_709 = arith.constant 0 : i32
        %scatter3A_710 = arith.constant 0 : i32
        %scatter3A_711 = arith.constant 0 : i32
        %scatter3A_712 = tpu.memref_slice %arg9[%scatter3A_708, %scatter3A_709, %scatter3A_710, %scatter3A_711] : memref<2x4x8x129xf32, #tpu.memory_space<vmem>> -> memref<1x4x8x129xf32, #tpu.memory_space<vmem>>
        %scatter3A_713 = tpu.memref_squeeze %scatter3A_712 : memref<1x4x8x129xf32, #tpu.memory_space<vmem>> -> memref<4x8x129xf32, #tpu.memory_space<vmem>>
        tpu.vector_store_idx %scatter3A_713[%add3A_9, %and3A_4, %add3A_685], %add3A_701 : memref<4x8x129xf32, #tpu.memory_space<vmem>>[vector<16xi32>, vector<16xi32>, vector<16xi32>], vector<16xf32>,
        %mul3A_714 = arith.constant 8 : i32
        %mul3A_715 = arith.muli %scan3A_603, %mul3A_714 : i32
        %add3A_716 = arith.constant 3 : i32
        %add3A_717 = arith.addi %mul3A_715, %add3A_716 : i32
        %mul3A_718 = arith.constant 0 : i32
        %mul3A_719 = vector.broadcast %mul3A_718 : i32 to vector<16xi32>
        %mul3A_720 = arith.muli %iota3A, %mul3A_719 : vector<16xi32>
        %add3A_721 = vector.broadcast %add3A_717 : i32 to vector<16xi32>
        %add3A_722 = arith.addi %mul3A_720, %add3A_721 : vector<16xi32>
        %add3A_723 = arith.constant 0 : i32
        %add3A_724 = arith.addi %add3A_723, %add3A_717 : i32
        %get3A_725 = arith.constant 1 : i32
        %get3A_726 = arith.index_cast %get3A_725 : i32 to index
        %get3A_727 = arith.index_cast %add3A_724 : i32 to index
        %get3A_728 = arith.constant 0 : index
        %get3A_729 = tpu.vector_load %arg7[%get3A_726, %get3A_727, %get3A_728] {strides = array<i32>} : memref<4x256x32xf32, #tpu.memory_space<vmem>>, vector<16xf32>,
        %add3A_730 = arith.addf %get3A_729, %get3A_318 : vector<16xf32>
        %add3A_731 = arith.constant 0 : i32
        %add3A_732 = arith.addi %add3A_731, %add3A_717 : i32
        %get3A_733 = arith.constant 1 : i32
        %get3A_734 = arith.index_cast %get3A_733 : i32 to index
        %get3A_735 = arith.index_cast %add3A_732 : i32 to index
        %get3A_736 = arith.constant 16 : index
        %get3A_737 = tpu.vector_load %arg7[%get3A_734, %get3A_735, %get3A_736] {strides = array<i32>} : memref<4x256x32xf32, #tpu.memory_space<vmem>>, vector<16xf32>,
        %add3A_738 = arith.addf %get3A_737, %get3A_321 : vector<16xf32>
        %scatter3A_739 = arith.constant 0 : i32
        %scatter3A_740 = arith.constant 0 : i32
        %scatter3A_741 = arith.constant 0 : i32
        %scatter3A_742 = arith.constant 0 : i32
        %scatter3A_743 = tpu.memref_slice %arg9[%scatter3A_739, %scatter3A_740, %scatter3A_741, %scatter3A_742] : memref<2x4x8x129xf32, #tpu.memory_space<vmem>> -> memref<1x4x8x129xf32, #tpu.memory_space<vmem>>
        %scatter3A_744 = tpu.memref_squeeze %scatter3A_743 : memref<1x4x8x129xf32, #tpu.memory_space<vmem>> -> memref<4x8x129xf32, #tpu.memory_space<vmem>>
        tpu.vector_store_idx %scatter3A_744[%shift_right_arithmetic3A_6, %and3A_4, %add3A_722], %add3A_730 : memref<4x8x129xf32, #tpu.memory_space<vmem>>[vector<16xi32>, vector<16xi32>, vector<16xi32>], vector<16xf32>,
        %scatter3A_745 = arith.constant 0 : i32
        %scatter3A_746 = arith.constant 0 : i32
        %scatter3A_747 = arith.constant 0 : i32
        %scatter3A_748 = arith.constant 0 : i32
        %scatter3A_749 = tpu.memref_slice %arg9[%scatter3A_745, %scatter3A_746, %scatter3A_747, %scatter3A_748] : memref<2x4x8x129xf32, #tpu.memory_space<vmem>> -> memref<1x4x8x129xf32, #tpu.memory_space<vmem>>
        %scatter3A_750 = tpu.memref_squeeze %scatter3A_749 : memref<1x4x8x129xf32, #tpu.memory_space<vmem>> -> memref<4x8x129xf32, #tpu.memory_space<vmem>>
        tpu.vector_store_idx %scatter3A_750[%add3A_9, %and3A_4, %add3A_722], %add3A_738 : memref<4x8x129xf32, #tpu.memory_space<vmem>>[vector<16xi32>, vector<16xi32>, vector<16xi32>], vector<16xf32>,
        %mul3A_751 = arith.constant 8 : i32
        %mul3A_752 = arith.muli %scan3A_603, %mul3A_751 : i32
        %add3A_753 = arith.constant 4 : i32
        %add3A_754 = arith.addi %mul3A_752, %add3A_753 : i32
        %mul3A_755 = arith.constant 0 : i32
        %mul3A_756 = vector.broadcast %mul3A_755 : i32 to vector<16xi32>
        %mul3A_757 = arith.muli %iota3A, %mul3A_756 : vector<16xi32>
        %add3A_758 = vector.broadcast %add3A_754 : i32 to vector<16xi32>
        %add3A_759 = arith.addi %mul3A_757, %add3A_758 : vector<16xi32>
        %add3A_760 = arith.constant 0 : i32
        %add3A_761 = arith.addi %add3A_760, %add3A_754 : i32
        %get3A_762 = arith.constant 1 : i32
        %get3A_763 = arith.index_cast %get3A_762 : i32 to index
        %get3A_764 = arith.index_cast %add3A_761 : i32 to index
        %get3A_765 = arith.constant 0 : index
        %get3A_766 = tpu.vector_load %arg7[%get3A_763, %get3A_764, %get3A_765] {strides = array<i32>} : memref<4x256x32xf32, #tpu.memory_space<vmem>>, vector<16xf32>,
        %add3A_767 = arith.addf %get3A_766, %get3A_318 : vector<16xf32>
        %add3A_768 = arith.constant 0 : i32
        %add3A_769 = arith.addi %add3A_768, %add3A_754 : i32
        %get3A_770 = arith.constant 1 : i32
        %get3A_771 = arith.index_cast %get3A_770 : i32 to index
        %get3A_772 = arith.index_cast %add3A_769 : i32 to index
        %get3A_773 = arith.constant 16 : index
        %get3A_774 = tpu.vector_load %arg7[%get3A_771, %get3A_772, %get3A_773] {strides = array<i32>} : memref<4x256x32xf32, #tpu.memory_space<vmem>>, vector<16xf32>,
        %add3A_775 = arith.addf %get3A_774, %get3A_321 : vector<16xf32>
        %scatter3A_776 = arith.constant 0 : i32
        %scatter3A_777 = arith.constant 0 : i32
        %scatter3A_778 = arith.constant 0 : i32
        %scatter3A_779 = arith.constant 0 : i32
        %scatter3A_780 = tpu.memref_slice %arg9[%scatter3A_776, %scatter3A_777, %scatter3A_778, %scatter3A_779] : memref<2x4x8x129xf32, #tpu.memory_space<vmem>> -> memref<1x4x8x129xf32, #tpu.memory_space<vmem>>
        %scatter3A_781 = tpu.memref_squeeze %scatter3A_780 : memref<1x4x8x129xf32, #tpu.memory_space<vmem>> -> memref<4x8x129xf32, #tpu.memory_space<vmem>>
        tpu.vector_store_idx %scatter3A_781[%shift_right_arithmetic3A_6, %and3A_4, %add3A_759], %add3A_767 : memref<4x8x129xf32, #tpu.memory_space<vmem>>[vector<16xi32>, vector<16xi32>, vector<16xi32>], vector<16xf32>,
        %scatter3A_782 = arith.constant 0 : i32
        %scatter3A_783 = arith.constant 0 : i32
        %scatter3A_784 = arith.constant 0 : i32
        %scatter3A_785 = arith.constant 0 : i32
        %scatter3A_786 = tpu.memref_slice %arg9[%scatter3A_782, %scatter3A_783, %scatter3A_784, %scatter3A_785] : memref<2x4x8x129xf32, #tpu.memory_space<vmem>> -> memref<1x4x8x129xf32, #tpu.memory_space<vmem>>
        %scatter3A_787 = tpu.memref_squeeze %scatter3A_786 : memref<1x4x8x129xf32, #tpu.memory_space<vmem>> -> memref<4x8x129xf32, #tpu.memory_space<vmem>>
        tpu.vector_store_idx %scatter3A_787[%add3A_9, %and3A_4, %add3A_759], %add3A_775 : memref<4x8x129xf32, #tpu.memory_space<vmem>>[vector<16xi32>, vector<16xi32>, vector<16xi32>], vector<16xf32>,
        %mul3A_788 = arith.constant 8 : i32
        %mul3A_789 = arith.muli %scan3A_603, %mul3A_788 : i32
        %add3A_790 = arith.constant 5 : i32
        %add3A_791 = arith.addi %mul3A_789, %add3A_790 : i32
        %mul3A_792 = arith.constant 0 : i32
        %mul3A_793 = vector.broadcast %mul3A_792 : i32 to vector<16xi32>
        %mul3A_794 = arith.muli %iota3A, %mul3A_793 : vector<16xi32>
        %add3A_795 = vector.broadcast %add3A_791 : i32 to vector<16xi32>
        %add3A_796 = arith.addi %mul3A_794, %add3A_795 : vector<16xi32>
        %add3A_797 = arith.constant 0 : i32
        %add3A_798 = arith.addi %add3A_797, %add3A_791 : i32
        %get3A_799 = arith.constant 1 : i32
        %get3A_800 = arith.index_cast %get3A_799 : i32 to index
        %get3A_801 = arith.index_cast %add3A_798 : i32 to index
        %get3A_802 = arith.constant 0 : index
        %get3A_803 = tpu.vector_load %arg7[%get3A_800, %get3A_801, %get3A_802] {strides = array<i32>} : memref<4x256x32xf32, #tpu.memory_space<vmem>>, vector<16xf32>,
        %add3A_804 = arith.addf %get3A_803, %get3A_318 : vector<16xf32>
        %add3A_805 = arith.constant 0 : i32
        %add3A_806 = arith.addi %add3A_805, %add3A_791 : i32
        %get3A_807 = arith.constant 1 : i32
        %get3A_808 = arith.index_cast %get3A_807 : i32 to index
        %get3A_809 = arith.index_cast %add3A_806 : i32 to index
        %get3A_810 = arith.constant 16 : index
        %get3A_811 = tpu.vector_load %arg7[%get3A_808, %get3A_809, %get3A_810] {strides = array<i32>} : memref<4x256x32xf32, #tpu.memory_space<vmem>>, vector<16xf32>,
        %add3A_812 = arith.addf %get3A_811, %get3A_321 : vector<16xf32>
        %scatter3A_813 = arith.constant 0 : i32
        %scatter3A_814 = arith.constant 0 : i32
        %scatter3A_815 = arith.constant 0 : i32
        %scatter3A_816 = arith.constant 0 : i32
        %scatter3A_817 = tpu.memref_slice %arg9[%scatter3A_813, %scatter3A_814, %scatter3A_815, %scatter3A_816] : memref<2x4x8x129xf32, #tpu.memory_space<vmem>> -> memref<1x4x8x129xf32, #tpu.memory_space<vmem>>
        %scatter3A_818 = tpu.memref_squeeze %scatter3A_817 : memref<1x4x8x129xf32, #tpu.memory_space<vmem>> -> memref<4x8x129xf32, #tpu.memory_space<vmem>>
        tpu.vector_store_idx %scatter3A_818[%shift_right_arithmetic3A_6, %and3A_4, %add3A_796], %add3A_804 : memref<4x8x129xf32, #tpu.memory_space<vmem>>[vector<16xi32>, vector<16xi32>, vector<16xi32>], vector<16xf32>,
        %scatter3A_819 = arith.constant 0 : i32
        %scatter3A_820 = arith.constant 0 : i32
        %scatter3A_821 = arith.constant 0 : i32
        %scatter3A_822 = arith.constant 0 : i32
        %scatter3A_823 = tpu.memref_slice %arg9[%scatter3A_819, %scatter3A_820, %scatter3A_821, %scatter3A_822] : memref<2x4x8x129xf32, #tpu.memory_space<vmem>> -> memref<1x4x8x129xf32, #tpu.memory_space<vmem>>
        %scatter3A_824 = tpu.memref_squeeze %scatter3A_823 : memref<1x4x8x129xf32, #tpu.memory_space<vmem>> -> memref<4x8x129xf32, #tpu.memory_space<vmem>>
        tpu.vector_store_idx %scatter3A_824[%add3A_9, %and3A_4, %add3A_796], %add3A_812 : memref<4x8x129xf32, #tpu.memory_space<vmem>>[vector<16xi32>, vector<16xi32>, vector<16xi32>], vector<16xf32>,
        %mul3A_825 = arith.constant 8 : i32
        %mul3A_826 = arith.muli %scan3A_603, %mul3A_825 : i32
        %add3A_827 = arith.constant 6 : i32
        %add3A_828 = arith.addi %mul3A_826, %add3A_827 : i32
        %mul3A_829 = arith.constant 0 : i32
        %mul3A_830 = vector.broadcast %mul3A_829 : i32 to vector<16xi32>
        %mul3A_831 = arith.muli %iota3A, %mul3A_830 : vector<16xi32>
        %add3A_832 = vector.broadcast %add3A_828 : i32 to vector<16xi32>
        %add3A_833 = arith.addi %mul3A_831, %add3A_832 : vector<16xi32>
        %add3A_834 = arith.constant 0 : i32
        %add3A_835 = arith.addi %add3A_834, %add3A_828 : i32
        %get3A_836 = arith.constant 1 : i32
        %get3A_837 = arith.index_cast %get3A_836 : i32 to index
        %get3A_838 = arith.index_cast %add3A_835 : i32 to index
        %get3A_839 = arith.constant 0 : index
        %get3A_840 = tpu.vector_load %arg7[%get3A_837, %get3A_838, %get3A_839] {strides = array<i32>} : memref<4x256x32xf32, #tpu.memory_space<vmem>>, vector<16xf32>,
        %add3A_841 = arith.addf %get3A_840, %get3A_318 : vector<16xf32>
        %add3A_842 = arith.constant 0 : i32
        %add3A_843 = arith.addi %add3A_842, %add3A_828 : i32
        %get3A_844 = arith.constant 1 : i32
        %get3A_845 = arith.index_cast %get3A_844 : i32 to index
        %get3A_846 = arith.index_cast %add3A_843 : i32 to index
        %get3A_847 = arith.constant 16 : index
        %get3A_848 = tpu.vector_load %arg7[%get3A_845, %get3A_846, %get3A_847] {strides = array<i32>} : memref<4x256x32xf32, #tpu.memory_space<vmem>>, vector<16xf32>,
        %add3A_849 = arith.addf %get3A_848, %get3A_321 : vector<16xf32>
        %scatter3A_850 = arith.constant 0 : i32
        %scatter3A_851 = arith.constant 0 : i32
        %scatter3A_852 = arith.constant 0 : i32
        %scatter3A_853 = arith.constant 0 : i32
        %scatter3A_854 = tpu.memref_slice %arg9[%scatter3A_850, %scatter3A_851, %scatter3A_852, %scatter3A_853] : memref<2x4x8x129xf32, #tpu.memory_space<vmem>> -> memref<1x4x8x129xf32, #tpu.memory_space<vmem>>
        %scatter3A_855 = tpu.memref_squeeze %scatter3A_854 : memref<1x4x8x129xf32, #tpu.memory_space<vmem>> -> memref<4x8x129xf32, #tpu.memory_space<vmem>>
        tpu.vector_store_idx %scatter3A_855[%shift_right_arithmetic3A_6, %and3A_4, %add3A_833], %add3A_841 : memref<4x8x129xf32, #tpu.memory_space<vmem>>[vector<16xi32>, vector<16xi32>, vector<16xi32>], vector<16xf32>,
        %scatter3A_856 = arith.constant 0 : i32
        %scatter3A_857 = arith.constant 0 : i32
        %scatter3A_858 = arith.constant 0 : i32
        %scatter3A_859 = arith.constant 0 : i32
        %scatter3A_860 = tpu.memref_slice %arg9[%scatter3A_856, %scatter3A_857, %scatter3A_858, %scatter3A_859] : memref<2x4x8x129xf32, #tpu.memory_space<vmem>> -> memref<1x4x8x129xf32, #tpu.memory_space<vmem>>
        %scatter3A_861 = tpu.memref_squeeze %scatter3A_860 : memref<1x4x8x129xf32, #tpu.memory_space<vmem>> -> memref<4x8x129xf32, #tpu.memory_space<vmem>>
        tpu.vector_store_idx %scatter3A_861[%add3A_9, %and3A_4, %add3A_833], %add3A_849 : memref<4x8x129xf32, #tpu.memory_space<vmem>>[vector<16xi32>, vector<16xi32>, vector<16xi32>], vector<16xf32>,
        %mul3A_862 = arith.constant 8 : i32
        %mul3A_863 = arith.muli %scan3A_603, %mul3A_862 : i32
        %add3A_864 = arith.constant 7 : i32
        %add3A_865 = arith.addi %mul3A_863, %add3A_864 : i32
        %mul3A_866 = arith.constant 0 : i32
        %mul3A_867 = vector.broadcast %mul3A_866 : i32 to vector<16xi32>
        %mul3A_868 = arith.muli %iota3A, %mul3A_867 : vector<16xi32>
        %add3A_869 = vector.broadcast %add3A_865 : i32 to vector<16xi32>
        %add3A_870 = arith.addi %mul3A_868, %add3A_869 : vector<16xi32>
        %add3A_871 = arith.constant 0 : i32
        %add3A_872 = arith.addi %add3A_871, %add3A_865 : i32
        %get3A_873 = arith.constant 1 : i32
        %get3A_874 = arith.index_cast %get3A_873 : i32 to index
        %get3A_875 = arith.index_cast %add3A_872 : i32 to index
        %get3A_876 = arith.constant 0 : index
        %get3A_877 = tpu.vector_load %arg7[%get3A_874, %get3A_875, %get3A_876] {strides = array<i32>} : memref<4x256x32xf32, #tpu.memory_space<vmem>>, vector<16xf32>,
        %add3A_878 = arith.addf %get3A_877, %get3A_318 : vector<16xf32>
        %add3A_879 = arith.constant 0 : i32
        %add3A_880 = arith.addi %add3A_879, %add3A_865 : i32
        %get3A_881 = arith.constant 1 : i32
        %get3A_882 = arith.index_cast %get3A_881 : i32 to index
        %get3A_883 = arith.index_cast %add3A_880 : i32 to index
        %get3A_884 = arith.constant 16 : index
        %get3A_885 = tpu.vector_load %arg7[%get3A_882, %get3A_883, %get3A_884] {strides = array<i32>} : memref<4x256x32xf32, #tpu.memory_space<vmem>>, vector<16xf32>,
        %add3A_886 = arith.addf %get3A_885, %get3A_321 : vector<16xf32>
        %scatter3A_887 = arith.constant 0 : i32
        %scatter3A_888 = arith.constant 0 : i32
        %scatter3A_889 = arith.constant 0 : i32
        %scatter3A_890 = arith.constant 0 : i32
        %scatter3A_891 = tpu.memref_slice %arg9[%scatter3A_887, %scatter3A_888, %scatter3A_889, %scatter3A_890] : memref<2x4x8x129xf32, #tpu.memory_space<vmem>> -> memref<1x4x8x129xf32, #tpu.memory_space<vmem>>
        %scatter3A_892 = tpu.memref_squeeze %scatter3A_891 : memref<1x4x8x129xf32, #tpu.memory_space<vmem>> -> memref<4x8x129xf32, #tpu.memory_space<vmem>>
        tpu.vector_store_idx %scatter3A_892[%shift_right_arithmetic3A_6, %and3A_4, %add3A_870], %add3A_878 : memref<4x8x129xf32, #tpu.memory_space<vmem>>[vector<16xi32>, vector<16xi32>, vector<16xi32>], vector<16xf32>,
        %scatter3A_893 = arith.constant 0 : i32
        %scatter3A_894 = arith.constant 0 : i32
        %scatter3A_895 = arith.constant 0 : i32
        %scatter3A_896 = arith.constant 0 : i32
        %scatter3A_897 = tpu.memref_slice %arg9[%scatter3A_893, %scatter3A_894, %scatter3A_895, %scatter3A_896] : memref<2x4x8x129xf32, #tpu.memory_space<vmem>> -> memref<1x4x8x129xf32, #tpu.memory_space<vmem>>
        %scatter3A_898 = tpu.memref_squeeze %scatter3A_897 : memref<1x4x8x129xf32, #tpu.memory_space<vmem>> -> memref<4x8x129xf32, #tpu.memory_space<vmem>>
        tpu.vector_store_idx %scatter3A_898[%add3A_9, %and3A_4, %add3A_870], %add3A_886 : memref<4x8x129xf32, #tpu.memory_space<vmem>>[vector<16xi32>, vector<16xi32>, vector<16xi32>], vector<16xf32>,
      }
      %scan3A_327 = arith.constant 16 : i32
      %mul3A_328 = arith.constant 2 : i32
      %mul3A_329 = arith.muli %mul3A_328, %add3A_276 : i32
      %add3A_330 = arith.constant 1 : i32
      %add3A_331 = arith.addi %mul3A_329, %add3A_330 : i32
      %get3A_332 = arith.index_cast %add3A_331 : i32 to index
      %get3A_333 = arith.constant 0 : index
      %get3A_334 = tpu.vector_load %arg10[%get3A_332, %get3A_333] {strides = array<i32>} : memref<200x32xf32, #tpu.memory_space<vmem>>, vector<16xf32>,
      %get3A_335 = arith.index_cast %add3A_331 : i32 to index
      %get3A_336 = arith.constant 16 : index
      %get3A_337 = tpu.vector_load %arg10[%get3A_335, %get3A_336] {strides = array<i32>} : memref<200x32xf32, #tpu.memory_space<vmem>>, vector<16xf32>,
      %scan3A_338 = arith.constant 0 : i32
      %scan3A_339 = arith.constant 0 : i32
      %scan3A_340 = arith.constant 16 : i32
      %scan3A_341 = arith.addi %scan3A_339, %scan3A_340 : i32
      %scan3A_342 = arith.constant 1 : i32
      scf.for %scan3A_603 = %scan3A_339 to %scan3A_341 step %scan3A_342  : i32 {
        %mul3A_604 = arith.constant 8 : i32
        %mul3A_605 = arith.muli %scan3A_603, %mul3A_604 : i32
        %add3A_606 = arith.constant 0 : i32
        %add3A_607 = arith.addi %mul3A_605, %add3A_606 : i32
        %mul3A_608 = arith.constant 0 : i32
        %mul3A_609 = vector.broadcast %mul3A_608 : i32 to vector<16xi32>
        %mul3A_610 = arith.muli %iota3A, %mul3A_609 : vector<16xi32>
        %add3A_611 = vector.broadcast %add3A_607 : i32 to vector<16xi32>
        %add3A_612 = arith.addi %mul3A_610, %add3A_611 : vector<16xi32>
        %add3A_613 = arith.constant 128 : i32
        %add3A_614 = arith.addi %add3A_613, %add3A_607 : i32
        %get3A_615 = arith.constant 1 : i32
        %get3A_616 = arith.index_cast %get3A_615 : i32 to index
        %get3A_617 = arith.index_cast %add3A_614 : i32 to index
        %get3A_618 = arith.constant 0 : index
        %get3A_619 = tpu.vector_load %arg7[%get3A_616, %get3A_617, %get3A_618] {strides = array<i32>} : memref<4x256x32xf32, #tpu.memory_space<vmem>>, vector<16xf32>,
        %add3A_620 = arith.addf %get3A_619, %get3A_334 : vector<16xf32>
        %add3A_621 = arith.constant 128 : i32
        %add3A_622 = arith.addi %add3A_621, %add3A_607 : i32
        %get3A_623 = arith.constant 1 : i32
        %get3A_624 = arith.index_cast %get3A_623 : i32 to index
        %get3A_625 = arith.index_cast %add3A_622 : i32 to index
        %get3A_626 = arith.constant 16 : index
        %get3A_627 = tpu.vector_load %arg7[%get3A_624, %get3A_625, %get3A_626] {strides = array<i32>} : memref<4x256x32xf32, #tpu.memory_space<vmem>>, vector<16xf32>,
        %add3A_628 = arith.addf %get3A_627, %get3A_337 : vector<16xf32>
        %scatter3A = arith.constant 1 : i32
        %scatter3A_629 = arith.constant 0 : i32
        %scatter3A_630 = arith.constant 0 : i32
        %scatter3A_631 = arith.constant 0 : i32
        %scatter3A_632 = tpu.memref_slice %arg9[%scatter3A, %scatter3A_629, %scatter3A_630, %scatter3A_631] : memref<2x4x8x129xf32, #tpu.memory_space<vmem>> -> memref<1x4x8x129xf32, #tpu.memory_space<vmem>>
        %scatter3A_633 = tpu.memref_squeeze %scatter3A_632 : memref<1x4x8x129xf32, #tpu.memory_space<vmem>> -> memref<4x8x129xf32, #tpu.memory_space<vmem>>
        tpu.vector_store_idx %scatter3A_633[%shift_right_arithmetic3A_6, %and3A_4, %add3A_612], %add3A_620 : memref<4x8x129xf32, #tpu.memory_space<vmem>>[vector<16xi32>, vector<16xi32>, vector<16xi32>], vector<16xf32>,
        %scatter3A_634 = arith.constant 1 : i32
        %scatter3A_635 = arith.constant 0 : i32
        %scatter3A_636 = arith.constant 0 : i32
        %scatter3A_637 = arith.constant 0 : i32
        %scatter3A_638 = tpu.memref_slice %arg9[%scatter3A_634, %scatter3A_635, %scatter3A_636, %scatter3A_637] : memref<2x4x8x129xf32, #tpu.memory_space<vmem>> -> memref<1x4x8x129xf32, #tpu.memory_space<vmem>>
        %scatter3A_639 = tpu.memref_squeeze %scatter3A_638 : memref<1x4x8x129xf32, #tpu.memory_space<vmem>> -> memref<4x8x129xf32, #tpu.memory_space<vmem>>
        tpu.vector_store_idx %scatter3A_639[%add3A_9, %and3A_4, %add3A_612], %add3A_628 : memref<4x8x129xf32, #tpu.memory_space<vmem>>[vector<16xi32>, vector<16xi32>, vector<16xi32>], vector<16xf32>,
        %mul3A_640 = arith.constant 8 : i32
        %mul3A_641 = arith.muli %scan3A_603, %mul3A_640 : i32
        %add3A_642 = arith.constant 1 : i32
        %add3A_643 = arith.addi %mul3A_641, %add3A_642 : i32
        %mul3A_644 = arith.constant 0 : i32
        %mul3A_645 = vector.broadcast %mul3A_644 : i32 to vector<16xi32>
        %mul3A_646 = arith.muli %iota3A, %mul3A_645 : vector<16xi32>
        %add3A_647 = vector.broadcast %add3A_643 : i32 to vector<16xi32>
        %add3A_648 = arith.addi %mul3A_646, %add3A_647 : vector<16xi32>
        %add3A_649 = arith.constant 128 : i32
        %add3A_650 = arith.addi %add3A_649, %add3A_643 : i32
        %get3A_651 = arith.constant 1 : i32
        %get3A_652 = arith.index_cast %get3A_651 : i32 to index
        %get3A_653 = arith.index_cast %add3A_650 : i32 to index
        %get3A_654 = arith.constant 0 : index
        %get3A_655 = tpu.vector_load %arg7[%get3A_652, %get3A_653, %get3A_654] {strides = array<i32>} : memref<4x256x32xf32, #tpu.memory_space<vmem>>, vector<16xf32>,
        %add3A_656 = arith.addf %get3A_655, %get3A_334 : vector<16xf32>
        %add3A_657 = arith.constant 128 : i32
        %add3A_658 = arith.addi %add3A_657, %add3A_643 : i32
        %get3A_659 = arith.constant 1 : i32
        %get3A_660 = arith.index_cast %get3A_659 : i32 to index
        %get3A_661 = arith.index_cast %add3A_658 : i32 to index
        %get3A_662 = arith.constant 16 : index
        %get3A_663 = tpu.vector_load %arg7[%get3A_660, %get3A_661, %get3A_662] {strides = array<i32>} : memref<4x256x32xf32, #tpu.memory_space<vmem>>, vector<16xf32>,
        %add3A_664 = arith.addf %get3A_663, %get3A_337 : vector<16xf32>
        %scatter3A_665 = arith.constant 1 : i32
        %scatter3A_666 = arith.constant 0 : i32
        %scatter3A_667 = arith.constant 0 : i32
        %scatter3A_668 = arith.constant 0 : i32
        %scatter3A_669 = tpu.memref_slice %arg9[%scatter3A_665, %scatter3A_666, %scatter3A_667, %scatter3A_668] : memref<2x4x8x129xf32, #tpu.memory_space<vmem>> -> memref<1x4x8x129xf32, #tpu.memory_space<vmem>>
        %scatter3A_670 = tpu.memref_squeeze %scatter3A_669 : memref<1x4x8x129xf32, #tpu.memory_space<vmem>> -> memref<4x8x129xf32, #tpu.memory_space<vmem>>
        tpu.vector_store_idx %scatter3A_670[%shift_right_arithmetic3A_6, %and3A_4, %add3A_648], %add3A_656 : memref<4x8x129xf32, #tpu.memory_space<vmem>>[vector<16xi32>, vector<16xi32>, vector<16xi32>], vector<16xf32>,
        %scatter3A_671 = arith.constant 1 : i32
        %scatter3A_672 = arith.constant 0 : i32
        %scatter3A_673 = arith.constant 0 : i32
        %scatter3A_674 = arith.constant 0 : i32
        %scatter3A_675 = tpu.memref_slice %arg9[%scatter3A_671, %scatter3A_672, %scatter3A_673, %scatter3A_674] : memref<2x4x8x129xf32, #tpu.memory_space<vmem>> -> memref<1x4x8x129xf32, #tpu.memory_space<vmem>>
        %scatter3A_676 = tpu.memref_squeeze %scatter3A_675 : memref<1x4x8x129xf32, #tpu.memory_space<vmem>> -> memref<4x8x129xf32, #tpu.memory_space<vmem>>
        tpu.vector_store_idx %scatter3A_676[%add3A_9, %and3A_4, %add3A_648], %add3A_664 : memref<4x8x129xf32, #tpu.memory_space<vmem>>[vector<16xi32>, vector<16xi32>, vector<16xi32>], vector<16xf32>,
        %mul3A_677 = arith.constant 8 : i32
        %mul3A_678 = arith.muli %scan3A_603, %mul3A_677 : i32
        %add3A_679 = arith.constant 2 : i32
        %add3A_680 = arith.addi %mul3A_678, %add3A_679 : i32
        %mul3A_681 = arith.constant 0 : i32
        %mul3A_682 = vector.broadcast %mul3A_681 : i32 to vector<16xi32>
        %mul3A_683 = arith.muli %iota3A, %mul3A_682 : vector<16xi32>
        %add3A_684 = vector.broadcast %add3A_680 : i32 to vector<16xi32>
        %add3A_685 = arith.addi %mul3A_683, %add3A_684 : vector<16xi32>
        %add3A_686 = arith.constant 128 : i32
        %add3A_687 = arith.addi %add3A_686, %add3A_680 : i32
        %get3A_688 = arith.constant 1 : i32
        %get3A_689 = arith.index_cast %get3A_688 : i32 to index
        %get3A_690 = arith.index_cast %add3A_687 : i32 to index
        %get3A_691 = arith.constant 0 : index
        %get3A_692 = tpu.vector_load %arg7[%get3A_689, %get3A_690, %get3A_691] {strides = array<i32>} : memref<4x256x32xf32, #tpu.memory_space<vmem>>, vector<16xf32>,
        %add3A_693 = arith.addf %get3A_692, %get3A_334 : vector<16xf32>
        %add3A_694 = arith.constant 128 : i32
        %add3A_695 = arith.addi %add3A_694, %add3A_680 : i32
        %get3A_696 = arith.constant 1 : i32
        %get3A_697 = arith.index_cast %get3A_696 : i32 to index
        %get3A_698 = arith.index_cast %add3A_695 : i32 to index
        %get3A_699 = arith.constant 16 : index
        %get3A_700 = tpu.vector_load %arg7[%get3A_697, %get3A_698, %get3A_699] {strides = array<i32>} : memref<4x256x32xf32, #tpu.memory_space<vmem>>, vector<16xf32>,
        %add3A_701 = arith.addf %get3A_700, %get3A_337 : vector<16xf32>
        %scatter3A_702 = arith.constant 1 : i32
        %scatter3A_703 = arith.constant 0 : i32
        %scatter3A_704 = arith.constant 0 : i32
        %scatter3A_705 = arith.constant 0 : i32
        %scatter3A_706 = tpu.memref_slice %arg9[%scatter3A_702, %scatter3A_703, %scatter3A_704, %scatter3A_705] : memref<2x4x8x129xf32, #tpu.memory_space<vmem>> -> memref<1x4x8x129xf32, #tpu.memory_space<vmem>>
        %scatter3A_707 = tpu.memref_squeeze %scatter3A_706 : memref<1x4x8x129xf32, #tpu.memory_space<vmem>> -> memref<4x8x129xf32, #tpu.memory_space<vmem>>
        tpu.vector_store_idx %scatter3A_707[%shift_right_arithmetic3A_6, %and3A_4, %add3A_685], %add3A_693 : memref<4x8x129xf32, #tpu.memory_space<vmem>>[vector<16xi32>, vector<16xi32>, vector<16xi32>], vector<16xf32>,
        %scatter3A_708 = arith.constant 1 : i32
        %scatter3A_709 = arith.constant 0 : i32
        %scatter3A_710 = arith.constant 0 : i32
        %scatter3A_711 = arith.constant 0 : i32
        %scatter3A_712 = tpu.memref_slice %arg9[%scatter3A_708, %scatter3A_709, %scatter3A_710, %scatter3A_711] : memref<2x4x8x129xf32, #tpu.memory_space<vmem>> -> memref<1x4x8x129xf32, #tpu.memory_space<vmem>>
        %scatter3A_713 = tpu.memref_squeeze %scatter3A_712 : memref<1x4x8x129xf32, #tpu.memory_space<vmem>> -> memref<4x8x129xf32, #tpu.memory_space<vmem>>
        tpu.vector_store_idx %scatter3A_713[%add3A_9, %and3A_4, %add3A_685], %add3A_701 : memref<4x8x129xf32, #tpu.memory_space<vmem>>[vector<16xi32>, vector<16xi32>, vector<16xi32>], vector<16xf32>,
        %mul3A_714 = arith.constant 8 : i32
        %mul3A_715 = arith.muli %scan3A_603, %mul3A_714 : i32
        %add3A_716 = arith.constant 3 : i32
        %add3A_717 = arith.addi %mul3A_715, %add3A_716 : i32
        %mul3A_718 = arith.constant 0 : i32
        %mul3A_719 = vector.broadcast %mul3A_718 : i32 to vector<16xi32>
        %mul3A_720 = arith.muli %iota3A, %mul3A_719 : vector<16xi32>
        %add3A_721 = vector.broadcast %add3A_717 : i32 to vector<16xi32>
        %add3A_722 = arith.addi %mul3A_720, %add3A_721 : vector<16xi32>
        %add3A_723 = arith.constant 128 : i32
        %add3A_724 = arith.addi %add3A_723, %add3A_717 : i32
        %get3A_725 = arith.constant 1 : i32
        %get3A_726 = arith.index_cast %get3A_725 : i32 to index
        %get3A_727 = arith.index_cast %add3A_724 : i32 to index
        %get3A_728 = arith.constant 0 : index
        %get3A_729 = tpu.vector_load %arg7[%get3A_726, %get3A_727, %get3A_728] {strides = array<i32>} : memref<4x256x32xf32, #tpu.memory_space<vmem>>, vector<16xf32>,
        %add3A_730 = arith.addf %get3A_729, %get3A_334 : vector<16xf32>
        %add3A_731 = arith.constant 128 : i32
        %add3A_732 = arith.addi %add3A_731, %add3A_717 : i32
        %get3A_733 = arith.constant 1 : i32
        %get3A_734 = arith.index_cast %get3A_733 : i32 to index
        %get3A_735 = arith.index_cast %add3A_732 : i32 to index
        %get3A_736 = arith.constant 16 : index
        %get3A_737 = tpu.vector_load %arg7[%get3A_734, %get3A_735, %get3A_736] {strides = array<i32>} : memref<4x256x32xf32, #tpu.memory_space<vmem>>, vector<16xf32>,
        %add3A_738 = arith.addf %get3A_737, %get3A_337 : vector<16xf32>
        %scatter3A_739 = arith.constant 1 : i32
        %scatter3A_740 = arith.constant 0 : i32
        %scatter3A_741 = arith.constant 0 : i32
        %scatter3A_742 = arith.constant 0 : i32
        %scatter3A_743 = tpu.memref_slice %arg9[%scatter3A_739, %scatter3A_740, %scatter3A_741, %scatter3A_742] : memref<2x4x8x129xf32, #tpu.memory_space<vmem>> -> memref<1x4x8x129xf32, #tpu.memory_space<vmem>>
        %scatter3A_744 = tpu.memref_squeeze %scatter3A_743 : memref<1x4x8x129xf32, #tpu.memory_space<vmem>> -> memref<4x8x129xf32, #tpu.memory_space<vmem>>
        tpu.vector_store_idx %scatter3A_744[%shift_right_arithmetic3A_6, %and3A_4, %add3A_722], %add3A_730 : memref<4x8x129xf32, #tpu.memory_space<vmem>>[vector<16xi32>, vector<16xi32>, vector<16xi32>], vector<16xf32>,
        %scatter3A_745 = arith.constant 1 : i32
        %scatter3A_746 = arith.constant 0 : i32
        %scatter3A_747 = arith.constant 0 : i32
        %scatter3A_748 = arith.constant 0 : i32
        %scatter3A_749 = tpu.memref_slice %arg9[%scatter3A_745, %scatter3A_746, %scatter3A_747, %scatter3A_748] : memref<2x4x8x129xf32, #tpu.memory_space<vmem>> -> memref<1x4x8x129xf32, #tpu.memory_space<vmem>>
        %scatter3A_750 = tpu.memref_squeeze %scatter3A_749 : memref<1x4x8x129xf32, #tpu.memory_space<vmem>> -> memref<4x8x129xf32, #tpu.memory_space<vmem>>
        tpu.vector_store_idx %scatter3A_750[%add3A_9, %and3A_4, %add3A_722], %add3A_738 : memref<4x8x129xf32, #tpu.memory_space<vmem>>[vector<16xi32>, vector<16xi32>, vector<16xi32>], vector<16xf32>,
        %mul3A_751 = arith.constant 8 : i32
        %mul3A_752 = arith.muli %scan3A_603, %mul3A_751 : i32
        %add3A_753 = arith.constant 4 : i32
        %add3A_754 = arith.addi %mul3A_752, %add3A_753 : i32
        %mul3A_755 = arith.constant 0 : i32
        %mul3A_756 = vector.broadcast %mul3A_755 : i32 to vector<16xi32>
        %mul3A_757 = arith.muli %iota3A, %mul3A_756 : vector<16xi32>
        %add3A_758 = vector.broadcast %add3A_754 : i32 to vector<16xi32>
        %add3A_759 = arith.addi %mul3A_757, %add3A_758 : vector<16xi32>
        %add3A_760 = arith.constant 128 : i32
        %add3A_761 = arith.addi %add3A_760, %add3A_754 : i32
        %get3A_762 = arith.constant 1 : i32
        %get3A_763 = arith.index_cast %get3A_762 : i32 to index
        %get3A_764 = arith.index_cast %add3A_761 : i32 to index
        %get3A_765 = arith.constant 0 : index
        %get3A_766 = tpu.vector_load %arg7[%get3A_763, %get3A_764, %get3A_765] {strides = array<i32>} : memref<4x256x32xf32, #tpu.memory_space<vmem>>, vector<16xf32>,
        %add3A_767 = arith.addf %get3A_766, %get3A_334 : vector<16xf32>
        %add3A_768 = arith.constant 128 : i32
        %add3A_769 = arith.addi %add3A_768, %add3A_754 : i32
        %get3A_770 = arith.constant 1 : i32
        %get3A_771 = arith.index_cast %get3A_770 : i32 to index
        %get3A_772 = arith.index_cast %add3A_769 : i32 to index
        %get3A_773 = arith.constant 16 : index
        %get3A_774 = tpu.vector_load %arg7[%get3A_771, %get3A_772, %get3A_773] {strides = array<i32>} : memref<4x256x32xf32, #tpu.memory_space<vmem>>, vector<16xf32>,
        %add3A_775 = arith.addf %get3A_774, %get3A_337 : vector<16xf32>
        %scatter3A_776 = arith.constant 1 : i32
        %scatter3A_777 = arith.constant 0 : i32
        %scatter3A_778 = arith.constant 0 : i32
        %scatter3A_779 = arith.constant 0 : i32
        %scatter3A_780 = tpu.memref_slice %arg9[%scatter3A_776, %scatter3A_777, %scatter3A_778, %scatter3A_779] : memref<2x4x8x129xf32, #tpu.memory_space<vmem>> -> memref<1x4x8x129xf32, #tpu.memory_space<vmem>>
        %scatter3A_781 = tpu.memref_squeeze %scatter3A_780 : memref<1x4x8x129xf32, #tpu.memory_space<vmem>> -> memref<4x8x129xf32, #tpu.memory_space<vmem>>
        tpu.vector_store_idx %scatter3A_781[%shift_right_arithmetic3A_6, %and3A_4, %add3A_759], %add3A_767 : memref<4x8x129xf32, #tpu.memory_space<vmem>>[vector<16xi32>, vector<16xi32>, vector<16xi32>], vector<16xf32>,
        %scatter3A_782 = arith.constant 1 : i32
        %scatter3A_783 = arith.constant 0 : i32
        %scatter3A_784 = arith.constant 0 : i32
        %scatter3A_785 = arith.constant 0 : i32
        %scatter3A_786 = tpu.memref_slice %arg9[%scatter3A_782, %scatter3A_783, %scatter3A_784, %scatter3A_785] : memref<2x4x8x129xf32, #tpu.memory_space<vmem>> -> memref<1x4x8x129xf32, #tpu.memory_space<vmem>>
        %scatter3A_787 = tpu.memref_squeeze %scatter3A_786 : memref<1x4x8x129xf32, #tpu.memory_space<vmem>> -> memref<4x8x129xf32, #tpu.memory_space<vmem>>
        tpu.vector_store_idx %scatter3A_787[%add3A_9, %and3A_4, %add3A_759], %add3A_775 : memref<4x8x129xf32, #tpu.memory_space<vmem>>[vector<16xi32>, vector<16xi32>, vector<16xi32>], vector<16xf32>,
        %mul3A_788 = arith.constant 8 : i32
        %mul3A_789 = arith.muli %scan3A_603, %mul3A_788 : i32
        %add3A_790 = arith.constant 5 : i32
        %add3A_791 = arith.addi %mul3A_789, %add3A_790 : i32
        %mul3A_792 = arith.constant 0 : i32
        %mul3A_793 = vector.broadcast %mul3A_792 : i32 to vector<16xi32>
        %mul3A_794 = arith.muli %iota3A, %mul3A_793 : vector<16xi32>
        %add3A_795 = vector.broadcast %add3A_791 : i32 to vector<16xi32>
        %add3A_796 = arith.addi %mul3A_794, %add3A_795 : vector<16xi32>
        %add3A_797 = arith.constant 128 : i32
        %add3A_798 = arith.addi %add3A_797, %add3A_791 : i32
        %get3A_799 = arith.constant 1 : i32
        %get3A_800 = arith.index_cast %get3A_799 : i32 to index
        %get3A_801 = arith.index_cast %add3A_798 : i32 to index
        %get3A_802 = arith.constant 0 : index
        %get3A_803 = tpu.vector_load %arg7[%get3A_800, %get3A_801, %get3A_802] {strides = array<i32>} : memref<4x256x32xf32, #tpu.memory_space<vmem>>, vector<16xf32>,
        %add3A_804 = arith.addf %get3A_803, %get3A_334 : vector<16xf32>
        %add3A_805 = arith.constant 128 : i32
        %add3A_806 = arith.addi %add3A_805, %add3A_791 : i32
        %get3A_807 = arith.constant 1 : i32
        %get3A_808 = arith.index_cast %get3A_807 : i32 to index
        %get3A_809 = arith.index_cast %add3A_806 : i32 to index
        %get3A_810 = arith.constant 16 : index
        %get3A_811 = tpu.vector_load %arg7[%get3A_808, %get3A_809, %get3A_810] {strides = array<i32>} : memref<4x256x32xf32, #tpu.memory_space<vmem>>, vector<16xf32>,
        %add3A_812 = arith.addf %get3A_811, %get3A_337 : vector<16xf32>
        %scatter3A_813 = arith.constant 1 : i32
        %scatter3A_814 = arith.constant 0 : i32
        %scatter3A_815 = arith.constant 0 : i32
        %scatter3A_816 = arith.constant 0 : i32
        %scatter3A_817 = tpu.memref_slice %arg9[%scatter3A_813, %scatter3A_814, %scatter3A_815, %scatter3A_816] : memref<2x4x8x129xf32, #tpu.memory_space<vmem>> -> memref<1x4x8x129xf32, #tpu.memory_space<vmem>>
        %scatter3A_818 = tpu.memref_squeeze %scatter3A_817 : memref<1x4x8x129xf32, #tpu.memory_space<vmem>> -> memref<4x8x129xf32, #tpu.memory_space<vmem>>
        tpu.vector_store_idx %scatter3A_818[%shift_right_arithmetic3A_6, %and3A_4, %add3A_796], %add3A_804 : memref<4x8x129xf32, #tpu.memory_space<vmem>>[vector<16xi32>, vector<16xi32>, vector<16xi32>], vector<16xf32>,
        %scatter3A_819 = arith.constant 1 : i32
        %scatter3A_820 = arith.constant 0 : i32
        %scatter3A_821 = arith.constant 0 : i32
        %scatter3A_822 = arith.constant 0 : i32
        %scatter3A_823 = tpu.memref_slice %arg9[%scatter3A_819, %scatter3A_820, %scatter3A_821, %scatter3A_822] : memref<2x4x8x129xf32, #tpu.memory_space<vmem>> -> memref<1x4x8x129xf32, #tpu.memory_space<vmem>>
        %scatter3A_824 = tpu.memref_squeeze %scatter3A_823 : memref<1x4x8x129xf32, #tpu.memory_space<vmem>> -> memref<4x8x129xf32, #tpu.memory_space<vmem>>
        tpu.vector_store_idx %scatter3A_824[%add3A_9, %and3A_4, %add3A_796], %add3A_812 : memref<4x8x129xf32, #tpu.memory_space<vmem>>[vector<16xi32>, vector<16xi32>, vector<16xi32>], vector<16xf32>,
        %mul3A_825 = arith.constant 8 : i32
        %mul3A_826 = arith.muli %scan3A_603, %mul3A_825 : i32
        %add3A_827 = arith.constant 6 : i32
        %add3A_828 = arith.addi %mul3A_826, %add3A_827 : i32
        %mul3A_829 = arith.constant 0 : i32
        %mul3A_830 = vector.broadcast %mul3A_829 : i32 to vector<16xi32>
        %mul3A_831 = arith.muli %iota3A, %mul3A_830 : vector<16xi32>
        %add3A_832 = vector.broadcast %add3A_828 : i32 to vector<16xi32>
        %add3A_833 = arith.addi %mul3A_831, %add3A_832 : vector<16xi32>
        %add3A_834 = arith.constant 128 : i32
        %add3A_835 = arith.addi %add3A_834, %add3A_828 : i32
        %get3A_836 = arith.constant 1 : i32
        %get3A_837 = arith.index_cast %get3A_836 : i32 to index
        %get3A_838 = arith.index_cast %add3A_835 : i32 to index
        %get3A_839 = arith.constant 0 : index
        %get3A_840 = tpu.vector_load %arg7[%get3A_837, %get3A_838, %get3A_839] {strides = array<i32>} : memref<4x256x32xf32, #tpu.memory_space<vmem>>, vector<16xf32>,
        %add3A_841 = arith.addf %get3A_840, %get3A_334 : vector<16xf32>
        %add3A_842 = arith.constant 128 : i32
        %add3A_843 = arith.addi %add3A_842, %add3A_828 : i32
        %get3A_844 = arith.constant 1 : i32
        %get3A_845 = arith.index_cast %get3A_844 : i32 to index
        %get3A_846 = arith.index_cast %add3A_843 : i32 to index
        %get3A_847 = arith.constant 16 : index
        %get3A_848 = tpu.vector_load %arg7[%get3A_845, %get3A_846, %get3A_847] {strides = array<i32>} : memref<4x256x32xf32, #tpu.memory_space<vmem>>, vector<16xf32>,
        %add3A_849 = arith.addf %get3A_848, %get3A_337 : vector<16xf32>
        %scatter3A_850 = arith.constant 1 : i32
        %scatter3A_851 = arith.constant 0 : i32
        %scatter3A_852 = arith.constant 0 : i32
        %scatter3A_853 = arith.constant 0 : i32
        %scatter3A_854 = tpu.memref_slice %arg9[%scatter3A_850, %scatter3A_851, %scatter3A_852, %scatter3A_853] : memref<2x4x8x129xf32, #tpu.memory_space<vmem>> -> memref<1x4x8x129xf32, #tpu.memory_space<vmem>>
        %scatter3A_855 = tpu.memref_squeeze %scatter3A_854 : memref<1x4x8x129xf32, #tpu.memory_space<vmem>> -> memref<4x8x129xf32, #tpu.memory_space<vmem>>
        tpu.vector_store_idx %scatter3A_855[%shift_right_arithmetic3A_6, %and3A_4, %add3A_833], %add3A_841 : memref<4x8x129xf32, #tpu.memory_space<vmem>>[vector<16xi32>, vector<16xi32>, vector<16xi32>], vector<16xf32>,
        %scatter3A_856 = arith.constant 1 : i32
        %scatter3A_857 = arith.constant 0 : i32
        %scatter3A_858 = arith.constant 0 : i32
        %scatter3A_859 = arith.constant 0 : i32
        %scatter3A_860 = tpu.memref_slice %arg9[%scatter3A_856, %scatter3A_857, %scatter3A_858, %scatter3A_859] : memref<2x4x8x129xf32, #tpu.memory_space<vmem>> -> memref<1x4x8x129xf32, #tpu.memory_space<vmem>>
        %scatter3A_861 = tpu.memref_squeeze %scatter3A_860 : memref<1x4x8x129xf32, #tpu.memory_space<vmem>> -> memref<4x8x129xf32, #tpu.memory_space<vmem>>
        tpu.vector_store_idx %scatter3A_861[%add3A_9, %and3A_4, %add3A_833], %add3A_849 : memref<4x8x129xf32, #tpu.memory_space<vmem>>[vector<16xi32>, vector<16xi32>, vector<16xi32>], vector<16xf32>,
        %mul3A_862 = arith.constant 8 : i32
        %mul3A_863 = arith.muli %scan3A_603, %mul3A_862 : i32
        %add3A_864 = arith.constant 7 : i32
        %add3A_865 = arith.addi %mul3A_863, %add3A_864 : i32
        %mul3A_866 = arith.constant 0 : i32
        %mul3A_867 = vector.broadcast %mul3A_866 : i32 to vector<16xi32>
        %mul3A_868 = arith.muli %iota3A, %mul3A_867 : vector<16xi32>
        %add3A_869 = vector.broadcast %add3A_865 : i32 to vector<16xi32>
        %add3A_870 = arith.addi %mul3A_868, %add3A_869 : vector<16xi32>
        %add3A_871 = arith.constant 128 : i32
        %add3A_872 = arith.addi %add3A_871, %add3A_865 : i32
        %get3A_873 = arith.constant 1 : i32
        %get3A_874 = arith.index_cast %get3A_873 : i32 to index
        %get3A_875 = arith.index_cast %add3A_872 : i32 to index
        %get3A_876 = arith.constant 0 : index
        %get3A_877 = tpu.vector_load %arg7[%get3A_874, %get3A_875, %get3A_876] {strides = array<i32>} : memref<4x256x32xf32, #tpu.memory_space<vmem>>, vector<16xf32>,
        %add3A_878 = arith.addf %get3A_877, %get3A_334 : vector<16xf32>
        %add3A_879 = arith.constant 128 : i32
        %add3A_880 = arith.addi %add3A_879, %add3A_865 : i32
        %get3A_881 = arith.constant 1 : i32
        %get3A_882 = arith.index_cast %get3A_881 : i32 to index
        %get3A_883 = arith.index_cast %add3A_880 : i32 to index
        %get3A_884 = arith.constant 16 : index
        %get3A_885 = tpu.vector_load %arg7[%get3A_882, %get3A_883, %get3A_884] {strides = array<i32>} : memref<4x256x32xf32, #tpu.memory_space<vmem>>, vector<16xf32>,
        %add3A_886 = arith.addf %get3A_885, %get3A_337 : vector<16xf32>
        %scatter3A_887 = arith.constant 1 : i32
        %scatter3A_888 = arith.constant 0 : i32
        %scatter3A_889 = arith.constant 0 : i32
        %scatter3A_890 = arith.constant 0 : i32
        %scatter3A_891 = tpu.memref_slice %arg9[%scatter3A_887, %scatter3A_888, %scatter3A_889, %scatter3A_890] : memref<2x4x8x129xf32, #tpu.memory_space<vmem>> -> memref<1x4x8x129xf32, #tpu.memory_space<vmem>>
        %scatter3A_892 = tpu.memref_squeeze %scatter3A_891 : memref<1x4x8x129xf32, #tpu.memory_space<vmem>> -> memref<4x8x129xf32, #tpu.memory_space<vmem>>
        tpu.vector_store_idx %scatter3A_892[%shift_right_arithmetic3A_6, %and3A_4, %add3A_870], %add3A_878 : memref<4x8x129xf32, #tpu.memory_space<vmem>>[vector<16xi32>, vector<16xi32>, vector<16xi32>], vector<16xf32>,
        %scatter3A_893 = arith.constant 1 : i32
        %scatter3A_894 = arith.constant 0 : i32
        %scatter3A_895 = arith.constant 0 : i32
        %scatter3A_896 = arith.constant 0 : i32
        %scatter3A_897 = tpu.memref_slice %arg9[%scatter3A_893, %scatter3A_894, %scatter3A_895, %scatter3A_896] : memref<2x4x8x129xf32, #tpu.memory_space<vmem>> -> memref<1x4x8x129xf32, #tpu.memory_space<vmem>>
        %scatter3A_898 = tpu.memref_squeeze %scatter3A_897 : memref<1x4x8x129xf32, #tpu.memory_space<vmem>> -> memref<4x8x129xf32, #tpu.memory_space<vmem>>
        tpu.vector_store_idx %scatter3A_898[%add3A_9, %and3A_4, %add3A_870], %add3A_886 : memref<4x8x129xf32, #tpu.memory_space<vmem>>[vector<16xi32>, vector<16xi32>, vector<16xi32>], vector<16xf32>,
      }
      %scan3A_343 = arith.constant 16 : i32
      %lt3A_344 = arith.constant 24 : i32
      %lt3A_345 = arith.cmpi slt, %scan3A_179, %lt3A_344 : i32
      %convert_element_type3A_346 = arith.extui %lt3A_345 : i1 to i32
      %cond3A_347 = arith.constant 0 : i32
      %cond3A_348 = arith.cmpi ne, %convert_element_type3A_346, %cond3A_347 : i32
      scf.if %cond3A_348 {
        %add3A_603 = arith.constant 4 : i32
        %add3A_604 = arith.addi %add3A_276, %add3A_603 : i32
        %mul3A_605 = arith.constant 2 : i32
        %mul3A_606 = arith.muli %mul3A_605, %add3A_604 : i32
        %add3A_607 = arith.constant 0 : i32
        %add3A_608 = arith.addi %mul3A_606, %add3A_607 : i32
        %dma_start3A_609 = arith.constant 1 : i32
        %dma_start3A_610 = arith.constant 0 : i32
        %dma_start3A_611 = arith.constant 0 : i32
        %dma_start3A_612 = tpu.memref_slice %arg7[%dma_start3A_609, %dma_start3A_610, %dma_start3A_611] : memref<4x256x32xf32, #tpu.memory_space<vmem>> -> memref<1x256x32xf32, #tpu.memory_space<vmem>>
        %dma_start3A_613 = tpu.memref_squeeze %dma_start3A_612 : memref<1x256x32xf32, #tpu.memory_space<vmem>> -> memref<256x32xf32, #tpu.memory_space<vmem>>
        %dma_start3A_614 = arith.constant 0 : i32
        %dma_start3A_615 = arith.constant 0 : i32
        %dma_start3A_616 = tpu.memref_slice %dma_start3A_613[%dma_start3A_614, %dma_start3A_615] : memref<256x32xf32, #tpu.memory_space<vmem>> -> memref<128x32xf32, #tpu.memory_space<vmem>>
        %dma_start3A_617 = arith.constant 0 : i32
        %dma_start3A_618 = tpu.memref_slice %arg6[%add3A_608, %dma_start3A_617] : memref<200x128xi32, #tpu.memory_space<vmem>> -> memref<1x128xi32, #tpu.memory_space<vmem>>
        %dma_start3A_619 = tpu.memref_squeeze %dma_start3A_618 : memref<1x128xi32, #tpu.memory_space<vmem>> -> memref<128xi32, #tpu.memory_space<vmem>>
        %dma_start3A_620 = arith.constant 0 : i32
        %dma_start3A_621 = arith.constant 0 : i32
        %dma_start3A_622 = tpu.memref_slice %arg3[%dma_start3A_620, %dma_start3A_621] : memref<100000x32xf32, #tpu.memory_space<hbm>> -> memref<100000x32xf32, #tpu.memory_space<hbm>>
        tpu.enqueue_indirect_dma source(%dma_start3A_622 : memref<100000x32xf32, #tpu.memory_space<hbm>>) target(%dma_start3A_616 : memref<128x32xf32, #tpu.memory_space<vmem>>) offsets(%dma_start3A_619 : memref<128xi32, #tpu.memory_space<vmem>>) semaphore(%arg12 : memref<!tpu.dma_semaphore, #tpu.memory_space<semaphore_mem>>)
        %mul3A_623 = arith.constant 2 : i32
        %mul3A_624 = arith.muli %mul3A_623, %add3A_604 : i32
        %add3A_625 = arith.constant 1 : i32
        %add3A_626 = arith.addi %mul3A_624, %add3A_625 : i32
        %dma_start3A_627 = arith.constant 1 : i32
        %dma_start3A_628 = arith.constant 0 : i32
        %dma_start3A_629 = arith.constant 0 : i32
        %dma_start3A_630 = tpu.memref_slice %arg7[%dma_start3A_627, %dma_start3A_628, %dma_start3A_629] : memref<4x256x32xf32, #tpu.memory_space<vmem>> -> memref<1x256x32xf32, #tpu.memory_space<vmem>>
        %dma_start3A_631 = tpu.memref_squeeze %dma_start3A_630 : memref<1x256x32xf32, #tpu.memory_space<vmem>> -> memref<256x32xf32, #tpu.memory_space<vmem>>
        %dma_start3A_632 = arith.constant 128 : i32
        %dma_start3A_633 = arith.constant 0 : i32
        %dma_start3A_634 = tpu.memref_slice %dma_start3A_631[%dma_start3A_632, %dma_start3A_633] : memref<256x32xf32, #tpu.memory_space<vmem>> -> memref<128x32xf32, #tpu.memory_space<vmem>>
        %dma_start3A_635 = arith.constant 0 : i32
        %dma_start3A_636 = tpu.memref_slice %arg6[%add3A_626, %dma_start3A_635] : memref<200x128xi32, #tpu.memory_space<vmem>> -> memref<1x128xi32, #tpu.memory_space<vmem>>
        %dma_start3A_637 = tpu.memref_squeeze %dma_start3A_636 : memref<1x128xi32, #tpu.memory_space<vmem>> -> memref<128xi32, #tpu.memory_space<vmem>>
        %dma_start3A_638 = arith.constant 0 : i32
        %dma_start3A_639 = arith.constant 0 : i32
        %dma_start3A_640 = tpu.memref_slice %arg3[%dma_start3A_638, %dma_start3A_639] : memref<100000x32xf32, #tpu.memory_space<hbm>> -> memref<100000x32xf32, #tpu.memory_space<hbm>>
        tpu.enqueue_indirect_dma source(%dma_start3A_640 : memref<100000x32xf32, #tpu.memory_space<hbm>>) target(%dma_start3A_634 : memref<128x32xf32, #tpu.memory_space<vmem>>) offsets(%dma_start3A_637 : memref<128xi32, #tpu.memory_space<vmem>>) semaphore(%arg12 : memref<!tpu.dma_semaphore, #tpu.memory_space<semaphore_mem>>)
      } else {
      }
      %mul3A_349 = arith.constant 2 : i32
      %mul3A_350 = arith.muli %mul3A_349, %add3A_276 : i32
      %dma_start3A_351 = arith.constant 0 : i32
      %dma_start3A_352 = arith.constant 0 : i32
      %dma_start3A_353 = arith.constant 0 : i32
      %dma_start3A_354 = arith.constant 0 : i32
      %dma_start3A_355 = tpu.memref_slice %arg9[%dma_start3A_351, %dma_start3A_352, %dma_start3A_353, %dma_start3A_354] : memref<2x4x8x129xf32, #tpu.memory_space<vmem>> -> memref<2x4x8x128xf32, #tpu.memory_space<vmem>>
      %dma_start3A_356 = arith.constant 0 : i32
      %dma_start3A_357 = arith.constant 0 : i32
      %dma_start3A_358 = arith.constant 0 : i32
      %dma_start3A_359 = tpu.memref_slice %arg5[%mul3A_350, %dma_start3A_356, %add3A, %dma_start3A_357, %dma_start3A_358] : memref<200x4x32x8x128xf32, #tpu.memory_space<hbm>> -> memref<2x4x1x8x128xf32, #tpu.memory_space<hbm>>
      %dma_start3A_360 = tpu.memref_squeeze %dma_start3A_359 : memref<2x4x1x8x128xf32, #tpu.memory_space<hbm>> -> memref<2x4x8x128xf32, #tpu.memory_space<hbm>>
      %dma_start3A_361 = arith.constant 0 : i32
      %dma_start3A_362 = arith.constant 0 : i32
      %dma_start3A_363 = arith.constant 0 : i32
      %dma_start3A_364 = tpu.memref_slice %arg5[%mul3A_350, %dma_start3A_361, %add3A, %dma_start3A_362, %dma_start3A_363] : memref<200x4x32x8x128xf32, #tpu.memory_space<hbm>> -> memref<2x4x1x8x128xf32, #tpu.memory_space<hbm>>
      %dma_start3A_365 = tpu.memref_squeeze %dma_start3A_364 : memref<2x4x1x8x128xf32, #tpu.memory_space<hbm>> -> memref<2x4x8x128xf32, #tpu.memory_space<hbm>>
      %dma_start3A_366 = arith.constant 0 : i32
      %dma_start3A_367 = arith.constant 0 : i32
      %dma_start3A_368 = arith.constant 0 : i32
      %dma_start3A_369 = arith.constant 0 : i32
      %dma_start3A_370 = tpu.memref_slice %arg9[%dma_start3A_366, %dma_start3A_367, %dma_start3A_368, %dma_start3A_369] : memref<2x4x8x129xf32, #tpu.memory_space<vmem>> -> memref<2x4x8x128xf32, #tpu.memory_space<vmem>>
      tpu.enqueue_dma source(%dma_start3A_370 : memref<2x4x8x128xf32, #tpu.memory_space<vmem>>) target(%dma_start3A_365 : memref<2x4x8x128xf32, #tpu.memory_space<hbm>>) target_semaphore(%arg16 : memref<!tpu.dma_semaphore, #tpu.memory_space<semaphore_mem>>)
      %mul3A_371 = arith.constant 4 : i32
      %mul3A_372 = arith.muli %scan3A_179, %mul3A_371 : i32
      %add3A_373 = arith.constant 2 : i32
      %add3A_374 = arith.addi %mul3A_372, %add3A_373 : i32
      %dma_wait3A_375 = arith.constant 0 : i32
      %dma_wait3A_376 = arith.constant 2 : i32
      %dma_wait3A_377 = arith.constant 0 : i32
      %dma_wait3A_378 = arith.constant 0 : i32
      %dma_wait3A_379 = tpu.memref_slice %arg7[%dma_wait3A_376, %dma_wait3A_377, %dma_wait3A_378] : memref<4x256x32xf32, #tpu.memory_space<vmem>> -> memref<1x256x32xf32, #tpu.memory_space<vmem>>
      %dma_wait3A_380 = tpu.memref_squeeze %dma_wait3A_379 : memref<1x256x32xf32, #tpu.memory_space<vmem>> -> memref<256x32xf32, #tpu.memory_space<vmem>>
      %dma_wait3A_381 = arith.constant 0 : i32
      %dma_wait3A_382 = arith.constant 0 : i32
      %dma_wait3A_383 = tpu.memref_slice %dma_wait3A_380[%dma_wait3A_381, %dma_wait3A_382] : memref<256x32xf32, #tpu.memory_space<vmem>> -> memref<128x32xf32, #tpu.memory_space<vmem>>
      %dma_wait3A_384 = arith.constant 0 : i32
      %dma_wait3A_385 = tpu.memref_slice %arg6[%dma_wait3A_375, %dma_wait3A_384] : memref<200x128xi32, #tpu.memory_space<vmem>> -> memref<1x128xi32, #tpu.memory_space<vmem>>
      %dma_wait3A_386 = tpu.memref_squeeze %dma_wait3A_385 : memref<1x128xi32, #tpu.memory_space<vmem>> -> memref<128xi32, #tpu.memory_space<vmem>>
      %dma_wait3A_387 = arith.constant 0 : i32
      %dma_wait3A_388 = arith.constant 0 : i32
      %dma_wait3A_389 = tpu.memref_slice %arg3[%dma_wait3A_387, %dma_wait3A_388] : memref<100000x32xf32, #tpu.memory_space<hbm>> -> memref<100000x32xf32, #tpu.memory_space<hbm>>
      tpu.wait_indirect_dma semaphore(%arg13 : memref<!tpu.dma_semaphore, #tpu.memory_space<semaphore_mem>>) src(%dma_wait3A_389 : memref<100000x32xf32, #tpu.memory_space<hbm>>) dst(%dma_wait3A_383 : memref<128x32xf32, #tpu.memory_space<vmem>>)
      %dma_wait3A_390 = arith.constant 0 : i32
      %dma_wait3A_391 = arith.constant 2 : i32
      %dma_wait3A_392 = arith.constant 0 : i32
      %dma_wait3A_393 = arith.constant 0 : i32
      %dma_wait3A_394 = tpu.memref_slice %arg7[%dma_wait3A_391, %dma_wait3A_392, %dma_wait3A_393] : memref<4x256x32xf32, #tpu.memory_space<vmem>> -> memref<1x256x32xf32, #tpu.memory_space<vmem>>
      %dma_wait3A_395 = tpu.memref_squeeze %dma_wait3A_394 : memref<1x256x32xf32, #tpu.memory_space<vmem>> -> memref<256x32xf32, #tpu.memory_space<vmem>>
      %dma_wait3A_396 = arith.constant 0 : i32
      %dma_wait3A_397 = arith.constant 0 : i32
      %dma_wait3A_398 = tpu.memref_slice %dma_wait3A_395[%dma_wait3A_396, %dma_wait3A_397] : memref<256x32xf32, #tpu.memory_space<vmem>> -> memref<128x32xf32, #tpu.memory_space<vmem>>
      %dma_wait3A_399 = arith.constant 0 : i32
      %dma_wait3A_400 = tpu.memref_slice %arg6[%dma_wait3A_390, %dma_wait3A_399] : memref<200x128xi32, #tpu.memory_space<vmem>> -> memref<1x128xi32, #tpu.memory_space<vmem>>
      %dma_wait3A_401 = tpu.memref_squeeze %dma_wait3A_400 : memref<1x128xi32, #tpu.memory_space<vmem>> -> memref<128xi32, #tpu.memory_space<vmem>>
      %dma_wait3A_402 = arith.constant 0 : i32
      %dma_wait3A_403 = arith.constant 0 : i32
      %dma_wait3A_404 = tpu.memref_slice %arg3[%dma_wait3A_402, %dma_wait3A_403] : memref<100000x32xf32, #tpu.memory_space<hbm>> -> memref<100000x32xf32, #tpu.memory_space<hbm>>
      tpu.wait_indirect_dma semaphore(%arg13 : memref<!tpu.dma_semaphore, #tpu.memory_space<semaphore_mem>>) src(%dma_wait3A_404 : memref<100000x32xf32, #tpu.memory_space<hbm>>) dst(%dma_wait3A_398 : memref<128x32xf32, #tpu.memory_space<vmem>>)
      %dma_wait3A_405 = arith.constant 0 : i32
      %dma_wait3A_406 = arith.constant 0 : i32
      %dma_wait3A_407 = arith.constant 0 : i32
      %dma_wait3A_408 = arith.constant 0 : i32
      %dma_wait3A_409 = arith.constant 0 : i32
      %dma_wait3A_410 = tpu.memref_slice %arg8[%dma_wait3A_406, %dma_wait3A_407, %dma_wait3A_408, %dma_wait3A_409] : memref<2x4x8x129xf32, #tpu.memory_space<vmem>> -> memref<2x4x8x128xf32, #tpu.memory_space<vmem>>
      %dma_wait3A_411 = arith.constant 0 : i32
      %dma_wait3A_412 = arith.constant 0 : i32
      %dma_wait3A_413 = arith.constant 0 : i32
      %dma_wait3A_414 = arith.constant 0 : i32
      %dma_wait3A_415 = tpu.memref_slice %arg5[%dma_wait3A_411, %dma_wait3A_412, %dma_wait3A_405, %dma_wait3A_413, %dma_wait3A_414] : memref<200x4x32x8x128xf32, #tpu.memory_space<hbm>> -> memref<2x4x1x8x128xf32, #tpu.memory_space<hbm>>
      %dma_wait3A_416 = tpu.memref_squeeze %dma_wait3A_415 : memref<2x4x1x8x128xf32, #tpu.memory_space<hbm>> -> memref<2x4x8x128xf32, #tpu.memory_space<hbm>>
      %dma_wait3A_417 = arith.constant 0 : i32
      %dma_wait3A_418 = arith.constant 0 : i32
      %dma_wait3A_419 = arith.constant 0 : i32
      %dma_wait3A_420 = arith.constant 0 : i32
      %dma_wait3A_421 = tpu.memref_slice %arg5[%dma_wait3A_417, %dma_wait3A_418, %dma_wait3A_405, %dma_wait3A_419, %dma_wait3A_420] : memref<200x4x32x8x128xf32, #tpu.memory_space<hbm>> -> memref<2x4x1x8x128xf32, #tpu.memory_space<hbm>>
      %dma_wait3A_422 = tpu.memref_squeeze %dma_wait3A_421 : memref<2x4x1x8x128xf32, #tpu.memory_space<hbm>> -> memref<2x4x8x128xf32, #tpu.memory_space<hbm>>
      %dma_wait3A_423 = arith.constant 0 : i32
      %dma_wait3A_424 = arith.constant 0 : i32
      %dma_wait3A_425 = arith.constant 0 : i32
      %dma_wait3A_426 = arith.constant 0 : i32
      %dma_wait3A_427 = tpu.memref_slice %arg8[%dma_wait3A_423, %dma_wait3A_424, %dma_wait3A_425, %dma_wait3A_426] : memref<2x4x8x129xf32, #tpu.memory_space<vmem>> -> memref<2x4x8x128xf32, #tpu.memory_space<vmem>>
      tpu.wait_dma2 semaphore(%arg15 : memref<!tpu.dma_semaphore, #tpu.memory_space<semaphore_mem>>) src(%dma_wait3A_427 : memref<2x4x8x128xf32, #tpu.memory_space<vmem>>) dst(%dma_wait3A_422 : memref<2x4x8x128xf32, #tpu.memory_space<hbm>>)
      %mul3A_428 = arith.constant 2 : i32
      %mul3A_429 = arith.muli %mul3A_428, %add3A_374 : i32
      %add3A_430 = arith.constant 0 : i32
      %add3A_431 = arith.addi %mul3A_429, %add3A_430 : i32
      %get3A_432 = arith.index_cast %add3A_431 : i32 to index
      %get3A_433 = arith.constant 0 : index
      %get3A_434 = tpu.vector_load %arg10[%get3A_432, %get3A_433] {strides = array<i32>} : memref<200x32xf32, #tpu.memory_space<vmem>>, vector<16xf32>,
      %get3A_435 = arith.index_cast %add3A_431 : i32 to index
      %get3A_436 = arith.constant 16 : index
      %get3A_437 = tpu.vector_load %arg10[%get3A_435, %get3A_436] {strides = array<i32>} : memref<200x32xf32, #tpu.memory_space<vmem>>, vector<16xf32>,
      %scan3A_438 = arith.constant 0 : i32
      %scan3A_439 = arith.constant 0 : i32
      %scan3A_440 = arith.constant 16 : i32
      %scan3A_441 = arith.addi %scan3A_439, %scan3A_440 : i32
      %scan3A_442 = arith.constant 1 : i32
      scf.for %scan3A_603 = %scan3A_439 to %scan3A_441 step %scan3A_442  : i32 {
        %mul3A_604 = arith.constant 8 : i32
        %mul3A_605 = arith.muli %scan3A_603, %mul3A_604 : i32
        %add3A_606 = arith.constant 0 : i32
        %add3A_607 = arith.addi %mul3A_605, %add3A_606 : i32
        %mul3A_608 = arith.constant 0 : i32
        %mul3A_609 = vector.broadcast %mul3A_608 : i32 to vector<16xi32>
        %mul3A_610 = arith.muli %iota3A, %mul3A_609 : vector<16xi32>
        %add3A_611 = vector.broadcast %add3A_607 : i32 to vector<16xi32>
        %add3A_612 = arith.addi %mul3A_610, %add3A_611 : vector<16xi32>
        %add3A_613 = arith.constant 0 : i32
        %add3A_614 = arith.addi %add3A_613, %add3A_607 : i32
        %get3A_615 = arith.constant 2 : i32
        %get3A_616 = arith.index_cast %get3A_615 : i32 to index
        %get3A_617 = arith.index_cast %add3A_614 : i32 to index
        %get3A_618 = arith.constant 0 : index
        %get3A_619 = tpu.vector_load %arg7[%get3A_616, %get3A_617, %get3A_618] {strides = array<i32>} : memref<4x256x32xf32, #tpu.memory_space<vmem>>, vector<16xf32>,
        %add3A_620 = arith.addf %get3A_619, %get3A_434 : vector<16xf32>
        %add3A_621 = arith.constant 0 : i32
        %add3A_622 = arith.addi %add3A_621, %add3A_607 : i32
        %get3A_623 = arith.constant 2 : i32
        %get3A_624 = arith.index_cast %get3A_623 : i32 to index
        %get3A_625 = arith.index_cast %add3A_622 : i32 to index
        %get3A_626 = arith.constant 16 : index
        %get3A_627 = tpu.vector_load %arg7[%get3A_624, %get3A_625, %get3A_626] {strides = array<i32>} : memref<4x256x32xf32, #tpu.memory_space<vmem>>, vector<16xf32>,
        %add3A_628 = arith.addf %get3A_627, %get3A_437 : vector<16xf32>
        %scatter3A = arith.constant 0 : i32
        %scatter3A_629 = arith.constant 0 : i32
        %scatter3A_630 = arith.constant 0 : i32
        %scatter3A_631 = arith.constant 0 : i32
        %scatter3A_632 = tpu.memref_slice %arg8[%scatter3A, %scatter3A_629, %scatter3A_630, %scatter3A_631] : memref<2x4x8x129xf32, #tpu.memory_space<vmem>> -> memref<1x4x8x129xf32, #tpu.memory_space<vmem>>
        %scatter3A_633 = tpu.memref_squeeze %scatter3A_632 : memref<1x4x8x129xf32, #tpu.memory_space<vmem>> -> memref<4x8x129xf32, #tpu.memory_space<vmem>>
        tpu.vector_store_idx %scatter3A_633[%shift_right_arithmetic3A_6, %and3A_4, %add3A_612], %add3A_620 : memref<4x8x129xf32, #tpu.memory_space<vmem>>[vector<16xi32>, vector<16xi32>, vector<16xi32>], vector<16xf32>,
        %scatter3A_634 = arith.constant 0 : i32
        %scatter3A_635 = arith.constant 0 : i32
        %scatter3A_636 = arith.constant 0 : i32
        %scatter3A_637 = arith.constant 0 : i32
        %scatter3A_638 = tpu.memref_slice %arg8[%scatter3A_634, %scatter3A_635, %scatter3A_636, %scatter3A_637] : memref<2x4x8x129xf32, #tpu.memory_space<vmem>> -> memref<1x4x8x129xf32, #tpu.memory_space<vmem>>
        %scatter3A_639 = tpu.memref_squeeze %scatter3A_638 : memref<1x4x8x129xf32, #tpu.memory_space<vmem>> -> memref<4x8x129xf32, #tpu.memory_space<vmem>>
        tpu.vector_store_idx %scatter3A_639[%add3A_9, %and3A_4, %add3A_612], %add3A_628 : memref<4x8x129xf32, #tpu.memory_space<vmem>>[vector<16xi32>, vector<16xi32>, vector<16xi32>], vector<16xf32>,
        %mul3A_640 = arith.constant 8 : i32
        %mul3A_641 = arith.muli %scan3A_603, %mul3A_640 : i32
        %add3A_642 = arith.constant 1 : i32
        %add3A_643 = arith.addi %mul3A_641, %add3A_642 : i32
        %mul3A_644 = arith.constant 0 : i32
        %mul3A_645 = vector.broadcast %mul3A_644 : i32 to vector<16xi32>
        %mul3A_646 = arith.muli %iota3A, %mul3A_645 : vector<16xi32>
        %add3A_647 = vector.broadcast %add3A_643 : i32 to vector<16xi32>
        %add3A_648 = arith.addi %mul3A_646, %add3A_647 : vector<16xi32>
        %add3A_649 = arith.constant 0 : i32
        %add3A_650 = arith.addi %add3A_649, %add3A_643 : i32
        %get3A_651 = arith.constant 2 : i32
        %get3A_652 = arith.index_cast %get3A_651 : i32 to index
        %get3A_653 = arith.index_cast %add3A_650 : i32 to index
        %get3A_654 = arith.constant 0 : index
        %get3A_655 = tpu.vector_load %arg7[%get3A_652, %get3A_653, %get3A_654] {strides = array<i32>} : memref<4x256x32xf32, #tpu.memory_space<vmem>>, vector<16xf32>,
        %add3A_656 = arith.addf %get3A_655, %get3A_434 : vector<16xf32>
        %add3A_657 = arith.constant 0 : i32
        %add3A_658 = arith.addi %add3A_657, %add3A_643 : i32
        %get3A_659 = arith.constant 2 : i32
        %get3A_660 = arith.index_cast %get3A_659 : i32 to index
        %get3A_661 = arith.index_cast %add3A_658 : i32 to index
        %get3A_662 = arith.constant 16 : index
        %get3A_663 = tpu.vector_load %arg7[%get3A_660, %get3A_661, %get3A_662] {strides = array<i32>} : memref<4x256x32xf32, #tpu.memory_space<vmem>>, vector<16xf32>,
        %add3A_664 = arith.addf %get3A_663, %get3A_437 : vector<16xf32>
        %scatter3A_665 = arith.constant 0 : i32
        %scatter3A_666 = arith.constant 0 : i32
        %scatter3A_667 = arith.constant 0 : i32
        %scatter3A_668 = arith.constant 0 : i32
        %scatter3A_669 = tpu.memref_slice %arg8[%scatter3A_665, %scatter3A_666, %scatter3A_667, %scatter3A_668] : memref<2x4x8x129xf32, #tpu.memory_space<vmem>> -> memref<1x4x8x129xf32, #tpu.memory_space<vmem>>
        %scatter3A_670 = tpu.memref_squeeze %scatter3A_669 : memref<1x4x8x129xf32, #tpu.memory_space<vmem>> -> memref<4x8x129xf32, #tpu.memory_space<vmem>>
        tpu.vector_store_idx %scatter3A_670[%shift_right_arithmetic3A_6, %and3A_4, %add3A_648], %add3A_656 : memref<4x8x129xf32, #tpu.memory_space<vmem>>[vector<16xi32>, vector<16xi32>, vector<16xi32>], vector<16xf32>,
        %scatter3A_671 = arith.constant 0 : i32
        %scatter3A_672 = arith.constant 0 : i32
        %scatter3A_673 = arith.constant 0 : i32
        %scatter3A_674 = arith.constant 0 : i32
        %scatter3A_675 = tpu.memref_slice %arg8[%scatter3A_671, %scatter3A_672, %scatter3A_673, %scatter3A_674] : memref<2x4x8x129xf32, #tpu.memory_space<vmem>> -> memref<1x4x8x129xf32, #tpu.memory_space<vmem>>
        %scatter3A_676 = tpu.memref_squeeze %scatter3A_675 : memref<1x4x8x129xf32, #tpu.memory_space<vmem>> -> memref<4x8x129xf32, #tpu.memory_space<vmem>>
        tpu.vector_store_idx %scatter3A_676[%add3A_9, %and3A_4, %add3A_648], %add3A_664 : memref<4x8x129xf32, #tpu.memory_space<vmem>>[vector<16xi32>, vector<16xi32>, vector<16xi32>], vector<16xf32>,
        %mul3A_677 = arith.constant 8 : i32
        %mul3A_678 = arith.muli %scan3A_603, %mul3A_677 : i32
        %add3A_679 = arith.constant 2 : i32
        %add3A_680 = arith.addi %mul3A_678, %add3A_679 : i32
        %mul3A_681 = arith.constant 0 : i32
        %mul3A_682 = vector.broadcast %mul3A_681 : i32 to vector<16xi32>
        %mul3A_683 = arith.muli %iota3A, %mul3A_682 : vector<16xi32>
        %add3A_684 = vector.broadcast %add3A_680 : i32 to vector<16xi32>
        %add3A_685 = arith.addi %mul3A_683, %add3A_684 : vector<16xi32>
        %add3A_686 = arith.constant 0 : i32
        %add3A_687 = arith.addi %add3A_686, %add3A_680 : i32
        %get3A_688 = arith.constant 2 : i32
        %get3A_689 = arith.index_cast %get3A_688 : i32 to index
        %get3A_690 = arith.index_cast %add3A_687 : i32 to index
        %get3A_691 = arith.constant 0 : index
        %get3A_692 = tpu.vector_load %arg7[%get3A_689, %get3A_690, %get3A_691] {strides = array<i32>} : memref<4x256x32xf32, #tpu.memory_space<vmem>>, vector<16xf32>,
        %add3A_693 = arith.addf %get3A_692, %get3A_434 : vector<16xf32>
        %add3A_694 = arith.constant 0 : i32
        %add3A_695 = arith.addi %add3A_694, %add3A_680 : i32
        %get3A_696 = arith.constant 2 : i32
        %get3A_697 = arith.index_cast %get3A_696 : i32 to index
        %get3A_698 = arith.index_cast %add3A_695 : i32 to index
        %get3A_699 = arith.constant 16 : index
        %get3A_700 = tpu.vector_load %arg7[%get3A_697, %get3A_698, %get3A_699] {strides = array<i32>} : memref<4x256x32xf32, #tpu.memory_space<vmem>>, vector<16xf32>,
        %add3A_701 = arith.addf %get3A_700, %get3A_437 : vector<16xf32>
        %scatter3A_702 = arith.constant 0 : i32
        %scatter3A_703 = arith.constant 0 : i32
        %scatter3A_704 = arith.constant 0 : i32
        %scatter3A_705 = arith.constant 0 : i32
        %scatter3A_706 = tpu.memref_slice %arg8[%scatter3A_702, %scatter3A_703, %scatter3A_704, %scatter3A_705] : memref<2x4x8x129xf32, #tpu.memory_space<vmem>> -> memref<1x4x8x129xf32, #tpu.memory_space<vmem>>
        %scatter3A_707 = tpu.memref_squeeze %scatter3A_706 : memref<1x4x8x129xf32, #tpu.memory_space<vmem>> -> memref<4x8x129xf32, #tpu.memory_space<vmem>>
        tpu.vector_store_idx %scatter3A_707[%shift_right_arithmetic3A_6, %and3A_4, %add3A_685], %add3A_693 : memref<4x8x129xf32, #tpu.memory_space<vmem>>[vector<16xi32>, vector<16xi32>, vector<16xi32>], vector<16xf32>,
        %scatter3A_708 = arith.constant 0 : i32
        %scatter3A_709 = arith.constant 0 : i32
        %scatter3A_710 = arith.constant 0 : i32
        %scatter3A_711 = arith.constant 0 : i32
        %scatter3A_712 = tpu.memref_slice %arg8[%scatter3A_708, %scatter3A_709, %scatter3A_710, %scatter3A_711] : memref<2x4x8x129xf32, #tpu.memory_space<vmem>> -> memref<1x4x8x129xf32, #tpu.memory_space<vmem>>
        %scatter3A_713 = tpu.memref_squeeze %scatter3A_712 : memref<1x4x8x129xf32, #tpu.memory_space<vmem>> -> memref<4x8x129xf32, #tpu.memory_space<vmem>>
        tpu.vector_store_idx %scatter3A_713[%add3A_9, %and3A_4, %add3A_685], %add3A_701 : memref<4x8x129xf32, #tpu.memory_space<vmem>>[vector<16xi32>, vector<16xi32>, vector<16xi32>], vector<16xf32>,
        %mul3A_714 = arith.constant 8 : i32
        %mul3A_715 = arith.muli %scan3A_603, %mul3A_714 : i32
        %add3A_716 = arith.constant 3 : i32
        %add3A_717 = arith.addi %mul3A_715, %add3A_716 : i32
        %mul3A_718 = arith.constant 0 : i32
        %mul3A_719 = vector.broadcast %mul3A_718 : i32 to vector<16xi32>
        %mul3A_720 = arith.muli %iota3A, %mul3A_719 : vector<16xi32>
        %add3A_721 = vector.broadcast %add3A_717 : i32 to vector<16xi32>
        %add3A_722 = arith.addi %mul3A_720, %add3A_721 : vector<16xi32>
        %add3A_723 = arith.constant 0 : i32
        %add3A_724 = arith.addi %add3A_723, %add3A_717 : i32
        %get3A_725 = arith.constant 2 : i32
        %get3A_726 = arith.index_cast %get3A_725 : i32 to index
        %get3A_727 = arith.index_cast %add3A_724 : i32 to index
        %get3A_728 = arith.constant 0 : index
        %get3A_729 = tpu.vector_load %arg7[%get3A_726, %get3A_727, %get3A_728] {strides = array<i32>} : memref<4x256x32xf32, #tpu.memory_space<vmem>>, vector<16xf32>,
        %add3A_730 = arith.addf %get3A_729, %get3A_434 : vector<16xf32>
        %add3A_731 = arith.constant 0 : i32
        %add3A_732 = arith.addi %add3A_731, %add3A_717 : i32
        %get3A_733 = arith.constant 2 : i32
        %get3A_734 = arith.index_cast %get3A_733 : i32 to index
        %get3A_735 = arith.index_cast %add3A_732 : i32 to index
        %get3A_736 = arith.constant 16 : index
        %get3A_737 = tpu.vector_load %arg7[%get3A_734, %get3A_735, %get3A_736] {strides = array<i32>} : memref<4x256x32xf32, #tpu.memory_space<vmem>>, vector<16xf32>,
        %add3A_738 = arith.addf %get3A_737, %get3A_437 : vector<16xf32>
        %scatter3A_739 = arith.constant 0 : i32
        %scatter3A_740 = arith.constant 0 : i32
        %scatter3A_741 = arith.constant 0 : i32
        %scatter3A_742 = arith.constant 0 : i32
        %scatter3A_743 = tpu.memref_slice %arg8[%scatter3A_739, %scatter3A_740, %scatter3A_741, %scatter3A_742] : memref<2x4x8x129xf32, #tpu.memory_space<vmem>> -> memref<1x4x8x129xf32, #tpu.memory_space<vmem>>
        %scatter3A_744 = tpu.memref_squeeze %scatter3A_743 : memref<1x4x8x129xf32, #tpu.memory_space<vmem>> -> memref<4x8x129xf32, #tpu.memory_space<vmem>>
        tpu.vector_store_idx %scatter3A_744[%shift_right_arithmetic3A_6, %and3A_4, %add3A_722], %add3A_730 : memref<4x8x129xf32, #tpu.memory_space<vmem>>[vector<16xi32>, vector<16xi32>, vector<16xi32>], vector<16xf32>,
        %scatter3A_745 = arith.constant 0 : i32
        %scatter3A_746 = arith.constant 0 : i32
        %scatter3A_747 = arith.constant 0 : i32
        %scatter3A_748 = arith.constant 0 : i32
        %scatter3A_749 = tpu.memref_slice %arg8[%scatter3A_745, %scatter3A_746, %scatter3A_747, %scatter3A_748] : memref<2x4x8x129xf32, #tpu.memory_space<vmem>> -> memref<1x4x8x129xf32, #tpu.memory_space<vmem>>
        %scatter3A_750 = tpu.memref_squeeze %scatter3A_749 : memref<1x4x8x129xf32, #tpu.memory_space<vmem>> -> memref<4x8x129xf32, #tpu.memory_space<vmem>>
        tpu.vector_store_idx %scatter3A_750[%add3A_9, %and3A_4, %add3A_722], %add3A_738 : memref<4x8x129xf32, #tpu.memory_space<vmem>>[vector<16xi32>, vector<16xi32>, vector<16xi32>], vector<16xf32>,
        %mul3A_751 = arith.constant 8 : i32
        %mul3A_752 = arith.muli %scan3A_603, %mul3A_751 : i32
        %add3A_753 = arith.constant 4 : i32
        %add3A_754 = arith.addi %mul3A_752, %add3A_753 : i32
        %mul3A_755 = arith.constant 0 : i32
        %mul3A_756 = vector.broadcast %mul3A_755 : i32 to vector<16xi32>
        %mul3A_757 = arith.muli %iota3A, %mul3A_756 : vector<16xi32>
        %add3A_758 = vector.broadcast %add3A_754 : i32 to vector<16xi32>
        %add3A_759 = arith.addi %mul3A_757, %add3A_758 : vector<16xi32>
        %add3A_760 = arith.constant 0 : i32
        %add3A_761 = arith.addi %add3A_760, %add3A_754 : i32
        %get3A_762 = arith.constant 2 : i32
        %get3A_763 = arith.index_cast %get3A_762 : i32 to index
        %get3A_764 = arith.index_cast %add3A_761 : i32 to index
        %get3A_765 = arith.constant 0 : index
        %get3A_766 = tpu.vector_load %arg7[%get3A_763, %get3A_764, %get3A_765] {strides = array<i32>} : memref<4x256x32xf32, #tpu.memory_space<vmem>>, vector<16xf32>,
        %add3A_767 = arith.addf %get3A_766, %get3A_434 : vector<16xf32>
        %add3A_768 = arith.constant 0 : i32
        %add3A_769 = arith.addi %add3A_768, %add3A_754 : i32
        %get3A_770 = arith.constant 2 : i32
        %get3A_771 = arith.index_cast %get3A_770 : i32 to index
        %get3A_772 = arith.index_cast %add3A_769 : i32 to index
        %get3A_773 = arith.constant 16 : index
        %get3A_774 = tpu.vector_load %arg7[%get3A_771, %get3A_772, %get3A_773] {strides = array<i32>} : memref<4x256x32xf32, #tpu.memory_space<vmem>>, vector<16xf32>,
        %add3A_775 = arith.addf %get3A_774, %get3A_437 : vector<16xf32>
        %scatter3A_776 = arith.constant 0 : i32
        %scatter3A_777 = arith.constant 0 : i32
        %scatter3A_778 = arith.constant 0 : i32
        %scatter3A_779 = arith.constant 0 : i32
        %scatter3A_780 = tpu.memref_slice %arg8[%scatter3A_776, %scatter3A_777, %scatter3A_778, %scatter3A_779] : memref<2x4x8x129xf32, #tpu.memory_space<vmem>> -> memref<1x4x8x129xf32, #tpu.memory_space<vmem>>
        %scatter3A_781 = tpu.memref_squeeze %scatter3A_780 : memref<1x4x8x129xf32, #tpu.memory_space<vmem>> -> memref<4x8x129xf32, #tpu.memory_space<vmem>>
        tpu.vector_store_idx %scatter3A_781[%shift_right_arithmetic3A_6, %and3A_4, %add3A_759], %add3A_767 : memref<4x8x129xf32, #tpu.memory_space<vmem>>[vector<16xi32>, vector<16xi32>, vector<16xi32>], vector<16xf32>,
        %scatter3A_782 = arith.constant 0 : i32
        %scatter3A_783 = arith.constant 0 : i32
        %scatter3A_784 = arith.constant 0 : i32
        %scatter3A_785 = arith.constant 0 : i32
        %scatter3A_786 = tpu.memref_slice %arg8[%scatter3A_782, %scatter3A_783, %scatter3A_784, %scatter3A_785] : memref<2x4x8x129xf32, #tpu.memory_space<vmem>> -> memref<1x4x8x129xf32, #tpu.memory_space<vmem>>
        %scatter3A_787 = tpu.memref_squeeze %scatter3A_786 : memref<1x4x8x129xf32, #tpu.memory_space<vmem>> -> memref<4x8x129xf32, #tpu.memory_space<vmem>>
        tpu.vector_store_idx %scatter3A_787[%add3A_9, %and3A_4, %add3A_759], %add3A_775 : memref<4x8x129xf32, #tpu.memory_space<vmem>>[vector<16xi32>, vector<16xi32>, vector<16xi32>], vector<16xf32>,
        %mul3A_788 = arith.constant 8 : i32
        %mul3A_789 = arith.muli %scan3A_603, %mul3A_788 : i32
        %add3A_790 = arith.constant 5 : i32
        %add3A_791 = arith.addi %mul3A_789, %add3A_790 : i32
        %mul3A_792 = arith.constant 0 : i32
        %mul3A_793 = vector.broadcast %mul3A_792 : i32 to vector<16xi32>
        %mul3A_794 = arith.muli %iota3A, %mul3A_793 : vector<16xi32>
        %add3A_795 = vector.broadcast %add3A_791 : i32 to vector<16xi32>
        %add3A_796 = arith.addi %mul3A_794, %add3A_795 : vector<16xi32>
        %add3A_797 = arith.constant 0 : i32
        %add3A_798 = arith.addi %add3A_797, %add3A_791 : i32
        %get3A_799 = arith.constant 2 : i32
        %get3A_800 = arith.index_cast %get3A_799 : i32 to index
        %get3A_801 = arith.index_cast %add3A_798 : i32 to index
        %get3A_802 = arith.constant 0 : index
        %get3A_803 = tpu.vector_load %arg7[%get3A_800, %get3A_801, %get3A_802] {strides = array<i32>} : memref<4x256x32xf32, #tpu.memory_space<vmem>>, vector<16xf32>,
        %add3A_804 = arith.addf %get3A_803, %get3A_434 : vector<16xf32>
        %add3A_805 = arith.constant 0 : i32
        %add3A_806 = arith.addi %add3A_805, %add3A_791 : i32
        %get3A_807 = arith.constant 2 : i32
        %get3A_808 = arith.index_cast %get3A_807 : i32 to index
        %get3A_809 = arith.index_cast %add3A_806 : i32 to index
        %get3A_810 = arith.constant 16 : index
        %get3A_811 = tpu.vector_load %arg7[%get3A_808, %get3A_809, %get3A_810] {strides = array<i32>} : memref<4x256x32xf32, #tpu.memory_space<vmem>>, vector<16xf32>,
        %add3A_812 = arith.addf %get3A_811, %get3A_437 : vector<16xf32>
        %scatter3A_813 = arith.constant 0 : i32
        %scatter3A_814 = arith.constant 0 : i32
        %scatter3A_815 = arith.constant 0 : i32
        %scatter3A_816 = arith.constant 0 : i32
        %scatter3A_817 = tpu.memref_slice %arg8[%scatter3A_813, %scatter3A_814, %scatter3A_815, %scatter3A_816] : memref<2x4x8x129xf32, #tpu.memory_space<vmem>> -> memref<1x4x8x129xf32, #tpu.memory_space<vmem>>
        %scatter3A_818 = tpu.memref_squeeze %scatter3A_817 : memref<1x4x8x129xf32, #tpu.memory_space<vmem>> -> memref<4x8x129xf32, #tpu.memory_space<vmem>>
        tpu.vector_store_idx %scatter3A_818[%shift_right_arithmetic3A_6, %and3A_4, %add3A_796], %add3A_804 : memref<4x8x129xf32, #tpu.memory_space<vmem>>[vector<16xi32>, vector<16xi32>, vector<16xi32>], vector<16xf32>,
        %scatter3A_819 = arith.constant 0 : i32
        %scatter3A_820 = arith.constant 0 : i32
        %scatter3A_821 = arith.constant 0 : i32
        %scatter3A_822 = arith.constant 0 : i32
        %scatter3A_823 = tpu.memref_slice %arg8[%scatter3A_819, %scatter3A_820, %scatter3A_821, %scatter3A_822] : memref<2x4x8x129xf32, #tpu.memory_space<vmem>> -> memref<1x4x8x129xf32, #tpu.memory_space<vmem>>
        %scatter3A_824 = tpu.memref_squeeze %scatter3A_823 : memref<1x4x8x129xf32, #tpu.memory_space<vmem>> -> memref<4x8x129xf32, #tpu.memory_space<vmem>>
        tpu.vector_store_idx %scatter3A_824[%add3A_9, %and3A_4, %add3A_796], %add3A_812 : memref<4x8x129xf32, #tpu.memory_space<vmem>>[vector<16xi32>, vector<16xi32>, vector<16xi32>], vector<16xf32>,
        %mul3A_825 = arith.constant 8 : i32
        %mul3A_826 = arith.muli %scan3A_603, %mul3A_825 : i32
        %add3A_827 = arith.constant 6 : i32
        %add3A_828 = arith.addi %mul3A_826, %add3A_827 : i32
        %mul3A_829 = arith.constant 0 : i32
        %mul3A_830 = vector.broadcast %mul3A_829 : i32 to vector<16xi32>
        %mul3A_831 = arith.muli %iota3A, %mul3A_830 : vector<16xi32>
        %add3A_832 = vector.broadcast %add3A_828 : i32 to vector<16xi32>
        %add3A_833 = arith.addi %mul3A_831, %add3A_832 : vector<16xi32>
        %add3A_834 = arith.constant 0 : i32
        %add3A_835 = arith.addi %add3A_834, %add3A_828 : i32
        %get3A_836 = arith.constant 2 : i32
        %get3A_837 = arith.index_cast %get3A_836 : i32 to index
        %get3A_838 = arith.index_cast %add3A_835 : i32 to index
        %get3A_839 = arith.constant 0 : index
        %get3A_840 = tpu.vector_load %arg7[%get3A_837, %get3A_838, %get3A_839] {strides = array<i32>} : memref<4x256x32xf32, #tpu.memory_space<vmem>>, vector<16xf32>,
        %add3A_841 = arith.addf %get3A_840, %get3A_434 : vector<16xf32>
        %add3A_842 = arith.constant 0 : i32
        %add3A_843 = arith.addi %add3A_842, %add3A_828 : i32
        %get3A_844 = arith.constant 2 : i32
        %get3A_845 = arith.index_cast %get3A_844 : i32 to index
        %get3A_846 = arith.index_cast %add3A_843 : i32 to index
        %get3A_847 = arith.constant 16 : index
        %get3A_848 = tpu.vector_load %arg7[%get3A_845, %get3A_846, %get3A_847] {strides = array<i32>} : memref<4x256x32xf32, #tpu.memory_space<vmem>>, vector<16xf32>,
        %add3A_849 = arith.addf %get3A_848, %get3A_437 : vector<16xf32>
        %scatter3A_850 = arith.constant 0 : i32
        %scatter3A_851 = arith.constant 0 : i32
        %scatter3A_852 = arith.constant 0 : i32
        %scatter3A_853 = arith.constant 0 : i32
        %scatter3A_854 = tpu.memref_slice %arg8[%scatter3A_850, %scatter3A_851, %scatter3A_852, %scatter3A_853] : memref<2x4x8x129xf32, #tpu.memory_space<vmem>> -> memref<1x4x8x129xf32, #tpu.memory_space<vmem>>
        %scatter3A_855 = tpu.memref_squeeze %scatter3A_854 : memref<1x4x8x129xf32, #tpu.memory_space<vmem>> -> memref<4x8x129xf32, #tpu.memory_space<vmem>>
        tpu.vector_store_idx %scatter3A_855[%shift_right_arithmetic3A_6, %and3A_4, %add3A_833], %add3A_841 : memref<4x8x129xf32, #tpu.memory_space<vmem>>[vector<16xi32>, vector<16xi32>, vector<16xi32>], vector<16xf32>,
        %scatter3A_856 = arith.constant 0 : i32
        %scatter3A_857 = arith.constant 0 : i32
        %scatter3A_858 = arith.constant 0 : i32
        %scatter3A_859 = arith.constant 0 : i32
        %scatter3A_860 = tpu.memref_slice %arg8[%scatter3A_856, %scatter3A_857, %scatter3A_858, %scatter3A_859] : memref<2x4x8x129xf32, #tpu.memory_space<vmem>> -> memref<1x4x8x129xf32, #tpu.memory_space<vmem>>
        %scatter3A_861 = tpu.memref_squeeze %scatter3A_860 : memref<1x4x8x129xf32, #tpu.memory_space<vmem>> -> memref<4x8x129xf32, #tpu.memory_space<vmem>>
        tpu.vector_store_idx %scatter3A_861[%add3A_9, %and3A_4, %add3A_833], %add3A_849 : memref<4x8x129xf32, #tpu.memory_space<vmem>>[vector<16xi32>, vector<16xi32>, vector<16xi32>], vector<16xf32>,
        %mul3A_862 = arith.constant 8 : i32
        %mul3A_863 = arith.muli %scan3A_603, %mul3A_862 : i32
        %add3A_864 = arith.constant 7 : i32
        %add3A_865 = arith.addi %mul3A_863, %add3A_864 : i32
        %mul3A_866 = arith.constant 0 : i32
        %mul3A_867 = vector.broadcast %mul3A_866 : i32 to vector<16xi32>
        %mul3A_868 = arith.muli %iota3A, %mul3A_867 : vector<16xi32>
        %add3A_869 = vector.broadcast %add3A_865 : i32 to vector<16xi32>
        %add3A_870 = arith.addi %mul3A_868, %add3A_869 : vector<16xi32>
        %add3A_871 = arith.constant 0 : i32
        %add3A_872 = arith.addi %add3A_871, %add3A_865 : i32
        %get3A_873 = arith.constant 2 : i32
        %get3A_874 = arith.index_cast %get3A_873 : i32 to index
        %get3A_875 = arith.index_cast %add3A_872 : i32 to index
        %get3A_876 = arith.constant 0 : index
        %get3A_877 = tpu.vector_load %arg7[%get3A_874, %get3A_875, %get3A_876] {strides = array<i32>} : memref<4x256x32xf32, #tpu.memory_space<vmem>>, vector<16xf32>,
        %add3A_878 = arith.addf %get3A_877, %get3A_434 : vector<16xf32>
        %add3A_879 = arith.constant 0 : i32
        %add3A_880 = arith.addi %add3A_879, %add3A_865 : i32
        %get3A_881 = arith.constant 2 : i32
        %get3A_882 = arith.index_cast %get3A_881 : i32 to index
        %get3A_883 = arith.index_cast %add3A_880 : i32 to index
        %get3A_884 = arith.constant 16 : index
        %get3A_885 = tpu.vector_load %arg7[%get3A_882, %get3A_883, %get3A_884] {strides = array<i32>} : memref<4x256x32xf32, #tpu.memory_space<vmem>>, vector<16xf32>,
        %add3A_886 = arith.addf %get3A_885, %get3A_437 : vector<16xf32>
        %scatter3A_887 = arith.constant 0 : i32
        %scatter3A_888 = arith.constant 0 : i32
        %scatter3A_889 = arith.constant 0 : i32
        %scatter3A_890 = arith.constant 0 : i32
        %scatter3A_891 = tpu.memref_slice %arg8[%scatter3A_887, %scatter3A_888, %scatter3A_889, %scatter3A_890] : memref<2x4x8x129xf32, #tpu.memory_space<vmem>> -> memref<1x4x8x129xf32, #tpu.memory_space<vmem>>
        %scatter3A_892 = tpu.memref_squeeze %scatter3A_891 : memref<1x4x8x129xf32, #tpu.memory_space<vmem>> -> memref<4x8x129xf32, #tpu.memory_space<vmem>>
        tpu.vector_store_idx %scatter3A_892[%shift_right_arithmetic3A_6, %and3A_4, %add3A_870], %add3A_878 : memref<4x8x129xf32, #tpu.memory_space<vmem>>[vector<16xi32>, vector<16xi32>, vector<16xi32>], vector<16xf32>,
        %scatter3A_893 = arith.constant 0 : i32
        %scatter3A_894 = arith.constant 0 : i32
        %scatter3A_895 = arith.constant 0 : i32
        %scatter3A_896 = arith.constant 0 : i32
        %scatter3A_897 = tpu.memref_slice %arg8[%scatter3A_893, %scatter3A_894, %scatter3A_895, %scatter3A_896] : memref<2x4x8x129xf32, #tpu.memory_space<vmem>> -> memref<1x4x8x129xf32, #tpu.memory_space<vmem>>
        %scatter3A_898 = tpu.memref_squeeze %scatter3A_897 : memref<1x4x8x129xf32, #tpu.memory_space<vmem>> -> memref<4x8x129xf32, #tpu.memory_space<vmem>>
        tpu.vector_store_idx %scatter3A_898[%add3A_9, %and3A_4, %add3A_870], %add3A_886 : memref<4x8x129xf32, #tpu.memory_space<vmem>>[vector<16xi32>, vector<16xi32>, vector<16xi32>], vector<16xf32>,
      }
      %scan3A_443 = arith.constant 16 : i32
      %mul3A_444 = arith.constant 2 : i32
      %mul3A_445 = arith.muli %mul3A_444, %add3A_374 : i32
      %add3A_446 = arith.constant 1 : i32
      %add3A_447 = arith.addi %mul3A_445, %add3A_446 : i32
      %get3A_448 = arith.index_cast %add3A_447 : i32 to index
      %get3A_449 = arith.constant 0 : index
      %get3A_450 = tpu.vector_load %arg10[%get3A_448, %get3A_449] {strides = array<i32>} : memref<200x32xf32, #tpu.memory_space<vmem>>, vector<16xf32>,
      %get3A_451 = arith.index_cast %add3A_447 : i32 to index
      %get3A_452 = arith.constant 16 : index
      %get3A_453 = tpu.vector_load %arg10[%get3A_451, %get3A_452] {strides = array<i32>} : memref<200x32xf32, #tpu.memory_space<vmem>>, vector<16xf32>,
      %scan3A_454 = arith.constant 0 : i32
      %scan3A_455 = arith.constant 0 : i32
      %scan3A_456 = arith.constant 16 : i32
      %scan3A_457 = arith.addi %scan3A_455, %scan3A_456 : i32
      %scan3A_458 = arith.constant 1 : i32
      scf.for %scan3A_603 = %scan3A_455 to %scan3A_457 step %scan3A_458  : i32 {
        %mul3A_604 = arith.constant 8 : i32
        %mul3A_605 = arith.muli %scan3A_603, %mul3A_604 : i32
        %add3A_606 = arith.constant 0 : i32
        %add3A_607 = arith.addi %mul3A_605, %add3A_606 : i32
        %mul3A_608 = arith.constant 0 : i32
        %mul3A_609 = vector.broadcast %mul3A_608 : i32 to vector<16xi32>
        %mul3A_610 = arith.muli %iota3A, %mul3A_609 : vector<16xi32>
        %add3A_611 = vector.broadcast %add3A_607 : i32 to vector<16xi32>
        %add3A_612 = arith.addi %mul3A_610, %add3A_611 : vector<16xi32>
        %add3A_613 = arith.constant 128 : i32
        %add3A_614 = arith.addi %add3A_613, %add3A_607 : i32
        %get3A_615 = arith.constant 2 : i32
        %get3A_616 = arith.index_cast %get3A_615 : i32 to index
        %get3A_617 = arith.index_cast %add3A_614 : i32 to index
        %get3A_618 = arith.constant 0 : index
        %get3A_619 = tpu.vector_load %arg7[%get3A_616, %get3A_617, %get3A_618] {strides = array<i32>} : memref<4x256x32xf32, #tpu.memory_space<vmem>>, vector<16xf32>,
        %add3A_620 = arith.addf %get3A_619, %get3A_450 : vector<16xf32>
        %add3A_621 = arith.constant 128 : i32
        %add3A_622 = arith.addi %add3A_621, %add3A_607 : i32
        %get3A_623 = arith.constant 2 : i32
        %get3A_624 = arith.index_cast %get3A_623 : i32 to index
        %get3A_625 = arith.index_cast %add3A_622 : i32 to index
        %get3A_626 = arith.constant 16 : index
        %get3A_627 = tpu.vector_load %arg7[%get3A_624, %get3A_625, %get3A_626] {strides = array<i32>} : memref<4x256x32xf32, #tpu.memory_space<vmem>>, vector<16xf32>,
        %add3A_628 = arith.addf %get3A_627, %get3A_453 : vector<16xf32>
        %scatter3A = arith.constant 1 : i32
        %scatter3A_629 = arith.constant 0 : i32
        %scatter3A_630 = arith.constant 0 : i32
        %scatter3A_631 = arith.constant 0 : i32
        %scatter3A_632 = tpu.memref_slice %arg8[%scatter3A, %scatter3A_629, %scatter3A_630, %scatter3A_631] : memref<2x4x8x129xf32, #tpu.memory_space<vmem>> -> memref<1x4x8x129xf32, #tpu.memory_space<vmem>>
        %scatter3A_633 = tpu.memref_squeeze %scatter3A_632 : memref<1x4x8x129xf32, #tpu.memory_space<vmem>> -> memref<4x8x129xf32, #tpu.memory_space<vmem>>
        tpu.vector_store_idx %scatter3A_633[%shift_right_arithmetic3A_6, %and3A_4, %add3A_612], %add3A_620 : memref<4x8x129xf32, #tpu.memory_space<vmem>>[vector<16xi32>, vector<16xi32>, vector<16xi32>], vector<16xf32>,
        %scatter3A_634 = arith.constant 1 : i32
        %scatter3A_635 = arith.constant 0 : i32
        %scatter3A_636 = arith.constant 0 : i32
        %scatter3A_637 = arith.constant 0 : i32
        %scatter3A_638 = tpu.memref_slice %arg8[%scatter3A_634, %scatter3A_635, %scatter3A_636, %scatter3A_637] : memref<2x4x8x129xf32, #tpu.memory_space<vmem>> -> memref<1x4x8x129xf32, #tpu.memory_space<vmem>>
        %scatter3A_639 = tpu.memref_squeeze %scatter3A_638 : memref<1x4x8x129xf32, #tpu.memory_space<vmem>> -> memref<4x8x129xf32, #tpu.memory_space<vmem>>
        tpu.vector_store_idx %scatter3A_639[%add3A_9, %and3A_4, %add3A_612], %add3A_628 : memref<4x8x129xf32, #tpu.memory_space<vmem>>[vector<16xi32>, vector<16xi32>, vector<16xi32>], vector<16xf32>,
        %mul3A_640 = arith.constant 8 : i32
        %mul3A_641 = arith.muli %scan3A_603, %mul3A_640 : i32
        %add3A_642 = arith.constant 1 : i32
        %add3A_643 = arith.addi %mul3A_641, %add3A_642 : i32
        %mul3A_644 = arith.constant 0 : i32
        %mul3A_645 = vector.broadcast %mul3A_644 : i32 to vector<16xi32>
        %mul3A_646 = arith.muli %iota3A, %mul3A_645 : vector<16xi32>
        %add3A_647 = vector.broadcast %add3A_643 : i32 to vector<16xi32>
        %add3A_648 = arith.addi %mul3A_646, %add3A_647 : vector<16xi32>
        %add3A_649 = arith.constant 128 : i32
        %add3A_650 = arith.addi %add3A_649, %add3A_643 : i32
        %get3A_651 = arith.constant 2 : i32
        %get3A_652 = arith.index_cast %get3A_651 : i32 to index
        %get3A_653 = arith.index_cast %add3A_650 : i32 to index
        %get3A_654 = arith.constant 0 : index
        %get3A_655 = tpu.vector_load %arg7[%get3A_652, %get3A_653, %get3A_654] {strides = array<i32>} : memref<4x256x32xf32, #tpu.memory_space<vmem>>, vector<16xf32>,
        %add3A_656 = arith.addf %get3A_655, %get3A_450 : vector<16xf32>
        %add3A_657 = arith.constant 128 : i32
        %add3A_658 = arith.addi %add3A_657, %add3A_643 : i32
        %get3A_659 = arith.constant 2 : i32
        %get3A_660 = arith.index_cast %get3A_659 : i32 to index
        %get3A_661 = arith.index_cast %add3A_658 : i32 to index
        %get3A_662 = arith.constant 16 : index
        %get3A_663 = tpu.vector_load %arg7[%get3A_660, %get3A_661, %get3A_662] {strides = array<i32>} : memref<4x256x32xf32, #tpu.memory_space<vmem>>, vector<16xf32>,
        %add3A_664 = arith.addf %get3A_663, %get3A_453 : vector<16xf32>
        %scatter3A_665 = arith.constant 1 : i32
        %scatter3A_666 = arith.constant 0 : i32
        %scatter3A_667 = arith.constant 0 : i32
        %scatter3A_668 = arith.constant 0 : i32
        %scatter3A_669 = tpu.memref_slice %arg8[%scatter3A_665, %scatter3A_666, %scatter3A_667, %scatter3A_668] : memref<2x4x8x129xf32, #tpu.memory_space<vmem>> -> memref<1x4x8x129xf32, #tpu.memory_space<vmem>>
        %scatter3A_670 = tpu.memref_squeeze %scatter3A_669 : memref<1x4x8x129xf32, #tpu.memory_space<vmem>> -> memref<4x8x129xf32, #tpu.memory_space<vmem>>
        tpu.vector_store_idx %scatter3A_670[%shift_right_arithmetic3A_6, %and3A_4, %add3A_648], %add3A_656 : memref<4x8x129xf32, #tpu.memory_space<vmem>>[vector<16xi32>, vector<16xi32>, vector<16xi32>], vector<16xf32>,
        %scatter3A_671 = arith.constant 1 : i32
        %scatter3A_672 = arith.constant 0 : i32
        %scatter3A_673 = arith.constant 0 : i32
        %scatter3A_674 = arith.constant 0 : i32
        %scatter3A_675 = tpu.memref_slice %arg8[%scatter3A_671, %scatter3A_672, %scatter3A_673, %scatter3A_674] : memref<2x4x8x129xf32, #tpu.memory_space<vmem>> -> memref<1x4x8x129xf32, #tpu.memory_space<vmem>>
        %scatter3A_676 = tpu.memref_squeeze %scatter3A_675 : memref<1x4x8x129xf32, #tpu.memory_space<vmem>> -> memref<4x8x129xf32, #tpu.memory_space<vmem>>
        tpu.vector_store_idx %scatter3A_676[%add3A_9, %and3A_4, %add3A_648], %add3A_664 : memref<4x8x129xf32, #tpu.memory_space<vmem>>[vector<16xi32>, vector<16xi32>, vector<16xi32>], vector<16xf32>,
        %mul3A_677 = arith.constant 8 : i32
        %mul3A_678 = arith.muli %scan3A_603, %mul3A_677 : i32
        %add3A_679 = arith.constant 2 : i32
        %add3A_680 = arith.addi %mul3A_678, %add3A_679 : i32
        %mul3A_681 = arith.constant 0 : i32
        %mul3A_682 = vector.broadcast %mul3A_681 : i32 to vector<16xi32>
        %mul3A_683 = arith.muli %iota3A, %mul3A_682 : vector<16xi32>
        %add3A_684 = vector.broadcast %add3A_680 : i32 to vector<16xi32>
        %add3A_685 = arith.addi %mul3A_683, %add3A_684 : vector<16xi32>
        %add3A_686 = arith.constant 128 : i32
        %add3A_687 = arith.addi %add3A_686, %add3A_680 : i32
        %get3A_688 = arith.constant 2 : i32
        %get3A_689 = arith.index_cast %get3A_688 : i32 to index
        %get3A_690 = arith.index_cast %add3A_687 : i32 to index
        %get3A_691 = arith.constant 0 : index
        %get3A_692 = tpu.vector_load %arg7[%get3A_689, %get3A_690, %get3A_691] {strides = array<i32>} : memref<4x256x32xf32, #tpu.memory_space<vmem>>, vector<16xf32>,
        %add3A_693 = arith.addf %get3A_692, %get3A_450 : vector<16xf32>
        %add3A_694 = arith.constant 128 : i32
        %add3A_695 = arith.addi %add3A_694, %add3A_680 : i32
        %get3A_696 = arith.constant 2 : i32
        %get3A_697 = arith.index_cast %get3A_696 : i32 to index
        %get3A_698 = arith.index_cast %add3A_695 : i32 to index
        %get3A_699 = arith.constant 16 : index
        %get3A_700 = tpu.vector_load %arg7[%get3A_697, %get3A_698, %get3A_699] {strides = array<i32>} : memref<4x256x32xf32, #tpu.memory_space<vmem>>, vector<16xf32>,
        %add3A_701 = arith.addf %get3A_700, %get3A_453 : vector<16xf32>
        %scatter3A_702 = arith.constant 1 : i32
        %scatter3A_703 = arith.constant 0 : i32
        %scatter3A_704 = arith.constant 0 : i32
        %scatter3A_705 = arith.constant 0 : i32
        %scatter3A_706 = tpu.memref_slice %arg8[%scatter3A_702, %scatter3A_703, %scatter3A_704, %scatter3A_705] : memref<2x4x8x129xf32, #tpu.memory_space<vmem>> -> memref<1x4x8x129xf32, #tpu.memory_space<vmem>>
        %scatter3A_707 = tpu.memref_squeeze %scatter3A_706 : memref<1x4x8x129xf32, #tpu.memory_space<vmem>> -> memref<4x8x129xf32, #tpu.memory_space<vmem>>
        tpu.vector_store_idx %scatter3A_707[%shift_right_arithmetic3A_6, %and3A_4, %add3A_685], %add3A_693 : memref<4x8x129xf32, #tpu.memory_space<vmem>>[vector<16xi32>, vector<16xi32>, vector<16xi32>], vector<16xf32>,
        %scatter3A_708 = arith.constant 1 : i32
        %scatter3A_709 = arith.constant 0 : i32
        %scatter3A_710 = arith.constant 0 : i32
        %scatter3A_711 = arith.constant 0 : i32
        %scatter3A_712 = tpu.memref_slice %arg8[%scatter3A_708, %scatter3A_709, %scatter3A_710, %scatter3A_711] : memref<2x4x8x129xf32, #tpu.memory_space<vmem>> -> memref<1x4x8x129xf32, #tpu.memory_space<vmem>>
        %scatter3A_713 = tpu.memref_squeeze %scatter3A_712 : memref<1x4x8x129xf32, #tpu.memory_space<vmem>> -> memref<4x8x129xf32, #tpu.memory_space<vmem>>
        tpu.vector_store_idx %scatter3A_713[%add3A_9, %and3A_4, %add3A_685], %add3A_701 : memref<4x8x129xf32, #tpu.memory_space<vmem>>[vector<16xi32>, vector<16xi32>, vector<16xi32>], vector<16xf32>,
        %mul3A_714 = arith.constant 8 : i32
        %mul3A_715 = arith.muli %scan3A_603, %mul3A_714 : i32
        %add3A_716 = arith.constant 3 : i32
        %add3A_717 = arith.addi %mul3A_715, %add3A_716 : i32
        %mul3A_718 = arith.constant 0 : i32
        %mul3A_719 = vector.broadcast %mul3A_718 : i32 to vector<16xi32>
        %mul3A_720 = arith.muli %iota3A, %mul3A_719 : vector<16xi32>
        %add3A_721 = vector.broadcast %add3A_717 : i32 to vector<16xi32>
        %add3A_722 = arith.addi %mul3A_720, %add3A_721 : vector<16xi32>
        %add3A_723 = arith.constant 128 : i32
        %add3A_724 = arith.addi %add3A_723, %add3A_717 : i32
        %get3A_725 = arith.constant 2 : i32
        %get3A_726 = arith.index_cast %get3A_725 : i32 to index
        %get3A_727 = arith.index_cast %add3A_724 : i32 to index
        %get3A_728 = arith.constant 0 : index
        %get3A_729 = tpu.vector_load %arg7[%get3A_726, %get3A_727, %get3A_728] {strides = array<i32>} : memref<4x256x32xf32, #tpu.memory_space<vmem>>, vector<16xf32>,
        %add3A_730 = arith.addf %get3A_729, %get3A_450 : vector<16xf32>
        %add3A_731 = arith.constant 128 : i32
        %add3A_732 = arith.addi %add3A_731, %add3A_717 : i32
        %get3A_733 = arith.constant 2 : i32
        %get3A_734 = arith.index_cast %get3A_733 : i32 to index
        %get3A_735 = arith.index_cast %add3A_732 : i32 to index
        %get3A_736 = arith.constant 16 : index
        %get3A_737 = tpu.vector_load %arg7[%get3A_734, %get3A_735, %get3A_736] {strides = array<i32>} : memref<4x256x32xf32, #tpu.memory_space<vmem>>, vector<16xf32>,
        %add3A_738 = arith.addf %get3A_737, %get3A_453 : vector<16xf32>
        %scatter3A_739 = arith.constant 1 : i32
        %scatter3A_740 = arith.constant 0 : i32
        %scatter3A_741 = arith.constant 0 : i32
        %scatter3A_742 = arith.constant 0 : i32
        %scatter3A_743 = tpu.memref_slice %arg8[%scatter3A_739, %scatter3A_740, %scatter3A_741, %scatter3A_742] : memref<2x4x8x129xf32, #tpu.memory_space<vmem>> -> memref<1x4x8x129xf32, #tpu.memory_space<vmem>>
        %scatter3A_744 = tpu.memref_squeeze %scatter3A_743 : memref<1x4x8x129xf32, #tpu.memory_space<vmem>> -> memref<4x8x129xf32, #tpu.memory_space<vmem>>
        tpu.vector_store_idx %scatter3A_744[%shift_right_arithmetic3A_6, %and3A_4, %add3A_722], %add3A_730 : memref<4x8x129xf32, #tpu.memory_space<vmem>>[vector<16xi32>, vector<16xi32>, vector<16xi32>], vector<16xf32>,
        %scatter3A_745 = arith.constant 1 : i32
        %scatter3A_746 = arith.constant 0 : i32
        %scatter3A_747 = arith.constant 0 : i32
        %scatter3A_748 = arith.constant 0 : i32
        %scatter3A_749 = tpu.memref_slice %arg8[%scatter3A_745, %scatter3A_746, %scatter3A_747, %scatter3A_748] : memref<2x4x8x129xf32, #tpu.memory_space<vmem>> -> memref<1x4x8x129xf32, #tpu.memory_space<vmem>>
        %scatter3A_750 = tpu.memref_squeeze %scatter3A_749 : memref<1x4x8x129xf32, #tpu.memory_space<vmem>> -> memref<4x8x129xf32, #tpu.memory_space<vmem>>
        tpu.vector_store_idx %scatter3A_750[%add3A_9, %and3A_4, %add3A_722], %add3A_738 : memref<4x8x129xf32, #tpu.memory_space<vmem>>[vector<16xi32>, vector<16xi32>, vector<16xi32>], vector<16xf32>,
        %mul3A_751 = arith.constant 8 : i32
        %mul3A_752 = arith.muli %scan3A_603, %mul3A_751 : i32
        %add3A_753 = arith.constant 4 : i32
        %add3A_754 = arith.addi %mul3A_752, %add3A_753 : i32
        %mul3A_755 = arith.constant 0 : i32
        %mul3A_756 = vector.broadcast %mul3A_755 : i32 to vector<16xi32>
        %mul3A_757 = arith.muli %iota3A, %mul3A_756 : vector<16xi32>
        %add3A_758 = vector.broadcast %add3A_754 : i32 to vector<16xi32>
        %add3A_759 = arith.addi %mul3A_757, %add3A_758 : vector<16xi32>
        %add3A_760 = arith.constant 128 : i32
        %add3A_761 = arith.addi %add3A_760, %add3A_754 : i32
        %get3A_762 = arith.constant 2 : i32
        %get3A_763 = arith.index_cast %get3A_762 : i32 to index
        %get3A_764 = arith.index_cast %add3A_761 : i32 to index
        %get3A_765 = arith.constant 0 : index
        %get3A_766 = tpu.vector_load %arg7[%get3A_763, %get3A_764, %get3A_765] {strides = array<i32>} : memref<4x256x32xf32, #tpu.memory_space<vmem>>, vector<16xf32>,
        %add3A_767 = arith.addf %get3A_766, %get3A_450 : vector<16xf32>
        %add3A_768 = arith.constant 128 : i32
        %add3A_769 = arith.addi %add3A_768, %add3A_754 : i32
        %get3A_770 = arith.constant 2 : i32
        %get3A_771 = arith.index_cast %get3A_770 : i32 to index
        %get3A_772 = arith.index_cast %add3A_769 : i32 to index
        %get3A_773 = arith.constant 16 : index
        %get3A_774 = tpu.vector_load %arg7[%get3A_771, %get3A_772, %get3A_773] {strides = array<i32>} : memref<4x256x32xf32, #tpu.memory_space<vmem>>, vector<16xf32>,
        %add3A_775 = arith.addf %get3A_774, %get3A_453 : vector<16xf32>
        %scatter3A_776 = arith.constant 1 : i32
        %scatter3A_777 = arith.constant 0 : i32
        %scatter3A_778 = arith.constant 0 : i32
        %scatter3A_779 = arith.constant 0 : i32
        %scatter3A_780 = tpu.memref_slice %arg8[%scatter3A_776, %scatter3A_777, %scatter3A_778, %scatter3A_779] : memref<2x4x8x129xf32, #tpu.memory_space<vmem>> -> memref<1x4x8x129xf32, #tpu.memory_space<vmem>>
        %scatter3A_781 = tpu.memref_squeeze %scatter3A_780 : memref<1x4x8x129xf32, #tpu.memory_space<vmem>> -> memref<4x8x129xf32, #tpu.memory_space<vmem>>
        tpu.vector_store_idx %scatter3A_781[%shift_right_arithmetic3A_6, %and3A_4, %add3A_759], %add3A_767 : memref<4x8x129xf32, #tpu.memory_space<vmem>>[vector<16xi32>, vector<16xi32>, vector<16xi32>], vector<16xf32>,
        %scatter3A_782 = arith.constant 1 : i32
        %scatter3A_783 = arith.constant 0 : i32
        %scatter3A_784 = arith.constant 0 : i32
        %scatter3A_785 = arith.constant 0 : i32
        %scatter3A_786 = tpu.memref_slice %arg8[%scatter3A_782, %scatter3A_783, %scatter3A_784, %scatter3A_785] : memref<2x4x8x129xf32, #tpu.memory_space<vmem>> -> memref<1x4x8x129xf32, #tpu.memory_space<vmem>>
        %scatter3A_787 = tpu.memref_squeeze %scatter3A_786 : memref<1x4x8x129xf32, #tpu.memory_space<vmem>> -> memref<4x8x129xf32, #tpu.memory_space<vmem>>
        tpu.vector_store_idx %scatter3A_787[%add3A_9, %and3A_4, %add3A_759], %add3A_775 : memref<4x8x129xf32, #tpu.memory_space<vmem>>[vector<16xi32>, vector<16xi32>, vector<16xi32>], vector<16xf32>,
        %mul3A_788 = arith.constant 8 : i32
        %mul3A_789 = arith.muli %scan3A_603, %mul3A_788 : i32
        %add3A_790 = arith.constant 5 : i32
        %add3A_791 = arith.addi %mul3A_789, %add3A_790 : i32
        %mul3A_792 = arith.constant 0 : i32
        %mul3A_793 = vector.broadcast %mul3A_792 : i32 to vector<16xi32>
        %mul3A_794 = arith.muli %iota3A, %mul3A_793 : vector<16xi32>
        %add3A_795 = vector.broadcast %add3A_791 : i32 to vector<16xi32>
        %add3A_796 = arith.addi %mul3A_794, %add3A_795 : vector<16xi32>
        %add3A_797 = arith.constant 128 : i32
        %add3A_798 = arith.addi %add3A_797, %add3A_791 : i32
        %get3A_799 = arith.constant 2 : i32
        %get3A_800 = arith.index_cast %get3A_799 : i32 to index
        %get3A_801 = arith.index_cast %add3A_798 : i32 to index
        %get3A_802 = arith.constant 0 : index
        %get3A_803 = tpu.vector_load %arg7[%get3A_800, %get3A_801, %get3A_802] {strides = array<i32>} : memref<4x256x32xf32, #tpu.memory_space<vmem>>, vector<16xf32>,
        %add3A_804 = arith.addf %get3A_803, %get3A_450 : vector<16xf32>
        %add3A_805 = arith.constant 128 : i32
        %add3A_806 = arith.addi %add3A_805, %add3A_791 : i32
        %get3A_807 = arith.constant 2 : i32
        %get3A_808 = arith.index_cast %get3A_807 : i32 to index
        %get3A_809 = arith.index_cast %add3A_806 : i32 to index
        %get3A_810 = arith.constant 16 : index
        %get3A_811 = tpu.vector_load %arg7[%get3A_808, %get3A_809, %get3A_810] {strides = array<i32>} : memref<4x256x32xf32, #tpu.memory_space<vmem>>, vector<16xf32>,
        %add3A_812 = arith.addf %get3A_811, %get3A_453 : vector<16xf32>
        %scatter3A_813 = arith.constant 1 : i32
        %scatter3A_814 = arith.constant 0 : i32
        %scatter3A_815 = arith.constant 0 : i32
        %scatter3A_816 = arith.constant 0 : i32
        %scatter3A_817 = tpu.memref_slice %arg8[%scatter3A_813, %scatter3A_814, %scatter3A_815, %scatter3A_816] : memref<2x4x8x129xf32, #tpu.memory_space<vmem>> -> memref<1x4x8x129xf32, #tpu.memory_space<vmem>>
        %scatter3A_818 = tpu.memref_squeeze %scatter3A_817 : memref<1x4x8x129xf32, #tpu.memory_space<vmem>> -> memref<4x8x129xf32, #tpu.memory_space<vmem>>
        tpu.vector_store_idx %scatter3A_818[%shift_right_arithmetic3A_6, %and3A_4, %add3A_796], %add3A_804 : memref<4x8x129xf32, #tpu.memory_space<vmem>>[vector<16xi32>, vector<16xi32>, vector<16xi32>], vector<16xf32>,
        %scatter3A_819 = arith.constant 1 : i32
        %scatter3A_820 = arith.constant 0 : i32
        %scatter3A_821 = arith.constant 0 : i32
        %scatter3A_822 = arith.constant 0 : i32
        %scatter3A_823 = tpu.memref_slice %arg8[%scatter3A_819, %scatter3A_820, %scatter3A_821, %scatter3A_822] : memref<2x4x8x129xf32, #tpu.memory_space<vmem>> -> memref<1x4x8x129xf32, #tpu.memory_space<vmem>>
        %scatter3A_824 = tpu.memref_squeeze %scatter3A_823 : memref<1x4x8x129xf32, #tpu.memory_space<vmem>> -> memref<4x8x129xf32, #tpu.memory_space<vmem>>
        tpu.vector_store_idx %scatter3A_824[%add3A_9, %and3A_4, %add3A_796], %add3A_812 : memref<4x8x129xf32, #tpu.memory_space<vmem>>[vector<16xi32>, vector<16xi32>, vector<16xi32>], vector<16xf32>,
        %mul3A_825 = arith.constant 8 : i32
        %mul3A_826 = arith.muli %scan3A_603, %mul3A_825 : i32
        %add3A_827 = arith.constant 6 : i32
        %add3A_828 = arith.addi %mul3A_826, %add3A_827 : i32
        %mul3A_829 = arith.constant 0 : i32
        %mul3A_830 = vector.broadcast %mul3A_829 : i32 to vector<16xi32>
        %mul3A_831 = arith.muli %iota3A, %mul3A_830 : vector<16xi32>
        %add3A_832 = vector.broadcast %add3A_828 : i32 to vector<16xi32>
        %add3A_833 = arith.addi %mul3A_831, %add3A_832 : vector<16xi32>
        %add3A_834 = arith.constant 128 : i32
        %add3A_835 = arith.addi %add3A_834, %add3A_828 : i32
        %get3A_836 = arith.constant 2 : i32
        %get3A_837 = arith.index_cast %get3A_836 : i32 to index
        %get3A_838 = arith.index_cast %add3A_835 : i32 to index
        %get3A_839 = arith.constant 0 : index
        %get3A_840 = tpu.vector_load %arg7[%get3A_837, %get3A_838, %get3A_839] {strides = array<i32>} : memref<4x256x32xf32, #tpu.memory_space<vmem>>, vector<16xf32>,
        %add3A_841 = arith.addf %get3A_840, %get3A_450 : vector<16xf32>
        %add3A_842 = arith.constant 128 : i32
        %add3A_843 = arith.addi %add3A_842, %add3A_828 : i32
        %get3A_844 = arith.constant 2 : i32
        %get3A_845 = arith.index_cast %get3A_844 : i32 to index
        %get3A_846 = arith.index_cast %add3A_843 : i32 to index
        %get3A_847 = arith.constant 16 : index
        %get3A_848 = tpu.vector_load %arg7[%get3A_845, %get3A_846, %get3A_847] {strides = array<i32>} : memref<4x256x32xf32, #tpu.memory_space<vmem>>, vector<16xf32>,
        %add3A_849 = arith.addf %get3A_848, %get3A_453 : vector<16xf32>
        %scatter3A_850 = arith.constant 1 : i32
        %scatter3A_851 = arith.constant 0 : i32
        %scatter3A_852 = arith.constant 0 : i32
        %scatter3A_853 = arith.constant 0 : i32
        %scatter3A_854 = tpu.memref_slice %arg8[%scatter3A_850, %scatter3A_851, %scatter3A_852, %scatter3A_853] : memref<2x4x8x129xf32, #tpu.memory_space<vmem>> -> memref<1x4x8x129xf32, #tpu.memory_space<vmem>>
        %scatter3A_855 = tpu.memref_squeeze %scatter3A_854 : memref<1x4x8x129xf32, #tpu.memory_space<vmem>> -> memref<4x8x129xf32, #tpu.memory_space<vmem>>
        tpu.vector_store_idx %scatter3A_855[%shift_right_arithmetic3A_6, %and3A_4, %add3A_833], %add3A_841 : memref<4x8x129xf32, #tpu.memory_space<vmem>>[vector<16xi32>, vector<16xi32>, vector<16xi32>], vector<16xf32>,
        %scatter3A_856 = arith.constant 1 : i32
        %scatter3A_857 = arith.constant 0 : i32
        %scatter3A_858 = arith.constant 0 : i32
        %scatter3A_859 = arith.constant 0 : i32
        %scatter3A_860 = tpu.memref_slice %arg8[%scatter3A_856, %scatter3A_857, %scatter3A_858, %scatter3A_859] : memref<2x4x8x129xf32, #tpu.memory_space<vmem>> -> memref<1x4x8x129xf32, #tpu.memory_space<vmem>>
        %scatter3A_861 = tpu.memref_squeeze %scatter3A_860 : memref<1x4x8x129xf32, #tpu.memory_space<vmem>> -> memref<4x8x129xf32, #tpu.memory_space<vmem>>
        tpu.vector_store_idx %scatter3A_861[%add3A_9, %and3A_4, %add3A_833], %add3A_849 : memref<4x8x129xf32, #tpu.memory_space<vmem>>[vector<16xi32>, vector<16xi32>, vector<16xi32>], vector<16xf32>,
        %mul3A_862 = arith.constant 8 : i32
        %mul3A_863 = arith.muli %scan3A_603, %mul3A_862 : i32
        %add3A_864 = arith.constant 7 : i32
        %add3A_865 = arith.addi %mul3A_863, %add3A_864 : i32
        %mul3A_866 = arith.constant 0 : i32
        %mul3A_867 = vector.broadcast %mul3A_866 : i32 to vector<16xi32>
        %mul3A_868 = arith.muli %iota3A, %mul3A_867 : vector<16xi32>
        %add3A_869 = vector.broadcast %add3A_865 : i32 to vector<16xi32>
        %add3A_870 = arith.addi %mul3A_868, %add3A_869 : vector<16xi32>
        %add3A_871 = arith.constant 128 : i32
        %add3A_872 = arith.addi %add3A_871, %add3A_865 : i32
        %get3A_873 = arith.constant 2 : i32
        %get3A_874 = arith.index_cast %get3A_873 : i32 to index
        %get3A_875 = arith.index_cast %add3A_872 : i32 to index
        %get3A_876 = arith.constant 0 : index
        %get3A_877 = tpu.vector_load %arg7[%get3A_874, %get3A_875, %get3A_876] {strides = array<i32>} : memref<4x256x32xf32, #tpu.memory_space<vmem>>, vector<16xf32>,
        %add3A_878 = arith.addf %get3A_877, %get3A_450 : vector<16xf32>
        %add3A_879 = arith.constant 128 : i32
        %add3A_880 = arith.addi %add3A_879, %add3A_865 : i32
        %get3A_881 = arith.constant 2 : i32
        %get3A_882 = arith.index_cast %get3A_881 : i32 to index
        %get3A_883 = arith.index_cast %add3A_880 : i32 to index
        %get3A_884 = arith.constant 16 : index
        %get3A_885 = tpu.vector_load %arg7[%get3A_882, %get3A_883, %get3A_884] {strides = array<i32>} : memref<4x256x32xf32, #tpu.memory_space<vmem>>, vector<16xf32>,
        %add3A_886 = arith.addf %get3A_885, %get3A_453 : vector<16xf32>
        %scatter3A_887 = arith.constant 1 : i32
        %scatter3A_888 = arith.constant 0 : i32
        %scatter3A_889 = arith.constant 0 : i32
        %scatter3A_890 = arith.constant 0 : i32
        %scatter3A_891 = tpu.memref_slice %arg8[%scatter3A_887, %scatter3A_888, %scatter3A_889, %scatter3A_890] : memref<2x4x8x129xf32, #tpu.memory_space<vmem>> -> memref<1x4x8x129xf32, #tpu.memory_space<vmem>>
        %scatter3A_892 = tpu.memref_squeeze %scatter3A_891 : memref<1x4x8x129xf32, #tpu.memory_space<vmem>> -> memref<4x8x129xf32, #tpu.memory_space<vmem>>
        tpu.vector_store_idx %scatter3A_892[%shift_right_arithmetic3A_6, %and3A_4, %add3A_870], %add3A_878 : memref<4x8x129xf32, #tpu.memory_space<vmem>>[vector<16xi32>, vector<16xi32>, vector<16xi32>], vector<16xf32>,
        %scatter3A_893 = arith.constant 1 : i32
        %scatter3A_894 = arith.constant 0 : i32
        %scatter3A_895 = arith.constant 0 : i32
        %scatter3A_896 = arith.constant 0 : i32
        %scatter3A_897 = tpu.memref_slice %arg8[%scatter3A_893, %scatter3A_894, %scatter3A_895, %scatter3A_896] : memref<2x4x8x129xf32, #tpu.memory_space<vmem>> -> memref<1x4x8x129xf32, #tpu.memory_space<vmem>>
        %scatter3A_898 = tpu.memref_squeeze %scatter3A_897 : memref<1x4x8x129xf32, #tpu.memory_space<vmem>> -> memref<4x8x129xf32, #tpu.memory_space<vmem>>
        tpu.vector_store_idx %scatter3A_898[%add3A_9, %and3A_4, %add3A_870], %add3A_886 : memref<4x8x129xf32, #tpu.memory_space<vmem>>[vector<16xi32>, vector<16xi32>, vector<16xi32>], vector<16xf32>,
      }
      %scan3A_459 = arith.constant 16 : i32
      %lt3A_460 = arith.constant 24 : i32
      %lt3A_461 = arith.cmpi slt, %scan3A_179, %lt3A_460 : i32
      %convert_element_type3A_462 = arith.extui %lt3A_461 : i1 to i32
      %cond3A_463 = arith.constant 0 : i32
      %cond3A_464 = arith.cmpi ne, %convert_element_type3A_462, %cond3A_463 : i32
      scf.if %cond3A_464 {
        %add3A_603 = arith.constant 4 : i32
        %add3A_604 = arith.addi %add3A_374, %add3A_603 : i32
        %mul3A_605 = arith.constant 2 : i32
        %mul3A_606 = arith.muli %mul3A_605, %add3A_604 : i32
        %add3A_607 = arith.constant 0 : i32
        %add3A_608 = arith.addi %mul3A_606, %add3A_607 : i32
        %dma_start3A_609 = arith.constant 2 : i32
        %dma_start3A_610 = arith.constant 0 : i32
        %dma_start3A_611 = arith.constant 0 : i32
        %dma_start3A_612 = tpu.memref_slice %arg7[%dma_start3A_609, %dma_start3A_610, %dma_start3A_611] : memref<4x256x32xf32, #tpu.memory_space<vmem>> -> memref<1x256x32xf32, #tpu.memory_space<vmem>>
        %dma_start3A_613 = tpu.memref_squeeze %dma_start3A_612 : memref<1x256x32xf32, #tpu.memory_space<vmem>> -> memref<256x32xf32, #tpu.memory_space<vmem>>
        %dma_start3A_614 = arith.constant 0 : i32
        %dma_start3A_615 = arith.constant 0 : i32
        %dma_start3A_616 = tpu.memref_slice %dma_start3A_613[%dma_start3A_614, %dma_start3A_615] : memref<256x32xf32, #tpu.memory_space<vmem>> -> memref<128x32xf32, #tpu.memory_space<vmem>>
        %dma_start3A_617 = arith.constant 0 : i32
        %dma_start3A_618 = tpu.memref_slice %arg6[%add3A_608, %dma_start3A_617] : memref<200x128xi32, #tpu.memory_space<vmem>> -> memref<1x128xi32, #tpu.memory_space<vmem>>
        %dma_start3A_619 = tpu.memref_squeeze %dma_start3A_618 : memref<1x128xi32, #tpu.memory_space<vmem>> -> memref<128xi32, #tpu.memory_space<vmem>>
        %dma_start3A_620 = arith.constant 0 : i32
        %dma_start3A_621 = arith.constant 0 : i32
        %dma_start3A_622 = tpu.memref_slice %arg3[%dma_start3A_620, %dma_start3A_621] : memref<100000x32xf32, #tpu.memory_space<hbm>> -> memref<100000x32xf32, #tpu.memory_space<hbm>>
        tpu.enqueue_indirect_dma source(%dma_start3A_622 : memref<100000x32xf32, #tpu.memory_space<hbm>>) target(%dma_start3A_616 : memref<128x32xf32, #tpu.memory_space<vmem>>) offsets(%dma_start3A_619 : memref<128xi32, #tpu.memory_space<vmem>>) semaphore(%arg13 : memref<!tpu.dma_semaphore, #tpu.memory_space<semaphore_mem>>)
        %mul3A_623 = arith.constant 2 : i32
        %mul3A_624 = arith.muli %mul3A_623, %add3A_604 : i32
        %add3A_625 = arith.constant 1 : i32
        %add3A_626 = arith.addi %mul3A_624, %add3A_625 : i32
        %dma_start3A_627 = arith.constant 2 : i32
        %dma_start3A_628 = arith.constant 0 : i32
        %dma_start3A_629 = arith.constant 0 : i32
        %dma_start3A_630 = tpu.memref_slice %arg7[%dma_start3A_627, %dma_start3A_628, %dma_start3A_629] : memref<4x256x32xf32, #tpu.memory_space<vmem>> -> memref<1x256x32xf32, #tpu.memory_space<vmem>>
        %dma_start3A_631 = tpu.memref_squeeze %dma_start3A_630 : memref<1x256x32xf32, #tpu.memory_space<vmem>> -> memref<256x32xf32, #tpu.memory_space<vmem>>
        %dma_start3A_632 = arith.constant 128 : i32
        %dma_start3A_633 = arith.constant 0 : i32
        %dma_start3A_634 = tpu.memref_slice %dma_start3A_631[%dma_start3A_632, %dma_start3A_633] : memref<256x32xf32, #tpu.memory_space<vmem>> -> memref<128x32xf32, #tpu.memory_space<vmem>>
        %dma_start3A_635 = arith.constant 0 : i32
        %dma_start3A_636 = tpu.memref_slice %arg6[%add3A_626, %dma_start3A_635] : memref<200x128xi32, #tpu.memory_space<vmem>> -> memref<1x128xi32, #tpu.memory_space<vmem>>
        %dma_start3A_637 = tpu.memref_squeeze %dma_start3A_636 : memref<1x128xi32, #tpu.memory_space<vmem>> -> memref<128xi32, #tpu.memory_space<vmem>>
        %dma_start3A_638 = arith.constant 0 : i32
        %dma_start3A_639 = arith.constant 0 : i32
        %dma_start3A_640 = tpu.memref_slice %arg3[%dma_start3A_638, %dma_start3A_639] : memref<100000x32xf32, #tpu.memory_space<hbm>> -> memref<100000x32xf32, #tpu.memory_space<hbm>>
        tpu.enqueue_indirect_dma source(%dma_start3A_640 : memref<100000x32xf32, #tpu.memory_space<hbm>>) target(%dma_start3A_634 : memref<128x32xf32, #tpu.memory_space<vmem>>) offsets(%dma_start3A_637 : memref<128xi32, #tpu.memory_space<vmem>>) semaphore(%arg13 : memref<!tpu.dma_semaphore, #tpu.memory_space<semaphore_mem>>)
      } else {
      }
      %mul3A_465 = arith.constant 2 : i32
      %mul3A_466 = arith.muli %mul3A_465, %add3A_374 : i32
      %dma_start3A_467 = arith.constant 0 : i32
      %dma_start3A_468 = arith.constant 0 : i32
      %dma_start3A_469 = arith.constant 0 : i32
      %dma_start3A_470 = arith.constant 0 : i32
      %dma_start3A_471 = tpu.memref_slice %arg8[%dma_start3A_467, %dma_start3A_468, %dma_start3A_469, %dma_start3A_470] : memref<2x4x8x129xf32, #tpu.memory_space<vmem>> -> memref<2x4x8x128xf32, #tpu.memory_space<vmem>>
      %dma_start3A_472 = arith.constant 0 : i32
      %dma_start3A_473 = arith.constant 0 : i32
      %dma_start3A_474 = arith.constant 0 : i32
      %dma_start3A_475 = tpu.memref_slice %arg5[%mul3A_466, %dma_start3A_472, %add3A, %dma_start3A_473, %dma_start3A_474] : memref<200x4x32x8x128xf32, #tpu.memory_space<hbm>> -> memref<2x4x1x8x128xf32, #tpu.memory_space<hbm>>
      %dma_start3A_476 = tpu.memref_squeeze %dma_start3A_475 : memref<2x4x1x8x128xf32, #tpu.memory_space<hbm>> -> memref<2x4x8x128xf32, #tpu.memory_space<hbm>>
      %dma_start3A_477 = arith.constant 0 : i32
      %dma_start3A_478 = arith.constant 0 : i32
      %dma_start3A_479 = arith.constant 0 : i32
      %dma_start3A_480 = tpu.memref_slice %arg5[%mul3A_466, %dma_start3A_477, %add3A, %dma_start3A_478, %dma_start3A_479] : memref<200x4x32x8x128xf32, #tpu.memory_space<hbm>> -> memref<2x4x1x8x128xf32, #tpu.memory_space<hbm>>
      %dma_start3A_481 = tpu.memref_squeeze %dma_start3A_480 : memref<2x4x1x8x128xf32, #tpu.memory_space<hbm>> -> memref<2x4x8x128xf32, #tpu.memory_space<hbm>>
      %dma_start3A_482 = arith.constant 0 : i32
      %dma_start3A_483 = arith.constant 0 : i32
      %dma_start3A_484 = arith.constant 0 : i32
      %dma_start3A_485 = arith.constant 0 : i32
      %dma_start3A_486 = tpu.memref_slice %arg8[%dma_start3A_482, %dma_start3A_483, %dma_start3A_484, %dma_start3A_485] : memref<2x4x8x129xf32, #tpu.memory_space<vmem>> -> memref<2x4x8x128xf32, #tpu.memory_space<vmem>>
      tpu.enqueue_dma source(%dma_start3A_486 : memref<2x4x8x128xf32, #tpu.memory_space<vmem>>) target(%dma_start3A_481 : memref<2x4x8x128xf32, #tpu.memory_space<hbm>>) target_semaphore(%arg15 : memref<!tpu.dma_semaphore, #tpu.memory_space<semaphore_mem>>)
      %mul3A_487 = arith.constant 4 : i32
      %mul3A_488 = arith.muli %scan3A_179, %mul3A_487 : i32
      %add3A_489 = arith.constant 3 : i32
      %add3A_490 = arith.addi %mul3A_488, %add3A_489 : i32
      %dma_wait3A_491 = arith.constant 0 : i32
      %dma_wait3A_492 = arith.constant 3 : i32
      %dma_wait3A_493 = arith.constant 0 : i32
      %dma_wait3A_494 = arith.constant 0 : i32
      %dma_wait3A_495 = tpu.memref_slice %arg7[%dma_wait3A_492, %dma_wait3A_493, %dma_wait3A_494] : memref<4x256x32xf32, #tpu.memory_space<vmem>> -> memref<1x256x32xf32, #tpu.memory_space<vmem>>
      %dma_wait3A_496 = tpu.memref_squeeze %dma_wait3A_495 : memref<1x256x32xf32, #tpu.memory_space<vmem>> -> memref<256x32xf32, #tpu.memory_space<vmem>>
      %dma_wait3A_497 = arith.constant 0 : i32
      %dma_wait3A_498 = arith.constant 0 : i32
      %dma_wait3A_499 = tpu.memref_slice %dma_wait3A_496[%dma_wait3A_497, %dma_wait3A_498] : memref<256x32xf32, #tpu.memory_space<vmem>> -> memref<128x32xf32, #tpu.memory_space<vmem>>
      %dma_wait3A_500 = arith.constant 0 : i32
      %dma_wait3A_501 = tpu.memref_slice %arg6[%dma_wait3A_491, %dma_wait3A_500] : memref<200x128xi32, #tpu.memory_space<vmem>> -> memref<1x128xi32, #tpu.memory_space<vmem>>
      %dma_wait3A_502 = tpu.memref_squeeze %dma_wait3A_501 : memref<1x128xi32, #tpu.memory_space<vmem>> -> memref<128xi32, #tpu.memory_space<vmem>>
      %dma_wait3A_503 = arith.constant 0 : i32
      %dma_wait3A_504 = arith.constant 0 : i32
      %dma_wait3A_505 = tpu.memref_slice %arg3[%dma_wait3A_503, %dma_wait3A_504] : memref<100000x32xf32, #tpu.memory_space<hbm>> -> memref<100000x32xf32, #tpu.memory_space<hbm>>
      tpu.wait_indirect_dma semaphore(%arg14 : memref<!tpu.dma_semaphore, #tpu.memory_space<semaphore_mem>>) src(%dma_wait3A_505 : memref<100000x32xf32, #tpu.memory_space<hbm>>) dst(%dma_wait3A_499 : memref<128x32xf32, #tpu.memory_space<vmem>>)
      %dma_wait3A_506 = arith.constant 0 : i32
      %dma_wait3A_507 = arith.constant 3 : i32
      %dma_wait3A_508 = arith.constant 0 : i32
      %dma_wait3A_509 = arith.constant 0 : i32
      %dma_wait3A_510 = tpu.memref_slice %arg7[%dma_wait3A_507, %dma_wait3A_508, %dma_wait3A_509] : memref<4x256x32xf32, #tpu.memory_space<vmem>> -> memref<1x256x32xf32, #tpu.memory_space<vmem>>
      %dma_wait3A_511 = tpu.memref_squeeze %dma_wait3A_510 : memref<1x256x32xf32, #tpu.memory_space<vmem>> -> memref<256x32xf32, #tpu.memory_space<vmem>>
      %dma_wait3A_512 = arith.constant 0 : i32
      %dma_wait3A_513 = arith.constant 0 : i32
      %dma_wait3A_514 = tpu.memref_slice %dma_wait3A_511[%dma_wait3A_512, %dma_wait3A_513] : memref<256x32xf32, #tpu.memory_space<vmem>> -> memref<128x32xf32, #tpu.memory_space<vmem>>
      %dma_wait3A_515 = arith.constant 0 : i32
      %dma_wait3A_516 = tpu.memref_slice %arg6[%dma_wait3A_506, %dma_wait3A_515] : memref<200x128xi32, #tpu.memory_space<vmem>> -> memref<1x128xi32, #tpu.memory_space<vmem>>
      %dma_wait3A_517 = tpu.memref_squeeze %dma_wait3A_516 : memref<1x128xi32, #tpu.memory_space<vmem>> -> memref<128xi32, #tpu.memory_space<vmem>>
      %dma_wait3A_518 = arith.constant 0 : i32
      %dma_wait3A_519 = arith.constant 0 : i32
      %dma_wait3A_520 = tpu.memref_slice %arg3[%dma_wait3A_518, %dma_wait3A_519] : memref<100000x32xf32, #tpu.memory_space<hbm>> -> memref<100000x32xf32, #tpu.memory_space<hbm>>
      tpu.wait_indirect_dma semaphore(%arg14 : memref<!tpu.dma_semaphore, #tpu.memory_space<semaphore_mem>>) src(%dma_wait3A_520 : memref<100000x32xf32, #tpu.memory_space<hbm>>) dst(%dma_wait3A_514 : memref<128x32xf32, #tpu.memory_space<vmem>>)
      %dma_wait3A_521 = arith.constant 0 : i32
      %dma_wait3A_522 = arith.constant 0 : i32
      %dma_wait3A_523 = arith.constant 0 : i32
      %dma_wait3A_524 = arith.constant 0 : i32
      %dma_wait3A_525 = arith.constant 0 : i32
      %dma_wait3A_526 = tpu.memref_slice %arg8[%dma_wait3A_522, %dma_wait3A_523, %dma_wait3A_524, %dma_wait3A_525] : memref<2x4x8x129xf32, #tpu.memory_space<vmem>> -> memref<2x4x8x128xf32, #tpu.memory_space<vmem>>
      %dma_wait3A_527 = arith.constant 0 : i32
      %dma_wait3A_528 = arith.constant 0 : i32
      %dma_wait3A_529 = arith.constant 0 : i32
      %dma_wait3A_530 = arith.constant 0 : i32
      %dma_wait3A_531 = tpu.memref_slice %arg5[%dma_wait3A_527, %dma_wait3A_528, %dma_wait3A_521, %dma_wait3A_529, %dma_wait3A_530] : memref<200x4x32x8x128xf32, #tpu.memory_space<hbm>> -> memref<2x4x1x8x128xf32, #tpu.memory_space<hbm>>
      %dma_wait3A_532 = tpu.memref_squeeze %dma_wait3A_531 : memref<2x4x1x8x128xf32, #tpu.memory_space<hbm>> -> memref<2x4x8x128xf32, #tpu.memory_space<hbm>>
      %dma_wait3A_533 = arith.constant 0 : i32
      %dma_wait3A_534 = arith.constant 0 : i32
      %dma_wait3A_535 = arith.constant 0 : i32
      %dma_wait3A_536 = arith.constant 0 : i32
      %dma_wait3A_537 = tpu.memref_slice %arg5[%dma_wait3A_533, %dma_wait3A_534, %dma_wait3A_521, %dma_wait3A_535, %dma_wait3A_536] : memref<200x4x32x8x128xf32, #tpu.memory_space<hbm>> -> memref<2x4x1x8x128xf32, #tpu.memory_space<hbm>>
      %dma_wait3A_538 = tpu.memref_squeeze %dma_wait3A_537 : memref<2x4x1x8x128xf32, #tpu.memory_space<hbm>> -> memref<2x4x8x128xf32, #tpu.memory_space<hbm>>
      %dma_wait3A_539 = arith.constant 0 : i32
      %dma_wait3A_540 = arith.constant 0 : i32
      %dma_wait3A_541 = arith.constant 0 : i32
      %dma_wait3A_542 = arith.constant 0 : i32
      %dma_wait3A_543 = tpu.memref_slice %arg8[%dma_wait3A_539, %dma_wait3A_540, %dma_wait3A_541, %dma_wait3A_542] : memref<2x4x8x129xf32, #tpu.memory_space<vmem>> -> memref<2x4x8x128xf32, #tpu.memory_space<vmem>>
      tpu.wait_dma2 semaphore(%arg16 : memref<!tpu.dma_semaphore, #tpu.memory_space<semaphore_mem>>) src(%dma_wait3A_543 : memref<2x4x8x128xf32, #tpu.memory_space<vmem>>) dst(%dma_wait3A_538 : memref<2x4x8x128xf32, #tpu.memory_space<hbm>>)
      %mul3A_544 = arith.constant 2 : i32
      %mul3A_545 = arith.muli %mul3A_544, %add3A_490 : i32
      %add3A_546 = arith.constant 0 : i32
      %add3A_547 = arith.addi %mul3A_545, %add3A_546 : i32
      %get3A_548 = arith.index_cast %add3A_547 : i32 to index
      %get3A_549 = arith.constant 0 : index
      %get3A_550 = tpu.vector_load %arg10[%get3A_548, %get3A_549] {strides = array<i32>} : memref<200x32xf32, #tpu.memory_space<vmem>>, vector<16xf32>,
      %get3A_551 = arith.index_cast %add3A_547 : i32 to index
      %get3A_552 = arith.constant 16 : index
      %get3A_553 = tpu.vector_load %arg10[%get3A_551, %get3A_552] {strides = array<i32>} : memref<200x32xf32, #tpu.memory_space<vmem>>, vector<16xf32>,
      %scan3A_554 = arith.constant 0 : i32
      %scan3A_555 = arith.constant 0 : i32
      %scan3A_556 = arith.constant 16 : i32
      %scan3A_557 = arith.addi %scan3A_555, %scan3A_556 : i32
      %scan3A_558 = arith.constant 1 : i32
      scf.for %scan3A_603 = %scan3A_555 to %scan3A_557 step %scan3A_558  : i32 {
        %mul3A_604 = arith.constant 8 : i32
        %mul3A_605 = arith.muli %scan3A_603, %mul3A_604 : i32
        %add3A_606 = arith.constant 0 : i32
        %add3A_607 = arith.addi %mul3A_605, %add3A_606 : i32
        %mul3A_608 = arith.constant 0 : i32
        %mul3A_609 = vector.broadcast %mul3A_608 : i32 to vector<16xi32>
        %mul3A_610 = arith.muli %iota3A, %mul3A_609 : vector<16xi32>
        %add3A_611 = vector.broadcast %add3A_607 : i32 to vector<16xi32>
        %add3A_612 = arith.addi %mul3A_610, %add3A_611 : vector<16xi32>
        %add3A_613 = arith.constant 0 : i32
        %add3A_614 = arith.addi %add3A_613, %add3A_607 : i32
        %get3A_615 = arith.constant 3 : i32
        %get3A_616 = arith.index_cast %get3A_615 : i32 to index
        %get3A_617 = arith.index_cast %add3A_614 : i32 to index
        %get3A_618 = arith.constant 0 : index
        %get3A_619 = tpu.vector_load %arg7[%get3A_616, %get3A_617, %get3A_618] {strides = array<i32>} : memref<4x256x32xf32, #tpu.memory_space<vmem>>, vector<16xf32>,
        %add3A_620 = arith.addf %get3A_619, %get3A_550 : vector<16xf32>
        %add3A_621 = arith.constant 0 : i32
        %add3A_622 = arith.addi %add3A_621, %add3A_607 : i32
        %get3A_623 = arith.constant 3 : i32
        %get3A_624 = arith.index_cast %get3A_623 : i32 to index
        %get3A_625 = arith.index_cast %add3A_622 : i32 to index
        %get3A_626 = arith.constant 16 : index
        %get3A_627 = tpu.vector_load %arg7[%get3A_624, %get3A_625, %get3A_626] {strides = array<i32>} : memref<4x256x32xf32, #tpu.memory_space<vmem>>, vector<16xf32>,
        %add3A_628 = arith.addf %get3A_627, %get3A_553 : vector<16xf32>
        %scatter3A = arith.constant 0 : i32
        %scatter3A_629 = arith.constant 0 : i32
        %scatter3A_630 = arith.constant 0 : i32
        %scatter3A_631 = arith.constant 0 : i32
        %scatter3A_632 = tpu.memref_slice %arg9[%scatter3A, %scatter3A_629, %scatter3A_630, %scatter3A_631] : memref<2x4x8x129xf32, #tpu.memory_space<vmem>> -> memref<1x4x8x129xf32, #tpu.memory_space<vmem>>
        %scatter3A_633 = tpu.memref_squeeze %scatter3A_632 : memref<1x4x8x129xf32, #tpu.memory_space<vmem>> -> memref<4x8x129xf32, #tpu.memory_space<vmem>>
        tpu.vector_store_idx %scatter3A_633[%shift_right_arithmetic3A_6, %and3A_4, %add3A_612], %add3A_620 : memref<4x8x129xf32, #tpu.memory_space<vmem>>[vector<16xi32>, vector<16xi32>, vector<16xi32>], vector<16xf32>,
        %scatter3A_634 = arith.constant 0 : i32
        %scatter3A_635 = arith.constant 0 : i32
        %scatter3A_636 = arith.constant 0 : i32
        %scatter3A_637 = arith.constant 0 : i32
        %scatter3A_638 = tpu.memref_slice %arg9[%scatter3A_634, %scatter3A_635, %scatter3A_636, %scatter3A_637] : memref<2x4x8x129xf32, #tpu.memory_space<vmem>> -> memref<1x4x8x129xf32, #tpu.memory_space<vmem>>
        %scatter3A_639 = tpu.memref_squeeze %scatter3A_638 : memref<1x4x8x129xf32, #tpu.memory_space<vmem>> -> memref<4x8x129xf32, #tpu.memory_space<vmem>>
        tpu.vector_store_idx %scatter3A_639[%add3A_9, %and3A_4, %add3A_612], %add3A_628 : memref<4x8x129xf32, #tpu.memory_space<vmem>>[vector<16xi32>, vector<16xi32>, vector<16xi32>], vector<16xf32>,
        %mul3A_640 = arith.constant 8 : i32
        %mul3A_641 = arith.muli %scan3A_603, %mul3A_640 : i32
        %add3A_642 = arith.constant 1 : i32
        %add3A_643 = arith.addi %mul3A_641, %add3A_642 : i32
        %mul3A_644 = arith.constant 0 : i32
        %mul3A_645 = vector.broadcast %mul3A_644 : i32 to vector<16xi32>
        %mul3A_646 = arith.muli %iota3A, %mul3A_645 : vector<16xi32>
        %add3A_647 = vector.broadcast %add3A_643 : i32 to vector<16xi32>
        %add3A_648 = arith.addi %mul3A_646, %add3A_647 : vector<16xi32>
        %add3A_649 = arith.constant 0 : i32
        %add3A_650 = arith.addi %add3A_649, %add3A_643 : i32
        %get3A_651 = arith.constant 3 : i32
        %get3A_652 = arith.index_cast %get3A_651 : i32 to index
        %get3A_653 = arith.index_cast %add3A_650 : i32 to index
        %get3A_654 = arith.constant 0 : index
        %get3A_655 = tpu.vector_load %arg7[%get3A_652, %get3A_653, %get3A_654] {strides = array<i32>} : memref<4x256x32xf32, #tpu.memory_space<vmem>>, vector<16xf32>,
        %add3A_656 = arith.addf %get3A_655, %get3A_550 : vector<16xf32>
        %add3A_657 = arith.constant 0 : i32
        %add3A_658 = arith.addi %add3A_657, %add3A_643 : i32
        %get3A_659 = arith.constant 3 : i32
        %get3A_660 = arith.index_cast %get3A_659 : i32 to index
        %get3A_661 = arith.index_cast %add3A_658 : i32 to index
        %get3A_662 = arith.constant 16 : index
        %get3A_663 = tpu.vector_load %arg7[%get3A_660, %get3A_661, %get3A_662] {strides = array<i32>} : memref<4x256x32xf32, #tpu.memory_space<vmem>>, vector<16xf32>,
        %add3A_664 = arith.addf %get3A_663, %get3A_553 : vector<16xf32>
        %scatter3A_665 = arith.constant 0 : i32
        %scatter3A_666 = arith.constant 0 : i32
        %scatter3A_667 = arith.constant 0 : i32
        %scatter3A_668 = arith.constant 0 : i32
        %scatter3A_669 = tpu.memref_slice %arg9[%scatter3A_665, %scatter3A_666, %scatter3A_667, %scatter3A_668] : memref<2x4x8x129xf32, #tpu.memory_space<vmem>> -> memref<1x4x8x129xf32, #tpu.memory_space<vmem>>
        %scatter3A_670 = tpu.memref_squeeze %scatter3A_669 : memref<1x4x8x129xf32, #tpu.memory_space<vmem>> -> memref<4x8x129xf32, #tpu.memory_space<vmem>>
        tpu.vector_store_idx %scatter3A_670[%shift_right_arithmetic3A_6, %and3A_4, %add3A_648], %add3A_656 : memref<4x8x129xf32, #tpu.memory_space<vmem>>[vector<16xi32>, vector<16xi32>, vector<16xi32>], vector<16xf32>,
        %scatter3A_671 = arith.constant 0 : i32
        %scatter3A_672 = arith.constant 0 : i32
        %scatter3A_673 = arith.constant 0 : i32
        %scatter3A_674 = arith.constant 0 : i32
        %scatter3A_675 = tpu.memref_slice %arg9[%scatter3A_671, %scatter3A_672, %scatter3A_673, %scatter3A_674] : memref<2x4x8x129xf32, #tpu.memory_space<vmem>> -> memref<1x4x8x129xf32, #tpu.memory_space<vmem>>
        %scatter3A_676 = tpu.memref_squeeze %scatter3A_675 : memref<1x4x8x129xf32, #tpu.memory_space<vmem>> -> memref<4x8x129xf32, #tpu.memory_space<vmem>>
        tpu.vector_store_idx %scatter3A_676[%add3A_9, %and3A_4, %add3A_648], %add3A_664 : memref<4x8x129xf32, #tpu.memory_space<vmem>>[vector<16xi32>, vector<16xi32>, vector<16xi32>], vector<16xf32>,
        %mul3A_677 = arith.constant 8 : i32
        %mul3A_678 = arith.muli %scan3A_603, %mul3A_677 : i32
        %add3A_679 = arith.constant 2 : i32
        %add3A_680 = arith.addi %mul3A_678, %add3A_679 : i32
        %mul3A_681 = arith.constant 0 : i32
        %mul3A_682 = vector.broadcast %mul3A_681 : i32 to vector<16xi32>
        %mul3A_683 = arith.muli %iota3A, %mul3A_682 : vector<16xi32>
        %add3A_684 = vector.broadcast %add3A_680 : i32 to vector<16xi32>
        %add3A_685 = arith.addi %mul3A_683, %add3A_684 : vector<16xi32>
        %add3A_686 = arith.constant 0 : i32
        %add3A_687 = arith.addi %add3A_686, %add3A_680 : i32
        %get3A_688 = arith.constant 3 : i32
        %get3A_689 = arith.index_cast %get3A_688 : i32 to index
        %get3A_690 = arith.index_cast %add3A_687 : i32 to index
        %get3A_691 = arith.constant 0 : index
        %get3A_692 = tpu.vector_load %arg7[%get3A_689, %get3A_690, %get3A_691] {strides = array<i32>} : memref<4x256x32xf32, #tpu.memory_space<vmem>>, vector<16xf32>,
        %add3A_693 = arith.addf %get3A_692, %get3A_550 : vector<16xf32>
        %add3A_694 = arith.constant 0 : i32
        %add3A_695 = arith.addi %add3A_694, %add3A_680 : i32
        %get3A_696 = arith.constant 3 : i32
        %get3A_697 = arith.index_cast %get3A_696 : i32 to index
        %get3A_698 = arith.index_cast %add3A_695 : i32 to index
        %get3A_699 = arith.constant 16 : index
        %get3A_700 = tpu.vector_load %arg7[%get3A_697, %get3A_698, %get3A_699] {strides = array<i32>} : memref<4x256x32xf32, #tpu.memory_space<vmem>>, vector<16xf32>,
        %add3A_701 = arith.addf %get3A_700, %get3A_553 : vector<16xf32>
        %scatter3A_702 = arith.constant 0 : i32
        %scatter3A_703 = arith.constant 0 : i32
        %scatter3A_704 = arith.constant 0 : i32
        %scatter3A_705 = arith.constant 0 : i32
        %scatter3A_706 = tpu.memref_slice %arg9[%scatter3A_702, %scatter3A_703, %scatter3A_704, %scatter3A_705] : memref<2x4x8x129xf32, #tpu.memory_space<vmem>> -> memref<1x4x8x129xf32, #tpu.memory_space<vmem>>
        %scatter3A_707 = tpu.memref_squeeze %scatter3A_706 : memref<1x4x8x129xf32, #tpu.memory_space<vmem>> -> memref<4x8x129xf32, #tpu.memory_space<vmem>>
        tpu.vector_store_idx %scatter3A_707[%shift_right_arithmetic3A_6, %and3A_4, %add3A_685], %add3A_693 : memref<4x8x129xf32, #tpu.memory_space<vmem>>[vector<16xi32>, vector<16xi32>, vector<16xi32>], vector<16xf32>,
        %scatter3A_708 = arith.constant 0 : i32
        %scatter3A_709 = arith.constant 0 : i32
        %scatter3A_710 = arith.constant 0 : i32
        %scatter3A_711 = arith.constant 0 : i32
        %scatter3A_712 = tpu.memref_slice %arg9[%scatter3A_708, %scatter3A_709, %scatter3A_710, %scatter3A_711] : memref<2x4x8x129xf32, #tpu.memory_space<vmem>> -> memref<1x4x8x129xf32, #tpu.memory_space<vmem>>
        %scatter3A_713 = tpu.memref_squeeze %scatter3A_712 : memref<1x4x8x129xf32, #tpu.memory_space<vmem>> -> memref<4x8x129xf32, #tpu.memory_space<vmem>>
        tpu.vector_store_idx %scatter3A_713[%add3A_9, %and3A_4, %add3A_685], %add3A_701 : memref<4x8x129xf32, #tpu.memory_space<vmem>>[vector<16xi32>, vector<16xi32>, vector<16xi32>], vector<16xf32>,
        %mul3A_714 = arith.constant 8 : i32
        %mul3A_715 = arith.muli %scan3A_603, %mul3A_714 : i32
        %add3A_716 = arith.constant 3 : i32
        %add3A_717 = arith.addi %mul3A_715, %add3A_716 : i32
        %mul3A_718 = arith.constant 0 : i32
        %mul3A_719 = vector.broadcast %mul3A_718 : i32 to vector<16xi32>
        %mul3A_720 = arith.muli %iota3A, %mul3A_719 : vector<16xi32>
        %add3A_721 = vector.broadcast %add3A_717 : i32 to vector<16xi32>
        %add3A_722 = arith.addi %mul3A_720, %add3A_721 : vector<16xi32>
        %add3A_723 = arith.constant 0 : i32
        %add3A_724 = arith.addi %add3A_723, %add3A_717 : i32
        %get3A_725 = arith.constant 3 : i32
        %get3A_726 = arith.index_cast %get3A_725 : i32 to index
        %get3A_727 = arith.index_cast %add3A_724 : i32 to index
        %get3A_728 = arith.constant 0 : index
        %get3A_729 = tpu.vector_load %arg7[%get3A_726, %get3A_727, %get3A_728] {strides = array<i32>} : memref<4x256x32xf32, #tpu.memory_space<vmem>>, vector<16xf32>,
        %add3A_730 = arith.addf %get3A_729, %get3A_550 : vector<16xf32>
        %add3A_731 = arith.constant 0 : i32
        %add3A_732 = arith.addi %add3A_731, %add3A_717 : i32
        %get3A_733 = arith.constant 3 : i32
        %get3A_734 = arith.index_cast %get3A_733 : i32 to index
        %get3A_735 = arith.index_cast %add3A_732 : i32 to index
        %get3A_736 = arith.constant 16 : index
        %get3A_737 = tpu.vector_load %arg7[%get3A_734, %get3A_735, %get3A_736] {strides = array<i32>} : memref<4x256x32xf32, #tpu.memory_space<vmem>>, vector<16xf32>,
        %add3A_738 = arith.addf %get3A_737, %get3A_553 : vector<16xf32>
        %scatter3A_739 = arith.constant 0 : i32
        %scatter3A_740 = arith.constant 0 : i32
        %scatter3A_741 = arith.constant 0 : i32
        %scatter3A_742 = arith.constant 0 : i32
        %scatter3A_743 = tpu.memref_slice %arg9[%scatter3A_739, %scatter3A_740, %scatter3A_741, %scatter3A_742] : memref<2x4x8x129xf32, #tpu.memory_space<vmem>> -> memref<1x4x8x129xf32, #tpu.memory_space<vmem>>
        %scatter3A_744 = tpu.memref_squeeze %scatter3A_743 : memref<1x4x8x129xf32, #tpu.memory_space<vmem>> -> memref<4x8x129xf32, #tpu.memory_space<vmem>>
        tpu.vector_store_idx %scatter3A_744[%shift_right_arithmetic3A_6, %and3A_4, %add3A_722], %add3A_730 : memref<4x8x129xf32, #tpu.memory_space<vmem>>[vector<16xi32>, vector<16xi32>, vector<16xi32>], vector<16xf32>,
        %scatter3A_745 = arith.constant 0 : i32
        %scatter3A_746 = arith.constant 0 : i32
        %scatter3A_747 = arith.constant 0 : i32
        %scatter3A_748 = arith.constant 0 : i32
        %scatter3A_749 = tpu.memref_slice %arg9[%scatter3A_745, %scatter3A_746, %scatter3A_747, %scatter3A_748] : memref<2x4x8x129xf32, #tpu.memory_space<vmem>> -> memref<1x4x8x129xf32, #tpu.memory_space<vmem>>
        %scatter3A_750 = tpu.memref_squeeze %scatter3A_749 : memref<1x4x8x129xf32, #tpu.memory_space<vmem>> -> memref<4x8x129xf32, #tpu.memory_space<vmem>>
        tpu.vector_store_idx %scatter3A_750[%add3A_9, %and3A_4, %add3A_722], %add3A_738 : memref<4x8x129xf32, #tpu.memory_space<vmem>>[vector<16xi32>, vector<16xi32>, vector<16xi32>], vector<16xf32>,
        %mul3A_751 = arith.constant 8 : i32
        %mul3A_752 = arith.muli %scan3A_603, %mul3A_751 : i32
        %add3A_753 = arith.constant 4 : i32
        %add3A_754 = arith.addi %mul3A_752, %add3A_753 : i32
        %mul3A_755 = arith.constant 0 : i32
        %mul3A_756 = vector.broadcast %mul3A_755 : i32 to vector<16xi32>
        %mul3A_757 = arith.muli %iota3A, %mul3A_756 : vector<16xi32>
        %add3A_758 = vector.broadcast %add3A_754 : i32 to vector<16xi32>
        %add3A_759 = arith.addi %mul3A_757, %add3A_758 : vector<16xi32>
        %add3A_760 = arith.constant 0 : i32
        %add3A_761 = arith.addi %add3A_760, %add3A_754 : i32
        %get3A_762 = arith.constant 3 : i32
        %get3A_763 = arith.index_cast %get3A_762 : i32 to index
        %get3A_764 = arith.index_cast %add3A_761 : i32 to index
        %get3A_765 = arith.constant 0 : index
        %get3A_766 = tpu.vector_load %arg7[%get3A_763, %get3A_764, %get3A_765] {strides = array<i32>} : memref<4x256x32xf32, #tpu.memory_space<vmem>>, vector<16xf32>,
        %add3A_767 = arith.addf %get3A_766, %get3A_550 : vector<16xf32>
        %add3A_768 = arith.constant 0 : i32
        %add3A_769 = arith.addi %add3A_768, %add3A_754 : i32
        %get3A_770 = arith.constant 3 : i32
        %get3A_771 = arith.index_cast %get3A_770 : i32 to index
        %get3A_772 = arith.index_cast %add3A_769 : i32 to index
        %get3A_773 = arith.constant 16 : index
        %get3A_774 = tpu.vector_load %arg7[%get3A_771, %get3A_772, %get3A_773] {strides = array<i32>} : memref<4x256x32xf32, #tpu.memory_space<vmem>>, vector<16xf32>,
        %add3A_775 = arith.addf %get3A_774, %get3A_553 : vector<16xf32>
        %scatter3A_776 = arith.constant 0 : i32
        %scatter3A_777 = arith.constant 0 : i32
        %scatter3A_778 = arith.constant 0 : i32
        %scatter3A_779 = arith.constant 0 : i32
        %scatter3A_780 = tpu.memref_slice %arg9[%scatter3A_776, %scatter3A_777, %scatter3A_778, %scatter3A_779] : memref<2x4x8x129xf32, #tpu.memory_space<vmem>> -> memref<1x4x8x129xf32, #tpu.memory_space<vmem>>
        %scatter3A_781 = tpu.memref_squeeze %scatter3A_780 : memref<1x4x8x129xf32, #tpu.memory_space<vmem>> -> memref<4x8x129xf32, #tpu.memory_space<vmem>>
        tpu.vector_store_idx %scatter3A_781[%shift_right_arithmetic3A_6, %and3A_4, %add3A_759], %add3A_767 : memref<4x8x129xf32, #tpu.memory_space<vmem>>[vector<16xi32>, vector<16xi32>, vector<16xi32>], vector<16xf32>,
        %scatter3A_782 = arith.constant 0 : i32
        %scatter3A_783 = arith.constant 0 : i32
        %scatter3A_784 = arith.constant 0 : i32
        %scatter3A_785 = arith.constant 0 : i32
        %scatter3A_786 = tpu.memref_slice %arg9[%scatter3A_782, %scatter3A_783, %scatter3A_784, %scatter3A_785] : memref<2x4x8x129xf32, #tpu.memory_space<vmem>> -> memref<1x4x8x129xf32, #tpu.memory_space<vmem>>
        %scatter3A_787 = tpu.memref_squeeze %scatter3A_786 : memref<1x4x8x129xf32, #tpu.memory_space<vmem>> -> memref<4x8x129xf32, #tpu.memory_space<vmem>>
        tpu.vector_store_idx %scatter3A_787[%add3A_9, %and3A_4, %add3A_759], %add3A_775 : memref<4x8x129xf32, #tpu.memory_space<vmem>>[vector<16xi32>, vector<16xi32>, vector<16xi32>], vector<16xf32>,
        %mul3A_788 = arith.constant 8 : i32
        %mul3A_789 = arith.muli %scan3A_603, %mul3A_788 : i32
        %add3A_790 = arith.constant 5 : i32
        %add3A_791 = arith.addi %mul3A_789, %add3A_790 : i32
        %mul3A_792 = arith.constant 0 : i32
        %mul3A_793 = vector.broadcast %mul3A_792 : i32 to vector<16xi32>
        %mul3A_794 = arith.muli %iota3A, %mul3A_793 : vector<16xi32>
        %add3A_795 = vector.broadcast %add3A_791 : i32 to vector<16xi32>
        %add3A_796 = arith.addi %mul3A_794, %add3A_795 : vector<16xi32>
        %add3A_797 = arith.constant 0 : i32
        %add3A_798 = arith.addi %add3A_797, %add3A_791 : i32
        %get3A_799 = arith.constant 3 : i32
        %get3A_800 = arith.index_cast %get3A_799 : i32 to index
        %get3A_801 = arith.index_cast %add3A_798 : i32 to index
        %get3A_802 = arith.constant 0 : index
        %get3A_803 = tpu.vector_load %arg7[%get3A_800, %get3A_801, %get3A_802] {strides = array<i32>} : memref<4x256x32xf32, #tpu.memory_space<vmem>>, vector<16xf32>,
        %add3A_804 = arith.addf %get3A_803, %get3A_550 : vector<16xf32>
        %add3A_805 = arith.constant 0 : i32
        %add3A_806 = arith.addi %add3A_805, %add3A_791 : i32
        %get3A_807 = arith.constant 3 : i32
        %get3A_808 = arith.index_cast %get3A_807 : i32 to index
        %get3A_809 = arith.index_cast %add3A_806 : i32 to index
        %get3A_810 = arith.constant 16 : index
        %get3A_811 = tpu.vector_load %arg7[%get3A_808, %get3A_809, %get3A_810] {strides = array<i32>} : memref<4x256x32xf32, #tpu.memory_space<vmem>>, vector<16xf32>,
        %add3A_812 = arith.addf %get3A_811, %get3A_553 : vector<16xf32>
        %scatter3A_813 = arith.constant 0 : i32
        %scatter3A_814 = arith.constant 0 : i32
        %scatter3A_815 = arith.constant 0 : i32
        %scatter3A_816 = arith.constant 0 : i32
        %scatter3A_817 = tpu.memref_slice %arg9[%scatter3A_813, %scatter3A_814, %scatter3A_815, %scatter3A_816] : memref<2x4x8x129xf32, #tpu.memory_space<vmem>> -> memref<1x4x8x129xf32, #tpu.memory_space<vmem>>
        %scatter3A_818 = tpu.memref_squeeze %scatter3A_817 : memref<1x4x8x129xf32, #tpu.memory_space<vmem>> -> memref<4x8x129xf32, #tpu.memory_space<vmem>>
        tpu.vector_store_idx %scatter3A_818[%shift_right_arithmetic3A_6, %and3A_4, %add3A_796], %add3A_804 : memref<4x8x129xf32, #tpu.memory_space<vmem>>[vector<16xi32>, vector<16xi32>, vector<16xi32>], vector<16xf32>,
        %scatter3A_819 = arith.constant 0 : i32
        %scatter3A_820 = arith.constant 0 : i32
        %scatter3A_821 = arith.constant 0 : i32
        %scatter3A_822 = arith.constant 0 : i32
        %scatter3A_823 = tpu.memref_slice %arg9[%scatter3A_819, %scatter3A_820, %scatter3A_821, %scatter3A_822] : memref<2x4x8x129xf32, #tpu.memory_space<vmem>> -> memref<1x4x8x129xf32, #tpu.memory_space<vmem>>
        %scatter3A_824 = tpu.memref_squeeze %scatter3A_823 : memref<1x4x8x129xf32, #tpu.memory_space<vmem>> -> memref<4x8x129xf32, #tpu.memory_space<vmem>>
        tpu.vector_store_idx %scatter3A_824[%add3A_9, %and3A_4, %add3A_796], %add3A_812 : memref<4x8x129xf32, #tpu.memory_space<vmem>>[vector<16xi32>, vector<16xi32>, vector<16xi32>], vector<16xf32>,
        %mul3A_825 = arith.constant 8 : i32
        %mul3A_826 = arith.muli %scan3A_603, %mul3A_825 : i32
        %add3A_827 = arith.constant 6 : i32
        %add3A_828 = arith.addi %mul3A_826, %add3A_827 : i32
        %mul3A_829 = arith.constant 0 : i32
        %mul3A_830 = vector.broadcast %mul3A_829 : i32 to vector<16xi32>
        %mul3A_831 = arith.muli %iota3A, %mul3A_830 : vector<16xi32>
        %add3A_832 = vector.broadcast %add3A_828 : i32 to vector<16xi32>
        %add3A_833 = arith.addi %mul3A_831, %add3A_832 : vector<16xi32>
        %add3A_834 = arith.constant 0 : i32
        %add3A_835 = arith.addi %add3A_834, %add3A_828 : i32
        %get3A_836 = arith.constant 3 : i32
        %get3A_837 = arith.index_cast %get3A_836 : i32 to index
        %get3A_838 = arith.index_cast %add3A_835 : i32 to index
        %get3A_839 = arith.constant 0 : index
        %get3A_840 = tpu.vector_load %arg7[%get3A_837, %get3A_838, %get3A_839] {strides = array<i32>} : memref<4x256x32xf32, #tpu.memory_space<vmem>>, vector<16xf32>,
        %add3A_841 = arith.addf %get3A_840, %get3A_550 : vector<16xf32>
        %add3A_842 = arith.constant 0 : i32
        %add3A_843 = arith.addi %add3A_842, %add3A_828 : i32
        %get3A_844 = arith.constant 3 : i32
        %get3A_845 = arith.index_cast %get3A_844 : i32 to index
        %get3A_846 = arith.index_cast %add3A_843 : i32 to index
        %get3A_847 = arith.constant 16 : index
        %get3A_848 = tpu.vector_load %arg7[%get3A_845, %get3A_846, %get3A_847] {strides = array<i32>} : memref<4x256x32xf32, #tpu.memory_space<vmem>>, vector<16xf32>,
        %add3A_849 = arith.addf %get3A_848, %get3A_553 : vector<16xf32>
        %scatter3A_850 = arith.constant 0 : i32
        %scatter3A_851 = arith.constant 0 : i32
        %scatter3A_852 = arith.constant 0 : i32
        %scatter3A_853 = arith.constant 0 : i32
        %scatter3A_854 = tpu.memref_slice %arg9[%scatter3A_850, %scatter3A_851, %scatter3A_852, %scatter3A_853] : memref<2x4x8x129xf32, #tpu.memory_space<vmem>> -> memref<1x4x8x129xf32, #tpu.memory_space<vmem>>
        %scatter3A_855 = tpu.memref_squeeze %scatter3A_854 : memref<1x4x8x129xf32, #tpu.memory_space<vmem>> -> memref<4x8x129xf32, #tpu.memory_space<vmem>>
        tpu.vector_store_idx %scatter3A_855[%shift_right_arithmetic3A_6, %and3A_4, %add3A_833], %add3A_841 : memref<4x8x129xf32, #tpu.memory_space<vmem>>[vector<16xi32>, vector<16xi32>, vector<16xi32>], vector<16xf32>,
        %scatter3A_856 = arith.constant 0 : i32
        %scatter3A_857 = arith.constant 0 : i32
        %scatter3A_858 = arith.constant 0 : i32
        %scatter3A_859 = arith.constant 0 : i32
        %scatter3A_860 = tpu.memref_slice %arg9[%scatter3A_856, %scatter3A_857, %scatter3A_858, %scatter3A_859] : memref<2x4x8x129xf32, #tpu.memory_space<vmem>> -> memref<1x4x8x129xf32, #tpu.memory_space<vmem>>
        %scatter3A_861 = tpu.memref_squeeze %scatter3A_860 : memref<1x4x8x129xf32, #tpu.memory_space<vmem>> -> memref<4x8x129xf32, #tpu.memory_space<vmem>>
        tpu.vector_store_idx %scatter3A_861[%add3A_9, %and3A_4, %add3A_833], %add3A_849 : memref<4x8x129xf32, #tpu.memory_space<vmem>>[vector<16xi32>, vector<16xi32>, vector<16xi32>], vector<16xf32>,
        %mul3A_862 = arith.constant 8 : i32
        %mul3A_863 = arith.muli %scan3A_603, %mul3A_862 : i32
        %add3A_864 = arith.constant 7 : i32
        %add3A_865 = arith.addi %mul3A_863, %add3A_864 : i32
        %mul3A_866 = arith.constant 0 : i32
        %mul3A_867 = vector.broadcast %mul3A_866 : i32 to vector<16xi32>
        %mul3A_868 = arith.muli %iota3A, %mul3A_867 : vector<16xi32>
        %add3A_869 = vector.broadcast %add3A_865 : i32 to vector<16xi32>
        %add3A_870 = arith.addi %mul3A_868, %add3A_869 : vector<16xi32>
        %add3A_871 = arith.constant 0 : i32
        %add3A_872 = arith.addi %add3A_871, %add3A_865 : i32
        %get3A_873 = arith.constant 3 : i32
        %get3A_874 = arith.index_cast %get3A_873 : i32 to index
        %get3A_875 = arith.index_cast %add3A_872 : i32 to index
        %get3A_876 = arith.constant 0 : index
        %get3A_877 = tpu.vector_load %arg7[%get3A_874, %get3A_875, %get3A_876] {strides = array<i32>} : memref<4x256x32xf32, #tpu.memory_space<vmem>>, vector<16xf32>,
        %add3A_878 = arith.addf %get3A_877, %get3A_550 : vector<16xf32>
        %add3A_879 = arith.constant 0 : i32
        %add3A_880 = arith.addi %add3A_879, %add3A_865 : i32
        %get3A_881 = arith.constant 3 : i32
        %get3A_882 = arith.index_cast %get3A_881 : i32 to index
        %get3A_883 = arith.index_cast %add3A_880 : i32 to index
        %get3A_884 = arith.constant 16 : index
        %get3A_885 = tpu.vector_load %arg7[%get3A_882, %get3A_883, %get3A_884] {strides = array<i32>} : memref<4x256x32xf32, #tpu.memory_space<vmem>>, vector<16xf32>,
        %add3A_886 = arith.addf %get3A_885, %get3A_553 : vector<16xf32>
        %scatter3A_887 = arith.constant 0 : i32
        %scatter3A_888 = arith.constant 0 : i32
        %scatter3A_889 = arith.constant 0 : i32
        %scatter3A_890 = arith.constant 0 : i32
        %scatter3A_891 = tpu.memref_slice %arg9[%scatter3A_887, %scatter3A_888, %scatter3A_889, %scatter3A_890] : memref<2x4x8x129xf32, #tpu.memory_space<vmem>> -> memref<1x4x8x129xf32, #tpu.memory_space<vmem>>
        %scatter3A_892 = tpu.memref_squeeze %scatter3A_891 : memref<1x4x8x129xf32, #tpu.memory_space<vmem>> -> memref<4x8x129xf32, #tpu.memory_space<vmem>>
        tpu.vector_store_idx %scatter3A_892[%shift_right_arithmetic3A_6, %and3A_4, %add3A_870], %add3A_878 : memref<4x8x129xf32, #tpu.memory_space<vmem>>[vector<16xi32>, vector<16xi32>, vector<16xi32>], vector<16xf32>,
        %scatter3A_893 = arith.constant 0 : i32
        %scatter3A_894 = arith.constant 0 : i32
        %scatter3A_895 = arith.constant 0 : i32
        %scatter3A_896 = arith.constant 0 : i32
        %scatter3A_897 = tpu.memref_slice %arg9[%scatter3A_893, %scatter3A_894, %scatter3A_895, %scatter3A_896] : memref<2x4x8x129xf32, #tpu.memory_space<vmem>> -> memref<1x4x8x129xf32, #tpu.memory_space<vmem>>
        %scatter3A_898 = tpu.memref_squeeze %scatter3A_897 : memref<1x4x8x129xf32, #tpu.memory_space<vmem>> -> memref<4x8x129xf32, #tpu.memory_space<vmem>>
        tpu.vector_store_idx %scatter3A_898[%add3A_9, %and3A_4, %add3A_870], %add3A_886 : memref<4x8x129xf32, #tpu.memory_space<vmem>>[vector<16xi32>, vector<16xi32>, vector<16xi32>], vector<16xf32>,
      }
      %scan3A_559 = arith.constant 16 : i32
      %mul3A_560 = arith.constant 2 : i32
      %mul3A_561 = arith.muli %mul3A_560, %add3A_490 : i32
      %add3A_562 = arith.constant 1 : i32
      %add3A_563 = arith.addi %mul3A_561, %add3A_562 : i32
      %get3A_564 = arith.index_cast %add3A_563 : i32 to index
      %get3A_565 = arith.constant 0 : index
      %get3A_566 = tpu.vector_load %arg10[%get3A_564, %get3A_565] {strides = array<i32>} : memref<200x32xf32, #tpu.memory_space<vmem>>, vector<16xf32>,
      %get3A_567 = arith.index_cast %add3A_563 : i32 to index
      %get3A_568 = arith.constant 16 : index
      %get3A_569 = tpu.vector_load %arg10[%get3A_567, %get3A_568] {strides = array<i32>} : memref<200x32xf32, #tpu.memory_space<vmem>>, vector<16xf32>,
      %scan3A_570 = arith.constant 0 : i32
      %scan3A_571 = arith.constant 0 : i32
      %scan3A_572 = arith.constant 16 : i32
      %scan3A_573 = arith.addi %scan3A_571, %scan3A_572 : i32
      %scan3A_574 = arith.constant 1 : i32
      scf.for %scan3A_603 = %scan3A_571 to %scan3A_573 step %scan3A_574  : i32 {
        %mul3A_604 = arith.constant 8 : i32
        %mul3A_605 = arith.muli %scan3A_603, %mul3A_604 : i32
        %add3A_606 = arith.constant 0 : i32
        %add3A_607 = arith.addi %mul3A_605, %add3A_606 : i32
        %mul3A_608 = arith.constant 0 : i32
        %mul3A_609 = vector.broadcast %mul3A_608 : i32 to vector<16xi32>
        %mul3A_610 = arith.muli %iota3A, %mul3A_609 : vector<16xi32>
        %add3A_611 = vector.broadcast %add3A_607 : i32 to vector<16xi32>
        %add3A_612 = arith.addi %mul3A_610, %add3A_611 : vector<16xi32>
        %add3A_613 = arith.constant 128 : i32
        %add3A_614 = arith.addi %add3A_613, %add3A_607 : i32
        %get3A_615 = arith.constant 3 : i32
        %get3A_616 = arith.index_cast %get3A_615 : i32 to index
        %get3A_617 = arith.index_cast %add3A_614 : i32 to index
        %get3A_618 = arith.constant 0 : index
        %get3A_619 = tpu.vector_load %arg7[%get3A_616, %get3A_617, %get3A_618] {strides = array<i32>} : memref<4x256x32xf32, #tpu.memory_space<vmem>>, vector<16xf32>,
        %add3A_620 = arith.addf %get3A_619, %get3A_566 : vector<16xf32>
        %add3A_621 = arith.constant 128 : i32
        %add3A_622 = arith.addi %add3A_621, %add3A_607 : i32
        %get3A_623 = arith.constant 3 : i32
        %get3A_624 = arith.index_cast %get3A_623 : i32 to index
        %get3A_625 = arith.index_cast %add3A_622 : i32 to index
        %get3A_626 = arith.constant 16 : index
        %get3A_627 = tpu.vector_load %arg7[%get3A_624, %get3A_625, %get3A_626] {strides = array<i32>} : memref<4x256x32xf32, #tpu.memory_space<vmem>>, vector<16xf32>,
        %add3A_628 = arith.addf %get3A_627, %get3A_569 : vector<16xf32>
        %scatter3A = arith.constant 1 : i32
        %scatter3A_629 = arith.constant 0 : i32
        %scatter3A_630 = arith.constant 0 : i32
        %scatter3A_631 = arith.constant 0 : i32
        %scatter3A_632 = tpu.memref_slice %arg9[%scatter3A, %scatter3A_629, %scatter3A_630, %scatter3A_631] : memref<2x4x8x129xf32, #tpu.memory_space<vmem>> -> memref<1x4x8x129xf32, #tpu.memory_space<vmem>>
        %scatter3A_633 = tpu.memref_squeeze %scatter3A_632 : memref<1x4x8x129xf32, #tpu.memory_space<vmem>> -> memref<4x8x129xf32, #tpu.memory_space<vmem>>
        tpu.vector_store_idx %scatter3A_633[%shift_right_arithmetic3A_6, %and3A_4, %add3A_612], %add3A_620 : memref<4x8x129xf32, #tpu.memory_space<vmem>>[vector<16xi32>, vector<16xi32>, vector<16xi32>], vector<16xf32>,
        %scatter3A_634 = arith.constant 1 : i32
        %scatter3A_635 = arith.constant 0 : i32
        %scatter3A_636 = arith.constant 0 : i32
        %scatter3A_637 = arith.constant 0 : i32
        %scatter3A_638 = tpu.memref_slice %arg9[%scatter3A_634, %scatter3A_635, %scatter3A_636, %scatter3A_637] : memref<2x4x8x129xf32, #tpu.memory_space<vmem>> -> memref<1x4x8x129xf32, #tpu.memory_space<vmem>>
        %scatter3A_639 = tpu.memref_squeeze %scatter3A_638 : memref<1x4x8x129xf32, #tpu.memory_space<vmem>> -> memref<4x8x129xf32, #tpu.memory_space<vmem>>
        tpu.vector_store_idx %scatter3A_639[%add3A_9, %and3A_4, %add3A_612], %add3A_628 : memref<4x8x129xf32, #tpu.memory_space<vmem>>[vector<16xi32>, vector<16xi32>, vector<16xi32>], vector<16xf32>,
        %mul3A_640 = arith.constant 8 : i32
        %mul3A_641 = arith.muli %scan3A_603, %mul3A_640 : i32
        %add3A_642 = arith.constant 1 : i32
        %add3A_643 = arith.addi %mul3A_641, %add3A_642 : i32
        %mul3A_644 = arith.constant 0 : i32
        %mul3A_645 = vector.broadcast %mul3A_644 : i32 to vector<16xi32>
        %mul3A_646 = arith.muli %iota3A, %mul3A_645 : vector<16xi32>
        %add3A_647 = vector.broadcast %add3A_643 : i32 to vector<16xi32>
        %add3A_648 = arith.addi %mul3A_646, %add3A_647 : vector<16xi32>
        %add3A_649 = arith.constant 128 : i32
        %add3A_650 = arith.addi %add3A_649, %add3A_643 : i32
        %get3A_651 = arith.constant 3 : i32
        %get3A_652 = arith.index_cast %get3A_651 : i32 to index
        %get3A_653 = arith.index_cast %add3A_650 : i32 to index
        %get3A_654 = arith.constant 0 : index
        %get3A_655 = tpu.vector_load %arg7[%get3A_652, %get3A_653, %get3A_654] {strides = array<i32>} : memref<4x256x32xf32, #tpu.memory_space<vmem>>, vector<16xf32>,
        %add3A_656 = arith.addf %get3A_655, %get3A_566 : vector<16xf32>
        %add3A_657 = arith.constant 128 : i32
        %add3A_658 = arith.addi %add3A_657, %add3A_643 : i32
        %get3A_659 = arith.constant 3 : i32
        %get3A_660 = arith.index_cast %get3A_659 : i32 to index
        %get3A_661 = arith.index_cast %add3A_658 : i32 to index
        %get3A_662 = arith.constant 16 : index
        %get3A_663 = tpu.vector_load %arg7[%get3A_660, %get3A_661, %get3A_662] {strides = array<i32>} : memref<4x256x32xf32, #tpu.memory_space<vmem>>, vector<16xf32>,
        %add3A_664 = arith.addf %get3A_663, %get3A_569 : vector<16xf32>
        %scatter3A_665 = arith.constant 1 : i32
        %scatter3A_666 = arith.constant 0 : i32
        %scatter3A_667 = arith.constant 0 : i32
        %scatter3A_668 = arith.constant 0 : i32
        %scatter3A_669 = tpu.memref_slice %arg9[%scatter3A_665, %scatter3A_666, %scatter3A_667, %scatter3A_668] : memref<2x4x8x129xf32, #tpu.memory_space<vmem>> -> memref<1x4x8x129xf32, #tpu.memory_space<vmem>>
        %scatter3A_670 = tpu.memref_squeeze %scatter3A_669 : memref<1x4x8x129xf32, #tpu.memory_space<vmem>> -> memref<4x8x129xf32, #tpu.memory_space<vmem>>
        tpu.vector_store_idx %scatter3A_670[%shift_right_arithmetic3A_6, %and3A_4, %add3A_648], %add3A_656 : memref<4x8x129xf32, #tpu.memory_space<vmem>>[vector<16xi32>, vector<16xi32>, vector<16xi32>], vector<16xf32>,
        %scatter3A_671 = arith.constant 1 : i32
        %scatter3A_672 = arith.constant 0 : i32
        %scatter3A_673 = arith.constant 0 : i32
        %scatter3A_674 = arith.constant 0 : i32
        %scatter3A_675 = tpu.memref_slice %arg9[%scatter3A_671, %scatter3A_672, %scatter3A_673, %scatter3A_674] : memref<2x4x8x129xf32, #tpu.memory_space<vmem>> -> memref<1x4x8x129xf32, #tpu.memory_space<vmem>>
        %scatter3A_676 = tpu.memref_squeeze %scatter3A_675 : memref<1x4x8x129xf32, #tpu.memory_space<vmem>> -> memref<4x8x129xf32, #tpu.memory_space<vmem>>
        tpu.vector_store_idx %scatter3A_676[%add3A_9, %and3A_4, %add3A_648], %add3A_664 : memref<4x8x129xf32, #tpu.memory_space<vmem>>[vector<16xi32>, vector<16xi32>, vector<16xi32>], vector<16xf32>,
        %mul3A_677 = arith.constant 8 : i32
        %mul3A_678 = arith.muli %scan3A_603, %mul3A_677 : i32
        %add3A_679 = arith.constant 2 : i32
        %add3A_680 = arith.addi %mul3A_678, %add3A_679 : i32
        %mul3A_681 = arith.constant 0 : i32
        %mul3A_682 = vector.broadcast %mul3A_681 : i32 to vector<16xi32>
        %mul3A_683 = arith.muli %iota3A, %mul3A_682 : vector<16xi32>
        %add3A_684 = vector.broadcast %add3A_680 : i32 to vector<16xi32>
        %add3A_685 = arith.addi %mul3A_683, %add3A_684 : vector<16xi32>
        %add3A_686 = arith.constant 128 : i32
        %add3A_687 = arith.addi %add3A_686, %add3A_680 : i32
        %get3A_688 = arith.constant 3 : i32
        %get3A_689 = arith.index_cast %get3A_688 : i32 to index
        %get3A_690 = arith.index_cast %add3A_687 : i32 to index
        %get3A_691 = arith.constant 0 : index
        %get3A_692 = tpu.vector_load %arg7[%get3A_689, %get3A_690, %get3A_691] {strides = array<i32>} : memref<4x256x32xf32, #tpu.memory_space<vmem>>, vector<16xf32>,
        %add3A_693 = arith.addf %get3A_692, %get3A_566 : vector<16xf32>
        %add3A_694 = arith.constant 128 : i32
        %add3A_695 = arith.addi %add3A_694, %add3A_680 : i32
        %get3A_696 = arith.constant 3 : i32
        %get3A_697 = arith.index_cast %get3A_696 : i32 to index
        %get3A_698 = arith.index_cast %add3A_695 : i32 to index
        %get3A_699 = arith.constant 16 : index
        %get3A_700 = tpu.vector_load %arg7[%get3A_697, %get3A_698, %get3A_699] {strides = array<i32>} : memref<4x256x32xf32, #tpu.memory_space<vmem>>, vector<16xf32>,
        %add3A_701 = arith.addf %get3A_700, %get3A_569 : vector<16xf32>
        %scatter3A_702 = arith.constant 1 : i32
        %scatter3A_703 = arith.constant 0 : i32
        %scatter3A_704 = arith.constant 0 : i32
        %scatter3A_705 = arith.constant 0 : i32
        %scatter3A_706 = tpu.memref_slice %arg9[%scatter3A_702, %scatter3A_703, %scatter3A_704, %scatter3A_705] : memref<2x4x8x129xf32, #tpu.memory_space<vmem>> -> memref<1x4x8x129xf32, #tpu.memory_space<vmem>>
        %scatter3A_707 = tpu.memref_squeeze %scatter3A_706 : memref<1x4x8x129xf32, #tpu.memory_space<vmem>> -> memref<4x8x129xf32, #tpu.memory_space<vmem>>
        tpu.vector_store_idx %scatter3A_707[%shift_right_arithmetic3A_6, %and3A_4, %add3A_685], %add3A_693 : memref<4x8x129xf32, #tpu.memory_space<vmem>>[vector<16xi32>, vector<16xi32>, vector<16xi32>], vector<16xf32>,
        %scatter3A_708 = arith.constant 1 : i32
        %scatter3A_709 = arith.constant 0 : i32
        %scatter3A_710 = arith.constant 0 : i32
        %scatter3A_711 = arith.constant 0 : i32
        %scatter3A_712 = tpu.memref_slice %arg9[%scatter3A_708, %scatter3A_709, %scatter3A_710, %scatter3A_711] : memref<2x4x8x129xf32, #tpu.memory_space<vmem>> -> memref<1x4x8x129xf32, #tpu.memory_space<vmem>>
        %scatter3A_713 = tpu.memref_squeeze %scatter3A_712 : memref<1x4x8x129xf32, #tpu.memory_space<vmem>> -> memref<4x8x129xf32, #tpu.memory_space<vmem>>
        tpu.vector_store_idx %scatter3A_713[%add3A_9, %and3A_4, %add3A_685], %add3A_701 : memref<4x8x129xf32, #tpu.memory_space<vmem>>[vector<16xi32>, vector<16xi32>, vector<16xi32>], vector<16xf32>,
        %mul3A_714 = arith.constant 8 : i32
        %mul3A_715 = arith.muli %scan3A_603, %mul3A_714 : i32
        %add3A_716 = arith.constant 3 : i32
        %add3A_717 = arith.addi %mul3A_715, %add3A_716 : i32
        %mul3A_718 = arith.constant 0 : i32
        %mul3A_719 = vector.broadcast %mul3A_718 : i32 to vector<16xi32>
        %mul3A_720 = arith.muli %iota3A, %mul3A_719 : vector<16xi32>
        %add3A_721 = vector.broadcast %add3A_717 : i32 to vector<16xi32>
        %add3A_722 = arith.addi %mul3A_720, %add3A_721 : vector<16xi32>
        %add3A_723 = arith.constant 128 : i32
        %add3A_724 = arith.addi %add3A_723, %add3A_717 : i32
        %get3A_725 = arith.constant 3 : i32
        %get3A_726 = arith.index_cast %get3A_725 : i32 to index
        %get3A_727 = arith.index_cast %add3A_724 : i32 to index
        %get3A_728 = arith.constant 0 : index
        %get3A_729 = tpu.vector_load %arg7[%get3A_726, %get3A_727, %get3A_728] {strides = array<i32>} : memref<4x256x32xf32, #tpu.memory_space<vmem>>, vector<16xf32>,
        %add3A_730 = arith.addf %get3A_729, %get3A_566 : vector<16xf32>
        %add3A_731 = arith.constant 128 : i32
        %add3A_732 = arith.addi %add3A_731, %add3A_717 : i32
        %get3A_733 = arith.constant 3 : i32
        %get3A_734 = arith.index_cast %get3A_733 : i32 to index
        %get3A_735 = arith.index_cast %add3A_732 : i32 to index
        %get3A_736 = arith.constant 16 : index
        %get3A_737 = tpu.vector_load %arg7[%get3A_734, %get3A_735, %get3A_736] {strides = array<i32>} : memref<4x256x32xf32, #tpu.memory_space<vmem>>, vector<16xf32>,
        %add3A_738 = arith.addf %get3A_737, %get3A_569 : vector<16xf32>
        %scatter3A_739 = arith.constant 1 : i32
        %scatter3A_740 = arith.constant 0 : i32
        %scatter3A_741 = arith.constant 0 : i32
        %scatter3A_742 = arith.constant 0 : i32
        %scatter3A_743 = tpu.memref_slice %arg9[%scatter3A_739, %scatter3A_740, %scatter3A_741, %scatter3A_742] : memref<2x4x8x129xf32, #tpu.memory_space<vmem>> -> memref<1x4x8x129xf32, #tpu.memory_space<vmem>>
        %scatter3A_744 = tpu.memref_squeeze %scatter3A_743 : memref<1x4x8x129xf32, #tpu.memory_space<vmem>> -> memref<4x8x129xf32, #tpu.memory_space<vmem>>
        tpu.vector_store_idx %scatter3A_744[%shift_right_arithmetic3A_6, %and3A_4, %add3A_722], %add3A_730 : memref<4x8x129xf32, #tpu.memory_space<vmem>>[vector<16xi32>, vector<16xi32>, vector<16xi32>], vector<16xf32>,
        %scatter3A_745 = arith.constant 1 : i32
        %scatter3A_746 = arith.constant 0 : i32
        %scatter3A_747 = arith.constant 0 : i32
        %scatter3A_748 = arith.constant 0 : i32
        %scatter3A_749 = tpu.memref_slice %arg9[%scatter3A_745, %scatter3A_746, %scatter3A_747, %scatter3A_748] : memref<2x4x8x129xf32, #tpu.memory_space<vmem>> -> memref<1x4x8x129xf32, #tpu.memory_space<vmem>>
        %scatter3A_750 = tpu.memref_squeeze %scatter3A_749 : memref<1x4x8x129xf32, #tpu.memory_space<vmem>> -> memref<4x8x129xf32, #tpu.memory_space<vmem>>
        tpu.vector_store_idx %scatter3A_750[%add3A_9, %and3A_4, %add3A_722], %add3A_738 : memref<4x8x129xf32, #tpu.memory_space<vmem>>[vector<16xi32>, vector<16xi32>, vector<16xi32>], vector<16xf32>,
        %mul3A_751 = arith.constant 8 : i32
        %mul3A_752 = arith.muli %scan3A_603, %mul3A_751 : i32
        %add3A_753 = arith.constant 4 : i32
        %add3A_754 = arith.addi %mul3A_752, %add3A_753 : i32
        %mul3A_755 = arith.constant 0 : i32
        %mul3A_756 = vector.broadcast %mul3A_755 : i32 to vector<16xi32>
        %mul3A_757 = arith.muli %iota3A, %mul3A_756 : vector<16xi32>
        %add3A_758 = vector.broadcast %add3A_754 : i32 to vector<16xi32>
        %add3A_759 = arith.addi %mul3A_757, %add3A_758 : vector<16xi32>
        %add3A_760 = arith.constant 128 : i32
        %add3A_761 = arith.addi %add3A_760, %add3A_754 : i32
        %get3A_762 = arith.constant 3 : i32
        %get3A_763 = arith.index_cast %get3A_762 : i32 to index
        %get3A_764 = arith.index_cast %add3A_761 : i32 to index
        %get3A_765 = arith.constant 0 : index
        %get3A_766 = tpu.vector_load %arg7[%get3A_763, %get3A_764, %get3A_765] {strides = array<i32>} : memref<4x256x32xf32, #tpu.memory_space<vmem>>, vector<16xf32>,
        %add3A_767 = arith.addf %get3A_766, %get3A_566 : vector<16xf32>
        %add3A_768 = arith.constant 128 : i32
        %add3A_769 = arith.addi %add3A_768, %add3A_754 : i32
        %get3A_770 = arith.constant 3 : i32
        %get3A_771 = arith.index_cast %get3A_770 : i32 to index
        %get3A_772 = arith.index_cast %add3A_769 : i32 to index
        %get3A_773 = arith.constant 16 : index
        %get3A_774 = tpu.vector_load %arg7[%get3A_771, %get3A_772, %get3A_773] {strides = array<i32>} : memref<4x256x32xf32, #tpu.memory_space<vmem>>, vector<16xf32>,
        %add3A_775 = arith.addf %get3A_774, %get3A_569 : vector<16xf32>
        %scatter3A_776 = arith.constant 1 : i32
        %scatter3A_777 = arith.constant 0 : i32
        %scatter3A_778 = arith.constant 0 : i32
        %scatter3A_779 = arith.constant 0 : i32
        %scatter3A_780 = tpu.memref_slice %arg9[%scatter3A_776, %scatter3A_777, %scatter3A_778, %scatter3A_779] : memref<2x4x8x129xf32, #tpu.memory_space<vmem>> -> memref<1x4x8x129xf32, #tpu.memory_space<vmem>>
        %scatter3A_781 = tpu.memref_squeeze %scatter3A_780 : memref<1x4x8x129xf32, #tpu.memory_space<vmem>> -> memref<4x8x129xf32, #tpu.memory_space<vmem>>
        tpu.vector_store_idx %scatter3A_781[%shift_right_arithmetic3A_6, %and3A_4, %add3A_759], %add3A_767 : memref<4x8x129xf32, #tpu.memory_space<vmem>>[vector<16xi32>, vector<16xi32>, vector<16xi32>], vector<16xf32>,
        %scatter3A_782 = arith.constant 1 : i32
        %scatter3A_783 = arith.constant 0 : i32
        %scatter3A_784 = arith.constant 0 : i32
        %scatter3A_785 = arith.constant 0 : i32
        %scatter3A_786 = tpu.memref_slice %arg9[%scatter3A_782, %scatter3A_783, %scatter3A_784, %scatter3A_785] : memref<2x4x8x129xf32, #tpu.memory_space<vmem>> -> memref<1x4x8x129xf32, #tpu.memory_space<vmem>>
        %scatter3A_787 = tpu.memref_squeeze %scatter3A_786 : memref<1x4x8x129xf32, #tpu.memory_space<vmem>> -> memref<4x8x129xf32, #tpu.memory_space<vmem>>
        tpu.vector_store_idx %scatter3A_787[%add3A_9, %and3A_4, %add3A_759], %add3A_775 : memref<4x8x129xf32, #tpu.memory_space<vmem>>[vector<16xi32>, vector<16xi32>, vector<16xi32>], vector<16xf32>,
        %mul3A_788 = arith.constant 8 : i32
        %mul3A_789 = arith.muli %scan3A_603, %mul3A_788 : i32
        %add3A_790 = arith.constant 5 : i32
        %add3A_791 = arith.addi %mul3A_789, %add3A_790 : i32
        %mul3A_792 = arith.constant 0 : i32
        %mul3A_793 = vector.broadcast %mul3A_792 : i32 to vector<16xi32>
        %mul3A_794 = arith.muli %iota3A, %mul3A_793 : vector<16xi32>
        %add3A_795 = vector.broadcast %add3A_791 : i32 to vector<16xi32>
        %add3A_796 = arith.addi %mul3A_794, %add3A_795 : vector<16xi32>
        %add3A_797 = arith.constant 128 : i32
        %add3A_798 = arith.addi %add3A_797, %add3A_791 : i32
        %get3A_799 = arith.constant 3 : i32
        %get3A_800 = arith.index_cast %get3A_799 : i32 to index
        %get3A_801 = arith.index_cast %add3A_798 : i32 to index
        %get3A_802 = arith.constant 0 : index
        %get3A_803 = tpu.vector_load %arg7[%get3A_800, %get3A_801, %get3A_802] {strides = array<i32>} : memref<4x256x32xf32, #tpu.memory_space<vmem>>, vector<16xf32>,
        %add3A_804 = arith.addf %get3A_803, %get3A_566 : vector<16xf32>
        %add3A_805 = arith.constant 128 : i32
        %add3A_806 = arith.addi %add3A_805, %add3A_791 : i32
        %get3A_807 = arith.constant 3 : i32
        %get3A_808 = arith.index_cast %get3A_807 : i32 to index
        %get3A_809 = arith.index_cast %add3A_806 : i32 to index
        %get3A_810 = arith.constant 16 : index
        %get3A_811 = tpu.vector_load %arg7[%get3A_808, %get3A_809, %get3A_810] {strides = array<i32>} : memref<4x256x32xf32, #tpu.memory_space<vmem>>, vector<16xf32>,
        %add3A_812 = arith.addf %get3A_811, %get3A_569 : vector<16xf32>
        %scatter3A_813 = arith.constant 1 : i32
        %scatter3A_814 = arith.constant 0 : i32
        %scatter3A_815 = arith.constant 0 : i32
        %scatter3A_816 = arith.constant 0 : i32
        %scatter3A_817 = tpu.memref_slice %arg9[%scatter3A_813, %scatter3A_814, %scatter3A_815, %scatter3A_816] : memref<2x4x8x129xf32, #tpu.memory_space<vmem>> -> memref<1x4x8x129xf32, #tpu.memory_space<vmem>>
        %scatter3A_818 = tpu.memref_squeeze %scatter3A_817 : memref<1x4x8x129xf32, #tpu.memory_space<vmem>> -> memref<4x8x129xf32, #tpu.memory_space<vmem>>
        tpu.vector_store_idx %scatter3A_818[%shift_right_arithmetic3A_6, %and3A_4, %add3A_796], %add3A_804 : memref<4x8x129xf32, #tpu.memory_space<vmem>>[vector<16xi32>, vector<16xi32>, vector<16xi32>], vector<16xf32>,
        %scatter3A_819 = arith.constant 1 : i32
        %scatter3A_820 = arith.constant 0 : i32
        %scatter3A_821 = arith.constant 0 : i32
        %scatter3A_822 = arith.constant 0 : i32
        %scatter3A_823 = tpu.memref_slice %arg9[%scatter3A_819, %scatter3A_820, %scatter3A_821, %scatter3A_822] : memref<2x4x8x129xf32, #tpu.memory_space<vmem>> -> memref<1x4x8x129xf32, #tpu.memory_space<vmem>>
        %scatter3A_824 = tpu.memref_squeeze %scatter3A_823 : memref<1x4x8x129xf32, #tpu.memory_space<vmem>> -> memref<4x8x129xf32, #tpu.memory_space<vmem>>
        tpu.vector_store_idx %scatter3A_824[%add3A_9, %and3A_4, %add3A_796], %add3A_812 : memref<4x8x129xf32, #tpu.memory_space<vmem>>[vector<16xi32>, vector<16xi32>, vector<16xi32>], vector<16xf32>,
        %mul3A_825 = arith.constant 8 : i32
        %mul3A_826 = arith.muli %scan3A_603, %mul3A_825 : i32
        %add3A_827 = arith.constant 6 : i32
        %add3A_828 = arith.addi %mul3A_826, %add3A_827 : i32
        %mul3A_829 = arith.constant 0 : i32
        %mul3A_830 = vector.broadcast %mul3A_829 : i32 to vector<16xi32>
        %mul3A_831 = arith.muli %iota3A, %mul3A_830 : vector<16xi32>
        %add3A_832 = vector.broadcast %add3A_828 : i32 to vector<16xi32>
        %add3A_833 = arith.addi %mul3A_831, %add3A_832 : vector<16xi32>
        %add3A_834 = arith.constant 128 : i32
        %add3A_835 = arith.addi %add3A_834, %add3A_828 : i32
        %get3A_836 = arith.constant 3 : i32
        %get3A_837 = arith.index_cast %get3A_836 : i32 to index
        %get3A_838 = arith.index_cast %add3A_835 : i32 to index
        %get3A_839 = arith.constant 0 : index
        %get3A_840 = tpu.vector_load %arg7[%get3A_837, %get3A_838, %get3A_839] {strides = array<i32>} : memref<4x256x32xf32, #tpu.memory_space<vmem>>, vector<16xf32>,
        %add3A_841 = arith.addf %get3A_840, %get3A_566 : vector<16xf32>
        %add3A_842 = arith.constant 128 : i32
        %add3A_843 = arith.addi %add3A_842, %add3A_828 : i32
        %get3A_844 = arith.constant 3 : i32
        %get3A_845 = arith.index_cast %get3A_844 : i32 to index
        %get3A_846 = arith.index_cast %add3A_843 : i32 to index
        %get3A_847 = arith.constant 16 : index
        %get3A_848 = tpu.vector_load %arg7[%get3A_845, %get3A_846, %get3A_847] {strides = array<i32>} : memref<4x256x32xf32, #tpu.memory_space<vmem>>, vector<16xf32>,
        %add3A_849 = arith.addf %get3A_848, %get3A_569 : vector<16xf32>
        %scatter3A_850 = arith.constant 1 : i32
        %scatter3A_851 = arith.constant 0 : i32
        %scatter3A_852 = arith.constant 0 : i32
        %scatter3A_853 = arith.constant 0 : i32
        %scatter3A_854 = tpu.memref_slice %arg9[%scatter3A_850, %scatter3A_851, %scatter3A_852, %scatter3A_853] : memref<2x4x8x129xf32, #tpu.memory_space<vmem>> -> memref<1x4x8x129xf32, #tpu.memory_space<vmem>>
        %scatter3A_855 = tpu.memref_squeeze %scatter3A_854 : memref<1x4x8x129xf32, #tpu.memory_space<vmem>> -> memref<4x8x129xf32, #tpu.memory_space<vmem>>
        tpu.vector_store_idx %scatter3A_855[%shift_right_arithmetic3A_6, %and3A_4, %add3A_833], %add3A_841 : memref<4x8x129xf32, #tpu.memory_space<vmem>>[vector<16xi32>, vector<16xi32>, vector<16xi32>], vector<16xf32>,
        %scatter3A_856 = arith.constant 1 : i32
        %scatter3A_857 = arith.constant 0 : i32
        %scatter3A_858 = arith.constant 0 : i32
        %scatter3A_859 = arith.constant 0 : i32
        %scatter3A_860 = tpu.memref_slice %arg9[%scatter3A_856, %scatter3A_857, %scatter3A_858, %scatter3A_859] : memref<2x4x8x129xf32, #tpu.memory_space<vmem>> -> memref<1x4x8x129xf32, #tpu.memory_space<vmem>>
        %scatter3A_861 = tpu.memref_squeeze %scatter3A_860 : memref<1x4x8x129xf32, #tpu.memory_space<vmem>> -> memref<4x8x129xf32, #tpu.memory_space<vmem>>
        tpu.vector_store_idx %scatter3A_861[%add3A_9, %and3A_4, %add3A_833], %add3A_849 : memref<4x8x129xf32, #tpu.memory_space<vmem>>[vector<16xi32>, vector<16xi32>, vector<16xi32>], vector<16xf32>,
        %mul3A_862 = arith.constant 8 : i32
        %mul3A_863 = arith.muli %scan3A_603, %mul3A_862 : i32
        %add3A_864 = arith.constant 7 : i32
        %add3A_865 = arith.addi %mul3A_863, %add3A_864 : i32
        %mul3A_866 = arith.constant 0 : i32
        %mul3A_867 = vector.broadcast %mul3A_866 : i32 to vector<16xi32>
        %mul3A_868 = arith.muli %iota3A, %mul3A_867 : vector<16xi32>
        %add3A_869 = vector.broadcast %add3A_865 : i32 to vector<16xi32>
        %add3A_870 = arith.addi %mul3A_868, %add3A_869 : vector<16xi32>
        %add3A_871 = arith.constant 128 : i32
        %add3A_872 = arith.addi %add3A_871, %add3A_865 : i32
        %get3A_873 = arith.constant 3 : i32
        %get3A_874 = arith.index_cast %get3A_873 : i32 to index
        %get3A_875 = arith.index_cast %add3A_872 : i32 to index
        %get3A_876 = arith.constant 0 : index
        %get3A_877 = tpu.vector_load %arg7[%get3A_874, %get3A_875, %get3A_876] {strides = array<i32>} : memref<4x256x32xf32, #tpu.memory_space<vmem>>, vector<16xf32>,
        %add3A_878 = arith.addf %get3A_877, %get3A_566 : vector<16xf32>
        %add3A_879 = arith.constant 128 : i32
        %add3A_880 = arith.addi %add3A_879, %add3A_865 : i32
        %get3A_881 = arith.constant 3 : i32
        %get3A_882 = arith.index_cast %get3A_881 : i32 to index
        %get3A_883 = arith.index_cast %add3A_880 : i32 to index
        %get3A_884 = arith.constant 16 : index
        %get3A_885 = tpu.vector_load %arg7[%get3A_882, %get3A_883, %get3A_884] {strides = array<i32>} : memref<4x256x32xf32, #tpu.memory_space<vmem>>, vector<16xf32>,
        %add3A_886 = arith.addf %get3A_885, %get3A_569 : vector<16xf32>
        %scatter3A_887 = arith.constant 1 : i32
        %scatter3A_888 = arith.constant 0 : i32
        %scatter3A_889 = arith.constant 0 : i32
        %scatter3A_890 = arith.constant 0 : i32
        %scatter3A_891 = tpu.memref_slice %arg9[%scatter3A_887, %scatter3A_888, %scatter3A_889, %scatter3A_890] : memref<2x4x8x129xf32, #tpu.memory_space<vmem>> -> memref<1x4x8x129xf32, #tpu.memory_space<vmem>>
        %scatter3A_892 = tpu.memref_squeeze %scatter3A_891 : memref<1x4x8x129xf32, #tpu.memory_space<vmem>> -> memref<4x8x129xf32, #tpu.memory_space<vmem>>
        tpu.vector_store_idx %scatter3A_892[%shift_right_arithmetic3A_6, %and3A_4, %add3A_870], %add3A_878 : memref<4x8x129xf32, #tpu.memory_space<vmem>>[vector<16xi32>, vector<16xi32>, vector<16xi32>], vector<16xf32>,
        %scatter3A_893 = arith.constant 1 : i32
        %scatter3A_894 = arith.constant 0 : i32
        %scatter3A_895 = arith.constant 0 : i32
        %scatter3A_896 = arith.constant 0 : i32
        %scatter3A_897 = tpu.memref_slice %arg9[%scatter3A_893, %scatter3A_894, %scatter3A_895, %scatter3A_896] : memref<2x4x8x129xf32, #tpu.memory_space<vmem>> -> memref<1x4x8x129xf32, #tpu.memory_space<vmem>>
        %scatter3A_898 = tpu.memref_squeeze %scatter3A_897 : memref<1x4x8x129xf32, #tpu.memory_space<vmem>> -> memref<4x8x129xf32, #tpu.memory_space<vmem>>
        tpu.vector_store_idx %scatter3A_898[%add3A_9, %and3A_4, %add3A_870], %add3A_886 : memref<4x8x129xf32, #tpu.memory_space<vmem>>[vector<16xi32>, vector<16xi32>, vector<16xi32>], vector<16xf32>,
      }
      %scan3A_575 = arith.constant 16 : i32
      %lt3A_576 = arith.constant 24 : i32
      %lt3A_577 = arith.cmpi slt, %scan3A_179, %lt3A_576 : i32
      %convert_element_type3A_578 = arith.extui %lt3A_577 : i1 to i32
      %cond3A_579 = arith.constant 0 : i32
      %cond3A_580 = arith.cmpi ne, %convert_element_type3A_578, %cond3A_579 : i32
      scf.if %cond3A_580 {
        %add3A_603 = arith.constant 4 : i32
        %add3A_604 = arith.addi %add3A_490, %add3A_603 : i32
        %mul3A_605 = arith.constant 2 : i32
        %mul3A_606 = arith.muli %mul3A_605, %add3A_604 : i32
        %add3A_607 = arith.constant 0 : i32
        %add3A_608 = arith.addi %mul3A_606, %add3A_607 : i32
        %dma_start3A_609 = arith.constant 3 : i32
        %dma_start3A_610 = arith.constant 0 : i32
        %dma_start3A_611 = arith.constant 0 : i32
        %dma_start3A_612 = tpu.memref_slice %arg7[%dma_start3A_609, %dma_start3A_610, %dma_start3A_611] : memref<4x256x32xf32, #tpu.memory_space<vmem>> -> memref<1x256x32xf32, #tpu.memory_space<vmem>>
        %dma_start3A_613 = tpu.memref_squeeze %dma_start3A_612 : memref<1x256x32xf32, #tpu.memory_space<vmem>> -> memref<256x32xf32, #tpu.memory_space<vmem>>
        %dma_start3A_614 = arith.constant 0 : i32
        %dma_start3A_615 = arith.constant 0 : i32
        %dma_start3A_616 = tpu.memref_slice %dma_start3A_613[%dma_start3A_614, %dma_start3A_615] : memref<256x32xf32, #tpu.memory_space<vmem>> -> memref<128x32xf32, #tpu.memory_space<vmem>>
        %dma_start3A_617 = arith.constant 0 : i32
        %dma_start3A_618 = tpu.memref_slice %arg6[%add3A_608, %dma_start3A_617] : memref<200x128xi32, #tpu.memory_space<vmem>> -> memref<1x128xi32, #tpu.memory_space<vmem>>
        %dma_start3A_619 = tpu.memref_squeeze %dma_start3A_618 : memref<1x128xi32, #tpu.memory_space<vmem>> -> memref<128xi32, #tpu.memory_space<vmem>>
        %dma_start3A_620 = arith.constant 0 : i32
        %dma_start3A_621 = arith.constant 0 : i32
        %dma_start3A_622 = tpu.memref_slice %arg3[%dma_start3A_620, %dma_start3A_621] : memref<100000x32xf32, #tpu.memory_space<hbm>> -> memref<100000x32xf32, #tpu.memory_space<hbm>>
        tpu.enqueue_indirect_dma source(%dma_start3A_622 : memref<100000x32xf32, #tpu.memory_space<hbm>>) target(%dma_start3A_616 : memref<128x32xf32, #tpu.memory_space<vmem>>) offsets(%dma_start3A_619 : memref<128xi32, #tpu.memory_space<vmem>>) semaphore(%arg14 : memref<!tpu.dma_semaphore, #tpu.memory_space<semaphore_mem>>)
        %mul3A_623 = arith.constant 2 : i32
        %mul3A_624 = arith.muli %mul3A_623, %add3A_604 : i32
        %add3A_625 = arith.constant 1 : i32
        %add3A_626 = arith.addi %mul3A_624, %add3A_625 : i32
        %dma_start3A_627 = arith.constant 3 : i32
        %dma_start3A_628 = arith.constant 0 : i32
        %dma_start3A_629 = arith.constant 0 : i32
        %dma_start3A_630 = tpu.memref_slice %arg7[%dma_start3A_627, %dma_start3A_628, %dma_start3A_629] : memref<4x256x32xf32, #tpu.memory_space<vmem>> -> memref<1x256x32xf32, #tpu.memory_space<vmem>>
        %dma_start3A_631 = tpu.memref_squeeze %dma_start3A_630 : memref<1x256x32xf32, #tpu.memory_space<vmem>> -> memref<256x32xf32, #tpu.memory_space<vmem>>
        %dma_start3A_632 = arith.constant 128 : i32
        %dma_start3A_633 = arith.constant 0 : i32
        %dma_start3A_634 = tpu.memref_slice %dma_start3A_631[%dma_start3A_632, %dma_start3A_633] : memref<256x32xf32, #tpu.memory_space<vmem>> -> memref<128x32xf32, #tpu.memory_space<vmem>>
        %dma_start3A_635 = arith.constant 0 : i32
        %dma_start3A_636 = tpu.memref_slice %arg6[%add3A_626, %dma_start3A_635] : memref<200x128xi32, #tpu.memory_space<vmem>> -> memref<1x128xi32, #tpu.memory_space<vmem>>
        %dma_start3A_637 = tpu.memref_squeeze %dma_start3A_636 : memref<1x128xi32, #tpu.memory_space<vmem>> -> memref<128xi32, #tpu.memory_space<vmem>>
        %dma_start3A_638 = arith.constant 0 : i32
        %dma_start3A_639 = arith.constant 0 : i32
        %dma_start3A_640 = tpu.memref_slice %arg3[%dma_start3A_638, %dma_start3A_639] : memref<100000x32xf32, #tpu.memory_space<hbm>> -> memref<100000x32xf32, #tpu.memory_space<hbm>>
        tpu.enqueue_indirect_dma source(%dma_start3A_640 : memref<100000x32xf32, #tpu.memory_space<hbm>>) target(%dma_start3A_634 : memref<128x32xf32, #tpu.memory_space<vmem>>) offsets(%dma_start3A_637 : memref<128xi32, #tpu.memory_space<vmem>>) semaphore(%arg14 : memref<!tpu.dma_semaphore, #tpu.memory_space<semaphore_mem>>)
      } else {
      }
      %mul3A_581 = arith.constant 2 : i32
      %mul3A_582 = arith.muli %mul3A_581, %add3A_490 : i32
      %dma_start3A_583 = arith.constant 0 : i32
      %dma_start3A_584 = arith.constant 0 : i32
      %dma_start3A_585 = arith.constant 0 : i32
      %dma_start3A_586 = arith.constant 0 : i32
      %dma_start3A_587 = tpu.memref_slice %arg9[%dma_start3A_583, %dma_start3A_584, %dma_start3A_585, %dma_start3A_586] : memref<2x4x8x129xf32, #tpu.memory_space<vmem>> -> memref<2x4x8x128xf32, #tpu.memory_space<vmem>>
      %dma_start3A_588 = arith.constant 0 : i32
      %dma_start3A_589 = arith.constant 0 : i32
      %dma_start3A_590 = arith.constant 0 : i32
      %dma_start3A_591 = tpu.memref_slice %arg5[%mul3A_582, %dma_start3A_588, %add3A, %dma_start3A_589, %dma_start3A_590] : memref<200x4x32x8x128xf32, #tpu.memory_space<hbm>> -> memref<2x4x1x8x128xf32, #tpu.memory_space<hbm>>
      %dma_start3A_592 = tpu.memref_squeeze %dma_start3A_591 : memref<2x4x1x8x128xf32, #tpu.memory_space<hbm>> -> memref<2x4x8x128xf32, #tpu.memory_space<hbm>>
      %dma_start3A_593 = arith.constant 0 : i32
      %dma_start3A_594 = arith.constant 0 : i32
      %dma_start3A_595 = arith.constant 0 : i32
      %dma_start3A_596 = tpu.memref_slice %arg5[%mul3A_582, %dma_start3A_593, %add3A, %dma_start3A_594, %dma_start3A_595] : memref<200x4x32x8x128xf32, #tpu.memory_space<hbm>> -> memref<2x4x1x8x128xf32, #tpu.memory_space<hbm>>
      %dma_start3A_597 = tpu.memref_squeeze %dma_start3A_596 : memref<2x4x1x8x128xf32, #tpu.memory_space<hbm>> -> memref<2x4x8x128xf32, #tpu.memory_space<hbm>>
      %dma_start3A_598 = arith.constant 0 : i32
      %dma_start3A_599 = arith.constant 0 : i32
      %dma_start3A_600 = arith.constant 0 : i32
      %dma_start3A_601 = arith.constant 0 : i32
      %dma_start3A_602 = tpu.memref_slice %arg9[%dma_start3A_598, %dma_start3A_599, %dma_start3A_600, %dma_start3A_601] : memref<2x4x8x129xf32, #tpu.memory_space<vmem>> -> memref<2x4x8x128xf32, #tpu.memory_space<vmem>>
      tpu.enqueue_dma source(%dma_start3A_602 : memref<2x4x8x128xf32, #tpu.memory_space<vmem>>) target(%dma_start3A_597 : memref<2x4x8x128xf32, #tpu.memory_space<hbm>>) target_semaphore(%arg16 : memref<!tpu.dma_semaphore, #tpu.memory_space<semaphore_mem>>)
    }
    %scan3A_133 = arith.constant 25 : i32
    %dma_wait3A = arith.constant 0 : i32
    %dma_wait3A_134 = arith.constant 0 : i32
    %dma_wait3A_135 = arith.constant 0 : i32
    %dma_wait3A_136 = arith.constant 0 : i32
    %dma_wait3A_137 = arith.constant 0 : i32
    %dma_wait3A_138 = tpu.memref_slice %arg8[%dma_wait3A_134, %dma_wait3A_135, %dma_wait3A_136, %dma_wait3A_137] : memref<2x4x8x129xf32, #tpu.memory_space<vmem>> -> memref<2x4x8x128xf32, #tpu.memory_space<vmem>>
    %dma_wait3A_139 = arith.constant 0 : i32
    %dma_wait3A_140 = arith.constant 0 : i32
    %dma_wait3A_141 = arith.constant 0 : i32
    %dma_wait3A_142 = arith.constant 0 : i32
    %dma_wait3A_143 = tpu.memref_slice %arg5[%dma_wait3A_139, %dma_wait3A_140, %dma_wait3A, %dma_wait3A_141, %dma_wait3A_142] : memref<200x4x32x8x128xf32, #tpu.memory_space<hbm>> -> memref<2x4x1x8x128xf32, #tpu.memory_space<hbm>>
    %dma_wait3A_144 = tpu.memref_squeeze %dma_wait3A_143 : memref<2x4x1x8x128xf32, #tpu.memory_space<hbm>> -> memref<2x4x8x128xf32, #tpu.memory_space<hbm>>
    %dma_wait3A_145 = arith.constant 0 : i32
    %dma_wait3A_146 = arith.constant 0 : i32
    %dma_wait3A_147 = arith.constant 0 : i32
    %dma_wait3A_148 = arith.constant 0 : i32
    %dma_wait3A_149 = tpu.memref_slice %arg5[%dma_wait3A_145, %dma_wait3A_146, %dma_wait3A, %dma_wait3A_147, %dma_wait3A_148] : memref<200x4x32x8x128xf32, #tpu.memory_space<hbm>> -> memref<2x4x1x8x128xf32, #tpu.memory_space<hbm>>
    %dma_wait3A_150 = tpu.memref_squeeze %dma_wait3A_149 : memref<2x4x1x8x128xf32, #tpu.memory_space<hbm>> -> memref<2x4x8x128xf32, #tpu.memory_space<hbm>>
    %dma_wait3A_151 = arith.constant 0 : i32
    %dma_wait3A_152 = arith.constant 0 : i32
    %dma_wait3A_153 = arith.constant 0 : i32
    %dma_wait3A_154 = arith.constant 0 : i32
    %dma_wait3A_155 = tpu.memref_slice %arg8[%dma_wait3A_151, %dma_wait3A_152, %dma_wait3A_153, %dma_wait3A_154] : memref<2x4x8x129xf32, #tpu.memory_space<vmem>> -> memref<2x4x8x128xf32, #tpu.memory_space<vmem>>
    tpu.wait_dma2 semaphore(%arg15 : memref<!tpu.dma_semaphore, #tpu.memory_space<semaphore_mem>>) src(%dma_wait3A_155 : memref<2x4x8x128xf32, #tpu.memory_space<vmem>>) dst(%dma_wait3A_150 : memref<2x4x8x128xf32, #tpu.memory_space<hbm>>)
    %dma_wait3A_156 = arith.constant 0 : i32
    %dma_wait3A_157 = arith.constant 0 : i32
    %dma_wait3A_158 = arith.constant 0 : i32
    %dma_wait3A_159 = arith.constant 0 : i32
    %dma_wait3A_160 = arith.constant 0 : i32
    %dma_wait3A_161 = tpu.memref_slice %arg8[%dma_wait3A_157, %dma_wait3A_158, %dma_wait3A_159, %dma_wait3A_160] : memref<2x4x8x129xf32, #tpu.memory_space<vmem>> -> memref<2x4x8x128xf32, #tpu.memory_space<vmem>>
    %dma_wait3A_162 = arith.constant 0 : i32
    %dma_wait3A_163 = arith.constant 0 : i32
    %dma_wait3A_164 = arith.constant 0 : i32
    %dma_wait3A_165 = arith.constant 0 : i32
    %dma_wait3A_166 = tpu.memref_slice %arg5[%dma_wait3A_162, %dma_wait3A_163, %dma_wait3A_156, %dma_wait3A_164, %dma_wait3A_165] : memref<200x4x32x8x128xf32, #tpu.memory_space<hbm>> -> memref<2x4x1x8x128xf32, #tpu.memory_space<hbm>>
    %dma_wait3A_167 = tpu.memref_squeeze %dma_wait3A_166 : memref<2x4x1x8x128xf32, #tpu.memory_space<hbm>> -> memref<2x4x8x128xf32, #tpu.memory_space<hbm>>
    %dma_wait3A_168 = arith.constant 0 : i32
    %dma_wait3A_169 = arith.constant 0 : i32
    %dma_wait3A_170 = arith.constant 0 : i32
    %dma_wait3A_171 = arith.constant 0 : i32
    %dma_wait3A_172 = tpu.memref_slice %arg5[%dma_wait3A_168, %dma_wait3A_169, %dma_wait3A_156, %dma_wait3A_170, %dma_wait3A_171] : memref<200x4x32x8x128xf32, #tpu.memory_space<hbm>> -> memref<2x4x1x8x128xf32, #tpu.memory_space<hbm>>
    %dma_wait3A_173 = tpu.memref_squeeze %dma_wait3A_172 : memref<2x4x1x8x128xf32, #tpu.memory_space<hbm>> -> memref<2x4x8x128xf32, #tpu.memory_space<hbm>>
    %dma_wait3A_174 = arith.constant 0 : i32
    %dma_wait3A_175 = arith.constant 0 : i32
    %dma_wait3A_176 = arith.constant 0 : i32
    %dma_wait3A_177 = arith.constant 0 : i32
    %dma_wait3A_178 = tpu.memref_slice %arg8[%dma_wait3A_174, %dma_wait3A_175, %dma_wait3A_176, %dma_wait3A_177] : memref<2x4x8x129xf32, #tpu.memory_space<vmem>> -> memref<2x4x8x128xf32, #tpu.memory_space<vmem>>
    tpu.wait_dma2 semaphore(%arg16 : memref<!tpu.dma_semaphore, #tpu.memory_space<semaphore_mem>>) src(%dma_wait3A_178 : memref<2x4x8x128xf32, #tpu.memory_space<vmem>>) dst(%dma_wait3A_173 : memref<2x4x8x128xf32, #tpu.memory_space<hbm>>)
    return
  }
}

</mosaic_0001>

<sc_bundles>
// kernel: kernel.3.cloned.1.call-start
scs
__scs_entry_jumppad:
0x0: {  	(pc) =	sbr.rel $0x88, $3  }
0x1: {  	(tag) =	ssettag $0x0;
	lr =	simm.s32 $0x1  }
0x2: {  	[smem:$0x3F9E] =	sst lr;
	_ =	strace $0xD0000000  }
0x3: {  	_ = 	snop  }
0x4: {  	_ = 	snop  }
0x5: {  	_ = 	snop  }
0x6: {  	_ = 	snop  }
0x7: {  	_ = 	snop  }
__scs_overlays_trampoline_lowered:
0x8: {  	[smem:$0x3FAD] =	sst s0  }
0x9: {  	[smem:$0x3FAE] =	sst s1  }
0xa: {  	[smem:$0x3FAF] =	sst s2  }
0xb: {  	[smem:$0x3FB0] =	sst s3  }
0xc: {  	[smem:$0x3FB1] =	sst s4  }
0xd: {  	[smem:$0x3FB2] =	sst s5  }
0xe: {  	[smem:$0x3FB3] =	sst s6  }
0xf: {  	[smem:$0x3FB4] =	sst s7  }
0x10: {  	[smem:$0x3FB5] =	sst s8  }
0x11: {  	[smem:$0x3FB6] =	sst s9;
	s0 =	simm.s32 @!p0 $0x0  }
0x12: {  	s1 =	sld [smem:$0x3F9C];
	s0 =	simm.s32 @p0 $0x1  }
0x13: {  	[smem:$0x3FB7] =	sst s0;
	s0 =	simm.s32 @!p1 $0x0  }
0x14: {  	s2 =	sld [smem:$0x3F9B];
	s0 =	simm.s32 @p1 $0x1  }
0x15: {  	[smem:$0x3FB8] =	sst s0;
	s0 =	simm.s32 @!p2 $0x0  }
0x16: {  	s3 =	sld [smem:$0x3FDB];
	s0 =	simm.s32 @p2 $0x1  }
0x17: {  	s4 =	simm.s32 $0x1BF5;
	[smem:$0x3FBA] =	sst s0  }
0x18: {  	s0 =	sld [smem:$0x3F9D];
	_ =	swait.ge [sflag:s4], $0x0  }
0x19: {  	s7 =	sld [smem:$0x3F9E]  }
0x1a: {  	s8 =	sadd.s32 $0xFFFFE003, lr  }
0x1b: {  	s9 =	sadd.s32 $0xFFFFFEF7, lr;
	s5 =	simm.s32 $0xFFFFFFFF;
	p2 =	slt.u32 s8, $0xFFFFF086  }
0x1c: {  	p1 =	slt.u32 s9, $0xF7A;
	s5 =	simm.s32 @!p2 $0x0  }
0x1d: {  	s5 =	simm.s32 @p1 $0x1;
	p0 =	seq.s32 s7, s2  }
0x1e: {  	s7 =	smul.u32 @!p0 $0xF7A, s2;
	p2 =	seq.s32 @!p0 s5, $0x0  }
0x1f: {  	s9 =	smul.u32 $0xF7A, s1;
	s8 =	simm.s32 @!p0 $0x1BF5;
	p2 =	por !p2, p0  }
0x20: {  	[sflag:s8] =	ssyncset.s32 @!p0 $0xFFFFF086;
	s6 =	sadd.s32 @!p0 s3, s7;
	s7 =	simm.s32 @!p0 $0x108  }
0x21: {  	s3 =	sadd.s32 s3, s9;
	s6 =	sadd.s32 @!p0 $0x88, s6;
	s7 =	simm.s32 @p2 $0x1082  }
0x22: {  	[simem:s7], [sflag:s8] =	dma.local @!p0 [hbm:s6], $0xF7A  }
0x23: {  	s9 =	sor.u32 $0xD0000000, s2;
	s6 =	simm.s32 $0x108;
	_ =	swait.ge @!p0 [sflag:s8], $0x0  }
0x24: {  	s3 =	sadd.s32 $0x88, s3;
	s6 =	simm.s32 @!p1 $0x1082;
	[sflag:s4] =	ssyncset.s32 $0xFFFFF086  }
0x25: {  	[simem:s6], [sflag:s4] =	dma.local [hbm:s3], $0xF7A  }
0x26: {  	[smem:$0x3F9E] =	sst s1;
	(tag) =	ssettag s2;
	_ =	strace s9  }
0x27: {  	s1 =	sld [smem:$0x3FAE]  }
0x28: {  	s2 =	sld [smem:$0x3FAF]  }
0x29: {  	s4 =	sld [smem:$0x3FB1]  }
0x2a: {  	p0 =	seq.s32 s5, $0x0;
	s5 =	sld [smem:$0x3FB2]  }
0x2b: {  	s6 =	sld [smem:$0x3FB3]  }
0x2c: {  	s7 =	sld [smem:$0x3FB4]  }
0x2d: {  	s3 =	simm.s32 $0x108;
	s8 =	sld [smem:$0x3FB5]  }
0x2e: {  	s3 =	simm.s32 @!p0 $0x1082;
	s9 =	sld [smem:$0x3FB6]  }
0x2f: {  	lr =	sadd.s32 s0, s3;
	s0 =	sld [smem:$0x3FAD]  }
0x30: {  	s3 =	sld [smem:$0x3FB0]  }
0x31: {  	[smem:$0x3FB9] =	sst s10  }
0x32: {  	s10 =	sld [smem:$0x3FB7];
	_ =	sdelay $0x3  }
0x33: {  	p0 =	seq.s32 s10, $0x1;
	s10 =	sld [smem:$0x3FB9];
	_ =	sdelay $0x3  }
0x34: {  	[smem:$0x3FB9] =	sst s10  }
0x35: {  	s10 =	sld [smem:$0x3FB8];
	_ =	sdelay $0x3  }
0x36: {  	p1 =	seq.s32 s10, $0x1;
	s10 =	sld [smem:$0x3FB9];
	_ =	sdelay $0x3  }
0x37: {  	[smem:$0x3FB9] =	sst s10  }
0x38: {  	s10 =	sld [smem:$0x3FBA]  }
0x39: {  	_ = 	snop;
	(pc) =	sbr.ind lr, $3  }
0x3a: {  	_ = 	snop  }
0x3b: {  	_ = 	snop  }
0x3c: {  	p2 =	seq.s32 s10, $0x1;
	s10 =	sld [smem:$0x3FB9]  }
0x3d: {  	_ =	shalt  }
0x3e: {  	_ =	shalt  }
0x3f: {  	_ =	shalt  }
0x40: {  	_ =	shalt  }
0x41: {  	_ =	shalt  }
0x42: {  	_ =	shalt  }
0x43: {  	_ =	shalt  }
0x44: {  	_ =	shalt  }
0x45: {  	_ =	shalt  }
0x46: {  	_ =	shalt  }
0x47: {  	_ =	shalt  }
0x48: {  	_ =	shalt  }
0x49: {  	_ =	shalt  }
0x4a: {  	_ =	shalt  }
0x4b: {  	_ =	shalt  }
0x4c: {  	_ =	shalt  }
0x4d: {  	_ =	shalt  }
0x4e: {  	_ =	shalt  }
0x4f: {  	_ =	shalt  }
0x50: {  	_ =	shalt  }
0x51: {  	_ =	shalt  }
0x52: {  	_ =	shalt  }
0x53: {  	_ =	shalt  }
0x54: {  	_ =	shalt  }
0x55: {  	_ =	shalt  }
0x56: {  	_ =	shalt  }
0x57: {  	_ =	shalt  }
0x58: {  	_ =	shalt  }
0x59: {  	_ =	shalt  }
0x5a: {  	_ =	shalt  }
0x5b: {  	_ =	shalt  }
0x5c: {  	_ =	shalt  }
0x5d: {  	_ =	shalt  }
0x5e: {  	_ =	shalt  }
0x5f: {  	_ =	shalt  }
0x60: {  	_ =	shalt  }
0x61: {  	_ =	shalt  }
0x62: {  	_ =	shalt  }
0x63: {  	_ =	shalt  }
0x64: {  	_ =	shalt  }
0x65: {  	_ =	shalt  }
0x66: {  	_ =	shalt  }
0x67: {  	_ =	shalt  }
0x68: {  	_ =	shalt  }
0x69: {  	_ =	shalt  }
0x6a: {  	_ =	shalt  }
0x6b: {  	_ =	shalt  }
0x6c: {  	_ =	shalt  }
0x6d: {  	_ =	shalt  }
0x6e: {  	_ =	shalt  }
0x6f: {  	_ =	shalt  }
0x70: {  	_ =	shalt  }
0x71: {  	_ =	shalt  }
0x72: {  	_ =	shalt  }
0x73: {  	_ =	shalt  }
0x74: {  	_ =	shalt  }
0x75: {  	_ =	shalt  }
0x76: {  	_ =	shalt  }
0x77: {  	_ =	shalt  }
0x78: {  	_ =	shalt  }
0x79: {  	_ =	shalt  }
0x7a: {  	_ =	shalt  }
0x7b: {  	_ =	shalt  }
0x7c: {  	_ =	shalt  }
0x7d: {  	_ =	shalt  }
0x7e: {  	_ =	shalt  }
0x7f: {  	_ =	shalt  }
0x80: {  	_ =	shalt  }
0x81: {  	_ =	shalt  }
0x82: {  	_ =	shalt  }
0x83: {  	_ =	shalt  }
0x84: {  	_ =	shalt  }
0x85: {  	_ =	shalt  }
0x86: {  	_ =	shalt  }
0x87: {  	_ =	shalt  }
.Lfunc_end0:
.L_simem_size_0:
called_computation_lowered:
.L_overlay_start_0:
0x88: {  	s2 =	sld [smem:$0x3FD9]  }
0x89: {  	s3 =	sld [smem:$0x3FFE];
	_ =	sdelay $0x1  }
0x8a: {  	s1 =	srdreg.scid  }
0x8b: {  	s0 =	sand.u32 $0x1, s1  }
0x8c: {  	s17 =	sshll.u32 s0, $0xA;
	s2 =	sadd.s32 s3, s2  }
0x8d: {  	s2 =	sadd.s32 s2, s17  }
0x8e: {  	[smem:$0x3FC5] =	sst s2  }
0x8f: {  	_ = 	snop  }
0x90: {  	s2 =	sld [smem:$0x3FD0];
	(tm) =	ssettm $0x1  }
0x91: {  	s18 =	sld [smem:$0x3FFB];
	_ =	sdelay $0x3  }
0x92: {  	_ =	strace s18  }
0x93: {  	s3 =	sld [smem:$0x3FFC];
	_ =	sdelay $0x3  }
0x94: {  	_ =	strace s3  }
0x95: {  	s3 =	sld [smem:$0x3FFD];
	_ =	sdelay $0x3  }
0x96: {  	_ =	strace s3  }
0x97: {  	_ =	strace $0x8FFFFFFF  }
0x98: {  	s19 =	sld [smem:$0x3FDB];
	_ =	sdelay $0x1  }
0x99: {  	s4 =	simm.s32 $_scs_section_size  }
0x9a: {  	s5 =	simm.s32 $_size__tile_overlayer_lowered;
	s6 =	simm.s32 $_tile_overlayer_lowered  }
0x9b: {  	s22 =	simm.s32 $0x1BFF;
	s21 =	sshll.u32 s6, $0x1;
	s3 =	sadd.s32 s4, s19  }
0x9c: {  	s7 =	simm.s32 $0x0;
	s20 =	sshll.u32 s5, $0x1;
	s5 =	sadd.s32 s21, s3  }
0x9d: {  	[timem:s7], [sflag:s22] =	dma.local [hbm:s5], s20  }
0x9e: {  	_ =	swait.ge [sflag:s22], s20  }
0x9f: {  	s4 =	ssub.s32 $0x0, s20;
	[sflag:s22] =	ssyncset.done $0x0  }
0xa0: {  	[sflag:s22] =	ssyncadd.s32 s4;
	_ =	sdelay $0x1  }
0xa1: {  	s23 =	simm.s32 $0x1B8B  }
0xa2: {  	_ =	swait.ge [sflag:s23], $0x1  }
0xa3: {  	[sflag:s23] =	ssyncset.done $0x0  }
0xa4: {  	s25 =	simm.s32 $0x1B8E;
	s24 =	sld [smem:$0x3FFE];
	[sflag:s23] =	ssyncadd.s32 $0xFFFFFFFF  }
0xa5: {  	s26 =	simm.s32 $execute0_lowered;
	[smem:$0x3FD2] =	sst s25  }
0xa6: {  	s5 =	sshll.u32 s26, $0x1;
	_ =	strace $0x80000046;
	[dreg:$0x1] =	wrdreg $0xFFFFFFFF  }
0xa7: {  	s28 =	simm.s32 $_size_execute0_lowered;
	s3 =	sadd.s32 s3, s5;
	[dreg:$0x0] =	wrdreg $0x0  }
0xa8: {  	s5 =	sshll.u32 s28, $0x1;
	[dreg:$0x2] =	wrdreg s3  }
0xa9: {  	[dreg:$0x3] =	wrdreg s5  }
0xaa: {  	[dreg:$0x4] =	wrdreg $0xC0  }
0xab: {  	_ =	task [dreg:s7], $0x5FFFF  }
0xac: {  	[dreg:$0x1] =	wrdreg $0xFFFFFFFF  }
0xad: {  	[dreg:$0x0] =	wrdreg $0x60  }
0xae: {  	[dreg:$0x2] =	wrdreg s24  }
0xaf: {  	[dreg:$0x3] =	wrdreg s2  }
0xb0: {  	[dreg:$0x4] =	wrdreg $0x9  }
0xb1: {  	_ =	task.clear_ibuf [dreg:s7], $0x5FFFF;
	_ =	strace $0x90000046  }
0xb2: {  	s29 =	simm.s32 $0x9;
	_ =	strace $0x80000048  }
0xb3: {  	_ =	swait.ge [sflag:s29], $0x1  }
0xb4: {  	[sflag:s29] =	ssyncadd.s32 $0xFFFFFFFF  }
0xb5: {  	_ =	strace $0x90000048  }
0xb6: {  	_ =	sfence  }
0xb7: {  	s30 =	sld [smem:$0x0];
	_ =	sdelay $0x2  }
0xb8: {  	s31 =	sshll.u32 s1, $0xD;
	s1 =	sshrl.u32 s1, $0x2  }
0xb9: {  	s3 =	sand.u32 $0x4000, s31;
	s1 =	sadd.s32 s1, s30  }
0xba: {  	s0 =	sor.u32 s3, s0;
	s1 =	sshll.u32 s1, $0x11  }
0xbb: {  	s0 =	sor.u32 s1, s0  }
0xbc: {  	s0 =	sadd.s32 $0x8F2B, s0  }
0xbd: {  	[sflag:s0] =	ssyncadd.remote.s32 $0x1  }
0xbe: {  	_ =	sfence.sel $0xFFFF  }
0xbf: {  	[dreg:$0x0] =	wrdreg $0xFFFFFFFF;
	(pc) =	sbr.abs _section_cstart, $3  }
0xc0: {  	[dreg:$0x1] =	wrdreg $0xFFFFFFFF  }
0xc1: {  	_ =	task.clear_ibuf [dreg:s7], $0x2FFFF;
	_ =	strace $0x9FFFFFFF  }
0xc2: {  	(tm) =	ssettm $0x7FFFFFFF  }
0xc3: {  	_ =	shalt  }
tec
execute0_lowered:
.L_overlay_start_1:
0x0: {  	(tag) =	ssettag $0x1  }
0x1: {  	s0 =	rddreg [dreg:$0x0];
	s1 =	srdreg.scid  }
0x2: {  	s3 =	stileid.u32;
	s2 =	rddreg [dreg:$0x1]  }
0x3: {  	s9 =	simm.s32 $0x80;
	s11 =	simm.s32 $0x7;
	s28 =	simm.s32 $0x1  }
0x4: {  	s29 =	simm.s32 $0xE400;
	s30 =	simm.s32 $0xF500;
	s31 =	simm.s32 $0x2  }
0x5: {  	v0 =	vlaneseq.u32;
	s10 =	simm.s32 $0x3;
	s12 =	simm.s32 $0x5;
	s13 =	simm.s32 $0x4  }
0x6: {  	v1 =	vimm.s32 $0x0;
	vm0 =	vcmask $0x300;
	s14 =	simm.s32 $0x6;
	s15 =	simm.s32 $0x0;
	s1 =	sand.u32 $0x1, s1;
	v0 =	vmul.u32 $0x88, v0  }
0x7: {  	s4 =	sshll.u32 s3, $0x1;
	s3 =	simm.s32 $0x0;
	s5 =	sadd.s32 $0x400, s0;
	v1 =	vsel vm0, $0x3, v1  }
0x8: {  	s7 =	sor.u32 s1, s4;
	[smem:$0x7FF] =	sst s3;
	s1 =	ssub.s32 $0x2, s1;
	v2 =	vadd.s32 $0x880, v0;
	v3 =	vor.u32 $0x1, v0;
	v4 =	vadd.s32 $0x881, v0  }
0x9: {  	s4 =	sshll.u32 s7, $0x4;
	_ =	strace $0x80000047;
	s26 =	sshrl.u32 s1, $0x1;
	v5 =	vor.u32 $0x2, v0;
	v6 =	vadd.s32 $0x882, v0;
	v7 =	vor.u32 $0x3, v0  }
0xa: {  	s7 =	sshll.u32 s7, $0xA;
	v8 =	vadd.s32 $0x883, v0;
	v9 =	vor.u32 $0x4, v0;
	v10 =	vadd.s32 $0x884, v0;
	s6 =	sadd.s32 s4, s0;
	s4 =	sadd.s32 $0x19800, s0  }
0xb: {  	v11 =	vor.u32 $0x5, v0;
	v12 =	vadd.s32 $0x885, v0;
	v13 =	vor.u32 $0x6, v0;
	s0 =	ssub.s32 s1, s26;
	s26 =	simm.s32 $0xD400;
	s1 =	simm.s32 $0x10600  }
0xc: {  	v14 =	vadd.s32 $0x886, v0;
	v15 =	vor.u32 $0x7, v0;
	v16 =	vadd.s32 $0x887, v0;
	s6 =	sadd.s32 $0x800, s6;
	s8 =	smax.u32 s0, $0x1;
	s0 =	simm.s32 $0x11700  }
.LBB2_1:
0xd: {  	s16 =	simm.s32 $0x1000  }
0xe: {  	[tilespmem:s3], [sflag:$0x7] =	stream.strided.gather [hbm4b:s6+s9], $0x6400, s16, s9, $0x38;
	[tilespmem:$0x14100] =	vst v63  }
0xf: {  	_ =	swait.ge [sflag:s11], $0x6400  }
0x10: {  	[sflag:s11] =	ssyncset.done $0x0  }
0x11: {  	s22 =	simm.s32 $0x12800;
	[sflag:s11] =	ssyncadd.s32 $0xFFFF9C00  }
0x12: {  	[tilespmem:s22], [sflag:$0x7] =	stream.linear.gather [hbm4b:s5+s3], $0x1900, $0x38;
	[tilespmem:$0x14100] =	vst v63  }
0x13: {  	_ =	swait.ge [sflag:s11], $0x1900  }
0x14: {  	[sflag:s11] =	ssyncset.done $0x0  }
0x15: {  	s23 =	simm.s32 $0x6400;
	[sflag:s11] =	ssyncadd.s32 $0xFFFFE700  }
0x16: {  	[tilespmem:s23], [sflag:$0x1] =	stream.indirect.gather [hbm4b:s4+s9], $0x20, s3, s9, $0xb8;
	[tilespmem:$0x14100] =	vst v63  }
0x17: {  	s24 =	simm.s32 $0x7400  }
0x18: {  	[tilespmem:s24], [sflag:$0x1] =	stream.indirect.gather [hbm4b:s4+s9], $0x20, s9, s9, $0xb8;
	[tilespmem:$0x14100] =	vst v63  }
0x19: {  	s25 =	simm.s32 $0x100;
	s17 =	simm.s32 $0x8400  }
0x1a: {  	[tilespmem:s17], [sflag:$0x2] =	stream.indirect.gather [hbm4b:s4+s9], $0x20, s25, s9, $0xb8;
	[tilespmem:$0x14100] =	vst v63  }
0x1b: {  	s18 =	simm.s32 $0x9400;
	s17 =	simm.s32 $0x180  }
0x1c: {  	[tilespmem:s18], [sflag:$0x2] =	stream.indirect.gather [hbm4b:s4+s9], $0x20, s17, s9, $0xb8;
	[tilespmem:$0x14100] =	vst v63  }
0x1d: {  	s19 =	simm.s32 $0x200;
	s20 =	simm.s32 $0xA400  }
0x1e: {  	[tilespmem:s20], [sflag:$0x3] =	stream.indirect.gather [hbm4b:s4+s9], $0x20, s19, s9, $0xb8;
	[tilespmem:$0x14100] =	vst v63  }
0x1f: {  	s21 =	simm.s32 $0x280;
	s22 =	simm.s32 $0xB400  }
0x20: {  	[tilespmem:s22], [sflag:$0x3] =	stream.indirect.gather [hbm4b:s4+s9], $0x20, s21, s9, $0xb8;
	[tilespmem:$0x14100] =	vst v63  }
0x21: {  	s23 =	simm.s32 $0x300;
	s24 =	simm.s32 $0xC400  }
0x22: {  	[tilespmem:s24], [sflag:$0x4] =	stream.indirect.gather [hbm4b:s4+s9], $0x20, s23, s9, $0xb8;
	[tilespmem:$0x14100] =	vst v63  }
0x23: {  	s16 =	simm.s32 $0x0;
	s25 =	simm.s32 $0x380  }
0x24: {  	[tilespmem:s26], [sflag:$0x4] =	stream.indirect.gather [hbm4b:s4+s9], $0x20, s25, s9, $0xb8;
	[tilespmem:$0x14100] =	vst v63  }
.LBB2_2:
0x25: {  	_ =	swait.ge [sflag:s28], $0x1000  }
0x26: {  	[sflag:s28] =	ssyncset.done $0x0  }
0x27: {  	[sflag:s28] =	ssyncadd.s32 $0xFFFFF000  }
0x28: {  	_ =	swait.ge [sflag:s28], $0x1000  }
0x29: {  	p1 =	seq.s32 s16, $0x0;
	[sflag:s28] =	ssyncset.done $0x0  }
0x2a: {  	s17 =	simm.s32 @!p1 $0x5;
	[sflag:s28] =	ssyncadd.s32 $0xFFFFF000  }
0x2b: {  	_ =	swait.ge @!p1 [sflag:s17], $0x2000  }
0x2c: {  	s18 =	sshll.u32 s16, $0x8;
	s19 =	simm.s32 $0x0;
	[sflag:s17] =	ssyncset.done @!p1 $0x0  }
0x2d: {  	v18 =	vmov s19;
	[sflag:s17] =	ssyncadd.s32 @!p1 $0xFFFFE000;
	s17 =	sand.u32 $0x3FFFFF00, s18  }
0x2e: {  	v19 =	vshrl.u32 v18, $0x3;
	v17 =	vld [tilespmem:s17+$0x12800]  }
0x2f: {  	v19 =	vshll.u32 v19, v1;
	s18 =	simm.s32 $0x6480;
	v18 =	vld [tilespmem:s17+$0x12810]  }
0x30: {  	v19 =	vbroadcast v19, $0x0;
	v20 =	vld [tilespmem:s18+$0xFFFFFF80]  }
0x31: {  	v21 =	vld [tilespmem:s18+$0xFFFFFF90]  }
0x32: {  	v22 =	vadd.s32 v0, v19  }
0x33: {  	v19 =	vadd.s32 v2, v19;
	_ =	sdelay $0x1  }
0x34: {  	s24 =	simm.s32 $0x1;
	v20 =	vadd.f32 v20, v17  }
0x35: {  	v23 =	vmov s24;
	v21 =	vadd.f32 v21, v18  }
0x36: {  	[tilespmem:v22+s29+$0x0] =	vst.idx.msk $0xffff, v20;
	v20 =	vshrl.u32 v23, $0x3  }
0x37: {  	[tilespmem:v19+s29+$0x0] =	vst.idx.msk $0xffff, v21;
	v19 =	vshll.u32 v20, v1  }
0x38: {  	v20 =	vld [tilespmem:s18+$0xFFFFFFA0];
	v19 =	vbroadcast v19, $0x0  }
0x39: {  	v21 =	vld [tilespmem:s18+$0xFFFFFFB0]  }
0x3a: {  	v22 =	vadd.s32 v3, v19  }
0x3b: {  	v19 =	vadd.s32 v4, v19;
	_ =	sdelay $0x1  }
0x3c: {  	s25 =	simm.s32 $0x2;
	v20 =	vadd.f32 v20, v17  }
0x3d: {  	v23 =	vmov s25;
	v21 =	vadd.f32 v21, v18  }
0x3e: {  	[tilespmem:v22+s29+$0x0] =	vst.idx.msk $0xffff, v20;
	v20 =	vshrl.u32 v23, $0x3  }
0x3f: {  	[tilespmem:v19+s29+$0x0] =	vst.idx.msk $0xffff, v21;
	v19 =	vshll.u32 v20, v1  }
0x40: {  	v20 =	vld [tilespmem:s18+$0xFFFFFFC0];
	v19 =	vbroadcast v19, $0x0  }
0x41: {  	v21 =	vld [tilespmem:s18+$0xFFFFFFD0]  }
0x42: {  	v22 =	vadd.s32 v5, v19  }
0x43: {  	v19 =	vadd.s32 v6, v19;
	_ =	sdelay $0x1  }
0x44: {  	s20 =	simm.s32 $0x3;
	v20 =	vadd.f32 v20, v17  }
0x45: {  	v23 =	vmov s20;
	v21 =	vadd.f32 v21, v18  }
0x46: {  	[tilespmem:v22+s29+$0x0] =	vst.idx.msk $0xffff, v20;
	v20 =	vshrl.u32 v23, $0x3  }
0x47: {  	[tilespmem:v19+s29+$0x0] =	vst.idx.msk $0xffff, v21;
	v19 =	vshll.u32 v20, v1  }
0x48: {  	v20 =	vld [tilespmem:s18+$0xFFFFFFE0];
	v19 =	vbroadcast v19, $0x0  }
0x49: {  	v21 =	vld [tilespmem:s18+$0xFFFFFFF0]  }
0x4a: {  	v22 =	vadd.s32 v7, v19  }
0x4b: {  	v19 =	vadd.s32 v8, v19;
	_ =	sdelay $0x1  }
0x4c: {  	s21 =	simm.s32 $0x4;
	v20 =	vadd.f32 v20, v17  }
0x4d: {  	v23 =	vmov s21;
	v21 =	vadd.f32 v21, v18  }
0x4e: {  	[tilespmem:v22+s29+$0x0] =	vst.idx.msk $0xffff, v20;
	v20 =	vshrl.u32 v23, $0x3  }
0x4f: {  	[tilespmem:v19+s29+$0x0] =	vst.idx.msk $0xffff, v21;
	v19 =	vshll.u32 v20, v1  }
0x50: {  	v20 =	vld [tilespmem:s18+$0x0];
	v19 =	vbroadcast v19, $0x0  }
0x51: {  	v21 =	vld [tilespmem:s18+$0x10]  }
0x52: {  	v22 =	vadd.s32 v9, v19  }
0x53: {  	v19 =	vadd.s32 v10, v19;
	_ =	sdelay $0x1  }
0x54: {  	s22 =	simm.s32 $0x5;
	v20 =	vadd.f32 v20, v17  }
0x55: {  	v23 =	vmov s22;
	v21 =	vadd.f32 v21, v18  }
0x56: {  	[tilespmem:v22+s29+$0x0] =	vst.idx.msk $0xffff, v20;
	v20 =	vshrl.u32 v23, $0x3  }
0x57: {  	[tilespmem:v19+s29+$0x0] =	vst.idx.msk $0xffff, v21;
	v19 =	vshll.u32 v20, v1  }
0x58: {  	v20 =	vld [tilespmem:s18+$0x20];
	v19 =	vbroadcast v19, $0x0  }
0x59: {  	v21 =	vld [tilespmem:s18+$0x30]  }
0x5a: {  	v22 =	vadd.s32 v11, v19  }
0x5b: {  	v19 =	vadd.s32 v12, v19;
	_ =	sdelay $0x1  }
0x5c: {  	s23 =	simm.s32 $0x6;
	v20 =	vadd.f32 v20, v17  }
0x5d: {  	v23 =	vmov s23;
	v21 =	vadd.f32 v21, v18  }
0x5e: {  	[tilespmem:v22+s29+$0x0] =	vst.idx.msk $0xffff, v20;
	v20 =	vshrl.u32 v23, $0x3  }
0x5f: {  	[tilespmem:v19+s29+$0x0] =	vst.idx.msk $0xffff, v21;
	v19 =	vshll.u32 v20, v1  }
0x60: {  	v20 =	vld [tilespmem:s18+$0x40];
	v19 =	vbroadcast v19, $0x0  }
0x61: {  	v21 =	vld [tilespmem:s18+$0x50]  }
0x62: {  	v22 =	vadd.s32 v13, v19  }
0x63: {  	v19 =	vadd.s32 v14, v19;
	_ =	sdelay $0x1  }
0x64: {  	s24 =	simm.s32 $0x7;
	v20 =	vadd.f32 v20, v17  }
0x65: {  	v23 =	vmov s24;
	v21 =	vadd.f32 v21, v18  }
0x66: {  	[tilespmem:v22+s29+$0x0] =	vst.idx.msk $0xffff, v20;
	v20 =	vshrl.u32 v23, $0x3  }
0x67: {  	[tilespmem:v19+s29+$0x0] =	vst.idx.msk $0xffff, v21;
	v19 =	vshll.u32 v20, v1  }
0x68: {  	v20 =	vld [tilespmem:s18+$0x60];
	v19 =	vbroadcast v19, $0x0;
	_ =	sdelay $0x1  }
0x69: {  	v21 =	vld [tilespmem:s18+$0x70];
	v22 =	vadd.s32 v15, v19;
	_ =	sdelay $0x1  }
0x6a: {  	v19 =	vadd.s32 v16, v19  }
0x6b: {  	s25 =	simm.s32 $0x8;
	v23 =	vadd.f32 v20, v17  }
0x6c: {  	v24 =	vmov s25  }
0x6d: {  	s19 =	simm.s32 $0xF;
	s20 =	simm.s32 $0x17;
	v20 =	vadd.f32 v21, v18;
	v21 =	vshrl.u32 v24, $0x3;
	[tilespmem:v22+s29+$0x0] =	vst.idx.msk $0xffff, v23  }
.LBB2_3:
0x6e: {  	p0 =	sne.s32 s20, $0x7F  }
0x6f: {  	v21 =	vshll.u32 v21, v1;
	[tilespmem:v19+s29+$0x0] =	vst.idx.msk $0xffff, v20;
	s18 =	sadd.s32 $0x100, s18;
	s21 =	smov.u32 s20;
	s20 =	sadd.s32 $0x8, s20  }
0x70: {  	v19 =	vld [tilespmem:s18+$0xFFFFFF80];
	v20 =	vbroadcast v21, $0x0  }
0x71: {  	v21 =	vld [tilespmem:s18+$0xFFFFFF90]  }
0x72: {  	v22 =	vadd.s32 v0, v20  }
0x73: {  	v20 =	vadd.s32 v2, v20;
	_ =	sdelay $0x1  }
0x74: {  	s22 =	sadd.s32 $0xFFFFFFFA, s19;
	v19 =	vadd.f32 v19, v17  }
0x75: {  	v23 =	vmov s22;
	v21 =	vadd.f32 v21, v18  }
0x76: {  	[tilespmem:v22+s29+$0x0] =	vst.idx.msk $0xffff, v19;
	v19 =	vshrl.u32 v23, $0x3  }
0x77: {  	[tilespmem:v20+s29+$0x0] =	vst.idx.msk $0xffff, v21;
	v19 =	vshll.u32 v19, v1  }
0x78: {  	v20 =	vld [tilespmem:s18+$0xFFFFFFA0];
	v19 =	vbroadcast v19, $0x0  }
0x79: {  	v21 =	vld [tilespmem:s18+$0xFFFFFFB0]  }
0x7a: {  	v22 =	vadd.s32 v3, v19  }
0x7b: {  	v19 =	vadd.s32 v4, v19;
	_ =	sdelay $0x1  }
0x7c: {  	s22 =	sadd.s32 $0xFFFFFFFB, s19;
	v20 =	vadd.f32 v20, v17  }
0x7d: {  	v23 =	vmov s22;
	v21 =	vadd.f32 v21, v18  }
0x7e: {  	[tilespmem:v22+s29+$0x0] =	vst.idx.msk $0xffff, v20;
	v20 =	vshrl.u32 v23, $0x3  }
0x7f: {  	[tilespmem:v19+s29+$0x0] =	vst.idx.msk $0xffff, v21;
	v19 =	vshll.u32 v20, v1  }
0x80: {  	v20 =	vld [tilespmem:s18+$0xFFFFFFC0];
	v19 =	vbroadcast v19, $0x0  }
0x81: {  	v21 =	vld [tilespmem:s18+$0xFFFFFFD0]  }
0x82: {  	v22 =	vadd.s32 v5, v19  }
0x83: {  	v19 =	vadd.s32 v6, v19;
	_ =	sdelay $0x1  }
0x84: {  	s22 =	sadd.s32 $0xFFFFFFFC, s19;
	v20 =	vadd.f32 v20, v17  }
0x85: {  	v23 =	vmov s22;
	v21 =	vadd.f32 v21, v18  }
0x86: {  	[tilespmem:v22+s29+$0x0] =	vst.idx.msk $0xffff, v20;
	v20 =	vshrl.u32 v23, $0x3  }
0x87: {  	[tilespmem:v19+s29+$0x0] =	vst.idx.msk $0xffff, v21;
	v19 =	vshll.u32 v20, v1  }
0x88: {  	v20 =	vld [tilespmem:s18+$0xFFFFFFE0];
	v19 =	vbroadcast v19, $0x0  }
0x89: {  	v21 =	vld [tilespmem:s18+$0xFFFFFFF0]  }
0x8a: {  	v22 =	vadd.s32 v7, v19  }
0x8b: {  	v19 =	vadd.s32 v8, v19;
	_ =	sdelay $0x1  }
0x8c: {  	s22 =	sadd.s32 $0xFFFFFFFD, s19;
	v20 =	vadd.f32 v20, v17  }
0x8d: {  	v23 =	vmov s22;
	v21 =	vadd.f32 v21, v18  }
0x8e: {  	[tilespmem:v22+s29+$0x0] =	vst.idx.msk $0xffff, v20;
	v20 =	vshrl.u32 v23, $0x3  }
0x8f: {  	[tilespmem:v19+s29+$0x0] =	vst.idx.msk $0xffff, v21;
	v19 =	vshll.u32 v20, v1  }
0x90: {  	v20 =	vld [tilespmem:s18+$0x0];
	v19 =	vbroadcast v19, $0x0  }
0x91: {  	v21 =	vld [tilespmem:s18+$0x10]  }
0x92: {  	v22 =	vadd.s32 v9, v19  }
0x93: {  	v19 =	vadd.s32 v10, v19;
	_ =	sdelay $0x1  }
0x94: {  	s22 =	sadd.s32 $0xFFFFFFFE, s19;
	v20 =	vadd.f32 v20, v17  }
0x95: {  	v23 =	vmov s22;
	v21 =	vadd.f32 v21, v18  }
0x96: {  	[tilespmem:v22+s29+$0x0] =	vst.idx.msk $0xffff, v20;
	v20 =	vshrl.u32 v23, $0x3  }
0x97: {  	[tilespmem:v19+s29+$0x0] =	vst.idx.msk $0xffff, v21;
	v19 =	vshll.u32 v20, v1  }
0x98: {  	v20 =	vld [tilespmem:s18+$0x20];
	v19 =	vbroadcast v19, $0x0  }
0x99: {  	v21 =	vld [tilespmem:s18+$0x30]  }
0x9a: {  	v22 =	vadd.s32 v11, v19  }
0x9b: {  	v19 =	vadd.s32 v12, v19;
	_ =	sdelay $0x1  }
0x9c: {  	s22 =	sadd.s32 $0xFFFFFFFF, s19;
	v20 =	vadd.f32 v20, v17  }
0x9d: {  	v23 =	vmov s22;
	v21 =	vadd.f32 v21, v18  }
0x9e: {  	[tilespmem:v22+s29+$0x0] =	vst.idx.msk $0xffff, v20;
	v20 =	vshrl.u32 v23, $0x3  }
0x9f: {  	[tilespmem:v19+s29+$0x0] =	vst.idx.msk $0xffff, v21;
	v19 =	vshll.u32 v20, v1  }
0xa0: {  	v20 =	vld [tilespmem:s18+$0x40];
	v19 =	vbroadcast v19, $0x0  }
0xa1: {  	v21 =	vld [tilespmem:s18+$0x50]  }
0xa2: {  	v22 =	vadd.s32 v13, v19  }
0xa3: {  	v19 =	vadd.s32 v14, v19;
	_ =	sdelay $0x1  }
0xa4: {  	v20 =	vadd.f32 v20, v17  }
0xa5: {  	v23 =	vmov s19;
	s19 =	smov.u32 s21;
	v21 =	vadd.f32 v21, v18  }
0xa6: {  	[tilespmem:v22+s29+$0x0] =	vst.idx.msk $0xffff, v20;
	v20 =	vshrl.u32 v23, $0x3  }
0xa7: {  	[tilespmem:v19+s29+$0x0] =	vst.idx.msk $0xffff, v21;
	v19 =	vshll.u32 v20, v1  }
0xa8: {  	v20 =	vld [tilespmem:s18+$0x60];
	v19 =	vbroadcast v19, $0x0  }
0xa9: {  	v21 =	vld [tilespmem:s18+$0x70]  }
0xaa: {  	v22 =	vadd.s32 v15, v19  }
.Ltmp0:
0xab: {  	v19 =	vadd.s32 v16, v19;
	(pc) =	sbr.rel @p0 .LBB2_3-.Ltmp0, $4  }
0xac: {  	_ = 	snop  }
0xad: {  	s21 =	sadd.s32 $0xFFFFFFF9, s19;
	v23 =	vadd.f32 v20, v17  }
0xae: {  	v24 =	vmov s21;
	v20 =	vadd.f32 v21, v18  }
0xaf: {  	v21 =	vshrl.u32 v24, $0x3;
	[tilespmem:v22+s29+$0x0] =	vst.idx.msk $0xffff, v23  }
0xb0: {  	_ =	sdelay $0x3  }
0xb1: {  	v21 =	vshll.u32 v21, v1;
	[tilespmem:v19+s29+$0x0] =	vst.idx.msk $0xffff, v20;
	s18 =	sadd.s32 $0x100, s18  }
0xb2: {  	v19 =	vld [tilespmem:s18+$0xFFFFFF80];
	v20 =	vbroadcast v21, $0x0  }
0xb3: {  	v21 =	vld [tilespmem:s18+$0xFFFFFF90]  }
0xb4: {  	v22 =	vadd.s32 v0, v20  }
0xb5: {  	v20 =	vadd.s32 v2, v20;
	_ =	sdelay $0x1  }
0xb6: {  	s20 =	sadd.s32 $0xFFFFFFFA, s19;
	v19 =	vadd.f32 v19, v17  }
0xb7: {  	v23 =	vmov s20;
	v21 =	vadd.f32 v21, v18  }
0xb8: {  	[tilespmem:v22+s29+$0x0] =	vst.idx.msk $0xffff, v19;
	v19 =	vshrl.u32 v23, $0x3  }
0xb9: {  	[tilespmem:v20+s29+$0x0] =	vst.idx.msk $0xffff, v21;
	v19 =	vshll.u32 v19, v1  }
0xba: {  	v20 =	vld [tilespmem:s18+$0xFFFFFFA0];
	v19 =	vbroadcast v19, $0x0  }
0xbb: {  	v21 =	vld [tilespmem:s18+$0xFFFFFFB0]  }
0xbc: {  	v22 =	vadd.s32 v3, v19  }
0xbd: {  	v19 =	vadd.s32 v4, v19;
	_ =	sdelay $0x1  }
0xbe: {  	s24 =	sadd.s32 $0xFFFFFFFB, s19;
	v20 =	vadd.f32 v20, v17  }
0xbf: {  	v23 =	vmov s24;
	v21 =	vadd.f32 v21, v18  }
0xc0: {  	[tilespmem:v22+s29+$0x0] =	vst.idx.msk $0xffff, v20;
	v20 =	vshrl.u32 v23, $0x3  }
0xc1: {  	[tilespmem:v19+s29+$0x0] =	vst.idx.msk $0xffff, v21;
	v19 =	vshll.u32 v20, v1  }
0xc2: {  	v20 =	vld [tilespmem:s18+$0xFFFFFFC0];
	v19 =	vbroadcast v19, $0x0  }
0xc3: {  	v21 =	vld [tilespmem:s18+$0xFFFFFFD0]  }
0xc4: {  	v22 =	vadd.s32 v5, v19  }
0xc5: {  	v19 =	vadd.s32 v6, v19;
	_ =	sdelay $0x1  }
0xc6: {  	s25 =	sadd.s32 $0xFFFFFFFC, s19;
	v20 =	vadd.f32 v20, v17  }
0xc7: {  	v23 =	vmov s25;
	v21 =	vadd.f32 v21, v18  }
0xc8: {  	[tilespmem:v22+s29+$0x0] =	vst.idx.msk $0xffff, v20;
	v20 =	vshrl.u32 v23, $0x3  }
0xc9: {  	[tilespmem:v19+s29+$0x0] =	vst.idx.msk $0xffff, v21;
	v19 =	vshll.u32 v20, v1  }
0xca: {  	v20 =	vld [tilespmem:s18+$0xFFFFFFE0];
	v19 =	vbroadcast v19, $0x0  }
0xcb: {  	v21 =	vld [tilespmem:s18+$0xFFFFFFF0]  }
0xcc: {  	v22 =	vadd.s32 v7, v19  }
0xcd: {  	v19 =	vadd.s32 v8, v19;
	_ =	sdelay $0x1  }
0xce: {  	s21 =	sadd.s32 $0xFFFFFFFD, s19;
	v20 =	vadd.f32 v20, v17  }
0xcf: {  	v23 =	vmov s21;
	v21 =	vadd.f32 v21, v18  }
0xd0: {  	[tilespmem:v22+s29+$0x0] =	vst.idx.msk $0xffff, v20;
	v20 =	vshrl.u32 v23, $0x3  }
0xd1: {  	[tilespmem:v19+s29+$0x0] =	vst.idx.msk $0xffff, v21;
	v19 =	vshll.u32 v20, v1  }
0xd2: {  	v20 =	vld [tilespmem:s18+$0x0];
	v19 =	vbroadcast v19, $0x0  }
0xd3: {  	v21 =	vld [tilespmem:s18+$0x10]  }
0xd4: {  	v22 =	vadd.s32 v9, v19  }
0xd5: {  	v19 =	vadd.s32 v10, v19;
	_ =	sdelay $0x1  }
0xd6: {  	s22 =	sadd.s32 $0xFFFFFFFE, s19;
	v20 =	vadd.f32 v20, v17  }
0xd7: {  	v23 =	vmov s22;
	v21 =	vadd.f32 v21, v18  }
0xd8: {  	[tilespmem:v22+s29+$0x0] =	vst.idx.msk $0xffff, v20;
	v20 =	vshrl.u32 v23, $0x3  }
0xd9: {  	[tilespmem:v19+s29+$0x0] =	vst.idx.msk $0xffff, v21;
	v19 =	vshll.u32 v20, v1  }
0xda: {  	v20 =	vld [tilespmem:s18+$0x20];
	v19 =	vbroadcast v19, $0x0  }
0xdb: {  	v21 =	vld [tilespmem:s18+$0x30]  }
0xdc: {  	v22 =	vadd.s32 v11, v19  }
0xdd: {  	v19 =	vadd.s32 v12, v19;
	_ =	sdelay $0x1  }
0xde: {  	s23 =	sadd.s32 $0xFFFFFFFF, s19;
	v20 =	vadd.f32 v20, v17  }
0xdf: {  	v23 =	vmov s23;
	v21 =	vadd.f32 v21, v18  }
0xe0: {  	[tilespmem:v22+s29+$0x0] =	vst.idx.msk $0xffff, v20;
	v20 =	vshrl.u32 v23, $0x3  }
0xe1: {  	[tilespmem:v19+s29+$0x0] =	vst.idx.msk $0xffff, v21;
	v19 =	vshll.u32 v20, v1  }
0xe2: {  	v20 =	vld [tilespmem:s18+$0x40];
	v19 =	vbroadcast v19, $0x0  }
0xe3: {  	v21 =	vld [tilespmem:s18+$0x50]  }
0xe4: {  	v22 =	vadd.s32 v13, v19  }
0xe5: {  	v19 =	vadd.s32 v14, v19;
	_ =	sdelay $0x1  }
0xe6: {  	v20 =	vadd.f32 v20, v17  }
0xe7: {  	v23 =	vmov s19;
	v21 =	vadd.f32 v21, v18  }
0xe8: {  	[tilespmem:v22+s29+$0x0] =	vst.idx.msk $0xffff, v20;
	v20 =	vshrl.u32 v23, $0x3  }
0xe9: {  	[tilespmem:v19+s29+$0x0] =	vst.idx.msk $0xffff, v21;
	v19 =	vshll.u32 v20, v1  }
0xea: {  	v20 =	vld [tilespmem:s18+$0x60];
	v19 =	vbroadcast v19, $0x0  }
0xeb: {  	v21 =	vld [tilespmem:s18+$0x70]  }
0xec: {  	v22 =	vadd.s32 v15, v19  }
0xed: {  	v19 =	vadd.s32 v16, v19;
	_ =	sdelay $0x1  }
0xee: {  	v17 =	vadd.f32 v20, v17  }
0xef: {  	v18 =	vadd.f32 v21, v18  }
0xf0: {  	s24 =	simm.s32 $0x0;
	[tilespmem:v22+s29+$0x0] =	vst.idx.msk $0xffff, v17  }
0xf1: {  	[tilespmem:v19+s29+$0x0] =	vst.idx.msk $0xffff, v18;
	v18 =	vmov s24  }
0xf2: {  	v17 =	vld [tilespmem:s17+$0x12820];
	v19 =	vshrl.u32 v18, $0x3  }
0xf3: {  	s18 =	simm.s32 $0x74F0;
	v18 =	vld [tilespmem:s17+$0x12830];
	v19 =	vshll.u32 v19, $0x3  }
0xf4: {  	v20 =	vld [tilespmem:s18+$0xFFFFFF10];
	v19 =	vbroadcast v19, $0x0  }
0xf5: {  	v21 =	vld [tilespmem:s18+$0xFFFFFF20]  }
0xf6: {  	v22 =	vadd.s32 v0, v19  }
0xf7: {  	v23 =	vadd.s32 v2, v19;
	_ =	sdelay $0x1  }
0xf8: {  	v20 =	vadd.f32 v20, v17  }
0xf9: {  	v21 =	vadd.f32 v21, v18  }
0xfa: {  	[tilespmem:v22+s30+$0x0] =	vst.idx.msk $0xffff, v20  }
0xfb: {  	[tilespmem:v23+s30+$0x0] =	vst.idx.msk $0xffff, v21  }
0xfc: {  	v20 =	vld [tilespmem:s18+$0xFFFFFF30]  }
0xfd: {  	v21 =	vld [tilespmem:s18+$0xFFFFFF40]  }
0xfe: {  	v22 =	vadd.s32 v3, v19  }
0xff: {  	v23 =	vadd.s32 v4, v19;
	_ =	sdelay $0x1  }
0x100: {  	v20 =	vadd.f32 v20, v17  }
0x101: {  	v21 =	vadd.f32 v21, v18  }
0x102: {  	[tilespmem:v22+s30+$0x0] =	vst.idx.msk $0xffff, v20  }
0x103: {  	[tilespmem:v23+s30+$0x0] =	vst.idx.msk $0xffff, v21  }
0x104: {  	v20 =	vld [tilespmem:s18+$0xFFFFFF50]  }
0x105: {  	v21 =	vld [tilespmem:s18+$0xFFFFFF60]  }
0x106: {  	v22 =	vadd.s32 v5, v19  }
0x107: {  	v23 =	vadd.s32 v6, v19;
	_ =	sdelay $0x1  }
0x108: {  	v20 =	vadd.f32 v20, v17  }
0x109: {  	v21 =	vadd.f32 v21, v18  }
0x10a: {  	[tilespmem:v22+s30+$0x0] =	vst.idx.msk $0xffff, v20  }
0x10b: {  	[tilespmem:v23+s30+$0x0] =	vst.idx.msk $0xffff, v21  }
0x10c: {  	v20 =	vld [tilespmem:s18+$0xFFFFFF70]  }
0x10d: {  	v21 =	vld [tilespmem:s18+$0xFFFFFF80]  }
0x10e: {  	v22 =	vadd.s32 v7, v19  }
0x10f: {  	v23 =	vadd.s32 v8, v19;
	_ =	sdelay $0x1  }
0x110: {  	v20 =	vadd.f32 v20, v17  }
0x111: {  	v21 =	vadd.f32 v21, v18  }
0x112: {  	[tilespmem:v22+s30+$0x0] =	vst.idx.msk $0xffff, v20  }
0x113: {  	[tilespmem:v23+s30+$0x0] =	vst.idx.msk $0xffff, v21  }
0x114: {  	v20 =	vld [tilespmem:s18+$0xFFFFFF90]  }
0x115: {  	v21 =	vld [tilespmem:s18+$0xFFFFFFA0]  }
0x116: {  	v22 =	vadd.s32 v9, v19  }
0x117: {  	v23 =	vadd.s32 v10, v19;
	_ =	sdelay $0x1  }
0x118: {  	v20 =	vadd.f32 v20, v17  }
0x119: {  	v21 =	vadd.f32 v21, v18  }
0x11a: {  	[tilespmem:v22+s30+$0x0] =	vst.idx.msk $0xffff, v20  }
0x11b: {  	[tilespmem:v23+s30+$0x0] =	vst.idx.msk $0xffff, v21  }
0x11c: {  	v20 =	vld [tilespmem:s18+$0xFFFFFFB0]  }
0x11d: {  	v21 =	vld [tilespmem:s18+$0xFFFFFFC0]  }
0x11e: {  	v22 =	vadd.s32 v11, v19  }
0x11f: {  	v23 =	vadd.s32 v12, v19;
	_ =	sdelay $0x1  }
0x120: {  	v20 =	vadd.f32 v20, v17  }
0x121: {  	v21 =	vadd.f32 v21, v18  }
0x122: {  	[tilespmem:v22+s30+$0x0] =	vst.idx.msk $0xffff, v20  }
0x123: {  	[tilespmem:v23+s30+$0x0] =	vst.idx.msk $0xffff, v21  }
0x124: {  	v20 =	vld [tilespmem:s18+$0xFFFFFFD0]  }
0x125: {  	v21 =	vld [tilespmem:s18+$0xFFFFFFE0]  }
0x126: {  	v22 =	vadd.s32 v13, v19  }
0x127: {  	v23 =	vadd.s32 v14, v19;
	_ =	sdelay $0x1  }
0x128: {  	v20 =	vadd.f32 v20, v17  }
0x129: {  	v21 =	vadd.f32 v21, v18  }
0x12a: {  	[tilespmem:v22+s30+$0x0] =	vst.idx.msk $0xffff, v20  }
0x12b: {  	[tilespmem:v23+s30+$0x0] =	vst.idx.msk $0xffff, v21  }
0x12c: {  	v20 =	vld [tilespmem:s18+$0xFFFFFFF0];
	_ =	sdelay $0x1  }
0x12d: {  	v22 =	vadd.s32 v15, v19;
	v21 =	vld [tilespmem:s18+$0x0];
	_ =	sdelay $0x1  }
0x12e: {  	v19 =	vadd.s32 v16, v19  }
0x12f: {  	s25 =	simm.s32 $0x8;
	v23 =	vadd.f32 v20, v17  }
0x130: {  	v24 =	vmov s25  }
0x131: {  	s19 =	simm.s32 $0x10;
	v20 =	vadd.f32 v21, v18;
	v21 =	vshrl.u32 v24, $0x3;
	[tilespmem:v22+s30+$0x0] =	vst.idx.msk $0xffff, v23  }
.LBB2_5:
0x132: {  	p0 =	sne.s32 s19, $0x78  }
0x133: {  	v21 =	vshll.u32 v21, $0x3;
	[tilespmem:v19+s30+$0x0] =	vst.idx.msk $0xffff, v20;
	s18 =	sadd.s32 $0x100, s18;
	s20 =	smov.u32 s19;
	s19 =	sadd.s32 $0x8, s19  }
0x134: {  	v19 =	vld [tilespmem:s18+$0xFFFFFF10];
	v20 =	vbroadcast v21, $0x0  }
0x135: {  	v21 =	vld [tilespmem:s18+$0xFFFFFF20]  }
0x136: {  	v22 =	vadd.s32 v0, v20  }
0x137: {  	v23 =	vadd.s32 v2, v20;
	_ =	sdelay $0x1  }
0x138: {  	v19 =	vadd.f32 v19, v17  }
0x139: {  	v21 =	vadd.f32 v21, v18  }
0x13a: {  	[tilespmem:v22+s30+$0x0] =	vst.idx.msk $0xffff, v19  }
0x13b: {  	[tilespmem:v23+s30+$0x0] =	vst.idx.msk $0xffff, v21  }
0x13c: {  	v19 =	vld [tilespmem:s18+$0xFFFFFF30]  }
0x13d: {  	v21 =	vld [tilespmem:s18+$0xFFFFFF40]  }
0x13e: {  	v22 =	vadd.s32 v3, v20  }
0x13f: {  	v23 =	vadd.s32 v4, v20;
	_ =	sdelay $0x1  }
0x140: {  	v19 =	vadd.f32 v19, v17  }
0x141: {  	v21 =	vadd.f32 v21, v18  }
0x142: {  	[tilespmem:v22+s30+$0x0] =	vst.idx.msk $0xffff, v19  }
0x143: {  	[tilespmem:v23+s30+$0x0] =	vst.idx.msk $0xffff, v21  }
0x144: {  	v19 =	vld [tilespmem:s18+$0xFFFFFF50]  }
0x145: {  	v21 =	vld [tilespmem:s18+$0xFFFFFF60]  }
0x146: {  	v22 =	vadd.s32 v5, v20  }
0x147: {  	v23 =	vadd.s32 v6, v20;
	_ =	sdelay $0x1  }
0x148: {  	v19 =	vadd.f32 v19, v17  }
0x149: {  	v21 =	vadd.f32 v21, v18  }
0x14a: {  	[tilespmem:v22+s30+$0x0] =	vst.idx.msk $0xffff, v19  }
0x14b: {  	[tilespmem:v23+s30+$0x0] =	vst.idx.msk $0xffff, v21  }
0x14c: {  	v19 =	vld [tilespmem:s18+$0xFFFFFF70]  }
0x14d: {  	v21 =	vld [tilespmem:s18+$0xFFFFFF80]  }
0x14e: {  	v22 =	vadd.s32 v7, v20  }
0x14f: {  	v23 =	vadd.s32 v8, v20;
	_ =	sdelay $0x1  }
0x150: {  	v19 =	vadd.f32 v19, v17  }
0x151: {  	v21 =	vadd.f32 v21, v18  }
0x152: {  	[tilespmem:v22+s30+$0x0] =	vst.idx.msk $0xffff, v19  }
0x153: {  	[tilespmem:v23+s30+$0x0] =	vst.idx.msk $0xffff, v21  }
0x154: {  	v19 =	vld [tilespmem:s18+$0xFFFFFF90]  }
0x155: {  	v21 =	vld [tilespmem:s18+$0xFFFFFFA0]  }
0x156: {  	v22 =	vadd.s32 v9, v20  }
0x157: {  	v23 =	vadd.s32 v10, v20;
	_ =	sdelay $0x1  }
0x158: {  	v19 =	vadd.f32 v19, v17  }
0x159: {  	v21 =	vadd.f32 v21, v18  }
0x15a: {  	[tilespmem:v22+s30+$0x0] =	vst.idx.msk $0xffff, v19  }
0x15b: {  	[tilespmem:v23+s30+$0x0] =	vst.idx.msk $0xffff, v21  }
0x15c: {  	v19 =	vld [tilespmem:s18+$0xFFFFFFB0]  }
0x15d: {  	v21 =	vld [tilespmem:s18+$0xFFFFFFC0]  }
0x15e: {  	v22 =	vadd.s32 v11, v20  }
0x15f: {  	v23 =	vadd.s32 v12, v20;
	_ =	sdelay $0x1  }
0x160: {  	v19 =	vadd.f32 v19, v17  }
0x161: {  	v21 =	vadd.f32 v21, v18  }
0x162: {  	[tilespmem:v22+s30+$0x0] =	vst.idx.msk $0xffff, v19  }
0x163: {  	[tilespmem:v23+s30+$0x0] =	vst.idx.msk $0xffff, v21  }
0x164: {  	v19 =	vld [tilespmem:s18+$0xFFFFFFD0]  }
0x165: {  	v21 =	vld [tilespmem:s18+$0xFFFFFFE0]  }
0x166: {  	v22 =	vadd.s32 v13, v20  }
0x167: {  	v23 =	vadd.s32 v14, v20;
	_ =	sdelay $0x1  }
0x168: {  	v19 =	vadd.f32 v19, v17  }
0x169: {  	v21 =	vadd.f32 v21, v18  }
0x16a: {  	[tilespmem:v22+s30+$0x0] =	vst.idx.msk $0xffff, v19  }
0x16b: {  	[tilespmem:v23+s30+$0x0] =	vst.idx.msk $0xffff, v21  }
0x16c: {  	v21 =	vld [tilespmem:s18+$0xFFFFFFF0]  }
0x16d: {  	v22 =	vld [tilespmem:s18+$0x0]  }
0x16e: {  	v23 =	vadd.s32 v15, v20  }
.Ltmp1:
0x16f: {  	v19 =	vadd.s32 v16, v20;
	(pc) =	sbr.rel @p0 .LBB2_5-.Ltmp1, $4  }
0x170: {  	_ = 	snop  }
0x171: {  	v24 =	vadd.f32 v21, v17  }
0x172: {  	v21 =	vmov s20;
	v20 =	vadd.f32 v22, v18  }
0x173: {  	v21 =	vshrl.u32 v21, $0x3;
	[tilespmem:v23+s30+$0x0] =	vst.idx.msk $0xffff, v24  }
0x174: {  	_ =	sdelay $0x3  }
0x175: {  	v21 =	vshll.u32 v21, $0x3;
	[tilespmem:v19+s30+$0x0] =	vst.idx.msk $0xffff, v20;
	s18 =	sadd.s32 $0x100, s18  }
0x176: {  	v19 =	vld [tilespmem:s18+$0xFFFFFF10];
	v49 =	vbroadcast v21, $0x0  }
0x177: {  	v50 =	vld [tilespmem:s18+$0xFFFFFF20]  }
0x178: {  	v22 =	vadd.s32 v0, v49  }
0x179: {  	v23 =	vadd.s32 v2, v49;
	_ =	sdelay $0x1  }
0x17a: {  	v19 =	vadd.f32 v19, v17  }
0x17b: {  	v21 =	vadd.f32 v50, v18  }
0x17c: {  	[tilespmem:v22+s30+$0x0] =	vst.idx.msk $0xffff, v19  }
0x17d: {  	[tilespmem:v23+s30+$0x0] =	vst.idx.msk $0xffff, v21  }
0x17e: {  	v19 =	vld [tilespmem:s18+$0xFFFFFF30]  }
0x17f: {  	v21 =	vld [tilespmem:s18+$0xFFFFFF40]  }
0x180: {  	v51 =	vadd.s32 v3, v49  }
0x181: {  	v52 =	vadd.s32 v4, v49;
	_ =	sdelay $0x1  }
0x182: {  	v19 =	vadd.f32 v19, v17  }
0x183: {  	v21 =	vadd.f32 v21, v18  }
0x184: {  	[tilespmem:v51+s30+$0x0] =	vst.idx.msk $0xffff, v19  }
0x185: {  	[tilespmem:v52+s30+$0x0] =	vst.idx.msk $0xffff, v21  }
0x186: {  	v19 =	vld [tilespmem:s18+$0xFFFFFF50]  }
0x187: {  	v21 =	vld [tilespmem:s18+$0xFFFFFF60]  }
0x188: {  	v53 =	vadd.s32 v5, v49  }
0x189: {  	v54 =	vadd.s32 v6, v49;
	_ =	sdelay $0x1  }
0x18a: {  	v19 =	vadd.f32 v19, v17  }
0x18b: {  	v21 =	vadd.f32 v21, v18  }
0x18c: {  	[tilespmem:v53+s30+$0x0] =	vst.idx.msk $0xffff, v19  }
0x18d: {  	[tilespmem:v54+s30+$0x0] =	vst.idx.msk $0xffff, v21  }
0x18e: {  	v19 =	vld [tilespmem:s18+$0xFFFFFF70]  }
0x18f: {  	v21 =	vld [tilespmem:s18+$0xFFFFFF80]  }
0x190: {  	v55 =	vadd.s32 v7, v49  }
0x191: {  	v56 =	vadd.s32 v8, v49;
	_ =	sdelay $0x1  }
0x192: {  	v19 =	vadd.f32 v19, v17  }
0x193: {  	v21 =	vadd.f32 v21, v18  }
0x194: {  	[tilespmem:v55+s30+$0x0] =	vst.idx.msk $0xffff, v19  }
0x195: {  	[tilespmem:v56+s30+$0x0] =	vst.idx.msk $0xffff, v21  }
0x196: {  	v19 =	vld [tilespmem:s18+$0xFFFFFF90]  }
0x197: {  	v21 =	vld [tilespmem:s18+$0xFFFFFFA0]  }
0x198: {  	v57 =	vadd.s32 v9, v49  }
0x199: {  	v58 =	vadd.s32 v10, v49;
	_ =	sdelay $0x1  }
0x19a: {  	v19 =	vadd.f32 v19, v17  }
0x19b: {  	v21 =	vadd.f32 v21, v18  }
0x19c: {  	[tilespmem:v57+s30+$0x0] =	vst.idx.msk $0xffff, v19  }
0x19d: {  	[tilespmem:v58+s30+$0x0] =	vst.idx.msk $0xffff, v21  }
0x19e: {  	v19 =	vld [tilespmem:s18+$0xFFFFFFB0]  }
0x19f: {  	v21 =	vld [tilespmem:s18+$0xFFFFFFC0]  }
0x1a0: {  	v59 =	vadd.s32 v11, v49  }
0x1a1: {  	v60 =	vadd.s32 v12, v49;
	_ =	sdelay $0x1  }
0x1a2: {  	v19 =	vadd.f32 v19, v17  }
0x1a3: {  	v21 =	vadd.f32 v21, v18  }
0x1a4: {  	[tilespmem:v59+s30+$0x0] =	vst.idx.msk $0xffff, v19  }
0x1a5: {  	[tilespmem:v60+s30+$0x0] =	vst.idx.msk $0xffff, v21  }
0x1a6: {  	v19 =	vld [tilespmem:s18+$0xFFFFFFD0]  }
0x1a7: {  	v21 =	vld [tilespmem:s18+$0xFFFFFFE0]  }
0x1a8: {  	v61 =	vadd.s32 v13, v49  }
0x1a9: {  	v62 =	vadd.s32 v14, v49;
	_ =	sdelay $0x1  }
0x1aa: {  	v19 =	vadd.f32 v19, v17  }
0x1ab: {  	v21 =	vadd.f32 v21, v18  }
0x1ac: {  	[tilespmem:v61+s30+$0x0] =	vst.idx.msk $0xffff, v19  }
0x1ad: {  	[tilespmem:v62+s30+$0x0] =	vst.idx.msk $0xffff, v21  }
0x1ae: {  	v19 =	vld [tilespmem:s18+$0xFFFFFFF0]  }
0x1af: {  	v21 =	vld [tilespmem:s18+$0x0]  }
0x1b0: {  	v63 =	vadd.s32 v15, v49  }
0x1b1: {  	v20 =	vadd.s32 v16, v49;
	_ =	sdelay $0x1  }
0x1b2: {  	p0 =	seq.s32 s16, $0x18;
	v17 =	vadd.f32 v19, v17  }
0x1b3: {  	s18 =	sshll.u32 @!p0 s16, $0xA;
	v18 =	vadd.f32 v21, v18  }
0x1b4: {  	s18 =	sand.u32 @!p0 $0x3FFFFC00, s18;
	[tilespmem:v63+s30+$0x0] =	vst.idx.msk $0xffff, v17  }
0x1b5: {  	s20 =	simm.s32 @!p0 $0x80;
	s21 =	simm.s32 @!p0 $0x6400;
	s19 =	sadd.s32 @!p0 $0x400, s18;
	[tilespmem:v20+s30+$0x0] =	vst.idx.msk $0xffff, v18  }
0x1b6: {  	[tilespmem:s21], [sflag:$0x1] =	stream.indirect.gather @!p0 [hbm4b:s4+s20], $0x20, s19, s20, $0xb8;
	[tilespmem:$0x14100] =	vst v63  }
0x1b7: {  	s19 =	sadd.s32 @!p0 $0x480, s18;
	s21 =	simm.s32 @!p0 $0x7400  }
0x1b8: {  	[tilespmem:s21], [sflag:$0x1] =	stream.indirect.gather @!p0 [hbm4b:s4+s20], $0x20, s19, s20, $0xb8;
	[tilespmem:$0x14100] =	vst v63  }
0x1b9: {  	s20 =	sshll.u32 s16, $0x14  }
0x1ba: {  	s19 =	sor.u32 s7, s20  }
0x1bb: {  	s19 =	sshrl.u32 s19, $0x3  }
0x1bc: {  	s21 =	simm.s32 $0xE400;
	s20 =	sadd.s32 s2, s19  }
0x1bd: {  	[hbm4b:s20+s3] =	stream.linear.scatter [tilespmem:s21], [sflag:$0x5], $0x80, $0x38;
	[tilespmem:$0x14100] =	vst v63  }
0x1be: {  	s22 =	simm.s32 $0xE488;
	s23 =	sadd.s32 $0x10, s20  }
0x1bf: {  	[hbm4b:s23+s3] =	stream.linear.scatter [tilespmem:s22], [sflag:$0x5], $0x80, $0x38;
	[tilespmem:$0x14100] =	vst v63  }
0x1c0: {  	s24 =	simm.s32 $0xE510;
	s19 =	simm.s32 $0x440;
	s25 =	sadd.s32 $0x20, s20  }
0x1c1: {  	[hbm4b:s25+s3] =	stream.linear.scatter [tilespmem:s24], [sflag:$0x5], $0x80, $0x38;
	[tilespmem:$0x14100] =	vst v63  }
0x1c2: {  	s21 =	simm.s32 $0x2200;
	s22 =	simm.s32 $0xE598;
	s23 =	sadd.s32 $0x30, s20  }
0x1c3: {  	[hbm4b:s23+s3] =	stream.linear.scatter [tilespmem:s22], [sflag:$0x5], $0x80, $0x38;
	[tilespmem:$0x14100] =	vst v63  }
0x1c4: {  	s24 =	simm.s32 $0xE620;
	s25 =	sadd.s32 $0x40, s20;
	s22 =	simm.s32 $0xE6A8  }
0x1c5: {  	[hbm4b:s25+s3] =	stream.linear.scatter [tilespmem:s24], [sflag:$0x5], $0x80, $0x38;
	[tilespmem:$0x14100] =	vst v63  }
0x1c6: {  	s23 =	sadd.s32 $0x50, s20;
	s24 =	simm.s32 $0xE730;
	s25 =	sadd.s32 $0x60, s20  }
0x1c7: {  	[hbm4b:s23+s3] =	stream.linear.scatter [tilespmem:s22], [sflag:$0x5], $0x80, $0x38;
	[tilespmem:$0x14100] =	vst v63  }
0x1c8: {  	s22 =	simm.s32 $0xE7B8;
	s23 =	sadd.s32 $0x70, s20;
	s20 =	sadd.s32 $0x1000, s20  }
0x1c9: {  	[hbm4b:s25+s3] =	stream.linear.scatter [tilespmem:s24], [sflag:$0x5], $0x80, $0x38;
	[tilespmem:$0x14100] =	vst v63  }
.LBB2_7:
0x1ca: {  	[hbm4b:s23+s3] =	stream.linear.scatter [tilespmem:s22], [sflag:$0x5], $0x80, $0x38;
	[tilespmem:$0x14100] =	vst v63  }
0x1cb: {  	s22 =	smov.u32 s19;
	s19 =	smov.u32 s21  }
0x1cc: {  	s24 =	sadd.s32 $0x1100, s21;
	s19 =	sshra.s32 s19, $0x2;
	s23 =	sadd.s32 $0xE400, s22  }
0x1cd: {  	[hbm4b:s20+s3] =	stream.linear.scatter [tilespmem:s23], [sflag:$0x5], $0x80, $0x38;
	[tilespmem:$0x14100] =	vst v63  }
0x1ce: {  	p2 =	sne.s32 s21, $0x7700;
	s21 =	sadd.s32 $0xE488, s22;
	s23 =	sadd.s32 $0x10, s20  }
0x1cf: {  	[hbm4b:s23+s3] =	stream.linear.scatter [tilespmem:s21], [sflag:$0x5], $0x80, $0x38;
	[tilespmem:$0x14100] =	vst v63  }
0x1d0: {  	s21 =	sadd.s32 $0xE510, s22;
	s23 =	sadd.s32 $0x20, s20  }
0x1d1: {  	[hbm4b:s23+s3] =	stream.linear.scatter [tilespmem:s21], [sflag:$0x5], $0x80, $0x38;
	[tilespmem:$0x14100] =	vst v63  }
0x1d2: {  	s21 =	sadd.s32 $0xE598, s22;
	s23 =	sadd.s32 $0x30, s20  }
0x1d3: {  	[hbm4b:s23+s3] =	stream.linear.scatter [tilespmem:s21], [sflag:$0x5], $0x80, $0x38;
	[tilespmem:$0x14100] =	vst v63  }
0x1d4: {  	s21 =	sadd.s32 $0xE620, s22;
	s23 =	sadd.s32 $0x40, s20  }
0x1d5: {  	[hbm4b:s23+s3] =	stream.linear.scatter [tilespmem:s21], [sflag:$0x5], $0x80, $0x38;
	[tilespmem:$0x14100] =	vst v63  }
.Ltmp2:
0x1d6: {  	s21 =	sadd.s32 $0xE6A8, s22;
	s23 =	sadd.s32 $0x50, s20;
	(pc) =	sbr.rel @p2 .LBB2_7-.Ltmp2, $4  }
0x1d7: {  	[hbm4b:s23+s3] =	stream.linear.scatter [tilespmem:s21], [sflag:$0x5], $0x80, $0x38;
	[tilespmem:$0x14100] =	vst v63  }
0x1d8: {  	s21 =	sadd.s32 $0xE730, s22;
	s23 =	sadd.s32 $0x60, s20;
	s22 =	sadd.s32 $0xE7B8, s22  }
0x1d9: {  	[hbm4b:s23+s3] =	stream.linear.scatter [tilespmem:s21], [sflag:$0x5], $0x80, $0x38;
	[tilespmem:$0x14100] =	vst v63  }
0x1da: {  	s23 =	sadd.s32 $0x70, s20;
	s20 =	sadd.s32 $0x1000, s20;
	s21 =	smov.u32 s24  }
0x1db: {  	[hbm4b:s23+s3] =	stream.linear.scatter [tilespmem:s22], [sflag:$0x5], $0x80, $0x38;
	[tilespmem:$0x14100] =	vst v63  }
0x1dc: {  	s21 =	sadd.s32 $0xE400, s19  }
0x1dd: {  	[hbm4b:s20+s3] =	stream.linear.scatter [tilespmem:s21], [sflag:$0x5], $0x80, $0x38;
	[tilespmem:$0x14100] =	vst v63  }
0x1de: {  	s22 =	sadd.s32 $0xE488, s19;
	s23 =	sadd.s32 $0x10, s20  }
0x1df: {  	[hbm4b:s23+s3] =	stream.linear.scatter [tilespmem:s22], [sflag:$0x5], $0x80, $0x38;
	[tilespmem:$0x14100] =	vst v63  }
0x1e0: {  	s24 =	sadd.s32 $0xE510, s19;
	s25 =	sadd.s32 $0x20, s20  }
0x1e1: {  	[hbm4b:s25+s3] =	stream.linear.scatter [tilespmem:s24], [sflag:$0x5], $0x80, $0x38;
	[tilespmem:$0x14100] =	vst v63  }
0x1e2: {  	s22 =	sadd.s32 $0xE598, s19;
	s23 =	sadd.s32 $0x30, s20  }
0x1e3: {  	[hbm4b:s23+s3] =	stream.linear.scatter [tilespmem:s22], [sflag:$0x5], $0x80, $0x38;
	[tilespmem:$0x14100] =	vst v63  }
0x1e4: {  	s24 =	sadd.s32 $0xE620, s19;
	s25 =	sadd.s32 $0x40, s20  }
0x1e5: {  	[hbm4b:s25+s3] =	stream.linear.scatter [tilespmem:s24], [sflag:$0x5], $0x80, $0x38;
	[tilespmem:$0x14100] =	vst v63  }
0x1e6: {  	s22 =	sadd.s32 $0xE6A8, s19;
	s23 =	sadd.s32 $0x50, s20  }
0x1e7: {  	[hbm4b:s23+s3] =	stream.linear.scatter [tilespmem:s22], [sflag:$0x5], $0x80, $0x38;
	[tilespmem:$0x14100] =	vst v63  }
0x1e8: {  	s24 =	sadd.s32 $0xE730, s19;
	s25 =	sadd.s32 $0x60, s20  }
0x1e9: {  	[hbm4b:s25+s3] =	stream.linear.scatter [tilespmem:s24], [sflag:$0x5], $0x80, $0x38;
	[tilespmem:$0x14100] =	vst v63  }
0x1ea: {  	s22 =	sadd.s32 $0xE7B8, s19;
	s23 =	sadd.s32 $0x70, s20  }
0x1eb: {  	[hbm4b:s23+s3] =	stream.linear.scatter [tilespmem:s22], [sflag:$0x5], $0x80, $0x38;
	[tilespmem:$0x14100] =	vst v63  }
0x1ec: {  	_ =	swait.ge [sflag:s31], $0x1000  }
0x1ed: {  	[sflag:s31] =	ssyncset.done $0x0  }
0x1ee: {  	[sflag:s31] =	ssyncadd.s32 $0xFFFFF000  }
0x1ef: {  	_ =	swait.ge [sflag:s31], $0x1000  }
0x1f0: {  	[sflag:s31] =	ssyncset.done $0x0  }
0x1f1: {  	s21 =	simm.s32 @!p1 $0x6;
	s19 =	sshll.u32 s16, $0x3;
	[sflag:s31] =	ssyncadd.s32 $0xFFFFF000  }
0x1f2: {  	s20 =	sor.u32 $0x2, s19;
	_ =	swait.ge @!p1 [sflag:s21], $0x2000  }
0x1f3: {  	s24 =	sshll.u32 s20, $0x5;
	s25 =	simm.s32 $0x0;
	[sflag:s21] =	ssyncset.done @!p1 $0x0  }
0x1f4: {  	v18 =	vmov s25;
	s22 =	sand.u32 $0x3FFFFF40, s24;
	[sflag:s21] =	ssyncadd.s32 @!p1 $0xFFFFE000  }
0x1f5: {  	v19 =	vshrl.u32 v18, $0x3;
	v17 =	vld [tilespmem:s22+$0x12800]  }
0x1f6: {  	v19 =	vshll.u32 v19, v1;
	s21 =	simm.s32 $0x84F0;
	v18 =	vld [tilespmem:s22+$0x12810]  }
0x1f7: {  	v19 =	vbroadcast v19, $0x0;
	v20 =	vld [tilespmem:s21+$0xFFFFFF10]  }
0x1f8: {  	v21 =	vld [tilespmem:s21+$0xFFFFFF20]  }
0x1f9: {  	v22 =	vadd.s32 v0, v19  }
0x1fa: {  	v19 =	vadd.s32 v2, v19;
	_ =	sdelay $0x1  }
0x1fb: {  	s24 =	simm.s32 $0x1;
	v20 =	vadd.f32 v20, v17  }
0x1fc: {  	v23 =	vmov s24;
	v21 =	vadd.f32 v21, v18  }
0x1fd: {  	[tilespmem:v22+s1+$0x0] =	vst.idx.msk $0xffff, v20;
	v20 =	vshrl.u32 v23, $0x3  }
0x1fe: {  	[tilespmem:v19+s1+$0x0] =	vst.idx.msk $0xffff, v21;
	v19 =	vshll.u32 v20, v1  }
0x1ff: {  	v20 =	vld [tilespmem:s21+$0xFFFFFF30];
	v19 =	vbroadcast v19, $0x0  }
0x200: {  	v21 =	vld [tilespmem:s21+$0xFFFFFF40]  }
0x201: {  	v22 =	vadd.s32 v3, v19  }
0x202: {  	v19 =	vadd.s32 v4, v19;
	_ =	sdelay $0x1  }
0x203: {  	s25 =	simm.s32 $0x2;
	v20 =	vadd.f32 v20, v17  }
0x204: {  	v23 =	vmov s25;
	v21 =	vadd.f32 v21, v18  }
0x205: {  	[tilespmem:v22+s1+$0x0] =	vst.idx.msk $0xffff, v20;
	v20 =	vshrl.u32 v23, $0x3  }
0x206: {  	[tilespmem:v19+s1+$0x0] =	vst.idx.msk $0xffff, v21;
	v19 =	vshll.u32 v20, v1  }
0x207: {  	v20 =	vld [tilespmem:s21+$0xFFFFFF50];
	v19 =	vbroadcast v19, $0x0  }
0x208: {  	v21 =	vld [tilespmem:s21+$0xFFFFFF60]  }
0x209: {  	v22 =	vadd.s32 v5, v19  }
0x20a: {  	v19 =	vadd.s32 v6, v19;
	_ =	sdelay $0x1  }
0x20b: {  	s23 =	simm.s32 $0x3;
	v20 =	vadd.f32 v20, v17  }
0x20c: {  	v23 =	vmov s23;
	v21 =	vadd.f32 v21, v18  }
0x20d: {  	[tilespmem:v22+s1+$0x0] =	vst.idx.msk $0xffff, v20;
	v20 =	vshrl.u32 v23, $0x3  }
0x20e: {  	[tilespmem:v19+s1+$0x0] =	vst.idx.msk $0xffff, v21;
	v19 =	vshll.u32 v20, v1  }
0x20f: {  	v20 =	vld [tilespmem:s21+$0xFFFFFF70];
	v19 =	vbroadcast v19, $0x0  }
0x210: {  	v21 =	vld [tilespmem:s21+$0xFFFFFF80]  }
0x211: {  	v22 =	vadd.s32 v7, v19  }
0x212: {  	v19 =	vadd.s32 v8, v19;
	_ =	sdelay $0x1  }
0x213: {  	s24 =	simm.s32 $0x4;
	v20 =	vadd.f32 v20, v17  }
0x214: {  	v23 =	vmov s24;
	v21 =	vadd.f32 v21, v18  }
0x215: {  	[tilespmem:v22+s1+$0x0] =	vst.idx.msk $0xffff, v20;
	v20 =	vshrl.u32 v23, $0x3  }
0x216: {  	[tilespmem:v19+s1+$0x0] =	vst.idx.msk $0xffff, v21;
	v19 =	vshll.u32 v20, v1  }
0x217: {  	v20 =	vld [tilespmem:s21+$0xFFFFFF90];
	v19 =	vbroadcast v19, $0x0  }
0x218: {  	v21 =	vld [tilespmem:s21+$0xFFFFFFA0]  }
0x219: {  	v22 =	vadd.s32 v9, v19  }
0x21a: {  	v19 =	vadd.s32 v10, v19;
	_ =	sdelay $0x1  }
0x21b: {  	s25 =	simm.s32 $0x5;
	v20 =	vadd.f32 v20, v17  }
0x21c: {  	v23 =	vmov s25;
	v21 =	vadd.f32 v21, v18  }
0x21d: {  	[tilespmem:v22+s1+$0x0] =	vst.idx.msk $0xffff, v20;
	v20 =	vshrl.u32 v23, $0x3  }
0x21e: {  	[tilespmem:v19+s1+$0x0] =	vst.idx.msk $0xffff, v21;
	v19 =	vshll.u32 v20, v1  }
0x21f: {  	v20 =	vld [tilespmem:s21+$0xFFFFFFB0];
	v19 =	vbroadcast v19, $0x0  }
0x220: {  	v21 =	vld [tilespmem:s21+$0xFFFFFFC0]  }
0x221: {  	v22 =	vadd.s32 v11, v19  }
0x222: {  	v19 =	vadd.s32 v12, v19;
	_ =	sdelay $0x1  }
0x223: {  	s23 =	simm.s32 $0x6;
	v20 =	vadd.f32 v20, v17  }
0x224: {  	v23 =	vmov s23;
	v21 =	vadd.f32 v21, v18  }
0x225: {  	[tilespmem:v22+s1+$0x0] =	vst.idx.msk $0xffff, v20;
	v20 =	vshrl.u32 v23, $0x3  }
0x226: {  	[tilespmem:v19+s1+$0x0] =	vst.idx.msk $0xffff, v21;
	v19 =	vshll.u32 v20, v1  }
0x227: {  	v20 =	vld [tilespmem:s21+$0xFFFFFFD0];
	v19 =	vbroadcast v19, $0x0  }
0x228: {  	v21 =	vld [tilespmem:s21+$0xFFFFFFE0]  }
0x229: {  	v22 =	vadd.s32 v13, v19  }
0x22a: {  	v19 =	vadd.s32 v14, v19;
	_ =	sdelay $0x1  }
0x22b: {  	s24 =	simm.s32 $0x7;
	v20 =	vadd.f32 v20, v17  }
0x22c: {  	v23 =	vmov s24;
	v21 =	vadd.f32 v21, v18  }
0x22d: {  	[tilespmem:v22+s1+$0x0] =	vst.idx.msk $0xffff, v20;
	v20 =	vshrl.u32 v23, $0x3  }
0x22e: {  	[tilespmem:v19+s1+$0x0] =	vst.idx.msk $0xffff, v21;
	v19 =	vshll.u32 v20, v1  }
0x22f: {  	v20 =	vld [tilespmem:s21+$0xFFFFFFF0];
	v19 =	vbroadcast v19, $0x0;
	_ =	sdelay $0x1  }
0x230: {  	v21 =	vld [tilespmem:s21+$0x0];
	v22 =	vadd.s32 v15, v19;
	_ =	sdelay $0x1  }
0x231: {  	v19 =	vadd.s32 v16, v19  }
0x232: {  	s25 =	simm.s32 $0x8;
	v23 =	vadd.f32 v20, v17  }
0x233: {  	v24 =	vmov s25  }
0x234: {  	s22 =	simm.s32 $0xF;
	s23 =	simm.s32 $0x17;
	v20 =	vadd.f32 v21, v18;
	v21 =	vshrl.u32 v24, $0x3;
	[tilespmem:v22+s1+$0x0] =	vst.idx.msk $0xffff, v23  }
.LBB2_9:
0x235: {  	p1 =	sne.s32 s23, $0x7F  }
0x236: {  	v21 =	vshll.u32 v21, v1;
	[tilespmem:v19+s1+$0x0] =	vst.idx.msk $0xffff, v20;
	s21 =	sadd.s32 $0x100, s21;
	s24 =	smov.u32 s23;
	s23 =	sadd.s32 $0x8, s23  }
0x237: {  	v19 =	vld [tilespmem:s21+$0xFFFFFF10];
	v20 =	vbroadcast v21, $0x0  }
0x238: {  	v21 =	vld [tilespmem:s21+$0xFFFFFF20]  }
0x239: {  	v22 =	vadd.s32 v0, v20  }
0x23a: {  	v20 =	vadd.s32 v2, v20;
	_ =	sdelay $0x1  }
0x23b: {  	s25 =	sadd.s32 $0xFFFFFFFA, s22;
	v19 =	vadd.f32 v19, v17  }
0x23c: {  	v23 =	vmov s25;
	v21 =	vadd.f32 v21, v18  }
0x23d: {  	[tilespmem:v22+s1+$0x0] =	vst.idx.msk $0xffff, v19;
	v19 =	vshrl.u32 v23, $0x3  }
0x23e: {  	[tilespmem:v20+s1+$0x0] =	vst.idx.msk $0xffff, v21;
	v19 =	vshll.u32 v19, v1  }
0x23f: {  	v20 =	vld [tilespmem:s21+$0xFFFFFF30];
	v19 =	vbroadcast v19, $0x0  }
0x240: {  	v21 =	vld [tilespmem:s21+$0xFFFFFF40]  }
0x241: {  	v22 =	vadd.s32 v3, v19  }
0x242: {  	v19 =	vadd.s32 v4, v19;
	_ =	sdelay $0x1  }
0x243: {  	s25 =	sadd.s32 $0xFFFFFFFB, s22;
	v20 =	vadd.f32 v20, v17  }
0x244: {  	v23 =	vmov s25;
	v21 =	vadd.f32 v21, v18  }
0x245: {  	[tilespmem:v22+s1+$0x0] =	vst.idx.msk $0xffff, v20;
	v20 =	vshrl.u32 v23, $0x3  }
0x246: {  	[tilespmem:v19+s1+$0x0] =	vst.idx.msk $0xffff, v21;
	v19 =	vshll.u32 v20, v1  }
0x247: {  	v20 =	vld [tilespmem:s21+$0xFFFFFF50];
	v19 =	vbroadcast v19, $0x0  }
0x248: {  	v21 =	vld [tilespmem:s21+$0xFFFFFF60]  }
0x249: {  	v22 =	vadd.s32 v5, v19  }
0x24a: {  	v19 =	vadd.s32 v6, v19;
	_ =	sdelay $0x1  }
0x24b: {  	s25 =	sadd.s32 $0xFFFFFFFC, s22;
	v20 =	vadd.f32 v20, v17  }
0x24c: {  	v23 =	vmov s25;
	v21 =	vadd.f32 v21, v18  }
0x24d: {  	[tilespmem:v22+s1+$0x0] =	vst.idx.msk $0xffff, v20;
	v20 =	vshrl.u32 v23, $0x3  }
0x24e: {  	[tilespmem:v19+s1+$0x0] =	vst.idx.msk $0xffff, v21;
	v19 =	vshll.u32 v20, v1  }
0x24f: {  	v20 =	vld [tilespmem:s21+$0xFFFFFF70];
	v19 =	vbroadcast v19, $0x0  }
0x250: {  	v21 =	vld [tilespmem:s21+$0xFFFFFF80]  }
0x251: {  	v22 =	vadd.s32 v7, v19  }
0x252: {  	v19 =	vadd.s32 v8, v19;
	_ =	sdelay $0x1  }
0x253: {  	s25 =	sadd.s32 $0xFFFFFFFD, s22;
	v20 =	vadd.f32 v20, v17  }
0x254: {  	v23 =	vmov s25;
	v21 =	vadd.f32 v21, v18  }
0x255: {  	[tilespmem:v22+s1+$0x0] =	vst.idx.msk $0xffff, v20;
	v20 =	vshrl.u32 v23, $0x3  }
0x256: {  	[tilespmem:v19+s1+$0x0] =	vst.idx.msk $0xffff, v21;
	v19 =	vshll.u32 v20, v1  }
0x257: {  	v20 =	vld [tilespmem:s21+$0xFFFFFF90];
	v19 =	vbroadcast v19, $0x0  }
0x258: {  	v21 =	vld [tilespmem:s21+$0xFFFFFFA0]  }
0x259: {  	v22 =	vadd.s32 v9, v19  }
0x25a: {  	v19 =	vadd.s32 v10, v19;
	_ =	sdelay $0x1  }
0x25b: {  	s25 =	sadd.s32 $0xFFFFFFFE, s22;
	v20 =	vadd.f32 v20, v17  }
0x25c: {  	v23 =	vmov s25;
	v21 =	vadd.f32 v21, v18  }
0x25d: {  	[tilespmem:v22+s1+$0x0] =	vst.idx.msk $0xffff, v20;
	v20 =	vshrl.u32 v23, $0x3  }
0x25e: {  	[tilespmem:v19+s1+$0x0] =	vst.idx.msk $0xffff, v21;
	v19 =	vshll.u32 v20, v1  }
0x25f: {  	v20 =	vld [tilespmem:s21+$0xFFFFFFB0];
	v19 =	vbroadcast v19, $0x0  }
0x260: {  	v21 =	vld [tilespmem:s21+$0xFFFFFFC0]  }
0x261: {  	v22 =	vadd.s32 v11, v19  }
0x262: {  	v19 =	vadd.s32 v12, v19;
	_ =	sdelay $0x1  }
0x263: {  	s25 =	sadd.s32 $0xFFFFFFFF, s22;
	v20 =	vadd.f32 v20, v17  }
0x264: {  	v23 =	vmov s25;
	v21 =	vadd.f32 v21, v18  }
0x265: {  	[tilespmem:v22+s1+$0x0] =	vst.idx.msk $0xffff, v20;
	v20 =	vshrl.u32 v23, $0x3  }
0x266: {  	[tilespmem:v19+s1+$0x0] =	vst.idx.msk $0xffff, v21;
	v19 =	vshll.u32 v20, v1  }
0x267: {  	v20 =	vld [tilespmem:s21+$0xFFFFFFD0];
	v19 =	vbroadcast v19, $0x0  }
0x268: {  	v21 =	vld [tilespmem:s21+$0xFFFFFFE0]  }
0x269: {  	v22 =	vadd.s32 v13, v19  }
0x26a: {  	v19 =	vadd.s32 v14, v19;
	_ =	sdelay $0x1  }
0x26b: {  	v20 =	vadd.f32 v20, v17  }
0x26c: {  	v23 =	vmov s22;
	s22 =	smov.u32 s24;
	v21 =	vadd.f32 v21, v18  }
0x26d: {  	[tilespmem:v22+s1+$0x0] =	vst.idx.msk $0xffff, v20;
	v20 =	vshrl.u32 v23, $0x3  }
0x26e: {  	[tilespmem:v19+s1+$0x0] =	vst.idx.msk $0xffff, v21;
	v19 =	vshll.u32 v20, v1  }
0x26f: {  	v20 =	vld [tilespmem:s21+$0xFFFFFFF0];
	v19 =	vbroadcast v19, $0x0  }
0x270: {  	v21 =	vld [tilespmem:s21+$0x0]  }
0x271: {  	v22 =	vadd.s32 v15, v19  }
.Ltmp3:
0x272: {  	v19 =	vadd.s32 v16, v19;
	(pc) =	sbr.rel @p1 .LBB2_9-.Ltmp3, $4  }
0x273: {  	_ = 	snop  }
0x274: {  	s24 =	sadd.s32 $0xFFFFFFF9, s22;
	v23 =	vadd.f32 v20, v17  }
0x275: {  	v24 =	vmov s24;
	v20 =	vadd.f32 v21, v18  }
0x276: {  	v21 =	vshrl.u32 v24, $0x3;
	[tilespmem:v22+s1+$0x0] =	vst.idx.msk $0xffff, v23  }
0x277: {  	_ =	sdelay $0x3  }
0x278: {  	v21 =	vshll.u32 v21, v1;
	[tilespmem:v19+s1+$0x0] =	vst.idx.msk $0xffff, v20;
	s21 =	sadd.s32 $0x100, s21  }
0x279: {  	v19 =	vld [tilespmem:s21+$0xFFFFFF10];
	v20 =	vbroadcast v21, $0x0  }
0x27a: {  	v21 =	vld [tilespmem:s21+$0xFFFFFF20]  }
0x27b: {  	v22 =	vadd.s32 v0, v20  }
0x27c: {  	v20 =	vadd.s32 v2, v20;
	_ =	sdelay $0x1  }
0x27d: {  	s23 =	sadd.s32 $0xFFFFFFFA, s22;
	v19 =	vadd.f32 v19, v17  }
0x27e: {  	v23 =	vmov s23;
	v21 =	vadd.f32 v21, v18  }
0x27f: {  	[tilespmem:v22+s1+$0x0] =	vst.idx.msk $0xffff, v19;
	v19 =	vshrl.u32 v23, $0x3  }
0x280: {  	[tilespmem:v20+s1+$0x0] =	vst.idx.msk $0xffff, v21;
	v19 =	vshll.u32 v19, v1  }
0x281: {  	v20 =	vld [tilespmem:s21+$0xFFFFFF30];
	v19 =	vbroadcast v19, $0x0  }
0x282: {  	v21 =	vld [tilespmem:s21+$0xFFFFFF40]  }
0x283: {  	v22 =	vadd.s32 v3, v19  }
0x284: {  	v19 =	vadd.s32 v4, v19;
	_ =	sdelay $0x1  }
0x285: {  	s25 =	sadd.s32 $0xFFFFFFFB, s22;
	v20 =	vadd.f32 v20, v17  }
0x286: {  	v23 =	vmov s25;
	v21 =	vadd.f32 v21, v18  }
0x287: {  	[tilespmem:v22+s1+$0x0] =	vst.idx.msk $0xffff, v20;
	v20 =	vshrl.u32 v23, $0x3  }
0x288: {  	[tilespmem:v19+s1+$0x0] =	vst.idx.msk $0xffff, v21;
	v19 =	vshll.u32 v20, v1  }
0x289: {  	v20 =	vld [tilespmem:s21+$0xFFFFFF50];
	v19 =	vbroadcast v19, $0x0  }
0x28a: {  	v21 =	vld [tilespmem:s21+$0xFFFFFF60]  }
0x28b: {  	v22 =	vadd.s32 v5, v19  }
0x28c: {  	v19 =	vadd.s32 v6, v19;
	_ =	sdelay $0x1  }
0x28d: {  	s24 =	sadd.s32 $0xFFFFFFFC, s22;
	v20 =	vadd.f32 v20, v17  }
0x28e: {  	v23 =	vmov s24;
	v21 =	vadd.f32 v21, v18  }
0x28f: {  	[tilespmem:v22+s1+$0x0] =	vst.idx.msk $0xffff, v20;
	v20 =	vshrl.u32 v23, $0x3  }
0x290: {  	[tilespmem:v19+s1+$0x0] =	vst.idx.msk $0xffff, v21;
	v19 =	vshll.u32 v20, v1  }
0x291: {  	v20 =	vld [tilespmem:s21+$0xFFFFFF70];
	v19 =	vbroadcast v19, $0x0  }
0x292: {  	v21 =	vld [tilespmem:s21+$0xFFFFFF80]  }
0x293: {  	v22 =	vadd.s32 v7, v19  }
0x294: {  	v19 =	vadd.s32 v8, v19;
	_ =	sdelay $0x1  }
0x295: {  	s25 =	sadd.s32 $0xFFFFFFFD, s22;
	v20 =	vadd.f32 v20, v17  }
0x296: {  	v23 =	vmov s25;
	v21 =	vadd.f32 v21, v18  }
0x297: {  	[tilespmem:v22+s1+$0x0] =	vst.idx.msk $0xffff, v20;
	v20 =	vshrl.u32 v23, $0x3  }
0x298: {  	[tilespmem:v19+s1+$0x0] =	vst.idx.msk $0xffff, v21;
	v19 =	vshll.u32 v20, v1  }
0x299: {  	v20 =	vld [tilespmem:s21+$0xFFFFFF90];
	v19 =	vbroadcast v19, $0x0  }
0x29a: {  	v21 =	vld [tilespmem:s21+$0xFFFFFFA0]  }
0x29b: {  	v22 =	vadd.s32 v9, v19  }
0x29c: {  	v19 =	vadd.s32 v10, v19;
	_ =	sdelay $0x1  }
0x29d: {  	s24 =	sadd.s32 $0xFFFFFFFE, s22;
	v20 =	vadd.f32 v20, v17  }
0x29e: {  	v23 =	vmov s24;
	v21 =	vadd.f32 v21, v18  }
0x29f: {  	[tilespmem:v22+s1+$0x0] =	vst.idx.msk $0xffff, v20;
	v20 =	vshrl.u32 v23, $0x3  }
0x2a0: {  	[tilespmem:v19+s1+$0x0] =	vst.idx.msk $0xffff, v21;
	v19 =	vshll.u32 v20, v1  }
0x2a1: {  	v20 =	vld [tilespmem:s21+$0xFFFFFFB0];
	v19 =	vbroadcast v19, $0x0  }
0x2a2: {  	v21 =	vld [tilespmem:s21+$0xFFFFFFC0]  }
0x2a3: {  	v22 =	vadd.s32 v11, v19  }
0x2a4: {  	v19 =	vadd.s32 v12, v19;
	_ =	sdelay $0x1  }
0x2a5: {  	s25 =	sadd.s32 $0xFFFFFFFF, s22;
	v20 =	vadd.f32 v20, v17  }
0x2a6: {  	v23 =	vmov s25;
	v21 =	vadd.f32 v21, v18  }
0x2a7: {  	[tilespmem:v22+s1+$0x0] =	vst.idx.msk $0xffff, v20;
	v20 =	vshrl.u32 v23, $0x3  }
0x2a8: {  	[tilespmem:v19+s1+$0x0] =	vst.idx.msk $0xffff, v21;
	v19 =	vshll.u32 v20, v1  }
0x2a9: {  	v20 =	vld [tilespmem:s21+$0xFFFFFFD0];
	v19 =	vbroadcast v19, $0x0  }
0x2aa: {  	v21 =	vld [tilespmem:s21+$0xFFFFFFE0]  }
0x2ab: {  	v22 =	vadd.s32 v13, v19  }
0x2ac: {  	v19 =	vadd.s32 v14, v19;
	_ =	sdelay $0x1  }
0x2ad: {  	v20 =	vadd.f32 v20, v17  }
0x2ae: {  	v23 =	vmov s22;
	v21 =	vadd.f32 v21, v18  }
0x2af: {  	[tilespmem:v22+s1+$0x0] =	vst.idx.msk $0xffff, v20;
	v20 =	vshrl.u32 v23, $0x3  }
0x2b0: {  	[tilespmem:v19+s1+$0x0] =	vst.idx.msk $0xffff, v21;
	v19 =	vshll.u32 v20, v1  }
0x2b1: {  	v20 =	vld [tilespmem:s21+$0xFFFFFFF0];
	v19 =	vbroadcast v19, $0x0  }
0x2b2: {  	v21 =	vld [tilespmem:s21+$0x0]  }
0x2b3: {  	v22 =	vadd.s32 v15, v19  }
0x2b4: {  	v19 =	vadd.s32 v16, v19;
	_ =	sdelay $0x1  }
0x2b5: {  	v17 =	vadd.f32 v20, v17  }
0x2b6: {  	v18 =	vadd.f32 v21, v18  }
0x2b7: {  	s24 =	simm.s32 $0x0;
	[tilespmem:v22+s1+$0x0] =	vst.idx.msk $0xffff, v17  }
0x2b8: {  	[tilespmem:v19+s1+$0x0] =	vst.idx.msk $0xffff, v18;
	v18 =	vmov s24  }
0x2b9: {  	v17 =	vld [tilespmem:s17+$0x12860];
	v19 =	vshrl.u32 v18, $0x3  }
0x2ba: {  	s21 =	simm.s32 $0x94F0;
	v18 =	vld [tilespmem:s17+$0x12870];
	v19 =	vshll.u32 v19, $0x3  }
0x2bb: {  	v20 =	vld [tilespmem:s21+$0xFFFFFF10];
	v19 =	vbroadcast v19, $0x0  }
0x2bc: {  	v21 =	vld [tilespmem:s21+$0xFFFFFF20]  }
0x2bd: {  	v22 =	vadd.s32 v0, v19  }
0x2be: {  	v23 =	vadd.s32 v2, v19;
	_ =	sdelay $0x1  }
0x2bf: {  	v20 =	vadd.f32 v20, v17  }
0x2c0: {  	v21 =	vadd.f32 v21, v18  }
0x2c1: {  	[tilespmem:v22+s0+$0x0] =	vst.idx.msk $0xffff, v20  }
0x2c2: {  	[tilespmem:v23+s0+$0x0] =	vst.idx.msk $0xffff, v21  }
0x2c3: {  	v20 =	vld [tilespmem:s21+$0xFFFFFF30]  }
0x2c4: {  	v21 =	vld [tilespmem:s21+$0xFFFFFF40]  }
0x2c5: {  	v22 =	vadd.s32 v3, v19  }
0x2c6: {  	v23 =	vadd.s32 v4, v19;
	_ =	sdelay $0x1  }
0x2c7: {  	v20 =	vadd.f32 v20, v17  }
0x2c8: {  	v21 =	vadd.f32 v21, v18  }
0x2c9: {  	[tilespmem:v22+s0+$0x0] =	vst.idx.msk $0xffff, v20  }
0x2ca: {  	[tilespmem:v23+s0+$0x0] =	vst.idx.msk $0xffff, v21  }
0x2cb: {  	v20 =	vld [tilespmem:s21+$0xFFFFFF50]  }
0x2cc: {  	v21 =	vld [tilespmem:s21+$0xFFFFFF60]  }
0x2cd: {  	v22 =	vadd.s32 v5, v19  }
0x2ce: {  	v23 =	vadd.s32 v6, v19;
	_ =	sdelay $0x1  }
0x2cf: {  	v20 =	vadd.f32 v20, v17  }
0x2d0: {  	v21 =	vadd.f32 v21, v18  }
0x2d1: {  	[tilespmem:v22+s0+$0x0] =	vst.idx.msk $0xffff, v20  }
0x2d2: {  	[tilespmem:v23+s0+$0x0] =	vst.idx.msk $0xffff, v21  }
0x2d3: {  	v20 =	vld [tilespmem:s21+$0xFFFFFF70]  }
0x2d4: {  	v21 =	vld [tilespmem:s21+$0xFFFFFF80]  }
0x2d5: {  	v22 =	vadd.s32 v7, v19  }
0x2d6: {  	v23 =	vadd.s32 v8, v19;
	_ =	sdelay $0x1  }
0x2d7: {  	v20 =	vadd.f32 v20, v17  }
0x2d8: {  	v21 =	vadd.f32 v21, v18  }
0x2d9: {  	[tilespmem:v22+s0+$0x0] =	vst.idx.msk $0xffff, v20  }
0x2da: {  	[tilespmem:v23+s0+$0x0] =	vst.idx.msk $0xffff, v21  }
0x2db: {  	v20 =	vld [tilespmem:s21+$0xFFFFFF90]  }
0x2dc: {  	v21 =	vld [tilespmem:s21+$0xFFFFFFA0]  }
0x2dd: {  	v22 =	vadd.s32 v9, v19  }
0x2de: {  	v23 =	vadd.s32 v10, v19;
	_ =	sdelay $0x1  }
0x2df: {  	v20 =	vadd.f32 v20, v17  }
0x2e0: {  	v21 =	vadd.f32 v21, v18  }
0x2e1: {  	[tilespmem:v22+s0+$0x0] =	vst.idx.msk $0xffff, v20  }
0x2e2: {  	[tilespmem:v23+s0+$0x0] =	vst.idx.msk $0xffff, v21  }
0x2e3: {  	v20 =	vld [tilespmem:s21+$0xFFFFFFB0]  }
0x2e4: {  	v21 =	vld [tilespmem:s21+$0xFFFFFFC0]  }
0x2e5: {  	v22 =	vadd.s32 v11, v19  }
0x2e6: {  	v23 =	vadd.s32 v12, v19;
	_ =	sdelay $0x1  }
0x2e7: {  	v20 =	vadd.f32 v20, v17  }
0x2e8: {  	v21 =	vadd.f32 v21, v18  }
0x2e9: {  	[tilespmem:v22+s0+$0x0] =	vst.idx.msk $0xffff, v20  }
0x2ea: {  	[tilespmem:v23+s0+$0x0] =	vst.idx.msk $0xffff, v21  }
0x2eb: {  	v20 =	vld [tilespmem:s21+$0xFFFFFFD0]  }
0x2ec: {  	v21 =	vld [tilespmem:s21+$0xFFFFFFE0]  }
0x2ed: {  	v22 =	vadd.s32 v13, v19  }
0x2ee: {  	v23 =	vadd.s32 v14, v19;
	_ =	sdelay $0x1  }
0x2ef: {  	v20 =	vadd.f32 v20, v17  }
0x2f0: {  	v21 =	vadd.f32 v21, v18  }
0x2f1: {  	[tilespmem:v22+s0+$0x0] =	vst.idx.msk $0xffff, v20  }
0x2f2: {  	[tilespmem:v23+s0+$0x0] =	vst.idx.msk $0xffff, v21  }
0x2f3: {  	v20 =	vld [tilespmem:s21+$0xFFFFFFF0];
	_ =	sdelay $0x1  }
0x2f4: {  	v22 =	vadd.s32 v15, v19;
	v21 =	vld [tilespmem:s21+$0x0];
	_ =	sdelay $0x1  }
0x2f5: {  	v19 =	vadd.s32 v16, v19  }
0x2f6: {  	s25 =	simm.s32 $0x8;
	v23 =	vadd.f32 v20, v17  }
0x2f7: {  	v24 =	vmov s25  }
0x2f8: {  	s22 =	simm.s32 $0x10;
	v20 =	vadd.f32 v21, v18;
	v21 =	vshrl.u32 v24, $0x3;
	[tilespmem:v22+s0+$0x0] =	vst.idx.msk $0xffff, v23  }
.LBB2_11:
0x2f9: {  	p1 =	sne.s32 s22, $0x78  }
0x2fa: {  	v21 =	vshll.u32 v21, $0x3;
	[tilespmem:v19+s0+$0x0] =	vst.idx.msk $0xffff, v20;
	s21 =	sadd.s32 $0x100, s21;
	s23 =	smov.u32 s22;
	s22 =	sadd.s32 $0x8, s22  }
0x2fb: {  	v19 =	vld [tilespmem:s21+$0xFFFFFF10];
	v20 =	vbroadcast v21, $0x0  }
0x2fc: {  	v21 =	vld [tilespmem:s21+$0xFFFFFF20]  }
0x2fd: {  	v22 =	vadd.s32 v0, v20  }
0x2fe: {  	v23 =	vadd.s32 v2, v20;
	_ =	sdelay $0x1  }
0x2ff: {  	v19 =	vadd.f32 v19, v17  }
0x300: {  	v21 =	vadd.f32 v21, v18  }
0x301: {  	[tilespmem:v22+s0+$0x0] =	vst.idx.msk $0xffff, v19  }
0x302: {  	[tilespmem:v23+s0+$0x0] =	vst.idx.msk $0xffff, v21  }
0x303: {  	v19 =	vld [tilespmem:s21+$0xFFFFFF30]  }
0x304: {  	v21 =	vld [tilespmem:s21+$0xFFFFFF40]  }
0x305: {  	v22 =	vadd.s32 v3, v20  }
0x306: {  	v23 =	vadd.s32 v4, v20;
	_ =	sdelay $0x1  }
0x307: {  	v19 =	vadd.f32 v19, v17  }
0x308: {  	v21 =	vadd.f32 v21, v18  }
0x309: {  	[tilespmem:v22+s0+$0x0] =	vst.idx.msk $0xffff, v19  }
0x30a: {  	[tilespmem:v23+s0+$0x0] =	vst.idx.msk $0xffff, v21  }
0x30b: {  	v19 =	vld [tilespmem:s21+$0xFFFFFF50]  }
0x30c: {  	v21 =	vld [tilespmem:s21+$0xFFFFFF60]  }
0x30d: {  	v22 =	vadd.s32 v5, v20  }
0x30e: {  	v23 =	vadd.s32 v6, v20;
	_ =	sdelay $0x1  }
0x30f: {  	v19 =	vadd.f32 v19, v17  }
0x310: {  	v21 =	vadd.f32 v21, v18  }
0x311: {  	[tilespmem:v22+s0+$0x0] =	vst.idx.msk $0xffff, v19  }
0x312: {  	[tilespmem:v23+s0+$0x0] =	vst.idx.msk $0xffff, v21  }
0x313: {  	v19 =	vld [tilespmem:s21+$0xFFFFFF70]  }
0x314: {  	v21 =	vld [tilespmem:s21+$0xFFFFFF80]  }
0x315: {  	v22 =	vadd.s32 v7, v20  }
0x316: {  	v23 =	vadd.s32 v8, v20;
	_ =	sdelay $0x1  }
0x317: {  	v19 =	vadd.f32 v19, v17  }
0x318: {  	v21 =	vadd.f32 v21, v18  }
0x319: {  	[tilespmem:v22+s0+$0x0] =	vst.idx.msk $0xffff, v19  }
0x31a: {  	[tilespmem:v23+s0+$0x0] =	vst.idx.msk $0xffff, v21  }
0x31b: {  	v19 =	vld [tilespmem:s21+$0xFFFFFF90]  }
0x31c: {  	v21 =	vld [tilespmem:s21+$0xFFFFFFA0]  }
0x31d: {  	v22 =	vadd.s32 v9, v20  }
0x31e: {  	v23 =	vadd.s32 v10, v20;
	_ =	sdelay $0x1  }
0x31f: {  	v19 =	vadd.f32 v19, v17  }
0x320: {  	v21 =	vadd.f32 v21, v18  }
0x321: {  	[tilespmem:v22+s0+$0x0] =	vst.idx.msk $0xffff, v19  }
0x322: {  	[tilespmem:v23+s0+$0x0] =	vst.idx.msk $0xffff, v21  }
0x323: {  	v19 =	vld [tilespmem:s21+$0xFFFFFFB0]  }
0x324: {  	v21 =	vld [tilespmem:s21+$0xFFFFFFC0]  }
0x325: {  	v22 =	vadd.s32 v11, v20  }
0x326: {  	v23 =	vadd.s32 v12, v20;
	_ =	sdelay $0x1  }
0x327: {  	v19 =	vadd.f32 v19, v17  }
0x328: {  	v21 =	vadd.f32 v21, v18  }
0x329: {  	[tilespmem:v22+s0+$0x0] =	vst.idx.msk $0xffff, v19  }
0x32a: {  	[tilespmem:v23+s0+$0x0] =	vst.idx.msk $0xffff, v21  }
0x32b: {  	v19 =	vld [tilespmem:s21+$0xFFFFFFD0]  }
0x32c: {  	v21 =	vld [tilespmem:s21+$0xFFFFFFE0]  }
0x32d: {  	v22 =	vadd.s32 v13, v20  }
0x32e: {  	v23 =	vadd.s32 v14, v20;
	_ =	sdelay $0x1  }
0x32f: {  	v19 =	vadd.f32 v19, v17  }
0x330: {  	v21 =	vadd.f32 v21, v18  }
0x331: {  	[tilespmem:v22+s0+$0x0] =	vst.idx.msk $0xffff, v19  }
0x332: {  	[tilespmem:v23+s0+$0x0] =	vst.idx.msk $0xffff, v21  }
0x333: {  	v21 =	vld [tilespmem:s21+$0xFFFFFFF0]  }
0x334: {  	v22 =	vld [tilespmem:s21+$0x0]  }
0x335: {  	v23 =	vadd.s32 v15, v20  }
.Ltmp4:
0x336: {  	v19 =	vadd.s32 v16, v20;
	(pc) =	sbr.rel @p1 .LBB2_11-.Ltmp4, $4  }
0x337: {  	_ = 	snop  }
0x338: {  	v24 =	vadd.f32 v21, v17  }
0x339: {  	v21 =	vmov s23;
	v20 =	vadd.f32 v22, v18  }
0x33a: {  	v21 =	vshrl.u32 v21, $0x3;
	[tilespmem:v23+s0+$0x0] =	vst.idx.msk $0xffff, v24  }
0x33b: {  	_ =	sdelay $0x3  }
0x33c: {  	v21 =	vshll.u32 v21, $0x3;
	[tilespmem:v19+s0+$0x0] =	vst.idx.msk $0xffff, v20;
	s21 =	sadd.s32 $0x100, s21  }
0x33d: {  	v19 =	vld [tilespmem:s21+$0xFFFFFF10];
	v49 =	vbroadcast v21, $0x0  }
0x33e: {  	v50 =	vld [tilespmem:s21+$0xFFFFFF20]  }
0x33f: {  	v22 =	vadd.s32 v0, v49  }
0x340: {  	v23 =	vadd.s32 v2, v49;
	_ =	sdelay $0x1  }
0x341: {  	v19 =	vadd.f32 v19, v17  }
0x342: {  	v21 =	vadd.f32 v50, v18  }
0x343: {  	[tilespmem:v22+s0+$0x0] =	vst.idx.msk $0xffff, v19  }
0x344: {  	[tilespmem:v23+s0+$0x0] =	vst.idx.msk $0xffff, v21  }
0x345: {  	v19 =	vld [tilespmem:s21+$0xFFFFFF30]  }
0x346: {  	v21 =	vld [tilespmem:s21+$0xFFFFFF40]  }
0x347: {  	v51 =	vadd.s32 v3, v49  }
0x348: {  	v52 =	vadd.s32 v4, v49;
	_ =	sdelay $0x1  }
0x349: {  	v19 =	vadd.f32 v19, v17  }
0x34a: {  	v21 =	vadd.f32 v21, v18  }
0x34b: {  	[tilespmem:v51+s0+$0x0] =	vst.idx.msk $0xffff, v19  }
0x34c: {  	[tilespmem:v52+s0+$0x0] =	vst.idx.msk $0xffff, v21  }
0x34d: {  	v19 =	vld [tilespmem:s21+$0xFFFFFF50]  }
0x34e: {  	v21 =	vld [tilespmem:s21+$0xFFFFFF60]  }
0x34f: {  	v53 =	vadd.s32 v5, v49  }
0x350: {  	v54 =	vadd.s32 v6, v49;
	_ =	sdelay $0x1  }
0x351: {  	v19 =	vadd.f32 v19, v17  }
0x352: {  	v21 =	vadd.f32 v21, v18  }
0x353: {  	[tilespmem:v53+s0+$0x0] =	vst.idx.msk $0xffff, v19  }
0x354: {  	[tilespmem:v54+s0+$0x0] =	vst.idx.msk $0xffff, v21  }
0x355: {  	v19 =	vld [tilespmem:s21+$0xFFFFFF70]  }
0x356: {  	v21 =	vld [tilespmem:s21+$0xFFFFFF80]  }
0x357: {  	v55 =	vadd.s32 v7, v49  }
0x358: {  	v56 =	vadd.s32 v8, v49;
	_ =	sdelay $0x1  }
0x359: {  	v19 =	vadd.f32 v19, v17  }
0x35a: {  	v21 =	vadd.f32 v21, v18  }
0x35b: {  	[tilespmem:v55+s0+$0x0] =	vst.idx.msk $0xffff, v19  }
0x35c: {  	[tilespmem:v56+s0+$0x0] =	vst.idx.msk $0xffff, v21  }
0x35d: {  	v19 =	vld [tilespmem:s21+$0xFFFFFF90]  }
0x35e: {  	v21 =	vld [tilespmem:s21+$0xFFFFFFA0]  }
0x35f: {  	v57 =	vadd.s32 v9, v49  }
0x360: {  	v58 =	vadd.s32 v10, v49;
	_ =	sdelay $0x1  }
0x361: {  	v19 =	vadd.f32 v19, v17  }
0x362: {  	v21 =	vadd.f32 v21, v18  }
0x363: {  	[tilespmem:v57+s0+$0x0] =	vst.idx.msk $0xffff, v19  }
0x364: {  	[tilespmem:v58+s0+$0x0] =	vst.idx.msk $0xffff, v21  }
0x365: {  	v19 =	vld [tilespmem:s21+$0xFFFFFFB0]  }
0x366: {  	v21 =	vld [tilespmem:s21+$0xFFFFFFC0]  }
0x367: {  	v59 =	vadd.s32 v11, v49  }
0x368: {  	v60 =	vadd.s32 v12, v49;
	_ =	sdelay $0x1  }
0x369: {  	v19 =	vadd.f32 v19, v17  }
0x36a: {  	v21 =	vadd.f32 v21, v18  }
0x36b: {  	[tilespmem:v59+s0+$0x0] =	vst.idx.msk $0xffff, v19  }
0x36c: {  	[tilespmem:v60+s0+$0x0] =	vst.idx.msk $0xffff, v21  }
0x36d: {  	v19 =	vld [tilespmem:s21+$0xFFFFFFD0]  }
0x36e: {  	v21 =	vld [tilespmem:s21+$0xFFFFFFE0]  }
0x36f: {  	v61 =	vadd.s32 v13, v49  }
0x370: {  	v62 =	vadd.s32 v14, v49;
	_ =	sdelay $0x1  }
0x371: {  	v19 =	vadd.f32 v19, v17  }
0x372: {  	v21 =	vadd.f32 v21, v18  }
0x373: {  	[tilespmem:v61+s0+$0x0] =	vst.idx.msk $0xffff, v19  }
0x374: {  	[tilespmem:v62+s0+$0x0] =	vst.idx.msk $0xffff, v21  }
0x375: {  	v19 =	vld [tilespmem:s21+$0xFFFFFFF0]  }
0x376: {  	v21 =	vld [tilespmem:s21+$0x0]  }
0x377: {  	v63 =	vadd.s32 v15, v49  }
0x378: {  	v20 =	vadd.s32 v16, v49;
	_ =	sdelay $0x1  }
0x379: {  	v17 =	vadd.f32 v19, v17  }
0x37a: {  	v18 =	vadd.f32 v21, v18  }
0x37b: {  	s22 =	simm.s32 @!p0 $0x80;
	s20 =	sshll.u32 s20, $0x11;
	[tilespmem:v63+s0+$0x0] =	vst.idx.msk $0xffff, v17  }
0x37c: {  	s23 =	simm.s32 @!p0 $0x8400;
	s20 =	sor.u32 s7, s20;
	s21 =	sadd.s32 @!p0 $0x500, s18;
	[tilespmem:v20+s0+$0x0] =	vst.idx.msk $0xffff, v18  }
0x37d: {  	[tilespmem:s23], [sflag:$0x2] =	stream.indirect.gather @!p0 [hbm4b:s4+s22], $0x20, s21, s22, $0xb8;
	[tilespmem:$0x14100] =	vst v63  }
0x37e: {  	s20 =	sshrl.u32 s20, $0x3;
	s21 =	sadd.s32 @!p0 $0x580, s18;
	s23 =	simm.s32 @!p0 $0x9400  }
0x37f: {  	[tilespmem:s23], [sflag:$0x2] =	stream.indirect.gather @!p0 [hbm4b:s4+s22], $0x20, s21, s22, $0xb8;
	[tilespmem:$0x14100] =	vst v63  }
0x380: {  	s25 =	simm.s32 $0x10600;
	s21 =	sadd.s32 s2, s20  }
0x381: {  	[hbm4b:s21+s3] =	stream.linear.scatter [tilespmem:s25], [sflag:$0x6], $0x80, $0x38;
	[tilespmem:$0x14100] =	vst v63  }
0x382: {  	s22 =	simm.s32 $0x10688;
	s23 =	sadd.s32 $0x10, s21  }
0x383: {  	[hbm4b:s23+s3] =	stream.linear.scatter [tilespmem:s22], [sflag:$0x6], $0x80, $0x38;
	[tilespmem:$0x14100] =	vst v63  }
0x384: {  	s24 =	simm.s32 $0x10710;
	s25 =	sadd.s32 $0x20, s21  }
0x385: {  	[hbm4b:s25+s3] =	stream.linear.scatter [tilespmem:s24], [sflag:$0x6], $0x80, $0x38;
	[tilespmem:$0x14100] =	vst v63  }
0x386: {  	s22 =	simm.s32 $0x10798;
	s23 =	sadd.s32 $0x30, s21  }
0x387: {  	[hbm4b:s23+s3] =	stream.linear.scatter [tilespmem:s22], [sflag:$0x6], $0x80, $0x38;
	[tilespmem:$0x14100] =	vst v63  }
0x388: {  	s24 =	simm.s32 $0x10820;
	s25 =	sadd.s32 $0x40, s21  }
0x389: {  	[hbm4b:s25+s3] =	stream.linear.scatter [tilespmem:s24], [sflag:$0x6], $0x80, $0x38;
	[tilespmem:$0x14100] =	vst v63  }
0x38a: {  	s20 =	simm.s32 $0x440;
	s22 =	simm.s32 $0x108A8;
	s23 =	sadd.s32 $0x50, s21  }
0x38b: {  	[hbm4b:s23+s3] =	stream.linear.scatter [tilespmem:s22], [sflag:$0x6], $0x80, $0x38;
	[tilespmem:$0x14100] =	vst v63  }
0x38c: {  	s24 =	simm.s32 $0x10930;
	s25 =	sadd.s32 $0x60, s21;
	s22 =	simm.s32 $0x2200  }
0x38d: {  	[hbm4b:s25+s3] =	stream.linear.scatter [tilespmem:s24], [sflag:$0x6], $0x80, $0x38;
	[tilespmem:$0x14100] =	vst v63  }
0x38e: {  	s23 =	simm.s32 $0x109B8;
	s24 =	sadd.s32 $0x70, s21;
	s21 =	sadd.s32 $0x1000, s21  }
.LBB2_13:
0x38f: {  	[hbm4b:s24+s3] =	stream.linear.scatter [tilespmem:s23], [sflag:$0x6], $0x80, $0x38;
	[tilespmem:$0x14100] =	vst v63  }
0x390: {  	s23 =	smov.u32 s20;
	s20 =	smov.u32 s22  }
0x391: {  	s25 =	sadd.s32 $0x1100, s22;
	s20 =	sshra.s32 s20, $0x2;
	s24 =	sadd.s32 $0x10600, s23  }
0x392: {  	[hbm4b:s21+s3] =	stream.linear.scatter [tilespmem:s24], [sflag:$0x6], $0x80, $0x38;
	[tilespmem:$0x14100] =	vst v63  }
0x393: {  	p1 =	sne.s32 s22, $0x7700;
	s22 =	sadd.s32 $0x10688, s23;
	s24 =	sadd.s32 $0x10, s21  }
0x394: {  	[hbm4b:s24+s3] =	stream.linear.scatter [tilespmem:s22], [sflag:$0x6], $0x80, $0x38;
	[tilespmem:$0x14100] =	vst v63  }
0x395: {  	s22 =	sadd.s32 $0x10710, s23;
	s24 =	sadd.s32 $0x20, s21  }
0x396: {  	[hbm4b:s24+s3] =	stream.linear.scatter [tilespmem:s22], [sflag:$0x6], $0x80, $0x38;
	[tilespmem:$0x14100] =	vst v63  }
0x397: {  	s22 =	sadd.s32 $0x10798, s23;
	s24 =	sadd.s32 $0x30, s21  }
0x398: {  	[hbm4b:s24+s3] =	stream.linear.scatter [tilespmem:s22], [sflag:$0x6], $0x80, $0x38;
	[tilespmem:$0x14100] =	vst v63  }
0x399: {  	s22 =	sadd.s32 $0x10820, s23;
	s24 =	sadd.s32 $0x40, s21  }
0x39a: {  	[hbm4b:s24+s3] =	stream.linear.scatter [tilespmem:s22], [sflag:$0x6], $0x80, $0x38;
	[tilespmem:$0x14100] =	vst v63  }
.Ltmp5:
0x39b: {  	s22 =	sadd.s32 $0x108A8, s23;
	s24 =	sadd.s32 $0x50, s21;
	(pc) =	sbr.rel @p1 .LBB2_13-.Ltmp5, $4  }
0x39c: {  	[hbm4b:s24+s3] =	stream.linear.scatter [tilespmem:s22], [sflag:$0x6], $0x80, $0x38;
	[tilespmem:$0x14100] =	vst v63  }
0x39d: {  	s22 =	sadd.s32 $0x10930, s23;
	s24 =	sadd.s32 $0x60, s21;
	s23 =	sadd.s32 $0x109B8, s23  }
0x39e: {  	[hbm4b:s24+s3] =	stream.linear.scatter [tilespmem:s22], [sflag:$0x6], $0x80, $0x38;
	[tilespmem:$0x14100] =	vst v63  }
0x39f: {  	s24 =	sadd.s32 $0x70, s21;
	s21 =	sadd.s32 $0x1000, s21;
	s22 =	smov.u32 s25  }
0x3a0: {  	[hbm4b:s24+s3] =	stream.linear.scatter [tilespmem:s23], [sflag:$0x6], $0x80, $0x38;
	[tilespmem:$0x14100] =	vst v63  }
0x3a1: {  	s22 =	sadd.s32 $0x10600, s20  }
0x3a2: {  	[hbm4b:s21+s3] =	stream.linear.scatter [tilespmem:s22], [sflag:$0x6], $0x80, $0x38;
	[tilespmem:$0x14100] =	vst v63  }
0x3a3: {  	s24 =	sadd.s32 $0x10688, s20;
	s25 =	sadd.s32 $0x10, s21  }
0x3a4: {  	[hbm4b:s25+s3] =	stream.linear.scatter [tilespmem:s24], [sflag:$0x6], $0x80, $0x38;
	[tilespmem:$0x14100] =	vst v63  }
0x3a5: {  	s24 =	sadd.s32 $0x10710, s20;
	s25 =	sadd.s32 $0x20, s21  }
0x3a6: {  	[hbm4b:s25+s3] =	stream.linear.scatter [tilespmem:s24], [sflag:$0x6], $0x80, $0x38;
	[tilespmem:$0x14100] =	vst v63  }
0x3a7: {  	s24 =	sadd.s32 $0x10798, s20;
	s25 =	sadd.s32 $0x30, s21  }
0x3a8: {  	[hbm4b:s25+s3] =	stream.linear.scatter [tilespmem:s24], [sflag:$0x6], $0x80, $0x38;
	[tilespmem:$0x14100] =	vst v63  }
0x3a9: {  	s24 =	sadd.s32 $0x10820, s20;
	s25 =	sadd.s32 $0x40, s21  }
0x3aa: {  	[hbm4b:s25+s3] =	stream.linear.scatter [tilespmem:s24], [sflag:$0x6], $0x80, $0x38;
	[tilespmem:$0x14100] =	vst v63  }
0x3ab: {  	s24 =	sadd.s32 $0x108A8, s20;
	s25 =	sadd.s32 $0x50, s21  }
0x3ac: {  	[hbm4b:s25+s3] =	stream.linear.scatter [tilespmem:s24], [sflag:$0x6], $0x80, $0x38;
	[tilespmem:$0x14100] =	vst v63  }
0x3ad: {  	s24 =	sadd.s32 $0x10930, s20;
	s25 =	sadd.s32 $0x60, s21  }
0x3ae: {  	[hbm4b:s25+s3] =	stream.linear.scatter [tilespmem:s24], [sflag:$0x6], $0x80, $0x38;
	[tilespmem:$0x14100] =	vst v63  }
0x3af: {  	s24 =	sadd.s32 $0x109B8, s20;
	s25 =	sadd.s32 $0x70, s21  }
0x3b0: {  	[hbm4b:s25+s3] =	stream.linear.scatter [tilespmem:s24], [sflag:$0x6], $0x80, $0x38;
	[tilespmem:$0x14100] =	vst v63  }
0x3b1: {  	_ =	swait.ge [sflag:s10], $0x1000  }
0x3b2: {  	[sflag:s10] =	ssyncset.done $0x0  }
0x3b3: {  	[sflag:s10] =	ssyncadd.s32 $0xFFFFF000  }
0x3b4: {  	_ =	swait.ge [sflag:s10], $0x1000  }
0x3b5: {  	[sflag:s10] =	ssyncset.done $0x0  }
0x3b6: {  	[sflag:s10] =	ssyncadd.s32 $0xFFFFF000  }
0x3b7: {  	s20 =	sor.u32 $0x4, s19;
	_ =	swait.ge [sflag:s12], $0x2000  }
0x3b8: {  	s23 =	simm.s32 $0x0;
	s22 =	sshll.u32 s20, $0x5;
	[sflag:s12] =	ssyncset.done $0x0  }
0x3b9: {  	v18 =	vmov s23;
	s21 =	sand.u32 $0x3FFFFFE0, s22;
	[sflag:s12] =	ssyncadd.s32 $0xFFFFE000  }
0x3ba: {  	v19 =	vshrl.u32 v18, $0x3;
	v17 =	vld [tilespmem:s21+$0x12800]  }
0x3bb: {  	v19 =	vshll.u32 v19, v1;
	v18 =	vld [tilespmem:s21+$0x12810];
	s21 =	simm.s32 $0x0  }
0x3bc: {  	v19 =	vbroadcast v19, $0x0;
	v20 =	vld [tilespmem:s21+$0xA400]  }
0x3bd: {  	v21 =	vld [tilespmem:s21+$0xA410]  }
0x3be: {  	v22 =	vadd.s32 v0, v19  }
0x3bf: {  	v19 =	vadd.s32 v2, v19;
	_ =	sdelay $0x1  }
0x3c0: {  	s24 =	simm.s32 $0x1;
	v20 =	vadd.f32 v20, v17  }
0x3c1: {  	v23 =	vmov s24;
	v21 =	vadd.f32 v21, v18  }
0x3c2: {  	[tilespmem:v22+s29+$0x0] =	vst.idx.msk $0xffff, v20;
	v20 =	vshrl.u32 v23, $0x3  }
0x3c3: {  	[tilespmem:v19+s29+$0x0] =	vst.idx.msk $0xffff, v21;
	v19 =	vshll.u32 v20, v1  }
0x3c4: {  	v20 =	vld [tilespmem:s21+$0xA420];
	v19 =	vbroadcast v19, $0x0  }
0x3c5: {  	v21 =	vld [tilespmem:s21+$0xA430]  }
0x3c6: {  	v22 =	vadd.s32 v3, v19  }
0x3c7: {  	v19 =	vadd.s32 v4, v19;
	_ =	sdelay $0x1  }
0x3c8: {  	s25 =	simm.s32 $0x2;
	v20 =	vadd.f32 v20, v17  }
0x3c9: {  	v23 =	vmov s25;
	v21 =	vadd.f32 v21, v18  }
0x3ca: {  	[tilespmem:v22+s29+$0x0] =	vst.idx.msk $0xffff, v20;
	v20 =	vshrl.u32 v23, $0x3  }
0x3cb: {  	[tilespmem:v19+s29+$0x0] =	vst.idx.msk $0xffff, v21;
	v19 =	vshll.u32 v20, v1  }
0x3cc: {  	v20 =	vld [tilespmem:s21+$0xA440];
	v19 =	vbroadcast v19, $0x0  }
0x3cd: {  	v21 =	vld [tilespmem:s21+$0xA450]  }
0x3ce: {  	v22 =	vadd.s32 v5, v19  }
0x3cf: {  	v19 =	vadd.s32 v6, v19;
	_ =	sdelay $0x1  }
0x3d0: {  	s23 =	simm.s32 $0x3;
	v20 =	vadd.f32 v20, v17  }
0x3d1: {  	v23 =	vmov s23;
	v21 =	vadd.f32 v21, v18  }
0x3d2: {  	[tilespmem:v22+s29+$0x0] =	vst.idx.msk $0xffff, v20;
	v20 =	vshrl.u32 v23, $0x3  }
0x3d3: {  	[tilespmem:v19+s29+$0x0] =	vst.idx.msk $0xffff, v21;
	v19 =	vshll.u32 v20, v1  }
0x3d4: {  	v20 =	vld [tilespmem:s21+$0xA460];
	v19 =	vbroadcast v19, $0x0  }
0x3d5: {  	v21 =	vld [tilespmem:s21+$0xA470]  }
0x3d6: {  	v22 =	vadd.s32 v7, v19  }
0x3d7: {  	v19 =	vadd.s32 v8, v19;
	_ =	sdelay $0x1  }
0x3d8: {  	s24 =	simm.s32 $0x4;
	v20 =	vadd.f32 v20, v17  }
0x3d9: {  	v23 =	vmov s24;
	v21 =	vadd.f32 v21, v18  }
0x3da: {  	[tilespmem:v22+s29+$0x0] =	vst.idx.msk $0xffff, v20;
	v20 =	vshrl.u32 v23, $0x3  }
0x3db: {  	[tilespmem:v19+s29+$0x0] =	vst.idx.msk $0xffff, v21;
	v19 =	vshll.u32 v20, v1  }
0x3dc: {  	v20 =	vld [tilespmem:s21+$0xA480];
	v19 =	vbroadcast v19, $0x0  }
0x3dd: {  	v21 =	vld [tilespmem:s21+$0xA490]  }
0x3de: {  	v22 =	vadd.s32 v9, v19  }
0x3df: {  	v19 =	vadd.s32 v10, v19;
	_ =	sdelay $0x1  }
0x3e0: {  	s25 =	simm.s32 $0x5;
	v20 =	vadd.f32 v20, v17  }
0x3e1: {  	v23 =	vmov s25;
	v21 =	vadd.f32 v21, v18  }
0x3e2: {  	[tilespmem:v22+s29+$0x0] =	vst.idx.msk $0xffff, v20;
	v20 =	vshrl.u32 v23, $0x3  }
0x3e3: {  	[tilespmem:v19+s29+$0x0] =	vst.idx.msk $0xffff, v21;
	v19 =	vshll.u32 v20, v1  }
0x3e4: {  	v20 =	vld [tilespmem:s21+$0xA4A0];
	v19 =	vbroadcast v19, $0x0  }
0x3e5: {  	v21 =	vld [tilespmem:s21+$0xA4B0]  }
0x3e6: {  	v22 =	vadd.s32 v11, v19  }
0x3e7: {  	v19 =	vadd.s32 v12, v19;
	_ =	sdelay $0x1  }
0x3e8: {  	s23 =	simm.s32 $0x6;
	v20 =	vadd.f32 v20, v17  }
0x3e9: {  	v23 =	vmov s23;
	v21 =	vadd.f32 v21, v18  }
0x3ea: {  	[tilespmem:v22+s29+$0x0] =	vst.idx.msk $0xffff, v20;
	v20 =	vshrl.u32 v23, $0x3  }
0x3eb: {  	[tilespmem:v19+s29+$0x0] =	vst.idx.msk $0xffff, v21;
	v19 =	vshll.u32 v20, v1  }
0x3ec: {  	v20 =	vld [tilespmem:s21+$0xA4C0];
	v19 =	vbroadcast v19, $0x0  }
0x3ed: {  	v21 =	vld [tilespmem:s21+$0xA4D0]  }
0x3ee: {  	v22 =	vadd.s32 v13, v19  }
0x3ef: {  	v19 =	vadd.s32 v14, v19;
	_ =	sdelay $0x1  }
0x3f0: {  	s24 =	simm.s32 $0x7;
	v20 =	vadd.f32 v20, v17  }
0x3f1: {  	v23 =	vmov s24;
	v21 =	vadd.f32 v21, v18  }
0x3f2: {  	[tilespmem:v22+s29+$0x0] =	vst.idx.msk $0xffff, v20;
	v20 =	vshrl.u32 v23, $0x3  }
0x3f3: {  	[tilespmem:v19+s29+$0x0] =	vst.idx.msk $0xffff, v21;
	v19 =	vshll.u32 v20, v1  }
0x3f4: {  	v20 =	vld [tilespmem:s21+$0xA4E0];
	v19 =	vbroadcast v19, $0x0  }
0x3f5: {  	v21 =	vld [tilespmem:s21+$0xA4F0]  }
0x3f6: {  	v22 =	vadd.s32 v15, v19  }
0x3f7: {  	v19 =	vadd.s32 v16, v19;
	_ =	sdelay $0x1  }
0x3f8: {  	s25 =	simm.s32 $0x8;
	v23 =	vadd.f32 v20, v17  }
0x3f9: {  	v24 =	vmov s25;
	v20 =	vadd.f32 v21, v18  }
0x3fa: {  	s22 =	simm.s32 $0xF;
	s23 =	simm.s32 $0x800;
	s21 =	simm.s32 $0x100;
	v21 =	vshrl.u32 v24, $0x3;
	[tilespmem:v22+s29+$0x0] =	vst.idx.msk $0xffff, v23  }
.LBB2_15:
0x3fb: {  	s24 =	sshra.s32 s23, $0x2;
	p1 =	sne.s32 s23, $0x3C00;
	s23 =	sadd.s32 $0x400, s23;
	v21 =	vshll.u32 v21, v1;
	[tilespmem:v19+s29+$0x0] =	vst.idx.msk $0xffff, v20  }
0x3fc: {  	v19 =	vld [tilespmem:s21+$0xA400];
	v20 =	vbroadcast v21, $0x0  }
0x3fd: {  	v21 =	vld [tilespmem:s21+$0xA410]  }
0x3fe: {  	v22 =	vadd.s32 v0, v20  }
0x3ff: {  	v20 =	vadd.s32 v2, v20;
	_ =	sdelay $0x1  }
0x400: {  	s25 =	sadd.s32 $0xFFFFFFFA, s22;
	v19 =	vadd.f32 v19, v17  }
0x401: {  	v23 =	vmov s25;
	v21 =	vadd.f32 v21, v18  }
0x402: {  	[tilespmem:v22+s29+$0x0] =	vst.idx.msk $0xffff, v19;
	v19 =	vshrl.u32 v23, $0x3  }
0x403: {  	[tilespmem:v20+s29+$0x0] =	vst.idx.msk $0xffff, v21;
	v19 =	vshll.u32 v19, v1  }
0x404: {  	v20 =	vld [tilespmem:s21+$0xA420];
	v19 =	vbroadcast v19, $0x0  }
0x405: {  	v21 =	vld [tilespmem:s21+$0xA430]  }
0x406: {  	v22 =	vadd.s32 v3, v19  }
0x407: {  	v19 =	vadd.s32 v4, v19;
	_ =	sdelay $0x1  }
0x408: {  	s25 =	sadd.s32 $0xFFFFFFFB, s22;
	v20 =	vadd.f32 v20, v17  }
0x409: {  	v23 =	vmov s25;
	v21 =	vadd.f32 v21, v18  }
0x40a: {  	[tilespmem:v22+s29+$0x0] =	vst.idx.msk $0xffff, v20;
	v20 =	vshrl.u32 v23, $0x3  }
0x40b: {  	[tilespmem:v19+s29+$0x0] =	vst.idx.msk $0xffff, v21;
	v19 =	vshll.u32 v20, v1  }
0x40c: {  	v20 =	vld [tilespmem:s21+$0xA440];
	v19 =	vbroadcast v19, $0x0  }
0x40d: {  	v21 =	vld [tilespmem:s21+$0xA450]  }
0x40e: {  	v22 =	vadd.s32 v5, v19  }
0x40f: {  	v19 =	vadd.s32 v6, v19;
	_ =	sdelay $0x1  }
0x410: {  	s25 =	sadd.s32 $0xFFFFFFFC, s22;
	v20 =	vadd.f32 v20, v17  }
0x411: {  	v23 =	vmov s25;
	v21 =	vadd.f32 v21, v18  }
0x412: {  	[tilespmem:v22+s29+$0x0] =	vst.idx.msk $0xffff, v20;
	v20 =	vshrl.u32 v23, $0x3  }
0x413: {  	[tilespmem:v19+s29+$0x0] =	vst.idx.msk $0xffff, v21;
	v19 =	vshll.u32 v20, v1  }
0x414: {  	v20 =	vld [tilespmem:s21+$0xA460];
	v19 =	vbroadcast v19, $0x0  }
0x415: {  	v21 =	vld [tilespmem:s21+$0xA470]  }
0x416: {  	v22 =	vadd.s32 v7, v19  }
0x417: {  	v19 =	vadd.s32 v8, v19;
	_ =	sdelay $0x1  }
0x418: {  	s25 =	sadd.s32 $0xFFFFFFFD, s22;
	v20 =	vadd.f32 v20, v17  }
0x419: {  	v23 =	vmov s25;
	v21 =	vadd.f32 v21, v18  }
0x41a: {  	[tilespmem:v22+s29+$0x0] =	vst.idx.msk $0xffff, v20;
	v20 =	vshrl.u32 v23, $0x3  }
0x41b: {  	[tilespmem:v19+s29+$0x0] =	vst.idx.msk $0xffff, v21;
	v19 =	vshll.u32 v20, v1  }
0x41c: {  	v20 =	vld [tilespmem:s21+$0xA480];
	v19 =	vbroadcast v19, $0x0  }
0x41d: {  	v21 =	vld [tilespmem:s21+$0xA490]  }
0x41e: {  	v22 =	vadd.s32 v9, v19  }
0x41f: {  	v19 =	vadd.s32 v10, v19;
	_ =	sdelay $0x1  }
0x420: {  	s25 =	sadd.s32 $0xFFFFFFFE, s22;
	v20 =	vadd.f32 v20, v17  }
0x421: {  	v23 =	vmov s25;
	v21 =	vadd.f32 v21, v18  }
0x422: {  	[tilespmem:v22+s29+$0x0] =	vst.idx.msk $0xffff, v20;
	v20 =	vshrl.u32 v23, $0x3  }
0x423: {  	[tilespmem:v19+s29+$0x0] =	vst.idx.msk $0xffff, v21;
	v19 =	vshll.u32 v20, v1  }
0x424: {  	v20 =	vld [tilespmem:s21+$0xA4A0];
	v19 =	vbroadcast v19, $0x0  }
0x425: {  	v21 =	vld [tilespmem:s21+$0xA4B0]  }
0x426: {  	v22 =	vadd.s32 v11, v19  }
0x427: {  	v19 =	vadd.s32 v12, v19;
	_ =	sdelay $0x1  }
0x428: {  	s25 =	sadd.s32 $0xFFFFFFFF, s22;
	v20 =	vadd.f32 v20, v17  }
0x429: {  	v23 =	vmov s25;
	v21 =	vadd.f32 v21, v18  }
0x42a: {  	[tilespmem:v22+s29+$0x0] =	vst.idx.msk $0xffff, v20;
	v20 =	vshrl.u32 v23, $0x3  }
0x42b: {  	[tilespmem:v19+s29+$0x0] =	vst.idx.msk $0xffff, v21;
	v19 =	vshll.u32 v20, v1  }
0x42c: {  	v20 =	vld [tilespmem:s21+$0xA4C0];
	v19 =	vbroadcast v19, $0x0  }
0x42d: {  	v21 =	vld [tilespmem:s21+$0xA4D0]  }
0x42e: {  	v22 =	vadd.s32 v13, v19  }
0x42f: {  	v19 =	vadd.s32 v14, v19;
	_ =	sdelay $0x1  }
0x430: {  	v20 =	vadd.f32 v20, v17  }
0x431: {  	v23 =	vmov s22;
	v21 =	vadd.f32 v21, v18  }
0x432: {  	[tilespmem:v22+s29+$0x0] =	vst.idx.msk $0xffff, v20;
	v20 =	vshrl.u32 v23, $0x3  }
0x433: {  	[tilespmem:v19+s29+$0x0] =	vst.idx.msk $0xffff, v21;
	v19 =	vshll.u32 v20, v1  }
0x434: {  	v20 =	vld [tilespmem:s21+$0xA4E0];
	v19 =	vbroadcast v19, $0x0  }
0x435: {  	v21 =	vld [tilespmem:s21+$0xA4F0];
	s21 =	smov.u32 s24  }
0x436: {  	v22 =	vadd.s32 v15, v19  }
.Ltmp6:
0x437: {  	v19 =	vadd.s32 v16, v19;
	(pc) =	sbr.rel @p1 .LBB2_15-.Ltmp6, $4  }
0x438: {  	s22 =	sadd.s32 $0x8, s22  }
0x439: {  	s24 =	sadd.s32 $0xFFFFFFF9, s22;
	v23 =	vadd.f32 v20, v17  }
0x43a: {  	v24 =	vmov s24;
	v20 =	vadd.f32 v21, v18  }
0x43b: {  	v21 =	vshrl.u32 v24, $0x3;
	[tilespmem:v22+s29+$0x0] =	vst.idx.msk $0xffff, v23  }
0x43c: {  	_ =	sdelay $0x3  }
0x43d: {  	v21 =	vshll.u32 v21, v1;
	[tilespmem:v19+s29+$0x0] =	vst.idx.msk $0xffff, v20  }
0x43e: {  	v19 =	vld [tilespmem:s21+$0xA400];
	v20 =	vbroadcast v21, $0x0  }
0x43f: {  	v21 =	vld [tilespmem:s21+$0xA410]  }
0x440: {  	v22 =	vadd.s32 v0, v20  }
0x441: {  	v20 =	vadd.s32 v2, v20;
	_ =	sdelay $0x1  }
0x442: {  	s23 =	sadd.s32 $0xFFFFFFFA, s22;
	v19 =	vadd.f32 v19, v17  }
0x443: {  	v23 =	vmov s23;
	v21 =	vadd.f32 v21, v18  }
0x444: {  	[tilespmem:v22+s29+$0x0] =	vst.idx.msk $0xffff, v19;
	v19 =	vshrl.u32 v23, $0x3  }
0x445: {  	[tilespmem:v20+s29+$0x0] =	vst.idx.msk $0xffff, v21;
	v19 =	vshll.u32 v19, v1  }
0x446: {  	v20 =	vld [tilespmem:s21+$0xA420];
	v19 =	vbroadcast v19, $0x0  }
0x447: {  	v21 =	vld [tilespmem:s21+$0xA430]  }
0x448: {  	v22 =	vadd.s32 v3, v19  }
0x449: {  	v19 =	vadd.s32 v4, v19;
	_ =	sdelay $0x1  }
0x44a: {  	s25 =	sadd.s32 $0xFFFFFFFB, s22;
	v20 =	vadd.f32 v20, v17  }
0x44b: {  	v23 =	vmov s25;
	v21 =	vadd.f32 v21, v18  }
0x44c: {  	[tilespmem:v22+s29+$0x0] =	vst.idx.msk $0xffff, v20;
	v20 =	vshrl.u32 v23, $0x3  }
0x44d: {  	[tilespmem:v19+s29+$0x0] =	vst.idx.msk $0xffff, v21;
	v19 =	vshll.u32 v20, v1  }
0x44e: {  	v20 =	vld [tilespmem:s21+$0xA440];
	v19 =	vbroadcast v19, $0x0  }
0x44f: {  	v21 =	vld [tilespmem:s21+$0xA450]  }
0x450: {  	v22 =	vadd.s32 v5, v19  }
0x451: {  	v19 =	vadd.s32 v6, v19;
	_ =	sdelay $0x1  }
0x452: {  	s24 =	sadd.s32 $0xFFFFFFFC, s22;
	v20 =	vadd.f32 v20, v17  }
0x453: {  	v23 =	vmov s24;
	v21 =	vadd.f32 v21, v18  }
0x454: {  	[tilespmem:v22+s29+$0x0] =	vst.idx.msk $0xffff, v20;
	v20 =	vshrl.u32 v23, $0x3  }
0x455: {  	[tilespmem:v19+s29+$0x0] =	vst.idx.msk $0xffff, v21;
	v19 =	vshll.u32 v20, v1  }
0x456: {  	v20 =	vld [tilespmem:s21+$0xA460];
	v19 =	vbroadcast v19, $0x0  }
0x457: {  	v21 =	vld [tilespmem:s21+$0xA470]  }
0x458: {  	v22 =	vadd.s32 v7, v19  }
0x459: {  	v19 =	vadd.s32 v8, v19;
	_ =	sdelay $0x1  }
0x45a: {  	s25 =	sadd.s32 $0xFFFFFFFD, s22;
	v20 =	vadd.f32 v20, v17  }
0x45b: {  	v23 =	vmov s25;
	v21 =	vadd.f32 v21, v18  }
0x45c: {  	[tilespmem:v22+s29+$0x0] =	vst.idx.msk $0xffff, v20;
	v20 =	vshrl.u32 v23, $0x3  }
0x45d: {  	[tilespmem:v19+s29+$0x0] =	vst.idx.msk $0xffff, v21;
	v19 =	vshll.u32 v20, v1  }
0x45e: {  	v20 =	vld [tilespmem:s21+$0xA480];
	v19 =	vbroadcast v19, $0x0  }
0x45f: {  	v21 =	vld [tilespmem:s21+$0xA490]  }
0x460: {  	v22 =	vadd.s32 v9, v19  }
0x461: {  	v19 =	vadd.s32 v10, v19;
	_ =	sdelay $0x1  }
0x462: {  	s24 =	sadd.s32 $0xFFFFFFFE, s22;
	v20 =	vadd.f32 v20, v17  }
0x463: {  	v23 =	vmov s24;
	v21 =	vadd.f32 v21, v18  }
0x464: {  	[tilespmem:v22+s29+$0x0] =	vst.idx.msk $0xffff, v20;
	v20 =	vshrl.u32 v23, $0x3  }
0x465: {  	[tilespmem:v19+s29+$0x0] =	vst.idx.msk $0xffff, v21;
	v19 =	vshll.u32 v20, v1  }
0x466: {  	v20 =	vld [tilespmem:s21+$0xA4A0];
	v19 =	vbroadcast v19, $0x0  }
0x467: {  	v21 =	vld [tilespmem:s21+$0xA4B0]  }
0x468: {  	v22 =	vadd.s32 v11, v19  }
0x469: {  	v19 =	vadd.s32 v12, v19;
	_ =	sdelay $0x1  }
0x46a: {  	s25 =	sadd.s32 $0xFFFFFFFF, s22;
	v20 =	vadd.f32 v20, v17  }
0x46b: {  	v23 =	vmov s25;
	v21 =	vadd.f32 v21, v18  }
0x46c: {  	[tilespmem:v22+s29+$0x0] =	vst.idx.msk $0xffff, v20;
	v20 =	vshrl.u32 v23, $0x3  }
0x46d: {  	[tilespmem:v19+s29+$0x0] =	vst.idx.msk $0xffff, v21;
	v19 =	vshll.u32 v20, v1  }
0x46e: {  	v20 =	vld [tilespmem:s21+$0xA4C0];
	v19 =	vbroadcast v19, $0x0  }
0x46f: {  	v21 =	vld [tilespmem:s21+$0xA4D0]  }
0x470: {  	v22 =	vadd.s32 v13, v19  }
0x471: {  	v19 =	vadd.s32 v14, v19;
	_ =	sdelay $0x1  }
0x472: {  	v20 =	vadd.f32 v20, v17  }
0x473: {  	v23 =	vmov s22;
	v21 =	vadd.f32 v21, v18  }
0x474: {  	[tilespmem:v22+s29+$0x0] =	vst.idx.msk $0xffff, v20;
	v20 =	vshrl.u32 v23, $0x3  }
0x475: {  	[tilespmem:v19+s29+$0x0] =	vst.idx.msk $0xffff, v21;
	v19 =	vshll.u32 v20, v1  }
0x476: {  	v20 =	vld [tilespmem:s21+$0xA4E0];
	v19 =	vbroadcast v19, $0x0  }
0x477: {  	v21 =	vld [tilespmem:s21+$0xA4F0]  }
0x478: {  	v22 =	vadd.s32 v15, v19  }
0x479: {  	v19 =	vadd.s32 v16, v19;
	_ =	sdelay $0x1  }
0x47a: {  	v17 =	vadd.f32 v20, v17  }
0x47b: {  	v18 =	vadd.f32 v21, v18  }
0x47c: {  	s24 =	simm.s32 $0x0;
	[tilespmem:v22+s29+$0x0] =	vst.idx.msk $0xffff, v17  }
0x47d: {  	[tilespmem:v19+s29+$0x0] =	vst.idx.msk $0xffff, v18;
	v18 =	vmov s24  }
0x47e: {  	v17 =	vld [tilespmem:s17+$0x128A0];
	v19 =	vshrl.u32 v18, $0x3  }
0x47f: {  	s25 =	simm.s32 $0x0;
	v18 =	vld [tilespmem:s17+$0x128B0];
	v19 =	vshll.u32 v19, $0x3  }
0x480: {  	v20 =	vld [tilespmem:s25+$0xB400];
	v19 =	vbroadcast v19, $0x0  }
0x481: {  	v21 =	vld [tilespmem:s25+$0xB410]  }
0x482: {  	v22 =	vadd.s32 v0, v19  }
0x483: {  	v23 =	vadd.s32 v2, v19;
	_ =	sdelay $0x1  }
0x484: {  	v20 =	vadd.f32 v20, v17  }
0x485: {  	v21 =	vadd.f32 v21, v18  }
0x486: {  	[tilespmem:v22+s30+$0x0] =	vst.idx.msk $0xffff, v20  }
0x487: {  	[tilespmem:v23+s30+$0x0] =	vst.idx.msk $0xffff, v21  }
0x488: {  	v20 =	vld [tilespmem:s25+$0xB420]  }
0x489: {  	v21 =	vld [tilespmem:s25+$0xB430]  }
0x48a: {  	v22 =	vadd.s32 v3, v19  }
0x48b: {  	v23 =	vadd.s32 v4, v19;
	_ =	sdelay $0x1  }
0x48c: {  	v20 =	vadd.f32 v20, v17  }
0x48d: {  	v21 =	vadd.f32 v21, v18  }
0x48e: {  	[tilespmem:v22+s30+$0x0] =	vst.idx.msk $0xffff, v20  }
0x48f: {  	[tilespmem:v23+s30+$0x0] =	vst.idx.msk $0xffff, v21  }
0x490: {  	v20 =	vld [tilespmem:s25+$0xB440]  }
0x491: {  	v21 =	vld [tilespmem:s25+$0xB450]  }
0x492: {  	v22 =	vadd.s32 v5, v19  }
0x493: {  	v23 =	vadd.s32 v6, v19;
	_ =	sdelay $0x1  }
0x494: {  	v20 =	vadd.f32 v20, v17  }
0x495: {  	v21 =	vadd.f32 v21, v18  }
0x496: {  	[tilespmem:v22+s30+$0x0] =	vst.idx.msk $0xffff, v20  }
0x497: {  	[tilespmem:v23+s30+$0x0] =	vst.idx.msk $0xffff, v21  }
0x498: {  	v20 =	vld [tilespmem:s25+$0xB460]  }
0x499: {  	v21 =	vld [tilespmem:s25+$0xB470]  }
0x49a: {  	v22 =	vadd.s32 v7, v19  }
0x49b: {  	v23 =	vadd.s32 v8, v19;
	_ =	sdelay $0x1  }
0x49c: {  	v20 =	vadd.f32 v20, v17  }
0x49d: {  	v21 =	vadd.f32 v21, v18  }
0x49e: {  	[tilespmem:v22+s30+$0x0] =	vst.idx.msk $0xffff, v20  }
0x49f: {  	[tilespmem:v23+s30+$0x0] =	vst.idx.msk $0xffff, v21  }
0x4a0: {  	v20 =	vld [tilespmem:s25+$0xB480]  }
0x4a1: {  	v21 =	vld [tilespmem:s25+$0xB490]  }
0x4a2: {  	v22 =	vadd.s32 v9, v19  }
0x4a3: {  	v23 =	vadd.s32 v10, v19;
	_ =	sdelay $0x1  }
0x4a4: {  	v20 =	vadd.f32 v20, v17  }
0x4a5: {  	v21 =	vadd.f32 v21, v18  }
0x4a6: {  	[tilespmem:v22+s30+$0x0] =	vst.idx.msk $0xffff, v20  }
0x4a7: {  	[tilespmem:v23+s30+$0x0] =	vst.idx.msk $0xffff, v21  }
0x4a8: {  	v20 =	vld [tilespmem:s25+$0xB4A0]  }
0x4a9: {  	v21 =	vld [tilespmem:s25+$0xB4B0]  }
0x4aa: {  	v22 =	vadd.s32 v11, v19  }
0x4ab: {  	v23 =	vadd.s32 v12, v19;
	_ =	sdelay $0x1  }
0x4ac: {  	v20 =	vadd.f32 v20, v17  }
0x4ad: {  	v21 =	vadd.f32 v21, v18  }
0x4ae: {  	[tilespmem:v22+s30+$0x0] =	vst.idx.msk $0xffff, v20  }
0x4af: {  	[tilespmem:v23+s30+$0x0] =	vst.idx.msk $0xffff, v21  }
0x4b0: {  	v20 =	vld [tilespmem:s25+$0xB4C0]  }
0x4b1: {  	v21 =	vld [tilespmem:s25+$0xB4D0]  }
0x4b2: {  	v22 =	vadd.s32 v13, v19  }
0x4b3: {  	v23 =	vadd.s32 v14, v19;
	_ =	sdelay $0x1  }
0x4b4: {  	v20 =	vadd.f32 v20, v17  }
0x4b5: {  	v21 =	vadd.f32 v21, v18  }
0x4b6: {  	[tilespmem:v22+s30+$0x0] =	vst.idx.msk $0xffff, v20  }
0x4b7: {  	[tilespmem:v23+s30+$0x0] =	vst.idx.msk $0xffff, v21  }
0x4b8: {  	v20 =	vld [tilespmem:s25+$0xB4E0]  }
0x4b9: {  	v21 =	vld [tilespmem:s25+$0xB4F0]  }
0x4ba: {  	v22 =	vadd.s32 v15, v19  }
0x4bb: {  	v19 =	vadd.s32 v16, v19;
	_ =	sdelay $0x1  }
0x4bc: {  	s22 =	simm.s32 $0x8;
	v23 =	vadd.f32 v20, v17  }
0x4bd: {  	v24 =	vmov s22;
	v20 =	vadd.f32 v21, v18  }
0x4be: {  	s23 =	simm.s32 $0x800;
	s21 =	simm.s32 $0x100;
	v21 =	vshrl.u32 v24, $0x3;
	[tilespmem:v22+s30+$0x0] =	vst.idx.msk $0xffff, v23  }
.LBB2_17:
0x4bf: {  	s24 =	sshra.s32 s23, $0x2;
	p1 =	sne.s32 s23, $0x3C00;
	s23 =	sadd.s32 $0x400, s23;
	v21 =	vshll.u32 v21, $0x3;
	[tilespmem:v19+s30+$0x0] =	vst.idx.msk $0xffff, v20  }
0x4c0: {  	v19 =	vld [tilespmem:s21+$0xB400];
	v20 =	vbroadcast v21, $0x0  }
0x4c1: {  	v21 =	vld [tilespmem:s21+$0xB410]  }
0x4c2: {  	v22 =	vadd.s32 v0, v20  }
0x4c3: {  	v23 =	vadd.s32 v2, v20;
	_ =	sdelay $0x1  }
0x4c4: {  	v19 =	vadd.f32 v19, v17  }
0x4c5: {  	v21 =	vadd.f32 v21, v18  }
0x4c6: {  	[tilespmem:v22+s30+$0x0] =	vst.idx.msk $0xffff, v19  }
0x4c7: {  	[tilespmem:v23+s30+$0x0] =	vst.idx.msk $0xffff, v21  }
0x4c8: {  	v19 =	vld [tilespmem:s21+$0xB420]  }
0x4c9: {  	v21 =	vld [tilespmem:s21+$0xB430]  }
0x4ca: {  	v22 =	vadd.s32 v3, v20  }
0x4cb: {  	v23 =	vadd.s32 v4, v20;
	_ =	sdelay $0x1  }
0x4cc: {  	v19 =	vadd.f32 v19, v17  }
0x4cd: {  	v21 =	vadd.f32 v21, v18  }
0x4ce: {  	[tilespmem:v22+s30+$0x0] =	vst.idx.msk $0xffff, v19  }
0x4cf: {  	[tilespmem:v23+s30+$0x0] =	vst.idx.msk $0xffff, v21  }
0x4d0: {  	v19 =	vld [tilespmem:s21+$0xB440]  }
0x4d1: {  	v21 =	vld [tilespmem:s21+$0xB450]  }
0x4d2: {  	v22 =	vadd.s32 v5, v20  }
0x4d3: {  	v23 =	vadd.s32 v6, v20;
	_ =	sdelay $0x1  }
0x4d4: {  	v19 =	vadd.f32 v19, v17  }
0x4d5: {  	v21 =	vadd.f32 v21, v18  }
0x4d6: {  	[tilespmem:v22+s30+$0x0] =	vst.idx.msk $0xffff, v19  }
0x4d7: {  	[tilespmem:v23+s30+$0x0] =	vst.idx.msk $0xffff, v21  }
0x4d8: {  	v19 =	vld [tilespmem:s21+$0xB460]  }
0x4d9: {  	v21 =	vld [tilespmem:s21+$0xB470]  }
0x4da: {  	v22 =	vadd.s32 v7, v20  }
0x4db: {  	v23 =	vadd.s32 v8, v20;
	_ =	sdelay $0x1  }
0x4dc: {  	v19 =	vadd.f32 v19, v17  }
0x4dd: {  	v21 =	vadd.f32 v21, v18  }
0x4de: {  	[tilespmem:v22+s30+$0x0] =	vst.idx.msk $0xffff, v19  }
0x4df: {  	[tilespmem:v23+s30+$0x0] =	vst.idx.msk $0xffff, v21  }
0x4e0: {  	v19 =	vld [tilespmem:s21+$0xB480]  }
0x4e1: {  	v21 =	vld [tilespmem:s21+$0xB490]  }
0x4e2: {  	v22 =	vadd.s32 v9, v20  }
0x4e3: {  	v23 =	vadd.s32 v10, v20;
	_ =	sdelay $0x1  }
0x4e4: {  	v19 =	vadd.f32 v19, v17  }
0x4e5: {  	v21 =	vadd.f32 v21, v18  }
0x4e6: {  	[tilespmem:v22+s30+$0x0] =	vst.idx.msk $0xffff, v19  }
0x4e7: {  	[tilespmem:v23+s30+$0x0] =	vst.idx.msk $0xffff, v21  }
0x4e8: {  	v19 =	vld [tilespmem:s21+$0xB4A0]  }
0x4e9: {  	v21 =	vld [tilespmem:s21+$0xB4B0]  }
0x4ea: {  	v22 =	vadd.s32 v11, v20  }
0x4eb: {  	v23 =	vadd.s32 v12, v20;
	_ =	sdelay $0x1  }
0x4ec: {  	v19 =	vadd.f32 v19, v17  }
0x4ed: {  	v21 =	vadd.f32 v21, v18  }
0x4ee: {  	[tilespmem:v22+s30+$0x0] =	vst.idx.msk $0xffff, v19  }
0x4ef: {  	[tilespmem:v23+s30+$0x0] =	vst.idx.msk $0xffff, v21  }
0x4f0: {  	v19 =	vld [tilespmem:s21+$0xB4C0]  }
0x4f1: {  	v21 =	vld [tilespmem:s21+$0xB4D0]  }
0x4f2: {  	v22 =	vadd.s32 v13, v20  }
0x4f3: {  	v23 =	vadd.s32 v14, v20;
	_ =	sdelay $0x1  }
0x4f4: {  	v19 =	vadd.f32 v19, v17  }
0x4f5: {  	v21 =	vadd.f32 v21, v18  }
0x4f6: {  	[tilespmem:v22+s30+$0x0] =	vst.idx.msk $0xffff, v19  }
0x4f7: {  	[tilespmem:v23+s30+$0x0] =	vst.idx.msk $0xffff, v21  }
0x4f8: {  	v21 =	vld [tilespmem:s21+$0xB4E0]  }
0x4f9: {  	v22 =	vld [tilespmem:s21+$0xB4F0];
	s21 =	smov.u32 s24  }
0x4fa: {  	v23 =	vadd.s32 v15, v20  }
.Ltmp7:
0x4fb: {  	v19 =	vadd.s32 v16, v20;
	(pc) =	sbr.rel @p1 .LBB2_17-.Ltmp7, $4  }
0x4fc: {  	_ = 	snop  }
0x4fd: {  	s22 =	sadd.s32 $0x8, s22;
	v24 =	vadd.f32 v21, v17  }
0x4fe: {  	v21 =	vmov s22;
	v20 =	vadd.f32 v22, v18  }
0x4ff: {  	v21 =	vshrl.u32 v21, $0x3;
	[tilespmem:v23+s30+$0x0] =	vst.idx.msk $0xffff, v24  }
0x500: {  	_ =	sdelay $0x3  }
0x501: {  	v21 =	vshll.u32 v21, $0x3;
	[tilespmem:v19+s30+$0x0] =	vst.idx.msk $0xffff, v20  }
0x502: {  	v19 =	vld [tilespmem:s21+$0xB400];
	v49 =	vbroadcast v21, $0x0  }
0x503: {  	v50 =	vld [tilespmem:s21+$0xB410]  }
0x504: {  	v22 =	vadd.s32 v0, v49  }
0x505: {  	v23 =	vadd.s32 v2, v49;
	_ =	sdelay $0x1  }
0x506: {  	v19 =	vadd.f32 v19, v17  }
0x507: {  	v21 =	vadd.f32 v50, v18  }
0x508: {  	[tilespmem:v22+s30+$0x0] =	vst.idx.msk $0xffff, v19  }
0x509: {  	[tilespmem:v23+s30+$0x0] =	vst.idx.msk $0xffff, v21  }
0x50a: {  	v19 =	vld [tilespmem:s21+$0xB420]  }
0x50b: {  	v21 =	vld [tilespmem:s21+$0xB430]  }
0x50c: {  	v51 =	vadd.s32 v3, v49  }
0x50d: {  	v52 =	vadd.s32 v4, v49;
	_ =	sdelay $0x1  }
0x50e: {  	v19 =	vadd.f32 v19, v17  }
0x50f: {  	v21 =	vadd.f32 v21, v18  }
0x510: {  	[tilespmem:v51+s30+$0x0] =	vst.idx.msk $0xffff, v19  }
0x511: {  	[tilespmem:v52+s30+$0x0] =	vst.idx.msk $0xffff, v21  }
0x512: {  	v19 =	vld [tilespmem:s21+$0xB440]  }
0x513: {  	v21 =	vld [tilespmem:s21+$0xB450]  }
0x514: {  	v53 =	vadd.s32 v5, v49  }
0x515: {  	v54 =	vadd.s32 v6, v49;
	_ =	sdelay $0x1  }
0x516: {  	v19 =	vadd.f32 v19, v17  }
0x517: {  	v21 =	vadd.f32 v21, v18  }
0x518: {  	[tilespmem:v53+s30+$0x0] =	vst.idx.msk $0xffff, v19  }
0x519: {  	[tilespmem:v54+s30+$0x0] =	vst.idx.msk $0xffff, v21  }
0x51a: {  	v19 =	vld [tilespmem:s21+$0xB460]  }
0x51b: {  	v21 =	vld [tilespmem:s21+$0xB470]  }
0x51c: {  	v55 =	vadd.s32 v7, v49  }
0x51d: {  	v56 =	vadd.s32 v8, v49;
	_ =	sdelay $0x1  }
0x51e: {  	v19 =	vadd.f32 v19, v17  }
0x51f: {  	v21 =	vadd.f32 v21, v18  }
0x520: {  	[tilespmem:v55+s30+$0x0] =	vst.idx.msk $0xffff, v19  }
0x521: {  	[tilespmem:v56+s30+$0x0] =	vst.idx.msk $0xffff, v21  }
0x522: {  	v19 =	vld [tilespmem:s21+$0xB480]  }
0x523: {  	v21 =	vld [tilespmem:s21+$0xB490]  }
0x524: {  	v57 =	vadd.s32 v9, v49  }
0x525: {  	v58 =	vadd.s32 v10, v49;
	_ =	sdelay $0x1  }
0x526: {  	v19 =	vadd.f32 v19, v17  }
0x527: {  	v21 =	vadd.f32 v21, v18  }
0x528: {  	[tilespmem:v57+s30+$0x0] =	vst.idx.msk $0xffff, v19  }
0x529: {  	[tilespmem:v58+s30+$0x0] =	vst.idx.msk $0xffff, v21  }
0x52a: {  	v19 =	vld [tilespmem:s21+$0xB4A0]  }
0x52b: {  	v21 =	vld [tilespmem:s21+$0xB4B0]  }
0x52c: {  	v59 =	vadd.s32 v11, v49  }
0x52d: {  	v60 =	vadd.s32 v12, v49;
	_ =	sdelay $0x1  }
0x52e: {  	v19 =	vadd.f32 v19, v17  }
0x52f: {  	v21 =	vadd.f32 v21, v18  }
0x530: {  	[tilespmem:v59+s30+$0x0] =	vst.idx.msk $0xffff, v19  }
0x531: {  	[tilespmem:v60+s30+$0x0] =	vst.idx.msk $0xffff, v21  }
0x532: {  	v19 =	vld [tilespmem:s21+$0xB4C0]  }
0x533: {  	v21 =	vld [tilespmem:s21+$0xB4D0]  }
0x534: {  	v61 =	vadd.s32 v13, v49  }
0x535: {  	v62 =	vadd.s32 v14, v49;
	_ =	sdelay $0x1  }
0x536: {  	v19 =	vadd.f32 v19, v17  }
0x537: {  	v21 =	vadd.f32 v21, v18  }
0x538: {  	[tilespmem:v61+s30+$0x0] =	vst.idx.msk $0xffff, v19  }
0x539: {  	[tilespmem:v62+s30+$0x0] =	vst.idx.msk $0xffff, v21  }
0x53a: {  	v19 =	vld [tilespmem:s21+$0xB4E0]  }
0x53b: {  	v21 =	vld [tilespmem:s21+$0xB4F0]  }
0x53c: {  	v63 =	vadd.s32 v15, v49  }
0x53d: {  	v20 =	vadd.s32 v16, v49;
	_ =	sdelay $0x1  }
0x53e: {  	v17 =	vadd.f32 v19, v17  }
0x53f: {  	v18 =	vadd.f32 v21, v18  }
0x540: {  	s22 =	simm.s32 @!p0 $0x80;
	s20 =	sshll.u32 s20, $0x11;
	[tilespmem:v63+s30+$0x0] =	vst.idx.msk $0xffff, v17  }
0x541: {  	s23 =	simm.s32 @!p0 $0xA400;
	s20 =	sor.u32 s7, s20;
	s21 =	sadd.s32 @!p0 $0x600, s18;
	[tilespmem:v20+s30+$0x0] =	vst.idx.msk $0xffff, v18  }
0x542: {  	[tilespmem:s23], [sflag:$0x3] =	stream.indirect.gather @!p0 [hbm4b:s4+s22], $0x20, s21, s22, $0xb8;
	[tilespmem:$0x14100] =	vst v63  }
0x543: {  	s20 =	sshrl.u32 s20, $0x3;
	s21 =	sadd.s32 @!p0 $0x680, s18;
	s23 =	simm.s32 @!p0 $0xB400  }
0x544: {  	[tilespmem:s23], [sflag:$0x3] =	stream.indirect.gather @!p0 [hbm4b:s4+s22], $0x20, s21, s22, $0xb8;
	[tilespmem:$0x14100] =	vst v63  }
0x545: {  	s25 =	simm.s32 $0xE400;
	s21 =	sadd.s32 s2, s20  }
0x546: {  	[hbm4b:s21+s3] =	stream.linear.scatter [tilespmem:s25], [sflag:$0x5], $0x80, $0x38;
	[tilespmem:$0x14100] =	vst v63  }
0x547: {  	s22 =	simm.s32 $0xE488;
	s23 =	sadd.s32 $0x10, s21  }
0x548: {  	[hbm4b:s23+s3] =	stream.linear.scatter [tilespmem:s22], [sflag:$0x5], $0x80, $0x38;
	[tilespmem:$0x14100] =	vst v63  }
0x549: {  	s24 =	simm.s32 $0xE510;
	s25 =	sadd.s32 $0x20, s21  }
0x54a: {  	[hbm4b:s25+s3] =	stream.linear.scatter [tilespmem:s24], [sflag:$0x5], $0x80, $0x38;
	[tilespmem:$0x14100] =	vst v63  }
0x54b: {  	s22 =	simm.s32 $0xE598;
	s23 =	sadd.s32 $0x30, s21  }
0x54c: {  	[hbm4b:s23+s3] =	stream.linear.scatter [tilespmem:s22], [sflag:$0x5], $0x80, $0x38;
	[tilespmem:$0x14100] =	vst v63  }
0x54d: {  	s24 =	simm.s32 $0xE620;
	s25 =	sadd.s32 $0x40, s21  }
0x54e: {  	[hbm4b:s25+s3] =	stream.linear.scatter [tilespmem:s24], [sflag:$0x5], $0x80, $0x38;
	[tilespmem:$0x14100] =	vst v63  }
0x54f: {  	s20 =	simm.s32 $0x440;
	s22 =	simm.s32 $0xE6A8;
	s23 =	sadd.s32 $0x50, s21  }
0x550: {  	[hbm4b:s23+s3] =	stream.linear.scatter [tilespmem:s22], [sflag:$0x5], $0x80, $0x38;
	[tilespmem:$0x14100] =	vst v63  }
0x551: {  	s24 =	simm.s32 $0xE730;
	s25 =	sadd.s32 $0x60, s21;
	s22 =	simm.s32 $0x2200  }
0x552: {  	[hbm4b:s25+s3] =	stream.linear.scatter [tilespmem:s24], [sflag:$0x5], $0x80, $0x38;
	[tilespmem:$0x14100] =	vst v63  }
0x553: {  	s23 =	simm.s32 $0xE7B8;
	s24 =	sadd.s32 $0x70, s21;
	s21 =	sadd.s32 $0x1000, s21  }
.LBB2_19:
0x554: {  	[hbm4b:s24+s3] =	stream.linear.scatter [tilespmem:s23], [sflag:$0x5], $0x80, $0x38;
	[tilespmem:$0x14100] =	vst v63  }
0x555: {  	s23 =	smov.u32 s20;
	s20 =	smov.u32 s22  }
0x556: {  	s25 =	sadd.s32 $0x1100, s22;
	s20 =	sshra.s32 s20, $0x2;
	s24 =	sadd.s32 $0xE400, s23  }
0x557: {  	[hbm4b:s21+s3] =	stream.linear.scatter [tilespmem:s24], [sflag:$0x5], $0x80, $0x38;
	[tilespmem:$0x14100] =	vst v63  }
0x558: {  	p1 =	sne.s32 s22, $0x7700;
	s22 =	sadd.s32 $0xE488, s23;
	s24 =	sadd.s32 $0x10, s21  }
0x559: {  	[hbm4b:s24+s3] =	stream.linear.scatter [tilespmem:s22], [sflag:$0x5], $0x80, $0x38;
	[tilespmem:$0x14100] =	vst v63  }
0x55a: {  	s22 =	sadd.s32 $0xE510, s23;
	s24 =	sadd.s32 $0x20, s21  }
0x55b: {  	[hbm4b:s24+s3] =	stream.linear.scatter [tilespmem:s22], [sflag:$0x5], $0x80, $0x38;
	[tilespmem:$0x14100] =	vst v63  }
0x55c: {  	s22 =	sadd.s32 $0xE598, s23;
	s24 =	sadd.s32 $0x30, s21  }
0x55d: {  	[hbm4b:s24+s3] =	stream.linear.scatter [tilespmem:s22], [sflag:$0x5], $0x80, $0x38;
	[tilespmem:$0x14100] =	vst v63  }
0x55e: {  	s22 =	sadd.s32 $0xE620, s23;
	s24 =	sadd.s32 $0x40, s21  }
0x55f: {  	[hbm4b:s24+s3] =	stream.linear.scatter [tilespmem:s22], [sflag:$0x5], $0x80, $0x38;
	[tilespmem:$0x14100] =	vst v63  }
.Ltmp8:
0x560: {  	s22 =	sadd.s32 $0xE6A8, s23;
	s24 =	sadd.s32 $0x50, s21;
	(pc) =	sbr.rel @p1 .LBB2_19-.Ltmp8, $4  }
0x561: {  	[hbm4b:s24+s3] =	stream.linear.scatter [tilespmem:s22], [sflag:$0x5], $0x80, $0x38;
	[tilespmem:$0x14100] =	vst v63  }
0x562: {  	s22 =	sadd.s32 $0xE730, s23;
	s24 =	sadd.s32 $0x60, s21;
	s23 =	sadd.s32 $0xE7B8, s23  }
0x563: {  	[hbm4b:s24+s3] =	stream.linear.scatter [tilespmem:s22], [sflag:$0x5], $0x80, $0x38;
	[tilespmem:$0x14100] =	vst v63  }
0x564: {  	s24 =	sadd.s32 $0x70, s21;
	s21 =	sadd.s32 $0x1000, s21;
	s22 =	smov.u32 s25  }
0x565: {  	[hbm4b:s24+s3] =	stream.linear.scatter [tilespmem:s23], [sflag:$0x5], $0x80, $0x38;
	[tilespmem:$0x14100] =	vst v63  }
0x566: {  	s22 =	sadd.s32 $0xE400, s20  }
0x567: {  	[hbm4b:s21+s3] =	stream.linear.scatter [tilespmem:s22], [sflag:$0x5], $0x80, $0x38;
	[tilespmem:$0x14100] =	vst v63  }
0x568: {  	s24 =	sadd.s32 $0xE488, s20;
	s25 =	sadd.s32 $0x10, s21  }
0x569: {  	[hbm4b:s25+s3] =	stream.linear.scatter [tilespmem:s24], [sflag:$0x5], $0x80, $0x38;
	[tilespmem:$0x14100] =	vst v63  }
0x56a: {  	s24 =	sadd.s32 $0xE510, s20;
	s25 =	sadd.s32 $0x20, s21  }
0x56b: {  	[hbm4b:s25+s3] =	stream.linear.scatter [tilespmem:s24], [sflag:$0x5], $0x80, $0x38;
	[tilespmem:$0x14100] =	vst v63  }
0x56c: {  	s24 =	sadd.s32 $0xE598, s20;
	s25 =	sadd.s32 $0x30, s21  }
0x56d: {  	[hbm4b:s25+s3] =	stream.linear.scatter [tilespmem:s24], [sflag:$0x5], $0x80, $0x38;
	[tilespmem:$0x14100] =	vst v63  }
0x56e: {  	s24 =	sadd.s32 $0xE620, s20;
	s25 =	sadd.s32 $0x40, s21  }
0x56f: {  	[hbm4b:s25+s3] =	stream.linear.scatter [tilespmem:s24], [sflag:$0x5], $0x80, $0x38;
	[tilespmem:$0x14100] =	vst v63  }
0x570: {  	s24 =	sadd.s32 $0xE6A8, s20;
	s25 =	sadd.s32 $0x50, s21  }
0x571: {  	[hbm4b:s25+s3] =	stream.linear.scatter [tilespmem:s24], [sflag:$0x5], $0x80, $0x38;
	[tilespmem:$0x14100] =	vst v63  }
0x572: {  	s24 =	sadd.s32 $0xE730, s20;
	s25 =	sadd.s32 $0x60, s21  }
0x573: {  	[hbm4b:s25+s3] =	stream.linear.scatter [tilespmem:s24], [sflag:$0x5], $0x80, $0x38;
	[tilespmem:$0x14100] =	vst v63  }
0x574: {  	s23 =	sadd.s32 $0x70, s21;
	s22 =	sadd.s32 $0xE7B8, s20  }
0x575: {  	[hbm4b:s23+s3] =	stream.linear.scatter [tilespmem:s22], [sflag:$0x5], $0x80, $0x38;
	[tilespmem:$0x14100] =	vst v63  }
0x576: {  	_ =	swait.ge [sflag:s13], $0x1000  }
0x577: {  	[sflag:s13] =	ssyncset.done $0x0  }
0x578: {  	[sflag:s13] =	ssyncadd.s32 $0xFFFFF000  }
0x579: {  	_ =	swait.ge [sflag:s13], $0x1000  }
0x57a: {  	[sflag:s13] =	ssyncset.done $0x0  }
0x57b: {  	[sflag:s13] =	ssyncadd.s32 $0xFFFFF000  }
0x57c: {  	s19 =	sor.u32 $0x6, s19;
	_ =	swait.ge [sflag:s14], $0x2000  }
0x57d: {  	s24 =	sshll.u32 s19, $0x5;
	s25 =	simm.s32 $0x0;
	[sflag:s14] =	ssyncset.done $0x0  }
0x57e: {  	s20 =	sand.u32 $0x3FFFFFE0, s24;
	v18 =	vmov s25;
	[sflag:s14] =	ssyncadd.s32 $0xFFFFE000  }
0x57f: {  	v19 =	vshrl.u32 v18, $0x3;
	v17 =	vld [tilespmem:s20+$0x12800]  }
0x580: {  	v19 =	vshll.u32 v19, v1;
	v18 =	vld [tilespmem:s20+$0x12810];
	s20 =	simm.s32 $0x0  }
0x581: {  	v19 =	vbroadcast v19, $0x0;
	v20 =	vld [tilespmem:s20+$0xC400]  }
0x582: {  	v21 =	vld [tilespmem:s20+$0xC410]  }
0x583: {  	v22 =	vadd.s32 v0, v19  }
0x584: {  	v19 =	vadd.s32 v2, v19;
	_ =	sdelay $0x1  }
0x585: {  	s22 =	simm.s32 $0x1;
	v20 =	vadd.f32 v20, v17  }
0x586: {  	v23 =	vmov s22;
	v21 =	vadd.f32 v21, v18  }
0x587: {  	[tilespmem:v22+s1+$0x0] =	vst.idx.msk $0xffff, v20;
	v20 =	vshrl.u32 v23, $0x3  }
0x588: {  	[tilespmem:v19+s1+$0x0] =	vst.idx.msk $0xffff, v21;
	v19 =	vshll.u32 v20, v1  }
0x589: {  	v20 =	vld [tilespmem:s20+$0xC420];
	v19 =	vbroadcast v19, $0x0  }
0x58a: {  	v21 =	vld [tilespmem:s20+$0xC430]  }
0x58b: {  	v22 =	vadd.s32 v3, v19  }
0x58c: {  	v19 =	vadd.s32 v4, v19;
	_ =	sdelay $0x1  }
0x58d: {  	s23 =	simm.s32 $0x2;
	v20 =	vadd.f32 v20, v17  }
0x58e: {  	v23 =	vmov s23;
	v21 =	vadd.f32 v21, v18  }
0x58f: {  	[tilespmem:v22+s1+$0x0] =	vst.idx.msk $0xffff, v20;
	v20 =	vshrl.u32 v23, $0x3  }
0x590: {  	[tilespmem:v19+s1+$0x0] =	vst.idx.msk $0xffff, v21;
	v19 =	vshll.u32 v20, v1  }
0x591: {  	v20 =	vld [tilespmem:s20+$0xC440];
	v19 =	vbroadcast v19, $0x0  }
0x592: {  	v21 =	vld [tilespmem:s20+$0xC450]  }
0x593: {  	v22 =	vadd.s32 v5, v19  }
0x594: {  	v19 =	vadd.s32 v6, v19;
	_ =	sdelay $0x1  }
0x595: {  	s24 =	simm.s32 $0x3;
	v20 =	vadd.f32 v20, v17  }
0x596: {  	v23 =	vmov s24;
	v21 =	vadd.f32 v21, v18  }
0x597: {  	[tilespmem:v22+s1+$0x0] =	vst.idx.msk $0xffff, v20;
	v20 =	vshrl.u32 v23, $0x3  }
0x598: {  	[tilespmem:v19+s1+$0x0] =	vst.idx.msk $0xffff, v21;
	v19 =	vshll.u32 v20, v1  }
0x599: {  	v20 =	vld [tilespmem:s20+$0xC460];
	v19 =	vbroadcast v19, $0x0  }
0x59a: {  	v21 =	vld [tilespmem:s20+$0xC470]  }
0x59b: {  	v22 =	vadd.s32 v7, v19  }
0x59c: {  	v19 =	vadd.s32 v8, v19;
	_ =	sdelay $0x1  }
0x59d: {  	s25 =	simm.s32 $0x4;
	v20 =	vadd.f32 v20, v17  }
0x59e: {  	v23 =	vmov s25;
	v21 =	vadd.f32 v21, v18  }
0x59f: {  	[tilespmem:v22+s1+$0x0] =	vst.idx.msk $0xffff, v20;
	v20 =	vshrl.u32 v23, $0x3  }
0x5a0: {  	[tilespmem:v19+s1+$0x0] =	vst.idx.msk $0xffff, v21;
	v19 =	vshll.u32 v20, v1  }
0x5a1: {  	v20 =	vld [tilespmem:s20+$0xC480];
	v19 =	vbroadcast v19, $0x0  }
0x5a2: {  	v21 =	vld [tilespmem:s20+$0xC490]  }
0x5a3: {  	v22 =	vadd.s32 v9, v19  }
0x5a4: {  	v19 =	vadd.s32 v10, v19;
	_ =	sdelay $0x1  }
0x5a5: {  	s22 =	simm.s32 $0x5;
	v20 =	vadd.f32 v20, v17  }
0x5a6: {  	v23 =	vmov s22;
	v21 =	vadd.f32 v21, v18  }
0x5a7: {  	[tilespmem:v22+s1+$0x0] =	vst.idx.msk $0xffff, v20;
	v20 =	vshrl.u32 v23, $0x3  }
0x5a8: {  	[tilespmem:v19+s1+$0x0] =	vst.idx.msk $0xffff, v21;
	v19 =	vshll.u32 v20, v1  }
0x5a9: {  	v20 =	vld [tilespmem:s20+$0xC4A0];
	v19 =	vbroadcast v19, $0x0  }
0x5aa: {  	v21 =	vld [tilespmem:s20+$0xC4B0]  }
0x5ab: {  	v22 =	vadd.s32 v11, v19  }
0x5ac: {  	v19 =	vadd.s32 v12, v19;
	_ =	sdelay $0x1  }
0x5ad: {  	s23 =	simm.s32 $0x6;
	v20 =	vadd.f32 v20, v17  }
0x5ae: {  	v23 =	vmov s23;
	v21 =	vadd.f32 v21, v18  }
0x5af: {  	[tilespmem:v22+s1+$0x0] =	vst.idx.msk $0xffff, v20;
	v20 =	vshrl.u32 v23, $0x3  }
0x5b0: {  	[tilespmem:v19+s1+$0x0] =	vst.idx.msk $0xffff, v21;
	v19 =	vshll.u32 v20, v1  }
0x5b1: {  	v20 =	vld [tilespmem:s20+$0xC4C0];
	v19 =	vbroadcast v19, $0x0  }
0x5b2: {  	v21 =	vld [tilespmem:s20+$0xC4D0]  }
0x5b3: {  	v22 =	vadd.s32 v13, v19  }
0x5b4: {  	v19 =	vadd.s32 v14, v19;
	_ =	sdelay $0x1  }
0x5b5: {  	s24 =	simm.s32 $0x7;
	v20 =	vadd.f32 v20, v17  }
0x5b6: {  	v23 =	vmov s24;
	v21 =	vadd.f32 v21, v18  }
0x5b7: {  	[tilespmem:v22+s1+$0x0] =	vst.idx.msk $0xffff, v20;
	v20 =	vshrl.u32 v23, $0x3  }
0x5b8: {  	[tilespmem:v19+s1+$0x0] =	vst.idx.msk $0xffff, v21;
	v19 =	vshll.u32 v20, v1  }
0x5b9: {  	v20 =	vld [tilespmem:s20+$0xC4E0];
	v19 =	vbroadcast v19, $0x0  }
0x5ba: {  	v21 =	vld [tilespmem:s20+$0xC4F0]  }
0x5bb: {  	v22 =	vadd.s32 v15, v19  }
0x5bc: {  	v19 =	vadd.s32 v16, v19;
	_ =	sdelay $0x1  }
0x5bd: {  	s25 =	simm.s32 $0x8;
	v23 =	vadd.f32 v20, v17  }
0x5be: {  	v24 =	vmov s25;
	v20 =	vadd.f32 v21, v18  }
0x5bf: {  	s21 =	simm.s32 $0xF;
	s22 =	simm.s32 $0x800;
	s20 =	simm.s32 $0x100;
	v21 =	vshrl.u32 v24, $0x3;
	[tilespmem:v22+s1+$0x0] =	vst.idx.msk $0xffff, v23  }
.LBB2_21:
0x5c0: {  	s23 =	sshra.s32 s22, $0x2;
	p1 =	sne.s32 s22, $0x3C00;
	s22 =	sadd.s32 $0x400, s22;
	v21 =	vshll.u32 v21, v1;
	[tilespmem:v19+s1+$0x0] =	vst.idx.msk $0xffff, v20  }
0x5c1: {  	v19 =	vld [tilespmem:s20+$0xC400];
	v20 =	vbroadcast v21, $0x0  }
0x5c2: {  	v21 =	vld [tilespmem:s20+$0xC410]  }
0x5c3: {  	v22 =	vadd.s32 v0, v20  }
0x5c4: {  	v20 =	vadd.s32 v2, v20;
	_ =	sdelay $0x1  }
0x5c5: {  	s24 =	sadd.s32 $0xFFFFFFFA, s21;
	v19 =	vadd.f32 v19, v17  }
0x5c6: {  	v23 =	vmov s24;
	v21 =	vadd.f32 v21, v18  }
0x5c7: {  	[tilespmem:v22+s1+$0x0] =	vst.idx.msk $0xffff, v19;
	v19 =	vshrl.u32 v23, $0x3  }
0x5c8: {  	[tilespmem:v20+s1+$0x0] =	vst.idx.msk $0xffff, v21;
	v19 =	vshll.u32 v19, v1  }
0x5c9: {  	v20 =	vld [tilespmem:s20+$0xC420];
	v19 =	vbroadcast v19, $0x0  }
0x5ca: {  	v21 =	vld [tilespmem:s20+$0xC430]  }
0x5cb: {  	v22 =	vadd.s32 v3, v19  }
0x5cc: {  	v19 =	vadd.s32 v4, v19;
	_ =	sdelay $0x1  }
0x5cd: {  	s24 =	sadd.s32 $0xFFFFFFFB, s21;
	v20 =	vadd.f32 v20, v17  }
0x5ce: {  	v23 =	vmov s24;
	v21 =	vadd.f32 v21, v18  }
0x5cf: {  	[tilespmem:v22+s1+$0x0] =	vst.idx.msk $0xffff, v20;
	v20 =	vshrl.u32 v23, $0x3  }
0x5d0: {  	[tilespmem:v19+s1+$0x0] =	vst.idx.msk $0xffff, v21;
	v19 =	vshll.u32 v20, v1  }
0x5d1: {  	v20 =	vld [tilespmem:s20+$0xC440];
	v19 =	vbroadcast v19, $0x0  }
0x5d2: {  	v21 =	vld [tilespmem:s20+$0xC450]  }
0x5d3: {  	v22 =	vadd.s32 v5, v19  }
0x5d4: {  	v19 =	vadd.s32 v6, v19;
	_ =	sdelay $0x1  }
0x5d5: {  	s24 =	sadd.s32 $0xFFFFFFFC, s21;
	v20 =	vadd.f32 v20, v17  }
0x5d6: {  	v23 =	vmov s24;
	v21 =	vadd.f32 v21, v18  }
0x5d7: {  	[tilespmem:v22+s1+$0x0] =	vst.idx.msk $0xffff, v20;
	v20 =	vshrl.u32 v23, $0x3  }
0x5d8: {  	[tilespmem:v19+s1+$0x0] =	vst.idx.msk $0xffff, v21;
	v19 =	vshll.u32 v20, v1  }
0x5d9: {  	v20 =	vld [tilespmem:s20+$0xC460];
	v19 =	vbroadcast v19, $0x0  }
0x5da: {  	v21 =	vld [tilespmem:s20+$0xC470]  }
0x5db: {  	v22 =	vadd.s32 v7, v19  }
0x5dc: {  	v19 =	vadd.s32 v8, v19;
	_ =	sdelay $0x1  }
0x5dd: {  	s24 =	sadd.s32 $0xFFFFFFFD, s21;
	v20 =	vadd.f32 v20, v17  }
0x5de: {  	v23 =	vmov s24;
	v21 =	vadd.f32 v21, v18  }
0x5df: {  	[tilespmem:v22+s1+$0x0] =	vst.idx.msk $0xffff, v20;
	v20 =	vshrl.u32 v23, $0x3  }
0x5e0: {  	[tilespmem:v19+s1+$0x0] =	vst.idx.msk $0xffff, v21;
	v19 =	vshll.u32 v20, v1  }
0x5e1: {  	v20 =	vld [tilespmem:s20+$0xC480];
	v19 =	vbroadcast v19, $0x0  }
0x5e2: {  	v21 =	vld [tilespmem:s20+$0xC490]  }
0x5e3: {  	v22 =	vadd.s32 v9, v19  }
0x5e4: {  	v19 =	vadd.s32 v10, v19;
	_ =	sdelay $0x1  }
0x5e5: {  	s24 =	sadd.s32 $0xFFFFFFFE, s21;
	v20 =	vadd.f32 v20, v17  }
0x5e6: {  	v23 =	vmov s24;
	v21 =	vadd.f32 v21, v18  }
0x5e7: {  	[tilespmem:v22+s1+$0x0] =	vst.idx.msk $0xffff, v20;
	v20 =	vshrl.u32 v23, $0x3  }
0x5e8: {  	[tilespmem:v19+s1+$0x0] =	vst.idx.msk $0xffff, v21;
	v19 =	vshll.u32 v20, v1  }
0x5e9: {  	v20 =	vld [tilespmem:s20+$0xC4A0];
	v19 =	vbroadcast v19, $0x0  }
0x5ea: {  	v21 =	vld [tilespmem:s20+$0xC4B0]  }
0x5eb: {  	v22 =	vadd.s32 v11, v19  }
0x5ec: {  	v19 =	vadd.s32 v12, v19;
	_ =	sdelay $0x1  }
0x5ed: {  	s24 =	sadd.s32 $0xFFFFFFFF, s21;
	v20 =	vadd.f32 v20, v17  }
0x5ee: {  	v23 =	vmov s24;
	v21 =	vadd.f32 v21, v18  }
0x5ef: {  	[tilespmem:v22+s1+$0x0] =	vst.idx.msk $0xffff, v20;
	v20 =	vshrl.u32 v23, $0x3  }
0x5f0: {  	[tilespmem:v19+s1+$0x0] =	vst.idx.msk $0xffff, v21;
	v19 =	vshll.u32 v20, v1  }
0x5f1: {  	v20 =	vld [tilespmem:s20+$0xC4C0];
	v19 =	vbroadcast v19, $0x0  }
0x5f2: {  	v21 =	vld [tilespmem:s20+$0xC4D0]  }
0x5f3: {  	v22 =	vadd.s32 v13, v19  }
0x5f4: {  	v19 =	vadd.s32 v14, v19;
	_ =	sdelay $0x1  }
0x5f5: {  	v20 =	vadd.f32 v20, v17  }
0x5f6: {  	v23 =	vmov s21;
	v21 =	vadd.f32 v21, v18  }
0x5f7: {  	[tilespmem:v22+s1+$0x0] =	vst.idx.msk $0xffff, v20;
	v20 =	vshrl.u32 v23, $0x3  }
0x5f8: {  	[tilespmem:v19+s1+$0x0] =	vst.idx.msk $0xffff, v21;
	v19 =	vshll.u32 v20, v1  }
0x5f9: {  	v20 =	vld [tilespmem:s20+$0xC4E0];
	v19 =	vbroadcast v19, $0x0  }
0x5fa: {  	v21 =	vld [tilespmem:s20+$0xC4F0];
	s20 =	smov.u32 s23  }
0x5fb: {  	v22 =	vadd.s32 v15, v19  }
.Ltmp9:
0x5fc: {  	v19 =	vadd.s32 v16, v19;
	(pc) =	sbr.rel @p1 .LBB2_21-.Ltmp9, $4  }
0x5fd: {  	s21 =	sadd.s32 $0x8, s21  }
0x5fe: {  	s23 =	sadd.s32 $0xFFFFFFF9, s21;
	v23 =	vadd.f32 v20, v17  }
0x5ff: {  	v24 =	vmov s23;
	v20 =	vadd.f32 v21, v18  }
0x600: {  	v21 =	vshrl.u32 v24, $0x3;
	[tilespmem:v22+s1+$0x0] =	vst.idx.msk $0xffff, v23  }
0x601: {  	_ =	sdelay $0x3  }
0x602: {  	v21 =	vshll.u32 v21, v1;
	[tilespmem:v19+s1+$0x0] =	vst.idx.msk $0xffff, v20  }
0x603: {  	v19 =	vld [tilespmem:s20+$0xC400];
	v20 =	vbroadcast v21, $0x0  }
0x604: {  	v21 =	vld [tilespmem:s20+$0xC410]  }
0x605: {  	v22 =	vadd.s32 v0, v20  }
0x606: {  	v20 =	vadd.s32 v2, v20;
	_ =	sdelay $0x1  }
0x607: {  	s22 =	sadd.s32 $0xFFFFFFFA, s21;
	v19 =	vadd.f32 v19, v17  }
0x608: {  	v23 =	vmov s22;
	v21 =	vadd.f32 v21, v18  }
0x609: {  	[tilespmem:v22+s1+$0x0] =	vst.idx.msk $0xffff, v19;
	v19 =	vshrl.u32 v23, $0x3  }
0x60a: {  	[tilespmem:v20+s1+$0x0] =	vst.idx.msk $0xffff, v21;
	v19 =	vshll.u32 v19, v1  }
0x60b: {  	v20 =	vld [tilespmem:s20+$0xC420];
	v19 =	vbroadcast v19, $0x0  }
0x60c: {  	v21 =	vld [tilespmem:s20+$0xC430]  }
0x60d: {  	v22 =	vadd.s32 v3, v19  }
0x60e: {  	v19 =	vadd.s32 v4, v19;
	_ =	sdelay $0x1  }
0x60f: {  	s25 =	sadd.s32 $0xFFFFFFFB, s21;
	v20 =	vadd.f32 v20, v17  }
0x610: {  	v23 =	vmov s25;
	v21 =	vadd.f32 v21, v18  }
0x611: {  	[tilespmem:v22+s1+$0x0] =	vst.idx.msk $0xffff, v20;
	v20 =	vshrl.u32 v23, $0x3  }
0x612: {  	[tilespmem:v19+s1+$0x0] =	vst.idx.msk $0xffff, v21;
	v19 =	vshll.u32 v20, v1  }
0x613: {  	v20 =	vld [tilespmem:s20+$0xC440];
	v19 =	vbroadcast v19, $0x0  }
0x614: {  	v21 =	vld [tilespmem:s20+$0xC450]  }
0x615: {  	v22 =	vadd.s32 v5, v19  }
0x616: {  	v19 =	vadd.s32 v6, v19;
	_ =	sdelay $0x1  }
0x617: {  	s23 =	sadd.s32 $0xFFFFFFFC, s21;
	v20 =	vadd.f32 v20, v17  }
0x618: {  	v23 =	vmov s23;
	v21 =	vadd.f32 v21, v18  }
0x619: {  	[tilespmem:v22+s1+$0x0] =	vst.idx.msk $0xffff, v20;
	v20 =	vshrl.u32 v23, $0x3  }
0x61a: {  	[tilespmem:v19+s1+$0x0] =	vst.idx.msk $0xffff, v21;
	v19 =	vshll.u32 v20, v1  }
0x61b: {  	v20 =	vld [tilespmem:s20+$0xC460];
	v19 =	vbroadcast v19, $0x0  }
0x61c: {  	v21 =	vld [tilespmem:s20+$0xC470]  }
0x61d: {  	v22 =	vadd.s32 v7, v19  }
0x61e: {  	v19 =	vadd.s32 v8, v19;
	_ =	sdelay $0x1  }
0x61f: {  	s24 =	sadd.s32 $0xFFFFFFFD, s21;
	v20 =	vadd.f32 v20, v17  }
0x620: {  	v23 =	vmov s24;
	v21 =	vadd.f32 v21, v18  }
0x621: {  	[tilespmem:v22+s1+$0x0] =	vst.idx.msk $0xffff, v20;
	v20 =	vshrl.u32 v23, $0x3  }
0x622: {  	[tilespmem:v19+s1+$0x0] =	vst.idx.msk $0xffff, v21;
	v19 =	vshll.u32 v20, v1  }
0x623: {  	v20 =	vld [tilespmem:s20+$0xC480];
	v19 =	vbroadcast v19, $0x0  }
0x624: {  	v21 =	vld [tilespmem:s20+$0xC490]  }
0x625: {  	v22 =	vadd.s32 v9, v19  }
0x626: {  	v19 =	vadd.s32 v10, v19;
	_ =	sdelay $0x1  }
0x627: {  	s25 =	sadd.s32 $0xFFFFFFFE, s21;
	v20 =	vadd.f32 v20, v17  }
0x628: {  	v23 =	vmov s25;
	v21 =	vadd.f32 v21, v18  }
0x629: {  	[tilespmem:v22+s1+$0x0] =	vst.idx.msk $0xffff, v20;
	v20 =	vshrl.u32 v23, $0x3  }
0x62a: {  	[tilespmem:v19+s1+$0x0] =	vst.idx.msk $0xffff, v21;
	v19 =	vshll.u32 v20, v1  }
0x62b: {  	v20 =	vld [tilespmem:s20+$0xC4A0];
	v19 =	vbroadcast v19, $0x0  }
0x62c: {  	v21 =	vld [tilespmem:s20+$0xC4B0]  }
0x62d: {  	v22 =	vadd.s32 v11, v19  }
0x62e: {  	v19 =	vadd.s32 v12, v19;
	_ =	sdelay $0x1  }
0x62f: {  	s23 =	sadd.s32 $0xFFFFFFFF, s21;
	v20 =	vadd.f32 v20, v17  }
0x630: {  	v23 =	vmov s23;
	v21 =	vadd.f32 v21, v18  }
0x631: {  	[tilespmem:v22+s1+$0x0] =	vst.idx.msk $0xffff, v20;
	v20 =	vshrl.u32 v23, $0x3  }
0x632: {  	[tilespmem:v19+s1+$0x0] =	vst.idx.msk $0xffff, v21;
	v19 =	vshll.u32 v20, v1  }
0x633: {  	v20 =	vld [tilespmem:s20+$0xC4C0];
	v19 =	vbroadcast v19, $0x0  }
0x634: {  	v21 =	vld [tilespmem:s20+$0xC4D0]  }
0x635: {  	v22 =	vadd.s32 v13, v19  }
0x636: {  	v19 =	vadd.s32 v14, v19;
	_ =	sdelay $0x1  }
0x637: {  	v20 =	vadd.f32 v20, v17  }
0x638: {  	v23 =	vmov s21;
	v21 =	vadd.f32 v21, v18  }
0x639: {  	[tilespmem:v22+s1+$0x0] =	vst.idx.msk $0xffff, v20;
	v20 =	vshrl.u32 v23, $0x3  }
0x63a: {  	[tilespmem:v19+s1+$0x0] =	vst.idx.msk $0xffff, v21;
	v19 =	vshll.u32 v20, v1  }
0x63b: {  	v20 =	vld [tilespmem:s20+$0xC4E0];
	v19 =	vbroadcast v19, $0x0  }
0x63c: {  	v21 =	vld [tilespmem:s20+$0xC4F0]  }
0x63d: {  	v22 =	vadd.s32 v15, v19  }
0x63e: {  	v19 =	vadd.s32 v16, v19;
	_ =	sdelay $0x1  }
0x63f: {  	v17 =	vadd.f32 v20, v17  }
0x640: {  	v18 =	vadd.f32 v21, v18  }
0x641: {  	s24 =	simm.s32 $0x0;
	[tilespmem:v22+s1+$0x0] =	vst.idx.msk $0xffff, v17  }
0x642: {  	[tilespmem:v19+s1+$0x0] =	vst.idx.msk $0xffff, v18;
	v18 =	vmov s24  }
0x643: {  	v17 =	vld [tilespmem:s17+$0x128E0];
	v19 =	vshrl.u32 v18, $0x3  }
0x644: {  	s25 =	simm.s32 $0x0;
	v18 =	vld [tilespmem:s17+$0x128F0];
	v19 =	vshll.u32 v19, $0x3  }
0x645: {  	v20 =	vld [tilespmem:s25+$0xD400];
	v19 =	vbroadcast v19, $0x0  }
0x646: {  	v21 =	vld [tilespmem:s25+$0xD410]  }
0x647: {  	v22 =	vadd.s32 v0, v19  }
0x648: {  	v23 =	vadd.s32 v2, v19;
	_ =	sdelay $0x1  }
0x649: {  	v20 =	vadd.f32 v20, v17  }
0x64a: {  	v21 =	vadd.f32 v21, v18  }
0x64b: {  	[tilespmem:v22+s0+$0x0] =	vst.idx.msk $0xffff, v20  }
0x64c: {  	[tilespmem:v23+s0+$0x0] =	vst.idx.msk $0xffff, v21  }
0x64d: {  	v20 =	vld [tilespmem:s25+$0xD420]  }
0x64e: {  	v21 =	vld [tilespmem:s25+$0xD430]  }
0x64f: {  	v22 =	vadd.s32 v3, v19  }
0x650: {  	v23 =	vadd.s32 v4, v19;
	_ =	sdelay $0x1  }
0x651: {  	v20 =	vadd.f32 v20, v17  }
0x652: {  	v21 =	vadd.f32 v21, v18  }
0x653: {  	[tilespmem:v22+s0+$0x0] =	vst.idx.msk $0xffff, v20  }
0x654: {  	[tilespmem:v23+s0+$0x0] =	vst.idx.msk $0xffff, v21  }
0x655: {  	v20 =	vld [tilespmem:s25+$0xD440]  }
0x656: {  	v21 =	vld [tilespmem:s25+$0xD450]  }
0x657: {  	v22 =	vadd.s32 v5, v19  }
0x658: {  	v23 =	vadd.s32 v6, v19;
	_ =	sdelay $0x1  }
0x659: {  	v20 =	vadd.f32 v20, v17  }
0x65a: {  	v21 =	vadd.f32 v21, v18  }
0x65b: {  	[tilespmem:v22+s0+$0x0] =	vst.idx.msk $0xffff, v20  }
0x65c: {  	[tilespmem:v23+s0+$0x0] =	vst.idx.msk $0xffff, v21  }
0x65d: {  	v20 =	vld [tilespmem:s25+$0xD460]  }
0x65e: {  	v21 =	vld [tilespmem:s25+$0xD470]  }
0x65f: {  	v22 =	vadd.s32 v7, v19  }
0x660: {  	v23 =	vadd.s32 v8, v19;
	_ =	sdelay $0x1  }
0x661: {  	v20 =	vadd.f32 v20, v17  }
0x662: {  	v21 =	vadd.f32 v21, v18  }
0x663: {  	[tilespmem:v22+s0+$0x0] =	vst.idx.msk $0xffff, v20  }
0x664: {  	[tilespmem:v23+s0+$0x0] =	vst.idx.msk $0xffff, v21  }
0x665: {  	v20 =	vld [tilespmem:s25+$0xD480]  }
0x666: {  	v21 =	vld [tilespmem:s25+$0xD490]  }
0x667: {  	v22 =	vadd.s32 v9, v19  }
0x668: {  	v23 =	vadd.s32 v10, v19;
	_ =	sdelay $0x1  }
0x669: {  	v20 =	vadd.f32 v20, v17  }
0x66a: {  	v21 =	vadd.f32 v21, v18  }
0x66b: {  	[tilespmem:v22+s0+$0x0] =	vst.idx.msk $0xffff, v20  }
0x66c: {  	[tilespmem:v23+s0+$0x0] =	vst.idx.msk $0xffff, v21  }
0x66d: {  	v20 =	vld [tilespmem:s25+$0xD4A0]  }
0x66e: {  	v21 =	vld [tilespmem:s25+$0xD4B0]  }
0x66f: {  	v22 =	vadd.s32 v11, v19  }
0x670: {  	v23 =	vadd.s32 v12, v19;
	_ =	sdelay $0x1  }
0x671: {  	v20 =	vadd.f32 v20, v17  }
0x672: {  	v21 =	vadd.f32 v21, v18  }
0x673: {  	[tilespmem:v22+s0+$0x0] =	vst.idx.msk $0xffff, v20  }
0x674: {  	[tilespmem:v23+s0+$0x0] =	vst.idx.msk $0xffff, v21  }
0x675: {  	v20 =	vld [tilespmem:s25+$0xD4C0]  }
0x676: {  	v21 =	vld [tilespmem:s25+$0xD4D0]  }
0x677: {  	v22 =	vadd.s32 v13, v19  }
0x678: {  	v23 =	vadd.s32 v14, v19;
	_ =	sdelay $0x1  }
0x679: {  	v20 =	vadd.f32 v20, v17  }
0x67a: {  	v21 =	vadd.f32 v21, v18  }
0x67b: {  	[tilespmem:v22+s0+$0x0] =	vst.idx.msk $0xffff, v20  }
0x67c: {  	[tilespmem:v23+s0+$0x0] =	vst.idx.msk $0xffff, v21  }
0x67d: {  	v20 =	vld [tilespmem:s25+$0xD4E0]  }
0x67e: {  	v21 =	vld [tilespmem:s25+$0xD4F0]  }
0x67f: {  	v22 =	vadd.s32 v15, v19  }
0x680: {  	v19 =	vadd.s32 v16, v19;
	_ =	sdelay $0x1  }
0x681: {  	s20 =	simm.s32 $0x8;
	v23 =	vadd.f32 v20, v17  }
0x682: {  	v24 =	vmov s20;
	v20 =	vadd.f32 v21, v18  }
0x683: {  	s21 =	simm.s32 $0x800;
	s17 =	simm.s32 $0x100;
	v21 =	vshrl.u32 v24, $0x3;
	[tilespmem:v22+s0+$0x0] =	vst.idx.msk $0xffff, v23  }
.LBB2_23:
0x684: {  	s22 =	sshra.s32 s21, $0x2;
	p1 =	sne.s32 s21, $0x3C00;
	s21 =	sadd.s32 $0x400, s21;
	v21 =	vshll.u32 v21, $0x3;
	[tilespmem:v19+s0+$0x0] =	vst.idx.msk $0xffff, v20  }
0x685: {  	v19 =	vld [tilespmem:s17+$0xD400];
	v20 =	vbroadcast v21, $0x0  }
0x686: {  	v21 =	vld [tilespmem:s17+$0xD410]  }
0x687: {  	v22 =	vadd.s32 v0, v20  }
0x688: {  	v23 =	vadd.s32 v2, v20;
	_ =	sdelay $0x1  }
0x689: {  	v19 =	vadd.f32 v19, v17  }
0x68a: {  	v21 =	vadd.f32 v21, v18  }
0x68b: {  	[tilespmem:v22+s0+$0x0] =	vst.idx.msk $0xffff, v19  }
0x68c: {  	[tilespmem:v23+s0+$0x0] =	vst.idx.msk $0xffff, v21  }
0x68d: {  	v19 =	vld [tilespmem:s17+$0xD420]  }
0x68e: {  	v21 =	vld [tilespmem:s17+$0xD430]  }
0x68f: {  	v22 =	vadd.s32 v3, v20  }
0x690: {  	v23 =	vadd.s32 v4, v20;
	_ =	sdelay $0x1  }
0x691: {  	v19 =	vadd.f32 v19, v17  }
0x692: {  	v21 =	vadd.f32 v21, v18  }
0x693: {  	[tilespmem:v22+s0+$0x0] =	vst.idx.msk $0xffff, v19  }
0x694: {  	[tilespmem:v23+s0+$0x0] =	vst.idx.msk $0xffff, v21  }
0x695: {  	v19 =	vld [tilespmem:s17+$0xD440]  }
0x696: {  	v21 =	vld [tilespmem:s17+$0xD450]  }
0x697: {  	v22 =	vadd.s32 v5, v20  }
0x698: {  	v23 =	vadd.s32 v6, v20;
	_ =	sdelay $0x1  }
0x699: {  	v19 =	vadd.f32 v19, v17  }
0x69a: {  	v21 =	vadd.f32 v21, v18  }
0x69b: {  	[tilespmem:v22+s0+$0x0] =	vst.idx.msk $0xffff, v19  }
0x69c: {  	[tilespmem:v23+s0+$0x0] =	vst.idx.msk $0xffff, v21  }
0x69d: {  	v19 =	vld [tilespmem:s17+$0xD460]  }
0x69e: {  	v21 =	vld [tilespmem:s17+$0xD470]  }
0x69f: {  	v22 =	vadd.s32 v7, v20  }
0x6a0: {  	v23 =	vadd.s32 v8, v20;
	_ =	sdelay $0x1  }
0x6a1: {  	v19 =	vadd.f32 v19, v17  }
0x6a2: {  	v21 =	vadd.f32 v21, v18  }
0x6a3: {  	[tilespmem:v22+s0+$0x0] =	vst.idx.msk $0xffff, v19  }
0x6a4: {  	[tilespmem:v23+s0+$0x0] =	vst.idx.msk $0xffff, v21  }
0x6a5: {  	v19 =	vld [tilespmem:s17+$0xD480]  }
0x6a6: {  	v21 =	vld [tilespmem:s17+$0xD490]  }
0x6a7: {  	v22 =	vadd.s32 v9, v20  }
0x6a8: {  	v23 =	vadd.s32 v10, v20;
	_ =	sdelay $0x1  }
0x6a9: {  	v19 =	vadd.f32 v19, v17  }
0x6aa: {  	v21 =	vadd.f32 v21, v18  }
0x6ab: {  	[tilespmem:v22+s0+$0x0] =	vst.idx.msk $0xffff, v19  }
0x6ac: {  	[tilespmem:v23+s0+$0x0] =	vst.idx.msk $0xffff, v21  }
0x6ad: {  	v19 =	vld [tilespmem:s17+$0xD4A0]  }
0x6ae: {  	v21 =	vld [tilespmem:s17+$0xD4B0]  }
0x6af: {  	v22 =	vadd.s32 v11, v20  }
0x6b0: {  	v23 =	vadd.s32 v12, v20;
	_ =	sdelay $0x1  }
0x6b1: {  	v19 =	vadd.f32 v19, v17  }
0x6b2: {  	v21 =	vadd.f32 v21, v18  }
0x6b3: {  	[tilespmem:v22+s0+$0x0] =	vst.idx.msk $0xffff, v19  }
0x6b4: {  	[tilespmem:v23+s0+$0x0] =	vst.idx.msk $0xffff, v21  }
0x6b5: {  	v19 =	vld [tilespmem:s17+$0xD4C0]  }
0x6b6: {  	v21 =	vld [tilespmem:s17+$0xD4D0]  }
0x6b7: {  	v22 =	vadd.s32 v13, v20  }
0x6b8: {  	v23 =	vadd.s32 v14, v20;
	_ =	sdelay $0x1  }
0x6b9: {  	v19 =	vadd.f32 v19, v17  }
0x6ba: {  	v21 =	vadd.f32 v21, v18  }
0x6bb: {  	[tilespmem:v22+s0+$0x0] =	vst.idx.msk $0xffff, v19  }
0x6bc: {  	[tilespmem:v23+s0+$0x0] =	vst.idx.msk $0xffff, v21  }
0x6bd: {  	v21 =	vld [tilespmem:s17+$0xD4E0]  }
0x6be: {  	v22 =	vld [tilespmem:s17+$0xD4F0];
	s17 =	smov.u32 s22  }
0x6bf: {  	v23 =	vadd.s32 v15, v20  }
.Ltmp10:
0x6c0: {  	v19 =	vadd.s32 v16, v20;
	(pc) =	sbr.rel @p1 .LBB2_23-.Ltmp10, $4  }
0x6c1: {  	_ = 	snop  }
0x6c2: {  	s20 =	sadd.s32 $0x8, s20;
	v24 =	vadd.f32 v21, v17  }
0x6c3: {  	v21 =	vmov s20;
	v20 =	vadd.f32 v22, v18  }
0x6c4: {  	v21 =	vshrl.u32 v21, $0x3;
	[tilespmem:v23+s0+$0x0] =	vst.idx.msk $0xffff, v24  }
0x6c5: {  	_ =	sdelay $0x3  }
0x6c6: {  	v21 =	vshll.u32 v21, $0x3;
	[tilespmem:v19+s0+$0x0] =	vst.idx.msk $0xffff, v20  }
0x6c7: {  	v19 =	vld [tilespmem:s17+$0xD400];
	v49 =	vbroadcast v21, $0x0  }
0x6c8: {  	v50 =	vld [tilespmem:s17+$0xD410]  }
0x6c9: {  	v22 =	vadd.s32 v0, v49  }
0x6ca: {  	v23 =	vadd.s32 v2, v49;
	_ =	sdelay $0x1  }
0x6cb: {  	v19 =	vadd.f32 v19, v17  }
0x6cc: {  	v21 =	vadd.f32 v50, v18  }
0x6cd: {  	[tilespmem:v22+s0+$0x0] =	vst.idx.msk $0xffff, v19  }
0x6ce: {  	[tilespmem:v23+s0+$0x0] =	vst.idx.msk $0xffff, v21  }
0x6cf: {  	v19 =	vld [tilespmem:s17+$0xD420]  }
0x6d0: {  	v21 =	vld [tilespmem:s17+$0xD430]  }
0x6d1: {  	v51 =	vadd.s32 v3, v49  }
0x6d2: {  	v52 =	vadd.s32 v4, v49;
	_ =	sdelay $0x1  }
0x6d3: {  	v19 =	vadd.f32 v19, v17  }
0x6d4: {  	v21 =	vadd.f32 v21, v18  }
0x6d5: {  	[tilespmem:v51+s0+$0x0] =	vst.idx.msk $0xffff, v19  }
0x6d6: {  	[tilespmem:v52+s0+$0x0] =	vst.idx.msk $0xffff, v21  }
0x6d7: {  	v19 =	vld [tilespmem:s17+$0xD440]  }
0x6d8: {  	v21 =	vld [tilespmem:s17+$0xD450]  }
0x6d9: {  	v53 =	vadd.s32 v5, v49  }
0x6da: {  	v54 =	vadd.s32 v6, v49;
	_ =	sdelay $0x1  }
0x6db: {  	v19 =	vadd.f32 v19, v17  }
0x6dc: {  	v21 =	vadd.f32 v21, v18  }
0x6dd: {  	[tilespmem:v53+s0+$0x0] =	vst.idx.msk $0xffff, v19  }
0x6de: {  	[tilespmem:v54+s0+$0x0] =	vst.idx.msk $0xffff, v21  }
0x6df: {  	v19 =	vld [tilespmem:s17+$0xD460]  }
0x6e0: {  	v21 =	vld [tilespmem:s17+$0xD470]  }
0x6e1: {  	v55 =	vadd.s32 v7, v49  }
0x6e2: {  	v56 =	vadd.s32 v8, v49;
	_ =	sdelay $0x1  }
0x6e3: {  	v19 =	vadd.f32 v19, v17  }
0x6e4: {  	v21 =	vadd.f32 v21, v18  }
0x6e5: {  	[tilespmem:v55+s0+$0x0] =	vst.idx.msk $0xffff, v19  }
0x6e6: {  	[tilespmem:v56+s0+$0x0] =	vst.idx.msk $0xffff, v21  }
0x6e7: {  	v19 =	vld [tilespmem:s17+$0xD480]  }
0x6e8: {  	v21 =	vld [tilespmem:s17+$0xD490]  }
0x6e9: {  	v57 =	vadd.s32 v9, v49  }
0x6ea: {  	v58 =	vadd.s32 v10, v49;
	_ =	sdelay $0x1  }
0x6eb: {  	v19 =	vadd.f32 v19, v17  }
0x6ec: {  	v21 =	vadd.f32 v21, v18  }
0x6ed: {  	[tilespmem:v57+s0+$0x0] =	vst.idx.msk $0xffff, v19  }
0x6ee: {  	[tilespmem:v58+s0+$0x0] =	vst.idx.msk $0xffff, v21  }
0x6ef: {  	v19 =	vld [tilespmem:s17+$0xD4A0]  }
0x6f0: {  	v21 =	vld [tilespmem:s17+$0xD4B0]  }
0x6f1: {  	v59 =	vadd.s32 v11, v49  }
0x6f2: {  	v60 =	vadd.s32 v12, v49;
	_ =	sdelay $0x1  }
0x6f3: {  	v19 =	vadd.f32 v19, v17  }
0x6f4: {  	v21 =	vadd.f32 v21, v18  }
0x6f5: {  	[tilespmem:v59+s0+$0x0] =	vst.idx.msk $0xffff, v19  }
0x6f6: {  	[tilespmem:v60+s0+$0x0] =	vst.idx.msk $0xffff, v21  }
0x6f7: {  	v19 =	vld [tilespmem:s17+$0xD4C0]  }
0x6f8: {  	v21 =	vld [tilespmem:s17+$0xD4D0]  }
0x6f9: {  	v61 =	vadd.s32 v13, v49  }
0x6fa: {  	v62 =	vadd.s32 v14, v49;
	_ =	sdelay $0x1  }
0x6fb: {  	v19 =	vadd.f32 v19, v17  }
0x6fc: {  	v21 =	vadd.f32 v21, v18  }
0x6fd: {  	[tilespmem:v61+s0+$0x0] =	vst.idx.msk $0xffff, v19  }
0x6fe: {  	[tilespmem:v62+s0+$0x0] =	vst.idx.msk $0xffff, v21  }
0x6ff: {  	v19 =	vld [tilespmem:s17+$0xD4E0]  }
0x700: {  	v21 =	vld [tilespmem:s17+$0xD4F0]  }
0x701: {  	v63 =	vadd.s32 v15, v49  }
0x702: {  	v20 =	vadd.s32 v16, v49;
	_ =	sdelay $0x1  }
0x703: {  	v17 =	vadd.f32 v19, v17  }
0x704: {  	v18 =	vadd.f32 v21, v18  }
0x705: {  	[tilespmem:v63+s0+$0x0] =	vst.idx.msk $0xffff, v17  }
0x706: {  	s20 =	simm.s32 @!p0 $0x80;
	s21 =	simm.s32 @!p0 $0xC400;
	s17 =	sadd.s32 @!p0 $0x700, s18;
	[tilespmem:v20+s0+$0x0] =	vst.idx.msk $0xffff, v18  }
0x707: {  	[tilespmem:s21], [sflag:$0x4] =	stream.indirect.gather @!p0 [hbm4b:s4+s20], $0x20, s17, s20, $0xb8;
	[tilespmem:$0x14100] =	vst v63  }
0x708: {  	s17 =	sadd.s32 @!p0 $0x780, s18;
	s18 =	simm.s32 @!p0 $0xD400  }
0x709: {  	[tilespmem:s18], [sflag:$0x4] =	stream.indirect.gather @!p0 [hbm4b:s4+s20], $0x20, s17, s20, $0xb8;
	[tilespmem:$0x14100] =	vst v63  }
0x70a: {  	s18 =	sshll.u32 s19, $0x11  }
0x70b: {  	s17 =	sor.u32 s7, s18  }
0x70c: {  	s17 =	sshrl.u32 s17, $0x3  }
0x70d: {  	s19 =	simm.s32 $0x10600;
	s18 =	sadd.s32 s2, s17  }
0x70e: {  	[hbm4b:s18+s3] =	stream.linear.scatter [tilespmem:s19], [sflag:$0x6], $0x80, $0x38;
	[tilespmem:$0x14100] =	vst v63  }
0x70f: {  	s20 =	simm.s32 $0x10688;
	s21 =	sadd.s32 $0x10, s18  }
0x710: {  	[hbm4b:s21+s3] =	stream.linear.scatter [tilespmem:s20], [sflag:$0x6], $0x80, $0x38;
	[tilespmem:$0x14100] =	vst v63  }
0x711: {  	s22 =	simm.s32 $0x10710;
	s24 =	simm.s32 $0x10798;
	s23 =	sadd.s32 $0x20, s18  }
0x712: {  	[hbm4b:s23+s3] =	stream.linear.scatter [tilespmem:s22], [sflag:$0x6], $0x80, $0x38;
	[tilespmem:$0x14100] =	vst v63  }
0x713: {  	s17 =	simm.s32 $0x440;
	s25 =	sadd.s32 $0x30, s18;
	s19 =	simm.s32 $0x2200  }
0x714: {  	[hbm4b:s25+s3] =	stream.linear.scatter [tilespmem:s24], [sflag:$0x6], $0x80, $0x38;
	[tilespmem:$0x14100] =	vst v63  }
0x715: {  	s20 =	simm.s32 $0x10820;
	s21 =	sadd.s32 $0x40, s18;
	s22 =	simm.s32 $0x108A8  }
0x716: {  	[hbm4b:s21+s3] =	stream.linear.scatter [tilespmem:s20], [sflag:$0x6], $0x80, $0x38;
	[tilespmem:$0x14100] =	vst v63  }
0x717: {  	s23 =	sadd.s32 $0x50, s18;
	s24 =	simm.s32 $0x10930;
	s25 =	sadd.s32 $0x60, s18  }
0x718: {  	[hbm4b:s23+s3] =	stream.linear.scatter [tilespmem:s22], [sflag:$0x6], $0x80, $0x38;
	[tilespmem:$0x14100] =	vst v63  }
0x719: {  	s20 =	simm.s32 $0x109B8;
	s21 =	sadd.s32 $0x70, s18;
	s18 =	sadd.s32 $0x1000, s18  }
0x71a: {  	[hbm4b:s25+s3] =	stream.linear.scatter [tilespmem:s24], [sflag:$0x6], $0x80, $0x38;
	[tilespmem:$0x14100] =	vst v63  }
.LBB2_25:
0x71b: {  	[hbm4b:s21+s3] =	stream.linear.scatter [tilespmem:s20], [sflag:$0x6], $0x80, $0x38;
	[tilespmem:$0x14100] =	vst v63  }
0x71c: {  	s20 =	smov.u32 s17;
	s17 =	smov.u32 s19  }
0x71d: {  	s22 =	sadd.s32 $0x1100, s19;
	s17 =	sshra.s32 s17, $0x2;
	s21 =	sadd.s32 $0x10600, s20  }
0x71e: {  	[hbm4b:s18+s3] =	stream.linear.scatter [tilespmem:s21], [sflag:$0x6], $0x80, $0x38;
	[tilespmem:$0x14100] =	vst v63  }
0x71f: {  	p0 =	sne.s32 s19, $0x7700;
	s19 =	sadd.s32 $0x10688, s20;
	s21 =	sadd.s32 $0x10, s18  }
0x720: {  	[hbm4b:s21+s3] =	stream.linear.scatter [tilespmem:s19], [sflag:$0x6], $0x80, $0x38;
	[tilespmem:$0x14100] =	vst v63  }
0x721: {  	s19 =	sadd.s32 $0x10710, s20;
	s21 =	sadd.s32 $0x20, s18  }
0x722: {  	[hbm4b:s21+s3] =	stream.linear.scatter [tilespmem:s19], [sflag:$0x6], $0x80, $0x38;
	[tilespmem:$0x14100] =	vst v63  }
0x723: {  	s19 =	sadd.s32 $0x10798, s20;
	s21 =	sadd.s32 $0x30, s18  }
0x724: {  	[hbm4b:s21+s3] =	stream.linear.scatter [tilespmem:s19], [sflag:$0x6], $0x80, $0x38;
	[tilespmem:$0x14100] =	vst v63  }
0x725: {  	s19 =	sadd.s32 $0x10820, s20;
	s21 =	sadd.s32 $0x40, s18  }
0x726: {  	[hbm4b:s21+s3] =	stream.linear.scatter [tilespmem:s19], [sflag:$0x6], $0x80, $0x38;
	[tilespmem:$0x14100] =	vst v63  }
.Ltmp11:
0x727: {  	s19 =	sadd.s32 $0x108A8, s20;
	s21 =	sadd.s32 $0x50, s18;
	(pc) =	sbr.rel @p0 .LBB2_25-.Ltmp11, $4  }
0x728: {  	[hbm4b:s21+s3] =	stream.linear.scatter [tilespmem:s19], [sflag:$0x6], $0x80, $0x38;
	[tilespmem:$0x14100] =	vst v63  }
0x729: {  	s19 =	sadd.s32 $0x10930, s20;
	s21 =	sadd.s32 $0x60, s18;
	s20 =	sadd.s32 $0x109B8, s20  }
0x72a: {  	[hbm4b:s21+s3] =	stream.linear.scatter [tilespmem:s19], [sflag:$0x6], $0x80, $0x38;
	[tilespmem:$0x14100] =	vst v63  }
0x72b: {  	s21 =	sadd.s32 $0x70, s18;
	s18 =	sadd.s32 $0x1000, s18;
	s19 =	smov.u32 s22  }
0x72c: {  	[hbm4b:s21+s3] =	stream.linear.scatter [tilespmem:s20], [sflag:$0x6], $0x80, $0x38;
	[tilespmem:$0x14100] =	vst v63  }
0x72d: {  	s19 =	sadd.s32 $0x10600, s17  }
0x72e: {  	[hbm4b:s18+s3] =	stream.linear.scatter [tilespmem:s19], [sflag:$0x6], $0x80, $0x38;
	[tilespmem:$0x14100] =	vst v63  }
0x72f: {  	s24 =	sadd.s32 $0x10688, s17;
	s25 =	sadd.s32 $0x10, s18  }
0x730: {  	[hbm4b:s25+s3] =	stream.linear.scatter [tilespmem:s24], [sflag:$0x6], $0x80, $0x38;
	[tilespmem:$0x14100] =	vst v63  }
0x731: {  	s20 =	sadd.s32 $0x10710, s17;
	s21 =	sadd.s32 $0x20, s18  }
0x732: {  	[hbm4b:s21+s3] =	stream.linear.scatter [tilespmem:s20], [sflag:$0x6], $0x80, $0x38;
	[tilespmem:$0x14100] =	vst v63  }
0x733: {  	s22 =	sadd.s32 $0x10798, s17;
	s23 =	sadd.s32 $0x30, s18  }
0x734: {  	[hbm4b:s23+s3] =	stream.linear.scatter [tilespmem:s22], [sflag:$0x6], $0x80, $0x38;
	[tilespmem:$0x14100] =	vst v63  }
0x735: {  	s16 =	sadd.s32 $0x1, s16;
	s24 =	sadd.s32 $0x10820, s17;
	s25 =	sadd.s32 $0x40, s18  }
0x736: {  	[hbm4b:s25+s3] =	stream.linear.scatter [tilespmem:s24], [sflag:$0x6], $0x80, $0x38;
	[tilespmem:$0x14100] =	vst v63  }
0x737: {  	p0 =	sne.s32 s16, $0x19;
	s20 =	sadd.s32 $0x108A8, s17;
	s21 =	sadd.s32 $0x50, s18  }
0x738: {  	[hbm4b:s21+s3] =	stream.linear.scatter [tilespmem:s20], [sflag:$0x6], $0x80, $0x38;
	[tilespmem:$0x14100] =	vst v63  }
.Ltmp12:
0x739: {  	_ = 	snop;
	(pc) =	sbr.rel @p0 .LBB2_2-.Ltmp12, $4  }
0x73a: {  	s22 =	sadd.s32 $0x10930, s17;
	s23 =	sadd.s32 $0x60, s18  }
0x73b: {  	[hbm4b:s23+s3] =	stream.linear.scatter [tilespmem:s22], [sflag:$0x6], $0x80, $0x38;
	[tilespmem:$0x14100] =	vst v63  }
0x73c: {  	s24 =	sadd.s32 $0x109B8, s17;
	s25 =	sadd.s32 $0x70, s18  }
0x73d: {  	[hbm4b:s25+s3] =	stream.linear.scatter [tilespmem:s24], [sflag:$0x6], $0x80, $0x38;
	[tilespmem:$0x14100] =	vst v63  }
0x73e: {  	s15 =	sadd.s32 $0x1, s15  }
0x73f: {  	_ =	swait.ge [sflag:s12], $0x2000;
	p0 =	sne.s32 s15, s8  }
.Ltmp13:
0x740: {  	[sflag:s12] =	ssyncset.done $0x0;
	(pc) =	sbr.rel @p0 .LBB2_1-.Ltmp13, $4  }
0x741: {  	[sflag:s12] =	ssyncadd.s32 $0xFFFFE000  }
0x742: {  	_ =	swait.ge [sflag:s14], $0x2000  }
0x743: {  	[sflag:s14] =	ssyncset.done $0x0  }
0x744: {  	[sflag:s14] =	ssyncadd.s32 $0xFFFFE000  }
0x745: {  	_ =	sfence.sel $0x180000  }
0x746: {  	[bflag:$0x0] =	sbarrier.arrive $0xFFFF  }
0x747: {  	_ =	strace $0x90000047  }
0x748: {  	s0 =	stileid.u32;
	[bflag:$0x2] =	sbarrier.arrive $0xFFFF  }
0x749: {  	p0 =	sne.s32 s0, $0x0;
	s0 =	rddreg [dreg:$0x2]  }
0x74a: {  	s0 =	sadd.s32 @!p0 $0x100000, s0  }
0x74b: {  	[sflag:s0] =	ssyncadd.tile.s32 @!p0 $0x1;
	_ =	shalt  }
.Lfunc_end2:
_tile_overlayer_lowered:
.L_overlay_start_2:
0x74c: {  	(tag) =	ssettag $0x2  }
0x74d: {  	s0 =	rddreg [dreg:$0x0];
	s2 =	stileid.u32  }
0x74e: {  	s1 =	rddreg [dreg:$0x1];
	p0 =	sne.s32 s2, $0x0  }
0x74f: {  	s3 =	rddreg [dreg:$0x2];
	[bflag:$0x3] =	sbarrier.arrive $0xFFFF;
	s2 =	simm.s32 @!p0 $0x1C07  }
0x750: {  	[timem:s3], [sflag:s2] =	dma.local @!p0 [hbm:s0], s1  }
0x751: {  	s0 =	simm.s32 @!p0 $0x7  }
0x752: {  	_ =	swait.ge @!p0 [sflag:s0], s1  }
0x753: {  	s1 =	ssub.s32 @!p0 $0x0, s1;
	[sflag:s0] =	ssyncset.done @!p0 $0x0  }
0x754: {  	[sflag:s0] =	ssyncadd.s32 @!p0 s1  }
0x755: {  	[bflag:$0x3] =	sbarrier.arrive $0xFFFF  }
0x756: {  	_ =	shalt  }

</sc_bundles>
